<compile_context>
chip_gen: v7x
topology: tpu7x:2x2x1
jax: 0.10.2.dev20260603
libtpu: 0.0.44.dev20260713+nightly
codegen_flags: <defaults>
</compile_context>

<pallas_src>
import functools

import jax
import jax.numpy as jnp
from jax import lax
from jax.experimental import pallas as pl
from jax.experimental.pallas import tpu as pltpu
from jax.experimental.pallas import tpu_sc as plsc

N = 10000
D = 128
NCLS = 64
NE = 320000
NL = 4

NC = 2
NS = 16
NW = NC * NS
EPT = NE // NW
K = 80
CH = EPT // K

NPAD = 10240
NPAD2 = 16384
HR = NPAD2 // 128
HRT = HR // NS
RP = NPAD // NS
CPR = 80
NCP = RP // CPR

RB = 1024
RBL = 1000


def _sc_mesh():
  return plsc.VectorSubcoreMesh(core_axis_name="c", subcore_axis_name="s")


def _degree(dst1, iota2):
  @functools.partial(
      pl.kernel,
      out_type=jax.ShapeDtypeStruct((NC, HR, 128), jnp.float32),
      mesh=_sc_mesh(),
      scratch_types=[
          pltpu.VMEM((EPT,), jnp.int32),
          pltpu.VMEM((NPAD2,), jnp.float32),
          pltpu.VMEM((HR, 128), jnp.float32),
          pltpu.VMEM((1, 128), jnp.int32),
          pltpu.VMEM((HRT, 128), jnp.float32),
          pltpu.VMEM_SHARED((HR, 128), jnp.float32),
      ],
      compiler_params=pltpu.CompilerParams(needs_layout_passes=False),
  )
  def deg_kernel(dst_hbm, iota_hbm, out_hbm, dst_v, hist1, hist, iota_v,
                 bounce, acc):
    c = lax.axis_index("c")
    s = lax.axis_index("s")
    w = s * NC + c

    pltpu.sync_copy(dst_hbm.at[w], dst_v)
    pltpu.sync_copy(iota_hbm, iota_v)

    def zero_hist(i, _):
      hist1[pl.ds(i * 16, 16)] = jnp.zeros((16,), jnp.float32)
      return 0
    lax.fori_loop(0, NPAD2 // 16, zero_hist, 0)

    def zero_bounce(i, _):
      r = i // 8
      t = i % 8
      bounce[r, pl.ds(t * 16, 16)] = jnp.zeros((16,), jnp.float32)
      return 0
    lax.fori_loop(0, HRT * 8, zero_bounce, 0)

    pltpu.sync_copy(bounce, acc.at[pl.ds(s * HRT, HRT)])

    ones = jnp.ones((16,), jnp.float32)

    def hist_body(j, _):
      idx = dst_v[pl.ds(j * 16, 16)]
      plsc.addupdate_scatter(hist1, [idx], ones)
      return 0
    lax.fori_loop(0, EPT // 16, hist_body, 0)

    def repack(i, _):
      r = i // 8
      t = i % 8
      hist[r, pl.ds(t * 16, 16)] = hist1[pl.ds(r * 128 + t * 16, 16)]
      return 0
    lax.fori_loop(0, HR * 8, repack, 0)

    plsc.subcore_barrier()

    pltpu.sync_copy(hist, acc.at[iota_v.at[0]], add=True)

    plsc.subcore_barrier()

    pltpu.sync_copy(acc.at[pl.ds(s * HRT, HRT)], bounce)
    pltpu.sync_copy(bounce, out_hbm.at[c, pl.ds(s * HRT, HRT)])

  return deg_kernel(dst1, iota2)


def _propagate(g, src2, dst3):
  @functools.partial(
      pl.kernel,
      out_type=(jax.ShapeDtypeStruct((NPAD, D), jnp.float32),
                jax.ShapeDtypeStruct((NPAD, D), jnp.float32)),
      mesh=_sc_mesh(),
      scratch_types=[
          pltpu.VMEM((EPT,), jnp.int32),
          pltpu.VMEM((CH, K), jnp.int32),
          pltpu.VMEM((K, D), jnp.float32),
          pltpu.VMEM((K, D), jnp.float32),
          pltpu.VMEM_SHARED((NPAD, D), jnp.float32),
          pltpu.SemaphoreType.DMA,
          pltpu.SemaphoreType.DMA,
      ],
  )
  def prop_kernel(g_hbm, src_hbm, dst_hbm, out0_hbm, out1_hbm, src_v, dst_v,
                  rows_a, rows_b, acc, sem_a, sem_b):
    c = lax.axis_index("c")
    s = lax.axis_index("s")
    w = s * NC + c
    base = s * RP

    pltpu.async_copy(src_hbm.at[w], src_v, sem_a)
    pltpu.async_copy(dst_hbm.at[w], dst_v, sem_b)
    pltpu.make_async_copy(src_hbm.at[w], src_v, sem_a).wait()
    pltpu.make_async_copy(dst_hbm.at[w], dst_v, sem_b).wait()

    pltpu.async_copy(g_hbm.at[src_v.at[pl.ds(0, K)]], rows_a, sem_a)

    def zero_row(i, _):
      r = i // (D // 16)
      t = i % (D // 16)
      rows_b[r, pl.ds(t * 16, 16)] = jnp.zeros((16,), jnp.float32)
      return 0
    lax.fori_loop(0, CPR * (D // 16), zero_row, 0)
    for i in range(NCP):
      pltpu.async_copy(rows_b, acc.at[pl.ds(base + i * CPR, CPR)], sem_b)
    for i in range(NCP):
      pltpu.make_async_copy(
          rows_b, acc.at[pl.ds(base + i * CPR, CPR)], sem_b).wait()

    plsc.subcore_barrier()

    def chunk2(i, _):
      ja = 2 * i
      jb = 2 * i + 1
      pltpu.async_copy(g_hbm.at[src_v.at[pl.ds(jb * K, K)]], rows_b, sem_b)
      pltpu.make_async_copy(
          g_hbm.at[src_v.at[pl.ds(ja * K, K)]], rows_a, sem_a).wait()
      pltpu.sync_copy(rows_a, acc.at[dst_v.at[ja]], add=True)
      pltpu.async_copy(
          g_hbm.at[src_v.at[pl.ds((ja + 2) * K, K)]], rows_a, sem_a)
      pltpu.make_async_copy(
          g_hbm.at[src_v.at[pl.ds(jb * K, K)]], rows_b, sem_b).wait()
      pltpu.sync_copy(rows_b, acc.at[dst_v.at[jb]], add=True)
      return 0
    lax.fori_loop(0, (CH - 1) // 2, chunk2, 0)

    pltpu.make_async_copy(
        g_hbm.at[src_v.at[pl.ds((CH - 1) * K, K)]], rows_a, sem_a).wait()
    pltpu.sync_copy(rows_a, acc.at[dst_v.at[CH - 1]], add=True)

    plsc.subcore_barrier()

    def copy_out(out_hbm):
      for i in range(NCP):
        buf = rows_a if i % 2 == 0 else rows_b
        sem = sem_a if i % 2 == 0 else sem_b
        sl = pl.ds(base + i * CPR, CPR)
        if i >= 2:
          prev = pl.ds(base + (i - 2) * CPR, CPR)
          pltpu.make_async_copy(buf, out_hbm.at[prev], sem).wait()
        pltpu.sync_copy(acc.at[sl], buf)
        pltpu.async_copy(buf, out_hbm.at[sl], sem)
      for i in range(NCP - 2, NCP):
        buf = rows_a if i % 2 == 0 else rows_b
        sem = sem_a if i % 2 == 0 else sem_b
        sl = pl.ds(base + i * CPR, CPR)
        pltpu.make_async_copy(buf, out_hbm.at[sl], sem).wait()

    @pl.when(c == 0)
    def _():
      copy_out(out0_hbm)

    @pl.when(c != 0)
    def _():
      copy_out(out1_hbm)

  return prop_kernel(g, src2, dst3)


def _row_spec(width):
  return pl.BlockSpec((RB, width), lambda i: (i, 0))


def _full_spec(r, cdim):
  return pl.BlockSpec((r, cdim), lambda i: (0, 0))


def _xw_body(x_ref, w_ref, u_ref):
  u_ref[...] = jnp.dot(x_ref[...], w_ref[...],
                       preferred_element_type=jnp.float32)


def _tc_xw(x, W0):
  return pl.pallas_call(
      _xw_body,
      grid=(NPAD // RB,),
      in_specs=[_row_spec(D), _full_spec(D, D)],
      out_specs=_row_spec(D),
      out_shape=jax.ShapeDtypeStruct((NPAD, D), jnp.float32),
  )(x, W0)


def _scale_body(u_ref, d0_ref, d1_ref, g_ref):
  dinv = lax.rsqrt(d0_ref[...] + d1_ref[...] + 1.0)
  g_ref[...] = dinv * u_ref[...]


def _tc_scale(u, d0, d1):
  return pl.pallas_call(
      _scale_body,
      grid=(NPAD // RB,),
      in_specs=[_row_spec(D), _row_spec(1), _row_spec(1)],
      out_specs=_row_spec(D),
      out_shape=jax.ShapeDtypeStruct((NPAD, D), jnp.float32),
  )(u, d0, d1)


def _g_body(s0_ref, s1_ref, g_in_ref, d0_ref, d1_ref, b_ref, wn_ref,
            g_ref, h_ref):
  dinv = lax.rsqrt(d0_ref[...] + d1_ref[...] + 1.0)
  h = jnp.maximum(
      dinv * (s0_ref[...] + s1_ref[...] + g_in_ref[...]) + b_ref[...], 0.0)
  h_ref[...] = h
  g_ref[...] = dinv * jnp.dot(h, wn_ref[...],
                              preferred_element_type=jnp.float32)


def _tc_g(s0, s1, g_in, d0, d1, b, Wn):
  return pl.pallas_call(
      _g_body,
      grid=(NPAD // RB,),
      in_specs=[_row_spec(D), _row_spec(D), _row_spec(D), _row_spec(1),
                _row_spec(1), _full_spec(1, D), _full_spec(D, D)],
      out_specs=[_row_spec(D), _row_spec(D)],
      out_shape=[jax.ShapeDtypeStruct((NPAD, D), jnp.float32),
                 jax.ShapeDtypeStruct((NPAD, D), jnp.float32)],
  )(s0, s1, g_in, d0, d1, b, Wn)


def _y0_body(h_ref, wh_ref, bl_ref, yo_ref):
  yo_ref[...] = bl_ref[...] + jnp.dot(h_ref[...], wh_ref[...],
                                      preferred_element_type=jnp.float32)


def _tc_y0(h, Wh, bl):
  return pl.pallas_call(
      _y0_body,
      grid=(NPAD // RB,),
      in_specs=[_row_spec(D), _full_spec(D, NCLS), _full_spec(1, NCLS)],
      out_specs=_row_spec(NCLS),
      out_shape=jax.ShapeDtypeStruct((NPAD, NCLS), jnp.float32),
  )(h, Wh, bl)


def _y_body(h_ref, wh_ref, y_ref, yo_ref):
  yo_ref[...] = y_ref[...] + jnp.dot(h_ref[...], wh_ref[...],
                                     preferred_element_type=jnp.float32)


def _tc_y(h, Wh, y):
  return pl.pallas_call(
      _y_body,
      grid=(NPAD // RB,),
      in_specs=[_row_spec(D), _full_spec(D, NCLS), _row_spec(NCLS)],
      out_specs=_row_spec(NCLS),
      out_shape=jax.ShapeDtypeStruct((NPAD, NCLS), jnp.float32),
  )(h, Wh, y)


def _last_body(s0_ref, s1_ref, g_in_ref, d0_ref, d1_ref, b_ref, wh_ref, y_ref,
               yo_ref):
  dinv = lax.rsqrt(d0_ref[...] + d1_ref[...] + 1.0)
  h = jnp.maximum(
      dinv * (s0_ref[...] + s1_ref[...] + g_in_ref[...]) + b_ref[...], 0.0)
  yo_ref[...] = y_ref[...] + jnp.dot(h, wh_ref[...],
                                     preferred_element_type=jnp.float32)


def _lrow_spec(width):
  return pl.BlockSpec((RBL, width), lambda i: (i, 0))


def _tc_last(s0, s1, g_in, d0, d1, b, Wh, y):
  return pl.pallas_call(
      _last_body,
      grid=(N // RBL,),
      in_specs=[_lrow_spec(D), _lrow_spec(D), _lrow_spec(D), _lrow_spec(1),
                _lrow_spec(1), _full_spec(1, D), _full_spec(D, NCLS),
                _lrow_spec(NCLS)],
      out_specs=_lrow_spec(NCLS),
      out_shape=jax.ShapeDtypeStruct((N, NCLS), jnp.float32),
  )(s0, s1, g_in, d0, d1, b, Wh, y)


def kernel(x, edge_index, W0, b0, W1, b1, W2, b2, W3, b3, W_last, b_last):
  src2 = edge_index[0].reshape(NW, EPT)
  dst3 = edge_index[1].reshape(NW, CH, K)
  dst1 = edge_index[1].reshape(NW, EPT)

  iota2 = jnp.arange(HR, dtype=jnp.int32).reshape(1, HR)

  degp = _degree(dst1, iota2)
  degf = degp.reshape(NC, NPAD2)[:, :NPAD]
  d0 = degf[0].reshape(NPAD, 1)
  d1 = degf[1].reshape(NPAD, 1)

  Ws = [W0, W1, W2, W3]
  bs = [b.reshape(1, D) for b in (b0, b1, b2, b3)]
  Whs = [W_last[l * D:(l + 1) * D] for l in range(NL)]

  g = _tc_scale(_tc_xw(x, Ws[0]), d0, d1)
  y = None
  for l in range(NL):
    s0, s1 = _propagate(g, src2, dst3)
    if l < NL - 1:
      g, h = _tc_g(s0, s1, g, d0, d1, bs[l], Ws[l + 1])
      if l == 0:
        y = _tc_y0(h, Whs[l], b_last.reshape(1, NCLS))
      else:
        y = _tc_y(h, Whs[l], y)
    else:
      y = _tc_last(s0, s1, g, d0, d1, bs[l], Whs[l], y)
  return y

# --- scband reference (transcript-rebuilt; emitter-appended) ---
"""Pipeline reference for scband-jknet-5600637354059 (READ-ONLY COPY).

The authoritative reference and input builder live on the scoring server;
editing this copy changes nothing except your own understanding.
"""

import jax, jax.numpy as jnp
import numpy as np

N_NODES = 10000
D_FEAT = 128
D_HIDDEN = 128
N_LAYERS = 4
N_CLASSES = 64
N_EDGES = 320000


def setup_inputs(seed: int = 0) -> dict:
    key = jax.random.key(seed)
    ks = jax.random.split(key, 16)
    x = jax.random.normal(ks[0], (N_NODES, D_FEAT), dtype=jnp.float32)
    edge_index = jax.random.randint(ks[1], (2, N_EDGES), 0, N_NODES, dtype=jnp.int32)
    inp = {'x': x, 'edge_index': edge_index}
    dims_in = [D_FEAT] + [D_HIDDEN] * (N_LAYERS - 1)
    for i in range(N_LAYERS):
        fan_in = dims_in[i]
        inp[f'W{i}'] = jax.random.normal(ks[2 + 2 * i], (fan_in, D_HIDDEN), dtype=jnp.float32) / np.sqrt(fan_in)
        inp[f'b{i}'] = jnp.zeros((D_HIDDEN,), dtype=jnp.float32)
    inp['W_last'] = jax.random.normal(ks[12], (D_HIDDEN * N_LAYERS, N_CLASSES), dtype=jnp.float32) / np.sqrt(D_HIDDEN * N_LAYERS)
    inp['b_last'] = jnp.zeros((N_CLASSES,), dtype=jnp.float32)
    return inp


def _gcn_conv(x, src, dst, W, b, n_nodes):
    # x' = D^-1/2 (A + I) D^-1/2 (x W) + b  (PyG GCNConv semantics)
    h = x @ W
    loop = jnp.arange(n_nodes, dtype=src.dtype)
    src2 = jnp.concatenate([src, loop])
    dst2 = jnp.concatenate([dst, loop])
    deg = jnp.zeros((n_nodes,), dtype=h.dtype).at[dst2].add(1.0)
    dinv = jnp.where(deg > 0, jax.lax.rsqrt(deg), 0.0)
    norm = dinv[src2] * dinv[dst2]
    msg = h[src2] * norm[:, None]
    out = jnp.zeros((n_nodes, h.shape[1]), dtype=h.dtype).at[dst2].add(msg)
    return out + b


def reference(x, edge_index, W0, b0, W1, b1, W2, b2, W3, b3, W_last, b_last):
    src = edge_index[0]
    dst = edge_index[1]
    Ws = [W0, W1, W2, W3]
    bs = [b0, b1, b2, b3]
    h = x
    layer_outputs = []
    for W, b in zip(Ws, bs):
        h = _gcn_conv(h, src, dst, W, b, N_NODES)
        h = jax.nn.relu(h)
        # dropout p=0.0 / eval mode -> identity
        layer_outputs.append(h)
    hcat = jnp.concatenate(layer_outputs, axis=1)
    return hcat @ W_last + b_last

if __name__ == "__main__":
    import jax
    _d = setup_inputs()
    print(jax.jit(kernel)(*tuple(_d.values())))

</pallas_src>

<mosaic_0001>
#map = affine_map<(d0, d1) -> (0, 0)>
#map1 = affine_map<(d0, d1) -> (0, 0, 0)>
module attributes {stable_mosaic.version = 14 : i64} {
  func.func @prop_kernel(%arg0: i32, %arg1: i32, %arg2: memref<10240x128xf32, #tpu.memory_space<hbm>>, %arg3: memref<32x10000xi32, #tpu.memory_space<hbm>>, %arg4: memref<32x125x80xi32, #tpu.memory_space<hbm>>, %arg5: memref<10240x128xf32, #tpu.memory_space<hbm>>, %arg6: memref<10240x128xf32, #tpu.memory_space<hbm>>, %arg7: memref<10000xi32, #tpu.memory_space<vmem>>, %arg8: memref<125x80xi32, #tpu.memory_space<vmem>>, %arg9: memref<80x128xf32, #tpu.memory_space<vmem>>, %arg10: memref<80x128xf32, #tpu.memory_space<vmem>>, %arg11: memref<10240x128xf32, #tpu.memory_space<vmem_shared>>, %arg12: memref<!tpu.dma_semaphore, #tpu.memory_space<semaphore_mem>>, %arg13: memref<!tpu.dma_semaphore, #tpu.memory_space<semaphore_mem>>) attributes {dimension_semantics = [#tpu.dimension_semantics<core_parallel>, #tpu.dimension_semantics<subcore_parallel>], iteration_bounds = array<i64: 2, 16>, scalar_prefetch = 0 : i64, scratch_operands = 7 : i64, tpu.core_type = #tpu.core_type<sc_vector_subcore>, window_params = [{transform_indices = #map}, {transform_indices = #map}, {transform_indices = #map1}, {transform_indices = #map}, {transform_indices = #map}]} {
    %mul3A = arith.constant 2 : i32
    %mul3A_0 = arith.muli %arg1, %mul3A : i32
    %add3A = arith.addi %mul3A_0, %arg0 : i32
    %mul3A_1 = arith.constant 640 : i32
    %mul3A_2 = arith.muli %arg1, %mul3A_1 : i32
    %dma_start3A = arith.constant 0 : i32
    %dma_start3A_3 = tpu.memref_slice %arg3[%add3A, %dma_start3A] : memref<32x10000xi32, #tpu.memory_space<hbm>> -> memref<1x10000xi32, #tpu.memory_space<hbm>>
    %dma_start3A_4 = tpu.memref_squeeze %dma_start3A_3 : memref<1x10000xi32, #tpu.memory_space<hbm>> -> memref<10000xi32, #tpu.memory_space<hbm>>
    %dma_start3A_5 = arith.constant 0 : i32
    %dma_start3A_6 = tpu.memref_slice %arg3[%add3A, %dma_start3A_5] : memref<32x10000xi32, #tpu.memory_space<hbm>> -> memref<1x10000xi32, #tpu.memory_space<hbm>>
    %dma_start3A_7 = tpu.memref_squeeze %dma_start3A_6 : memref<1x10000xi32, #tpu.memory_space<hbm>> -> memref<10000xi32, #tpu.memory_space<hbm>>
    tpu.enqueue_dma source(%dma_start3A_7 : memref<10000xi32, #tpu.memory_space<hbm>>) target(%arg7 : memref<10000xi32, #tpu.memory_space<vmem>>) target_semaphore(%arg12 : memref<!tpu.dma_semaphore, #tpu.memory_space<semaphore_mem>>)
    %dma_start3A_8 = arith.constant 0 : i32
    %dma_start3A_9 = arith.constant 0 : i32
    %dma_start3A_10 = tpu.memref_slice %arg4[%add3A, %dma_start3A_8, %dma_start3A_9] : memref<32x125x80xi32, #tpu.memory_space<hbm>> -> memref<1x125x80xi32, #tpu.memory_space<hbm>>
    %dma_start3A_11 = tpu.memref_squeeze %dma_start3A_10 : memref<1x125x80xi32, #tpu.memory_space<hbm>> -> memref<125x80xi32, #tpu.memory_space<hbm>>
    %dma_start3A_12 = arith.constant 0 : i32
    %dma_start3A_13 = arith.constant 0 : i32
    %dma_start3A_14 = tpu.memref_slice %arg4[%add3A, %dma_start3A_12, %dma_start3A_13] : memref<32x125x80xi32, #tpu.memory_space<hbm>> -> memref<1x125x80xi32, #tpu.memory_space<hbm>>
    %dma_start3A_15 = tpu.memref_squeeze %dma_start3A_14 : memref<1x125x80xi32, #tpu.memory_space<hbm>> -> memref<125x80xi32, #tpu.memory_space<hbm>>
    tpu.enqueue_dma source(%dma_start3A_15 : memref<125x80xi32, #tpu.memory_space<hbm>>) target(%arg8 : memref<125x80xi32, #tpu.memory_space<vmem>>) target_semaphore(%arg13 : memref<!tpu.dma_semaphore, #tpu.memory_space<semaphore_mem>>)
    %dma_wait3A = arith.constant 0 : i32
    %dma_wait3A_16 = tpu.memref_slice %arg3[%add3A, %dma_wait3A] : memref<32x10000xi32, #tpu.memory_space<hbm>> -> memref<1x10000xi32, #tpu.memory_space<hbm>>
    %dma_wait3A_17 = tpu.memref_squeeze %dma_wait3A_16 : memref<1x10000xi32, #tpu.memory_space<hbm>> -> memref<10000xi32, #tpu.memory_space<hbm>>
    %dma_wait3A_18 = arith.constant 0 : i32
    %dma_wait3A_19 = tpu.memref_slice %arg3[%add3A, %dma_wait3A_18] : memref<32x10000xi32, #tpu.memory_space<hbm>> -> memref<1x10000xi32, #tpu.memory_space<hbm>>
    %dma_wait3A_20 = tpu.memref_squeeze %dma_wait3A_19 : memref<1x10000xi32, #tpu.memory_space<hbm>> -> memref<10000xi32, #tpu.memory_space<hbm>>
    tpu.wait_dma2 semaphore(%arg12 : memref<!tpu.dma_semaphore, #tpu.memory_space<semaphore_mem>>) src(%dma_wait3A_20 : memref<10000xi32, #tpu.memory_space<hbm>>) dst(%arg7 : memref<10000xi32, #tpu.memory_space<vmem>>)
    %dma_wait3A_21 = arith.constant 0 : i32
    %dma_wait3A_22 = arith.constant 0 : i32
    %dma_wait3A_23 = tpu.memref_slice %arg4[%add3A, %dma_wait3A_21, %dma_wait3A_22] : memref<32x125x80xi32, #tpu.memory_space<hbm>> -> memref<1x125x80xi32, #tpu.memory_space<hbm>>
    %dma_wait3A_24 = tpu.memref_squeeze %dma_wait3A_23 : memref<1x125x80xi32, #tpu.memory_space<hbm>> -> memref<125x80xi32, #tpu.memory_space<hbm>>
    %dma_wait3A_25 = arith.constant 0 : i32
    %dma_wait3A_26 = arith.constant 0 : i32
    %dma_wait3A_27 = tpu.memref_slice %arg4[%add3A, %dma_wait3A_25, %dma_wait3A_26] : memref<32x125x80xi32, #tpu.memory_space<hbm>> -> memref<1x125x80xi32, #tpu.memory_space<hbm>>
    %dma_wait3A_28 = tpu.memref_squeeze %dma_wait3A_27 : memref<1x125x80xi32, #tpu.memory_space<hbm>> -> memref<125x80xi32, #tpu.memory_space<hbm>>
    tpu.wait_dma2 semaphore(%arg13 : memref<!tpu.dma_semaphore, #tpu.memory_space<semaphore_mem>>) src(%dma_wait3A_28 : memref<125x80xi32, #tpu.memory_space<hbm>>) dst(%arg8 : memref<125x80xi32, #tpu.memory_space<vmem>>)
    %dma_start3A_29 = arith.constant 0 : i32
    %dma_start3A_30 = tpu.memref_slice %arg7[%dma_start3A_29] : memref<10000xi32, #tpu.memory_space<vmem>> -> memref<80xi32, #tpu.memory_space<vmem>>
    %dma_start3A_31 = arith.constant 0 : i32
    %dma_start3A_32 = arith.constant 0 : i32
    %dma_start3A_33 = tpu.memref_slice %arg2[%dma_start3A_31, %dma_start3A_32] : memref<10240x128xf32, #tpu.memory_space<hbm>> -> memref<10240x128xf32, #tpu.memory_space<hbm>>
    tpu.enqueue_indirect_dma source(%dma_start3A_33 : memref<10240x128xf32, #tpu.memory_space<hbm>>) target(%arg9 : memref<80x128xf32, #tpu.memory_space<vmem>>) offsets(%dma_start3A_30 : memref<80xi32, #tpu.memory_space<vmem>>) semaphore(%arg12 : memref<!tpu.dma_semaphore, #tpu.memory_space<semaphore_mem>>)
    %scan3A = arith.constant 0 : i32
    %scan3A_34 = arith.constant 0 : i32
    %scan3A_35 = arith.constant 640 : i32
    %scan3A_36 = arith.addi %scan3A_34, %scan3A_35 : i32
    %scan3A_37 = arith.constant 1 : i32
    %scan3A_38 = scf.for %scan3A_155 = %scan3A_34 to %scan3A_36 step %scan3A_37 iter_args(%scan3A_156 = %scan3A) -> (i32)  : i32 {
      %jit3A = arith.constant 8 : i32
      %div3A = arith.divsi %scan3A_155, %jit3A : i32
      %sign3A = arith.constant 0 : i32
      %sign3A_157 = arith.cmpi sgt, %scan3A_155, %sign3A : i32
      %sign3A_158 = arith.extui %sign3A_157 : i1 to i32
      %sign3A_159 = arith.constant 0 : i32
      %sign3A_160 = arith.cmpi slt, %scan3A_155, %sign3A_159 : i32
      %sign3A_161 = arith.extui %sign3A_160 : i1 to i32
      %sign3A_162 = arith.subi %sign3A_158, %sign3A_161 : i32
      %sign3A_163 = arith.constant 0 : i32
      %sign3A_164 = arith.cmpi sgt, %jit3A, %sign3A_163 : i32
      %sign3A_165 = arith.extui %sign3A_164 : i1 to i32
      %sign3A_166 = arith.constant 0 : i32
      %sign3A_167 = arith.cmpi slt, %jit3A, %sign3A_166 : i32
      %sign3A_168 = arith.extui %sign3A_167 : i1 to i32
      %sign3A_169 = arith.subi %sign3A_165, %sign3A_168 : i32
      %ne3A_170 = arith.cmpi ne, %sign3A_162, %sign3A_169 : i32
      %rem3A = arith.remsi %scan3A_155, %jit3A : i32
      %ne3A_171 = arith.constant 0 : i32
      %ne3A_172 = arith.cmpi ne, %rem3A, %ne3A_171 : i32
      %and3A = arith.andi %ne3A_170, %ne3A_172 : i1
      %sub3A = arith.constant 1 : i32
      %sub3A_173 = arith.subi %div3A, %sub3A : i32
      %select_n3A = arith.select %and3A, %sub3A_173, %div3A : i32
      %jit3A_174 = arith.constant 8 : i32
      %eq3A_175 = arith.constant 0 : i32
      %eq3A_176 = arith.cmpi eq, %jit3A_174, %eq3A_175 : i32
      %jit3A_177 = arith.constant 1 : i32
      %select_n3A_178 = arith.select %eq3A_176, %jit3A_177, %jit3A_174 : i32
      %rem3A_179 = arith.remsi %scan3A_155, %select_n3A_178 : i32
      %ne3A_180 = arith.constant 0 : i32
      %ne3A_181 = arith.cmpi ne, %rem3A_179, %ne3A_180 : i32
      %lt3A = arith.constant 0 : i32
      %lt3A_182 = arith.cmpi slt, %rem3A_179, %lt3A : i32
      %lt3A_183 = arith.constant 0 : i32
      %lt3A_184 = arith.cmpi slt, %select_n3A_178, %lt3A_183 : i32
      %ne3A_185 = arith.xori %lt3A_182, %lt3A_184 : i1
      %and3A_186 = arith.andi %ne3A_185, %ne3A_181 : i1
      %add3A_187 = arith.addi %rem3A_179, %select_n3A_178 : i32
      %select_n3A_188 = arith.select %and3A_186, %add3A_187, %rem3A_179 : i32
      %broadcast_in_dim3A = arith.constant 0.000000e+00 : f32
      %broadcast_in_dim3A_189 = vector.broadcast %broadcast_in_dim3A : f32 to vector<16xf32>
      %mul3A_190 = arith.constant 16 : i32
      %mul3A_191 = arith.muli %select_n3A_188, %mul3A_190 : i32
      %swap3A = arith.index_cast %select_n3A : i32 to index
      %swap3A_192 = arith.index_cast %mul3A_191 : i32 to index
      %swap3A_193 = tpu.vector_load %arg10[%swap3A, %swap3A_192] {strides = array<i32>} : memref<80x128xf32, #tpu.memory_space<vmem>>, vector<1x16xf32>,
      %swap3A_194 = vector.shape_cast %swap3A_193 : vector<1x16xf32> to vector<16xf32>
      %swap3A_195 = vector.shape_cast %broadcast_in_dim3A_189 : vector<16xf32> to vector<1x16xf32>
      tpu.vector_store %arg10[%swap3A, %swap3A_192], %swap3A_195 {strides = array<i32>} : memref<80x128xf32, #tpu.memory_space<vmem>>, vector<1x16xf32>,
      %scan3A_196 = arith.constant 0 : i32
      scf.yield %scan3A_196 : i32
    }
    %scan3A_39 = arith.constant 640 : i32
    %add3A_40 = arith.constant 0 : i32
    %add3A_41 = arith.addi %mul3A_2, %add3A_40 : i32
    %dma_start3A_42 = arith.constant 0 : i32
    %dma_start3A_43 = tpu.memref_slice %arg11[%add3A_41, %dma_start3A_42] : memref<10240x128xf32, #tpu.memory_space<vmem_shared>> -> memref<80x128xf32, #tpu.memory_space<vmem_shared>>
    %dma_start3A_44 = arith.constant 0 : i32
    %dma_start3A_45 = tpu.memref_slice %arg11[%add3A_41, %dma_start3A_44] : memref<10240x128xf32, #tpu.memory_space<vmem_shared>> -> memref<80x128xf32, #tpu.memory_space<vmem_shared>>
    tpu.enqueue_dma source(%arg10 : memref<80x128xf32, #tpu.memory_space<vmem>>) target(%dma_start3A_45 : memref<80x128xf32, #tpu.memory_space<vmem_shared>>) target_semaphore(%arg13 : memref<!tpu.dma_semaphore, #tpu.memory_space<semaphore_mem>>)
    %add3A_46 = arith.constant 80 : i32
    %add3A_47 = arith.addi %mul3A_2, %add3A_46 : i32
    %dma_start3A_48 = arith.constant 0 : i32
    %dma_start3A_49 = tpu.memref_slice %arg11[%add3A_47, %dma_start3A_48] : memref<10240x128xf32, #tpu.memory_space<vmem_shared>> -> memref<80x128xf32, #tpu.memory_space<vmem_shared>>
    %dma_start3A_50 = arith.constant 0 : i32
    %dma_start3A_51 = tpu.memref_slice %arg11[%add3A_47, %dma_start3A_50] : memref<10240x128xf32, #tpu.memory_space<vmem_shared>> -> memref<80x128xf32, #tpu.memory_space<vmem_shared>>
    tpu.enqueue_dma source(%arg10 : memref<80x128xf32, #tpu.memory_space<vmem>>) target(%dma_start3A_51 : memref<80x128xf32, #tpu.memory_space<vmem_shared>>) target_semaphore(%arg13 : memref<!tpu.dma_semaphore, #tpu.memory_space<semaphore_mem>>)
    %add3A_52 = arith.constant 160 : i32
    %add3A_53 = arith.addi %mul3A_2, %add3A_52 : i32
    %dma_start3A_54 = arith.constant 0 : i32
    %dma_start3A_55 = tpu.memref_slice %arg11[%add3A_53, %dma_start3A_54] : memref<10240x128xf32, #tpu.memory_space<vmem_shared>> -> memref<80x128xf32, #tpu.memory_space<vmem_shared>>
    %dma_start3A_56 = arith.constant 0 : i32
    %dma_start3A_57 = tpu.memref_slice %arg11[%add3A_53, %dma_start3A_56] : memref<10240x128xf32, #tpu.memory_space<vmem_shared>> -> memref<80x128xf32, #tpu.memory_space<vmem_shared>>
    tpu.enqueue_dma source(%arg10 : memref<80x128xf32, #tpu.memory_space<vmem>>) target(%dma_start3A_57 : memref<80x128xf32, #tpu.memory_space<vmem_shared>>) target_semaphore(%arg13 : memref<!tpu.dma_semaphore, #tpu.memory_space<semaphore_mem>>)
    %add3A_58 = arith.constant 240 : i32
    %add3A_59 = arith.addi %mul3A_2, %add3A_58 : i32
    %dma_start3A_60 = arith.constant 0 : i32
    %dma_start3A_61 = tpu.memref_slice %arg11[%add3A_59, %dma_start3A_60] : memref<10240x128xf32, #tpu.memory_space<vmem_shared>> -> memref<80x128xf32, #tpu.memory_space<vmem_shared>>
    %dma_start3A_62 = arith.constant 0 : i32
    %dma_start3A_63 = tpu.memref_slice %arg11[%add3A_59, %dma_start3A_62] : memref<10240x128xf32, #tpu.memory_space<vmem_shared>> -> memref<80x128xf32, #tpu.memory_space<vmem_shared>>
    tpu.enqueue_dma source(%arg10 : memref<80x128xf32, #tpu.memory_space<vmem>>) target(%dma_start3A_63 : memref<80x128xf32, #tpu.memory_space<vmem_shared>>) target_semaphore(%arg13 : memref<!tpu.dma_semaphore, #tpu.memory_space<semaphore_mem>>)
    %add3A_64 = arith.constant 320 : i32
    %add3A_65 = arith.addi %mul3A_2, %add3A_64 : i32
    %dma_start3A_66 = arith.constant 0 : i32
    %dma_start3A_67 = tpu.memref_slice %arg11[%add3A_65, %dma_start3A_66] : memref<10240x128xf32, #tpu.memory_space<vmem_shared>> -> memref<80x128xf32, #tpu.memory_space<vmem_shared>>
    %dma_start3A_68 = arith.constant 0 : i32
    %dma_start3A_69 = tpu.memref_slice %arg11[%add3A_65, %dma_start3A_68] : memref<10240x128xf32, #tpu.memory_space<vmem_shared>> -> memref<80x128xf32, #tpu.memory_space<vmem_shared>>
    tpu.enqueue_dma source(%arg10 : memref<80x128xf32, #tpu.memory_space<vmem>>) target(%dma_start3A_69 : memref<80x128xf32, #tpu.memory_space<vmem_shared>>) target_semaphore(%arg13 : memref<!tpu.dma_semaphore, #tpu.memory_space<semaphore_mem>>)
    %add3A_70 = arith.constant 400 : i32
    %add3A_71 = arith.addi %mul3A_2, %add3A_70 : i32
    %dma_start3A_72 = arith.constant 0 : i32
    %dma_start3A_73 = tpu.memref_slice %arg11[%add3A_71, %dma_start3A_72] : memref<10240x128xf32, #tpu.memory_space<vmem_shared>> -> memref<80x128xf32, #tpu.memory_space<vmem_shared>>
    %dma_start3A_74 = arith.constant 0 : i32
    %dma_start3A_75 = tpu.memref_slice %arg11[%add3A_71, %dma_start3A_74] : memref<10240x128xf32, #tpu.memory_space<vmem_shared>> -> memref<80x128xf32, #tpu.memory_space<vmem_shared>>
    tpu.enqueue_dma source(%arg10 : memref<80x128xf32, #tpu.memory_space<vmem>>) target(%dma_start3A_75 : memref<80x128xf32, #tpu.memory_space<vmem_shared>>) target_semaphore(%arg13 : memref<!tpu.dma_semaphore, #tpu.memory_space<semaphore_mem>>)
    %add3A_76 = arith.constant 480 : i32
    %add3A_77 = arith.addi %mul3A_2, %add3A_76 : i32
    %dma_start3A_78 = arith.constant 0 : i32
    %dma_start3A_79 = tpu.memref_slice %arg11[%add3A_77, %dma_start3A_78] : memref<10240x128xf32, #tpu.memory_space<vmem_shared>> -> memref<80x128xf32, #tpu.memory_space<vmem_shared>>
    %dma_start3A_80 = arith.constant 0 : i32
    %dma_start3A_81 = tpu.memref_slice %arg11[%add3A_77, %dma_start3A_80] : memref<10240x128xf32, #tpu.memory_space<vmem_shared>> -> memref<80x128xf32, #tpu.memory_space<vmem_shared>>
    tpu.enqueue_dma source(%arg10 : memref<80x128xf32, #tpu.memory_space<vmem>>) target(%dma_start3A_81 : memref<80x128xf32, #tpu.memory_space<vmem_shared>>) target_semaphore(%arg13 : memref<!tpu.dma_semaphore, #tpu.memory_space<semaphore_mem>>)
    %add3A_82 = arith.constant 560 : i32
    %add3A_83 = arith.addi %mul3A_2, %add3A_82 : i32
    %dma_start3A_84 = arith.constant 0 : i32
    %dma_start3A_85 = tpu.memref_slice %arg11[%add3A_83, %dma_start3A_84] : memref<10240x128xf32, #tpu.memory_space<vmem_shared>> -> memref<80x128xf32, #tpu.memory_space<vmem_shared>>
    %dma_start3A_86 = arith.constant 0 : i32
    %dma_start3A_87 = tpu.memref_slice %arg11[%add3A_83, %dma_start3A_86] : memref<10240x128xf32, #tpu.memory_space<vmem_shared>> -> memref<80x128xf32, #tpu.memory_space<vmem_shared>>
    tpu.enqueue_dma source(%arg10 : memref<80x128xf32, #tpu.memory_space<vmem>>) target(%dma_start3A_87 : memref<80x128xf32, #tpu.memory_space<vmem_shared>>) target_semaphore(%arg13 : memref<!tpu.dma_semaphore, #tpu.memory_space<semaphore_mem>>)
    %add3A_88 = arith.constant 0 : i32
    %add3A_89 = arith.addi %mul3A_2, %add3A_88 : i32
    %dma_wait3A_90 = arith.constant 0 : i32
    %dma_wait3A_91 = tpu.memref_slice %arg11[%add3A_89, %dma_wait3A_90] : memref<10240x128xf32, #tpu.memory_space<vmem_shared>> -> memref<80x128xf32, #tpu.memory_space<vmem_shared>>
    %dma_wait3A_92 = arith.constant 0 : i32
    %dma_wait3A_93 = tpu.memref_slice %arg11[%add3A_89, %dma_wait3A_92] : memref<10240x128xf32, #tpu.memory_space<vmem_shared>> -> memref<80x128xf32, #tpu.memory_space<vmem_shared>>
    tpu.wait_dma2 semaphore(%arg13 : memref<!tpu.dma_semaphore, #tpu.memory_space<semaphore_mem>>) src(%arg10 : memref<80x128xf32, #tpu.memory_space<vmem>>) dst(%dma_wait3A_93 : memref<80x128xf32, #tpu.memory_space<vmem_shared>>)
    %add3A_94 = arith.constant 80 : i32
    %add3A_95 = arith.addi %mul3A_2, %add3A_94 : i32
    %dma_wait3A_96 = arith.constant 0 : i32
    %dma_wait3A_97 = tpu.memref_slice %arg11[%add3A_95, %dma_wait3A_96] : memref<10240x128xf32, #tpu.memory_space<vmem_shared>> -> memref<80x128xf32, #tpu.memory_space<vmem_shared>>
    %dma_wait3A_98 = arith.constant 0 : i32
    %dma_wait3A_99 = tpu.memref_slice %arg11[%add3A_95, %dma_wait3A_98] : memref<10240x128xf32, #tpu.memory_space<vmem_shared>> -> memref<80x128xf32, #tpu.memory_space<vmem_shared>>
    tpu.wait_dma2 semaphore(%arg13 : memref<!tpu.dma_semaphore, #tpu.memory_space<semaphore_mem>>) src(%arg10 : memref<80x128xf32, #tpu.memory_space<vmem>>) dst(%dma_wait3A_99 : memref<80x128xf32, #tpu.memory_space<vmem_shared>>)
    %add3A_100 = arith.constant 160 : i32
    %add3A_101 = arith.addi %mul3A_2, %add3A_100 : i32
    %dma_wait3A_102 = arith.constant 0 : i32
    %dma_wait3A_103 = tpu.memref_slice %arg11[%add3A_101, %dma_wait3A_102] : memref<10240x128xf32, #tpu.memory_space<vmem_shared>> -> memref<80x128xf32, #tpu.memory_space<vmem_shared>>
    %dma_wait3A_104 = arith.constant 0 : i32
    %dma_wait3A_105 = tpu.memref_slice %arg11[%add3A_101, %dma_wait3A_104] : memref<10240x128xf32, #tpu.memory_space<vmem_shared>> -> memref<80x128xf32, #tpu.memory_space<vmem_shared>>
    tpu.wait_dma2 semaphore(%arg13 : memref<!tpu.dma_semaphore, #tpu.memory_space<semaphore_mem>>) src(%arg10 : memref<80x128xf32, #tpu.memory_space<vmem>>) dst(%dma_wait3A_105 : memref<80x128xf32, #tpu.memory_space<vmem_shared>>)
    %add3A_106 = arith.constant 240 : i32
    %add3A_107 = arith.addi %mul3A_2, %add3A_106 : i32
    %dma_wait3A_108 = arith.constant 0 : i32
    %dma_wait3A_109 = tpu.memref_slice %arg11[%add3A_107, %dma_wait3A_108] : memref<10240x128xf32, #tpu.memory_space<vmem_shared>> -> memref<80x128xf32, #tpu.memory_space<vmem_shared>>
    %dma_wait3A_110 = arith.constant 0 : i32
    %dma_wait3A_111 = tpu.memref_slice %arg11[%add3A_107, %dma_wait3A_110] : memref<10240x128xf32, #tpu.memory_space<vmem_shared>> -> memref<80x128xf32, #tpu.memory_space<vmem_shared>>
    tpu.wait_dma2 semaphore(%arg13 : memref<!tpu.dma_semaphore, #tpu.memory_space<semaphore_mem>>) src(%arg10 : memref<80x128xf32, #tpu.memory_space<vmem>>) dst(%dma_wait3A_111 : memref<80x128xf32, #tpu.memory_space<vmem_shared>>)
    %add3A_112 = arith.constant 320 : i32
    %add3A_113 = arith.addi %mul3A_2, %add3A_112 : i32
    %dma_wait3A_114 = arith.constant 0 : i32
    %dma_wait3A_115 = tpu.memref_slice %arg11[%add3A_113, %dma_wait3A_114] : memref<10240x128xf32, #tpu.memory_space<vmem_shared>> -> memref<80x128xf32, #tpu.memory_space<vmem_shared>>
    %dma_wait3A_116 = arith.constant 0 : i32
    %dma_wait3A_117 = tpu.memref_slice %arg11[%add3A_113, %dma_wait3A_116] : memref<10240x128xf32, #tpu.memory_space<vmem_shared>> -> memref<80x128xf32, #tpu.memory_space<vmem_shared>>
    tpu.wait_dma2 semaphore(%arg13 : memref<!tpu.dma_semaphore, #tpu.memory_space<semaphore_mem>>) src(%arg10 : memref<80x128xf32, #tpu.memory_space<vmem>>) dst(%dma_wait3A_117 : memref<80x128xf32, #tpu.memory_space<vmem_shared>>)
    %add3A_118 = arith.constant 400 : i32
    %add3A_119 = arith.addi %mul3A_2, %add3A_118 : i32
    %dma_wait3A_120 = arith.constant 0 : i32
    %dma_wait3A_121 = tpu.memref_slice %arg11[%add3A_119, %dma_wait3A_120] : memref<10240x128xf32, #tpu.memory_space<vmem_shared>> -> memref<80x128xf32, #tpu.memory_space<vmem_shared>>
    %dma_wait3A_122 = arith.constant 0 : i32
    %dma_wait3A_123 = tpu.memref_slice %arg11[%add3A_119, %dma_wait3A_122] : memref<10240x128xf32, #tpu.memory_space<vmem_shared>> -> memref<80x128xf32, #tpu.memory_space<vmem_shared>>
    tpu.wait_dma2 semaphore(%arg13 : memref<!tpu.dma_semaphore, #tpu.memory_space<semaphore_mem>>) src(%arg10 : memref<80x128xf32, #tpu.memory_space<vmem>>) dst(%dma_wait3A_123 : memref<80x128xf32, #tpu.memory_space<vmem_shared>>)
    %add3A_124 = arith.constant 480 : i32
    %add3A_125 = arith.addi %mul3A_2, %add3A_124 : i32
    %dma_wait3A_126 = arith.constant 0 : i32
    %dma_wait3A_127 = tpu.memref_slice %arg11[%add3A_125, %dma_wait3A_126] : memref<10240x128xf32, #tpu.memory_space<vmem_shared>> -> memref<80x128xf32, #tpu.memory_space<vmem_shared>>
    %dma_wait3A_128 = arith.constant 0 : i32
    %dma_wait3A_129 = tpu.memref_slice %arg11[%add3A_125, %dma_wait3A_128] : memref<10240x128xf32, #tpu.memory_space<vmem_shared>> -> memref<80x128xf32, #tpu.memory_space<vmem_shared>>
    tpu.wait_dma2 semaphore(%arg13 : memref<!tpu.dma_semaphore, #tpu.memory_space<semaphore_mem>>) src(%arg10 : memref<80x128xf32, #tpu.memory_space<vmem>>) dst(%dma_wait3A_129 : memref<80x128xf32, #tpu.memory_space<vmem_shared>>)
    %add3A_130 = arith.constant 560 : i32
    %add3A_131 = arith.addi %mul3A_2, %add3A_130 : i32
    %dma_wait3A_132 = arith.constant 0 : i32
    %dma_wait3A_133 = tpu.memref_slice %arg11[%add3A_131, %dma_wait3A_132] : memref<10240x128xf32, #tpu.memory_space<vmem_shared>> -> memref<80x128xf32, #tpu.memory_space<vmem_shared>>
    %dma_wait3A_134 = arith.constant 0 : i32
    %dma_wait3A_135 = tpu.memref_slice %arg11[%add3A_131, %dma_wait3A_134] : memref<10240x128xf32, #tpu.memory_space<vmem_shared>> -> memref<80x128xf32, #tpu.memory_space<vmem_shared>>
    tpu.wait_dma2 semaphore(%arg13 : memref<!tpu.dma_semaphore, #tpu.memory_space<semaphore_mem>>) src(%arg10 : memref<80x128xf32, #tpu.memory_space<vmem>>) dst(%dma_wait3A_135 : memref<80x128xf32, #tpu.memory_space<vmem_shared>>)
    %barrier3A = arith.constant 0 : index
    tpu.barrier barrier_id(%barrier3A)
    %scan3A_136 = arith.constant 0 : i32
    %scan3A_137 = arith.constant 0 : i32
    %scan3A_138 = arith.constant 62 : i32
    %scan3A_139 = arith.addi %scan3A_137, %scan3A_138 : i32
    %scan3A_140 = arith.constant 1 : i32
    %scan3A_141 = scf.for %scan3A_155 = %scan3A_137 to %scan3A_139 step %scan3A_140 iter_args(%scan3A_156 = %scan3A_136) -> (i32)  : i32 {
      %mul3A_157 = arith.constant 2 : i32
      %mul3A_158 = arith.muli %mul3A_157, %scan3A_155 : i32
      %mul3A_159 = arith.constant 2 : i32
      %mul3A_160 = arith.muli %mul3A_159, %scan3A_155 : i32
      %add3A_161 = arith.constant 1 : i32
      %add3A_162 = arith.addi %mul3A_160, %add3A_161 : i32
      %mul3A_163 = arith.constant 80 : i32
      %mul3A_164 = arith.muli %add3A_162, %mul3A_163 : i32
      %dma_start3A_165 = tpu.memref_slice %arg7[%mul3A_164] : memref<10000xi32, #tpu.memory_space<vmem>> -> memref<80xi32, #tpu.memory_space<vmem>>
      %dma_start3A_166 = arith.constant 0 : i32
      %dma_start3A_167 = arith.constant 0 : i32
      %dma_start3A_168 = tpu.memref_slice %arg2[%dma_start3A_166, %dma_start3A_167] : memref<10240x128xf32, #tpu.memory_space<hbm>> -> memref<10240x128xf32, #tpu.memory_space<hbm>>
      tpu.enqueue_indirect_dma source(%dma_start3A_168 : memref<10240x128xf32, #tpu.memory_space<hbm>>) target(%arg10 : memref<80x128xf32, #tpu.memory_space<vmem>>) offsets(%dma_start3A_165 : memref<80xi32, #tpu.memory_space<vmem>>) semaphore(%arg13 : memref<!tpu.dma_semaphore, #tpu.memory_space<semaphore_mem>>)
      %mul3A_169 = arith.constant 80 : i32
      %mul3A_170 = arith.muli %mul3A_158, %mul3A_169 : i32
      %dma_wait3A_171 = tpu.memref_slice %arg7[%mul3A_170] : memref<10000xi32, #tpu.memory_space<vmem>> -> memref<80xi32, #tpu.memory_space<vmem>>
      %dma_wait3A_172 = arith.constant 0 : i32
      %dma_wait3A_173 = arith.constant 0 : i32
      %dma_wait3A_174 = tpu.memref_slice %arg2[%dma_wait3A_172, %dma_wait3A_173] : memref<10240x128xf32, #tpu.memory_space<hbm>> -> memref<10240x128xf32, #tpu.memory_space<hbm>>
      tpu.wait_indirect_dma semaphore(%arg12 : memref<!tpu.dma_semaphore, #tpu.memory_space<semaphore_mem>>) src(%dma_wait3A_174 : memref<10240x128xf32, #tpu.memory_space<hbm>>) dst(%arg9 : memref<80x128xf32, #tpu.memory_space<vmem>>)
      "tpu.region"() ({
        %run_scoped3A_190 = tpu.sem_alloc : memref<!tpu.dma_semaphore, #tpu.memory_space<semaphore_mem>>
        %dma_start3A_191 = arith.constant 0 : i32
        %dma_start3A_192 = tpu.memref_slice %arg8[%mul3A_158, %dma_start3A_191] : memref<125x80xi32, #tpu.memory_space<vmem>> -> memref<1x80xi32, #tpu.memory_space<vmem>>
        %dma_start3A_193 = tpu.memref_squeeze %dma_start3A_192 : memref<1x80xi32, #tpu.memory_space<vmem>> -> memref<80xi32, #tpu.memory_space<vmem>>
        %dma_start3A_194 = arith.constant 0 : i32
        %dma_start3A_195 = arith.constant 0 : i32
        %dma_start3A_196 = tpu.memref_slice %arg11[%dma_start3A_194, %dma_start3A_195] : memref<10240x128xf32, #tpu.memory_space<vmem_shared>> -> memref<10240x128xf32, #tpu.memory_space<vmem_shared>>
        tpu.enqueue_indirect_dma source(%arg9 : memref<80x128xf32, #tpu.memory_space<vmem>>) target(%dma_start3A_196 : memref<10240x128xf32, #tpu.memory_space<vmem_shared>>) offsets(%dma_start3A_193 : memref<80xi32, #tpu.memory_space<vmem>>) semaphore(%run_scoped3A_190 : memref<!tpu.dma_semaphore, #tpu.memory_space<semaphore_mem>>) {add = true}
        %dma_wait3A_197 = arith.constant 0 : i32
        %dma_wait3A_198 = tpu.memref_slice %arg8[%mul3A_158, %dma_wait3A_197] : memref<125x80xi32, #tpu.memory_space<vmem>> -> memref<1x80xi32, #tpu.memory_space<vmem>>
        %dma_wait3A_199 = tpu.memref_squeeze %dma_wait3A_198 : memref<1x80xi32, #tpu.memory_space<vmem>> -> memref<80xi32, #tpu.memory_space<vmem>>
        %dma_wait3A_200 = arith.constant 0 : i32
        %dma_wait3A_201 = arith.constant 0 : i32
        %dma_wait3A_202 = tpu.memref_slice %arg11[%dma_wait3A_200, %dma_wait3A_201] : memref<10240x128xf32, #tpu.memory_space<vmem_shared>> -> memref<10240x128xf32, #tpu.memory_space<vmem_shared>>
        tpu.wait_indirect_dma semaphore(%run_scoped3A_190 : memref<!tpu.dma_semaphore, #tpu.memory_space<semaphore_mem>>) src(%arg9 : memref<80x128xf32, #tpu.memory_space<vmem>>) dst(%dma_wait3A_202 : memref<10240x128xf32, #tpu.memory_space<vmem_shared>>)
        tpu.yield
      }) : () -> ()
      %add3A_175 = arith.constant 2 : i32
      %add3A_176 = arith.addi %mul3A_158, %add3A_175 : i32
      %mul3A_177 = arith.constant 80 : i32
      %mul3A_178 = arith.muli %add3A_176, %mul3A_177 : i32
      %dma_start3A_179 = tpu.memref_slice %arg7[%mul3A_178] : memref<10000xi32, #tpu.memory_space<vmem>> -> memref<80xi32, #tpu.memory_space<vmem>>
      %dma_start3A_180 = arith.constant 0 : i32
      %dma_start3A_181 = arith.constant 0 : i32
      %dma_start3A_182 = tpu.memref_slice %arg2[%dma_start3A_180, %dma_start3A_181] : memref<10240x128xf32, #tpu.memory_space<hbm>> -> memref<10240x128xf32, #tpu.memory_space<hbm>>
      tpu.enqueue_indirect_dma source(%dma_start3A_182 : memref<10240x128xf32, #tpu.memory_space<hbm>>) target(%arg9 : memref<80x128xf32, #tpu.memory_space<vmem>>) offsets(%dma_start3A_179 : memref<80xi32, #tpu.memory_space<vmem>>) semaphore(%arg12 : memref<!tpu.dma_semaphore, #tpu.memory_space<semaphore_mem>>)
      %mul3A_183 = arith.constant 80 : i32
      %mul3A_184 = arith.muli %add3A_162, %mul3A_183 : i32
      %dma_wait3A_185 = tpu.memref_slice %arg7[%mul3A_184] : memref<10000xi32, #tpu.memory_space<vmem>> -> memref<80xi32, #tpu.memory_space<vmem>>
      %dma_wait3A_186 = arith.constant 0 : i32
      %dma_wait3A_187 = arith.constant 0 : i32
      %dma_wait3A_188 = tpu.memref_slice %arg2[%dma_wait3A_186, %dma_wait3A_187] : memref<10240x128xf32, #tpu.memory_space<hbm>> -> memref<10240x128xf32, #tpu.memory_space<hbm>>
      tpu.wait_indirect_dma semaphore(%arg13 : memref<!tpu.dma_semaphore, #tpu.memory_space<semaphore_mem>>) src(%dma_wait3A_188 : memref<10240x128xf32, #tpu.memory_space<hbm>>) dst(%arg10 : memref<80x128xf32, #tpu.memory_space<vmem>>)
      "tpu.region"() ({
        %run_scoped3A_190 = tpu.sem_alloc : memref<!tpu.dma_semaphore, #tpu.memory_space<semaphore_mem>>
        %dma_start3A_191 = arith.constant 0 : i32
        %dma_start3A_192 = tpu.memref_slice %arg8[%add3A_162, %dma_start3A_191] : memref<125x80xi32, #tpu.memory_space<vmem>> -> memref<1x80xi32, #tpu.memory_space<vmem>>
        %dma_start3A_193 = tpu.memref_squeeze %dma_start3A_192 : memref<1x80xi32, #tpu.memory_space<vmem>> -> memref<80xi32, #tpu.memory_space<vmem>>
        %dma_start3A_194 = arith.constant 0 : i32
        %dma_start3A_195 = arith.constant 0 : i32
        %dma_start3A_196 = tpu.memref_slice %arg11[%dma_start3A_194, %dma_start3A_195] : memref<10240x128xf32, #tpu.memory_space<vmem_shared>> -> memref<10240x128xf32, #tpu.memory_space<vmem_shared>>
        tpu.enqueue_indirect_dma source(%arg10 : memref<80x128xf32, #tpu.memory_space<vmem>>) target(%dma_start3A_196 : memref<10240x128xf32, #tpu.memory_space<vmem_shared>>) offsets(%dma_start3A_193 : memref<80xi32, #tpu.memory_space<vmem>>) semaphore(%run_scoped3A_190 : memref<!tpu.dma_semaphore, #tpu.memory_space<semaphore_mem>>) {add = true}
        %dma_wait3A_197 = arith.constant 0 : i32
        %dma_wait3A_198 = tpu.memref_slice %arg8[%add3A_162, %dma_wait3A_197] : memref<125x80xi32, #tpu.memory_space<vmem>> -> memref<1x80xi32, #tpu.memory_space<vmem>>
        %dma_wait3A_199 = tpu.memref_squeeze %dma_wait3A_198 : memref<1x80xi32, #tpu.memory_space<vmem>> -> memref<80xi32, #tpu.memory_space<vmem>>
        %dma_wait3A_200 = arith.constant 0 : i32
        %dma_wait3A_201 = arith.constant 0 : i32
        %dma_wait3A_202 = tpu.memref_slice %arg11[%dma_wait3A_200, %dma_wait3A_201] : memref<10240x128xf32, #tpu.memory_space<vmem_shared>> -> memref<10240x128xf32, #tpu.memory_space<vmem_shared>>
        tpu.wait_indirect_dma semaphore(%run_scoped3A_190 : memref<!tpu.dma_semaphore, #tpu.memory_space<semaphore_mem>>) src(%arg10 : memref<80x128xf32, #tpu.memory_space<vmem>>) dst(%dma_wait3A_202 : memref<10240x128xf32, #tpu.memory_space<vmem_shared>>)
        tpu.yield
      }) : () -> ()
      %scan3A_189 = arith.constant 0 : i32
      scf.yield %scan3A_189 : i32
    }
    %scan3A_142 = arith.constant 62 : i32
    %dma_wait3A_143 = arith.constant 9920 : i32
    %dma_wait3A_144 = tpu.memref_slice %arg7[%dma_wait3A_143] : memref<10000xi32, #tpu.memory_space<vmem>> -> memref<80xi32, #tpu.memory_space<vmem>>
    %dma_wait3A_145 = arith.constant 0 : i32
    %dma_wait3A_146 = arith.constant 0 : i32
    %dma_wait3A_147 = tpu.memref_slice %arg2[%dma_wait3A_145, %dma_wait3A_146] : memref<10240x128xf32, #tpu.memory_space<hbm>> -> memref<10240x128xf32, #tpu.memory_space<hbm>>
    tpu.wait_indirect_dma semaphore(%arg12 : memref<!tpu.dma_semaphore, #tpu.memory_space<semaphore_mem>>) src(%dma_wait3A_147 : memref<10240x128xf32, #tpu.memory_space<hbm>>) dst(%arg9 : memref<80x128xf32, #tpu.memory_space<vmem>>)
    %run_scoped3A = arith.constant 124 : i32
    "tpu.region"() ({
      %run_scoped3A_155 = tpu.sem_alloc : memref<!tpu.dma_semaphore, #tpu.memory_space<semaphore_mem>>
      %dma_start3A_156 = arith.constant 0 : i32
      %dma_start3A_157 = tpu.memref_slice %arg8[%run_scoped3A, %dma_start3A_156] : memref<125x80xi32, #tpu.memory_space<vmem>> -> memref<1x80xi32, #tpu.memory_space<vmem>>
      %dma_start3A_158 = tpu.memref_squeeze %dma_start3A_157 : memref<1x80xi32, #tpu.memory_space<vmem>> -> memref<80xi32, #tpu.memory_space<vmem>>
      %dma_start3A_159 = arith.constant 0 : i32
      %dma_start3A_160 = arith.constant 0 : i32
      %dma_start3A_161 = tpu.memref_slice %arg11[%dma_start3A_159, %dma_start3A_160] : memref<10240x128xf32, #tpu.memory_space<vmem_shared>> -> memref<10240x128xf32, #tpu.memory_space<vmem_shared>>
      tpu.enqueue_indirect_dma source(%arg9 : memref<80x128xf32, #tpu.memory_space<vmem>>) target(%dma_start3A_161 : memref<10240x128xf32, #tpu.memory_space<vmem_shared>>) offsets(%dma_start3A_158 : memref<80xi32, #tpu.memory_space<vmem>>) semaphore(%run_scoped3A_155 : memref<!tpu.dma_semaphore, #tpu.memory_space<semaphore_mem>>) {add = true}
      %dma_wait3A_162 = arith.constant 0 : i32
      %dma_wait3A_163 = tpu.memref_slice %arg8[%run_scoped3A, %dma_wait3A_162] : memref<125x80xi32, #tpu.memory_space<vmem>> -> memref<1x80xi32, #tpu.memory_space<vmem>>
      %dma_wait3A_164 = tpu.memref_squeeze %dma_wait3A_163 : memref<1x80xi32, #tpu.memory_space<vmem>> -> memref<80xi32, #tpu.memory_space<vmem>>
      %dma_wait3A_165 = arith.constant 0 : i32
      %dma_wait3A_166 = arith.constant 0 : i32
      %dma_wait3A_167 = tpu.memref_slice %arg11[%dma_wait3A_165, %dma_wait3A_166] : memref<10240x128xf32, #tpu.memory_space<vmem_shared>> -> memref<10240x128xf32, #tpu.memory_space<vmem_shared>>
      tpu.wait_indirect_dma semaphore(%run_scoped3A_155 : memref<!tpu.dma_semaphore, #tpu.memory_space<semaphore_mem>>) src(%arg9 : memref<80x128xf32, #tpu.memory_space<vmem>>) dst(%dma_wait3A_167 : memref<10240x128xf32, #tpu.memory_space<vmem_shared>>)
      tpu.yield
    }) : () -> ()
    %barrier3A_148 = arith.constant 0 : index
    tpu.barrier barrier_id(%barrier3A_148)
    %eq3A = arith.constant 0 : i32
    %eq3A_149 = arith.cmpi eq, %arg0, %eq3A : i32
    %convert_element_type3A = arith.extui %eq3A_149 : i1 to i32
    %cond3A = arith.constant 0 : i32
    %cond3A_150 = arith.cmpi ne, %convert_element_type3A, %cond3A : i32
    scf.if %cond3A_150 {
      %add3A_155 = arith.constant 0 : i32
      %add3A_156 = arith.addi %mul3A_2, %add3A_155 : i32
      "tpu.region"() ({
        %run_scoped3A_251 = tpu.sem_alloc : memref<!tpu.dma_semaphore, #tpu.memory_space<semaphore_mem>>
        %dma_start3A_252 = arith.constant 0 : i32
        %dma_start3A_253 = tpu.memref_slice %arg11[%add3A_156, %dma_start3A_252] : memref<10240x128xf32, #tpu.memory_space<vmem_shared>> -> memref<80x128xf32, #tpu.memory_space<vmem_shared>>
        %dma_start3A_254 = arith.constant 0 : i32
        %dma_start3A_255 = tpu.memref_slice %arg11[%add3A_156, %dma_start3A_254] : memref<10240x128xf32, #tpu.memory_space<vmem_shared>> -> memref<80x128xf32, #tpu.memory_space<vmem_shared>>
        tpu.enqueue_dma source(%dma_start3A_255 : memref<80x128xf32, #tpu.memory_space<vmem_shared>>) target(%arg9 : memref<80x128xf32, #tpu.memory_space<vmem>>) target_semaphore(%run_scoped3A_251 : memref<!tpu.dma_semaphore, #tpu.memory_space<semaphore_mem>>)
        %dma_wait3A_256 = arith.constant 0 : i32
        %dma_wait3A_257 = tpu.memref_slice %arg11[%add3A_156, %dma_wait3A_256] : memref<10240x128xf32, #tpu.memory_space<vmem_shared>> -> memref<80x128xf32, #tpu.memory_space<vmem_shared>>
        %dma_wait3A_258 = arith.constant 0 : i32
        %dma_wait3A_259 = tpu.memref_slice %arg11[%add3A_156, %dma_wait3A_258] : memref<10240x128xf32, #tpu.memory_space<vmem_shared>> -> memref<80x128xf32, #tpu.memory_space<vmem_shared>>
        tpu.wait_dma2 semaphore(%run_scoped3A_251 : memref<!tpu.dma_semaphore, #tpu.memory_space<semaphore_mem>>) src(%dma_wait3A_259 : memref<80x128xf32, #tpu.memory_space<vmem_shared>>) dst(%arg9 : memref<80x128xf32, #tpu.memory_space<vmem>>)
        tpu.yield
      }) : () -> ()
      %dma_start3A_157 = arith.constant 0 : i32
      %dma_start3A_158 = tpu.memref_slice %arg5[%add3A_156, %dma_start3A_157] : memref<10240x128xf32, #tpu.memory_space<hbm>> -> memref<80x128xf32, #tpu.memory_space<hbm>>
      %dma_start3A_159 = arith.constant 0 : i32
      %dma_start3A_160 = tpu.memref_slice %arg5[%add3A_156, %dma_start3A_159] : memref<10240x128xf32, #tpu.memory_space<hbm>> -> memref<80x128xf32, #tpu.memory_space<hbm>>
      tpu.enqueue_dma source(%arg9 : memref<80x128xf32, #tpu.memory_space<vmem>>) target(%dma_start3A_160 : memref<80x128xf32, #tpu.memory_space<hbm>>) target_semaphore(%arg12 : memref<!tpu.dma_semaphore, #tpu.memory_space<semaphore_mem>>)
      %add3A_161 = arith.constant 80 : i32
      %add3A_162 = arith.addi %mul3A_2, %add3A_161 : i32
      "tpu.region"() ({
        %run_scoped3A_251 = tpu.sem_alloc : memref<!tpu.dma_semaphore, #tpu.memory_space<semaphore_mem>>
        %dma_start3A_252 = arith.constant 0 : i32
        %dma_start3A_253 = tpu.memref_slice %arg11[%add3A_162, %dma_start3A_252] : memref<10240x128xf32, #tpu.memory_space<vmem_shared>> -> memref<80x128xf32, #tpu.memory_space<vmem_shared>>
        %dma_start3A_254 = arith.constant 0 : i32
        %dma_start3A_255 = tpu.memref_slice %arg11[%add3A_162, %dma_start3A_254] : memref<10240x128xf32, #tpu.memory_space<vmem_shared>> -> memref<80x128xf32, #tpu.memory_space<vmem_shared>>
        tpu.enqueue_dma source(%dma_start3A_255 : memref<80x128xf32, #tpu.memory_space<vmem_shared>>) target(%arg10 : memref<80x128xf32, #tpu.memory_space<vmem>>) target_semaphore(%run_scoped3A_251 : memref<!tpu.dma_semaphore, #tpu.memory_space<semaphore_mem>>)
        %dma_wait3A_256 = arith.constant 0 : i32
        %dma_wait3A_257 = tpu.memref_slice %arg11[%add3A_162, %dma_wait3A_256] : memref<10240x128xf32, #tpu.memory_space<vmem_shared>> -> memref<80x128xf32, #tpu.memory_space<vmem_shared>>
        %dma_wait3A_258 = arith.constant 0 : i32
        %dma_wait3A_259 = tpu.memref_slice %arg11[%add3A_162, %dma_wait3A_258] : memref<10240x128xf32, #tpu.memory_space<vmem_shared>> -> memref<80x128xf32, #tpu.memory_space<vmem_shared>>
        tpu.wait_dma2 semaphore(%run_scoped3A_251 : memref<!tpu.dma_semaphore, #tpu.memory_space<semaphore_mem>>) src(%dma_wait3A_259 : memref<80x128xf32, #tpu.memory_space<vmem_shared>>) dst(%arg10 : memref<80x128xf32, #tpu.memory_space<vmem>>)
        tpu.yield
      }) : () -> ()
      %dma_start3A_163 = arith.constant 0 : i32
      %dma_start3A_164 = tpu.memref_slice %arg5[%add3A_162, %dma_start3A_163] : memref<10240x128xf32, #tpu.memory_space<hbm>> -> memref<80x128xf32, #tpu.memory_space<hbm>>
      %dma_start3A_165 = arith.constant 0 : i32
      %dma_start3A_166 = tpu.memref_slice %arg5[%add3A_162, %dma_start3A_165] : memref<10240x128xf32, #tpu.memory_space<hbm>> -> memref<80x128xf32, #tpu.memory_space<hbm>>
      tpu.enqueue_dma source(%arg10 : memref<80x128xf32, #tpu.memory_space<vmem>>) target(%dma_start3A_166 : memref<80x128xf32, #tpu.memory_space<hbm>>) target_semaphore(%arg13 : memref<!tpu.dma_semaphore, #tpu.memory_space<semaphore_mem>>)
      %add3A_167 = arith.constant 160 : i32
      %add3A_168 = arith.addi %mul3A_2, %add3A_167 : i32
      %add3A_169 = arith.constant 0 : i32
      %add3A_170 = arith.addi %mul3A_2, %add3A_169 : i32
      %dma_wait3A_171 = arith.constant 0 : i32
      %dma_wait3A_172 = tpu.memref_slice %arg5[%add3A_170, %dma_wait3A_171] : memref<10240x128xf32, #tpu.memory_space<hbm>> -> memref<80x128xf32, #tpu.memory_space<hbm>>
      %dma_wait3A_173 = arith.constant 0 : i32
      %dma_wait3A_174 = tpu.memref_slice %arg5[%add3A_170, %dma_wait3A_173] : memref<10240x128xf32, #tpu.memory_space<hbm>> -> memref<80x128xf32, #tpu.memory_space<hbm>>
      tpu.wait_dma2 semaphore(%arg12 : memref<!tpu.dma_semaphore, #tpu.memory_space<semaphore_mem>>) src(%arg9 : memref<80x128xf32, #tpu.memory_space<vmem>>) dst(%dma_wait3A_174 : memref<80x128xf32, #tpu.memory_space<hbm>>)
      "tpu.region"() ({
        %run_scoped3A_251 = tpu.sem_alloc : memref<!tpu.dma_semaphore, #tpu.memory_space<semaphore_mem>>
        %dma_start3A_252 = arith.constant 0 : i32
        %dma_start3A_253 = tpu.memref_slice %arg11[%add3A_168, %dma_start3A_252] : memref<10240x128xf32, #tpu.memory_space<vmem_shared>> -> memref<80x128xf32, #tpu.memory_space<vmem_shared>>
        %dma_start3A_254 = arith.constant 0 : i32
        %dma_start3A_255 = tpu.memref_slice %arg11[%add3A_168, %dma_start3A_254] : memref<10240x128xf32, #tpu.memory_space<vmem_shared>> -> memref<80x128xf32, #tpu.memory_space<vmem_shared>>
        tpu.enqueue_dma source(%dma_start3A_255 : memref<80x128xf32, #tpu.memory_space<vmem_shared>>) target(%arg9 : memref<80x128xf32, #tpu.memory_space<vmem>>) target_semaphore(%run_scoped3A_251 : memref<!tpu.dma_semaphore, #tpu.memory_space<semaphore_mem>>)
        %dma_wait3A_256 = arith.constant 0 : i32
        %dma_wait3A_257 = tpu.memref_slice %arg11[%add3A_168, %dma_wait3A_256] : memref<10240x128xf32, #tpu.memory_space<vmem_shared>> -> memref<80x128xf32, #tpu.memory_space<vmem_shared>>
        %dma_wait3A_258 = arith.constant 0 : i32
        %dma_wait3A_259 = tpu.memref_slice %arg11[%add3A_168, %dma_wait3A_258] : memref<10240x128xf32, #tpu.memory_space<vmem_shared>> -> memref<80x128xf32, #tpu.memory_space<vmem_shared>>
        tpu.wait_dma2 semaphore(%run_scoped3A_251 : memref<!tpu.dma_semaphore, #tpu.memory_space<semaphore_mem>>) src(%dma_wait3A_259 : memref<80x128xf32, #tpu.memory_space<vmem_shared>>) dst(%arg9 : memref<80x128xf32, #tpu.memory_space<vmem>>)
        tpu.yield
      }) : () -> ()
      %dma_start3A_175 = arith.constant 0 : i32
      %dma_start3A_176 = tpu.memref_slice %arg5[%add3A_168, %dma_start3A_175] : memref<10240x128xf32, #tpu.memory_space<hbm>> -> memref<80x128xf32, #tpu.memory_space<hbm>>
      %dma_start3A_177 = arith.constant 0 : i32
      %dma_start3A_178 = tpu.memref_slice %arg5[%add3A_168, %dma_start3A_177] : memref<10240x128xf32, #tpu.memory_space<hbm>> -> memref<80x128xf32, #tpu.memory_space<hbm>>
      tpu.enqueue_dma source(%arg9 : memref<80x128xf32, #tpu.memory_space<vmem>>) target(%dma_start3A_178 : memref<80x128xf32, #tpu.memory_space<hbm>>) target_semaphore(%arg12 : memref<!tpu.dma_semaphore, #tpu.memory_space<semaphore_mem>>)
      %add3A_179 = arith.constant 240 : i32
      %add3A_180 = arith.addi %mul3A_2, %add3A_179 : i32
      %add3A_181 = arith.constant 80 : i32
      %add3A_182 = arith.addi %mul3A_2, %add3A_181 : i32
      %dma_wait3A_183 = arith.constant 0 : i32
      %dma_wait3A_184 = tpu.memref_slice %arg5[%add3A_182, %dma_wait3A_183] : memref<10240x128xf32, #tpu.memory_space<hbm>> -> memref<80x128xf32, #tpu.memory_space<hbm>>
      %dma_wait3A_185 = arith.constant 0 : i32
      %dma_wait3A_186 = tpu.memref_slice %arg5[%add3A_182, %dma_wait3A_185] : memref<10240x128xf32, #tpu.memory_space<hbm>> -> memref<80x128xf32, #tpu.memory_space<hbm>>
      tpu.wait_dma2 semaphore(%arg13 : memref<!tpu.dma_semaphore, #tpu.memory_space<semaphore_mem>>) src(%arg10 : memref<80x128xf32, #tpu.memory_space<vmem>>) dst(%dma_wait3A_186 : memref<80x128xf32, #tpu.memory_space<hbm>>)
      "tpu.region"() ({
        %run_scoped3A_251 = tpu.sem_alloc : memref<!tpu.dma_semaphore, #tpu.memory_space<semaphore_mem>>
        %dma_start3A_252 = arith.constant 0 : i32
        %dma_start3A_253 = tpu.memref_slice %arg11[%add3A_180, %dma_start3A_252] : memref<10240x128xf32, #tpu.memory_space<vmem_shared>> -> memref<80x128xf32, #tpu.memory_space<vmem_shared>>
        %dma_start3A_254 = arith.constant 0 : i32
        %dma_start3A_255 = tpu.memref_slice %arg11[%add3A_180, %dma_start3A_254] : memref<10240x128xf32, #tpu.memory_space<vmem_shared>> -> memref<80x128xf32, #tpu.memory_space<vmem_shared>>
        tpu.enqueue_dma source(%dma_start3A_255 : memref<80x128xf32, #tpu.memory_space<vmem_shared>>) target(%arg10 : memref<80x128xf32, #tpu.memory_space<vmem>>) target_semaphore(%run_scoped3A_251 : memref<!tpu.dma_semaphore, #tpu.memory_space<semaphore_mem>>)
        %dma_wait3A_256 = arith.constant 0 : i32
        %dma_wait3A_257 = tpu.memref_slice %arg11[%add3A_180, %dma_wait3A_256] : memref<10240x128xf32, #tpu.memory_space<vmem_shared>> -> memref<80x128xf32, #tpu.memory_space<vmem_shared>>
        %dma_wait3A_258 = arith.constant 0 : i32
        %dma_wait3A_259 = tpu.memref_slice %arg11[%add3A_180, %dma_wait3A_258] : memref<10240x128xf32, #tpu.memory_space<vmem_shared>> -> memref<80x128xf32, #tpu.memory_space<vmem_shared>>
        tpu.wait_dma2 semaphore(%run_scoped3A_251 : memref<!tpu.dma_semaphore, #tpu.memory_space<semaphore_mem>>) src(%dma_wait3A_259 : memref<80x128xf32, #tpu.memory_space<vmem_shared>>) dst(%arg10 : memref<80x128xf32, #tpu.memory_space<vmem>>)
        tpu.yield
      }) : () -> ()
      %dma_start3A_187 = arith.constant 0 : i32
      %dma_start3A_188 = tpu.memref_slice %arg5[%add3A_180, %dma_start3A_187] : memref<10240x128xf32, #tpu.memory_space<hbm>> -> memref<80x128xf32, #tpu.memory_space<hbm>>
      %dma_start3A_189 = arith.constant 0 : i32
      %dma_start3A_190 = tpu.memref_slice %arg5[%add3A_180, %dma_start3A_189] : memref<10240x128xf32, #tpu.memory_space<hbm>> -> memref<80x128xf32, #tpu.memory_space<hbm>>
      tpu.enqueue_dma source(%arg10 : memref<80x128xf32, #tpu.memory_space<vmem>>) target(%dma_start3A_190 : memref<80x128xf32, #tpu.memory_space<hbm>>) target_semaphore(%arg13 : memref<!tpu.dma_semaphore, #tpu.memory_space<semaphore_mem>>)
      %add3A_191 = arith.constant 320 : i32
      %add3A_192 = arith.addi %mul3A_2, %add3A_191 : i32
      %add3A_193 = arith.constant 160 : i32
      %add3A_194 = arith.addi %mul3A_2, %add3A_193 : i32
      %dma_wait3A_195 = arith.constant 0 : i32
      %dma_wait3A_196 = tpu.memref_slice %arg5[%add3A_194, %dma_wait3A_195] : memref<10240x128xf32, #tpu.memory_space<hbm>> -> memref<80x128xf32, #tpu.memory_space<hbm>>
      %dma_wait3A_197 = arith.constant 0 : i32
      %dma_wait3A_198 = tpu.memref_slice %arg5[%add3A_194, %dma_wait3A_197] : memref<10240x128xf32, #tpu.memory_space<hbm>> -> memref<80x128xf32, #tpu.memory_space<hbm>>
      tpu.wait_dma2 semaphore(%arg12 : memref<!tpu.dma_semaphore, #tpu.memory_space<semaphore_mem>>) src(%arg9 : memref<80x128xf32, #tpu.memory_space<vmem>>) dst(%dma_wait3A_198 : memref<80x128xf32, #tpu.memory_space<hbm>>)
      "tpu.region"() ({
        %run_scoped3A_251 = tpu.sem_alloc : memref<!tpu.dma_semaphore, #tpu.memory_space<semaphore_mem>>
        %dma_start3A_252 = arith.constant 0 : i32
        %dma_start3A_253 = tpu.memref_slice %arg11[%add3A_192, %dma_start3A_252] : memref<10240x128xf32, #tpu.memory_space<vmem_shared>> -> memref<80x128xf32, #tpu.memory_space<vmem_shared>>
        %dma_start3A_254 = arith.constant 0 : i32
        %dma_start3A_255 = tpu.memref_slice %arg11[%add3A_192, %dma_start3A_254] : memref<10240x128xf32, #tpu.memory_space<vmem_shared>> -> memref<80x128xf32, #tpu.memory_space<vmem_shared>>
        tpu.enqueue_dma source(%dma_start3A_255 : memref<80x128xf32, #tpu.memory_space<vmem_shared>>) target(%arg9 : memref<80x128xf32, #tpu.memory_space<vmem>>) target_semaphore(%run_scoped3A_251 : memref<!tpu.dma_semaphore, #tpu.memory_space<semaphore_mem>>)
        %dma_wait3A_256 = arith.constant 0 : i32
        %dma_wait3A_257 = tpu.memref_slice %arg11[%add3A_192, %dma_wait3A_256] : memref<10240x128xf32, #tpu.memory_space<vmem_shared>> -> memref<80x128xf32, #tpu.memory_space<vmem_shared>>
        %dma_wait3A_258 = arith.constant 0 : i32
        %dma_wait3A_259 = tpu.memref_slice %arg11[%add3A_192, %dma_wait3A_258] : memref<10240x128xf32, #tpu.memory_space<vmem_shared>> -> memref<80x128xf32, #tpu.memory_space<vmem_shared>>
        tpu.wait_dma2 semaphore(%run_scoped3A_251 : memref<!tpu.dma_semaphore, #tpu.memory_space<semaphore_mem>>) src(%dma_wait3A_259 : memref<80x128xf32, #tpu.memory_space<vmem_shared>>) dst(%arg9 : memref<80x128xf32, #tpu.memory_space<vmem>>)
        tpu.yield
      }) : () -> ()
      %dma_start3A_199 = arith.constant 0 : i32
      %dma_start3A_200 = tpu.memref_slice %arg5[%add3A_192, %dma_start3A_199] : memref<10240x128xf32, #tpu.memory_space<hbm>> -> memref<80x128xf32, #tpu.memory_space<hbm>>
      %dma_start3A_201 = arith.constant 0 : i32
      %dma_start3A_202 = tpu.memref_slice %arg5[%add3A_192, %dma_start3A_201] : memref<10240x128xf32, #tpu.memory_space<hbm>> -> memref<80x128xf32, #tpu.memory_space<hbm>>
      tpu.enqueue_dma source(%arg9 : memref<80x128xf32, #tpu.memory_space<vmem>>) target(%dma_start3A_202 : memref<80x128xf32, #tpu.memory_space<hbm>>) target_semaphore(%arg12 : memref<!tpu.dma_semaphore, #tpu.memory_space<semaphore_mem>>)
      %add3A_203 = arith.constant 400 : i32
      %add3A_204 = arith.addi %mul3A_2, %add3A_203 : i32
      %add3A_205 = arith.constant 240 : i32
      %add3A_206 = arith.addi %mul3A_2, %add3A_205 : i32
      %dma_wait3A_207 = arith.constant 0 : i32
      %dma_wait3A_208 = tpu.memref_slice %arg5[%add3A_206, %dma_wait3A_207] : memref<10240x128xf32, #tpu.memory_space<hbm>> -> memref<80x128xf32, #tpu.memory_space<hbm>>
      %dma_wait3A_209 = arith.constant 0 : i32
      %dma_wait3A_210 = tpu.memref_slice %arg5[%add3A_206, %dma_wait3A_209] : memref<10240x128xf32, #tpu.memory_space<hbm>> -> memref<80x128xf32, #tpu.memory_space<hbm>>
      tpu.wait_dma2 semaphore(%arg13 : memref<!tpu.dma_semaphore, #tpu.memory_space<semaphore_mem>>) src(%arg10 : memref<80x128xf32, #tpu.memory_space<vmem>>) dst(%dma_wait3A_210 : memref<80x128xf32, #tpu.memory_space<hbm>>)
      "tpu.region"() ({
        %run_scoped3A_251 = tpu.sem_alloc : memref<!tpu.dma_semaphore, #tpu.memory_space<semaphore_mem>>
        %dma_start3A_252 = arith.constant 0 : i32
        %dma_start3A_253 = tpu.memref_slice %arg11[%add3A_204, %dma_start3A_252] : memref<10240x128xf32, #tpu.memory_space<vmem_shared>> -> memref<80x128xf32, #tpu.memory_space<vmem_shared>>
        %dma_start3A_254 = arith.constant 0 : i32
        %dma_start3A_255 = tpu.memref_slice %arg11[%add3A_204, %dma_start3A_254] : memref<10240x128xf32, #tpu.memory_space<vmem_shared>> -> memref<80x128xf32, #tpu.memory_space<vmem_shared>>
        tpu.enqueue_dma source(%dma_start3A_255 : memref<80x128xf32, #tpu.memory_space<vmem_shared>>) target(%arg10 : memref<80x128xf32, #tpu.memory_space<vmem>>) target_semaphore(%run_scoped3A_251 : memref<!tpu.dma_semaphore, #tpu.memory_space<semaphore_mem>>)
        %dma_wait3A_256 = arith.constant 0 : i32
        %dma_wait3A_257 = tpu.memref_slice %arg11[%add3A_204, %dma_wait3A_256] : memref<10240x128xf32, #tpu.memory_space<vmem_shared>> -> memref<80x128xf32, #tpu.memory_space<vmem_shared>>
        %dma_wait3A_258 = arith.constant 0 : i32
        %dma_wait3A_259 = tpu.memref_slice %arg11[%add3A_204, %dma_wait3A_258] : memref<10240x128xf32, #tpu.memory_space<vmem_shared>> -> memref<80x128xf32, #tpu.memory_space<vmem_shared>>
        tpu.wait_dma2 semaphore(%run_scoped3A_251 : memref<!tpu.dma_semaphore, #tpu.memory_space<semaphore_mem>>) src(%dma_wait3A_259 : memref<80x128xf32, #tpu.memory_space<vmem_shared>>) dst(%arg10 : memref<80x128xf32, #tpu.memory_space<vmem>>)
        tpu.yield
      }) : () -> ()
      %dma_start3A_211 = arith.constant 0 : i32
      %dma_start3A_212 = tpu.memref_slice %arg5[%add3A_204, %dma_start3A_211] : memref<10240x128xf32, #tpu.memory_space<hbm>> -> memref<80x128xf32, #tpu.memory_space<hbm>>
      %dma_start3A_213 = arith.constant 0 : i32
      %dma_start3A_214 = tpu.memref_slice %arg5[%add3A_204, %dma_start3A_213] : memref<10240x128xf32, #tpu.memory_space<hbm>> -> memref<80x128xf32, #tpu.memory_space<hbm>>
      tpu.enqueue_dma source(%arg10 : memref<80x128xf32, #tpu.memory_space<vmem>>) target(%dma_start3A_214 : memref<80x128xf32, #tpu.memory_space<hbm>>) target_semaphore(%arg13 : memref<!tpu.dma_semaphore, #tpu.memory_space<semaphore_mem>>)
      %add3A_215 = arith.constant 480 : i32
      %add3A_216 = arith.addi %mul3A_2, %add3A_215 : i32
      %add3A_217 = arith.constant 320 : i32
      %add3A_218 = arith.addi %mul3A_2, %add3A_217 : i32
      %dma_wait3A_219 = arith.constant 0 : i32
      %dma_wait3A_220 = tpu.memref_slice %arg5[%add3A_218, %dma_wait3A_219] : memref<10240x128xf32, #tpu.memory_space<hbm>> -> memref<80x128xf32, #tpu.memory_space<hbm>>
      %dma_wait3A_221 = arith.constant 0 : i32
      %dma_wait3A_222 = tpu.memref_slice %arg5[%add3A_218, %dma_wait3A_221] : memref<10240x128xf32, #tpu.memory_space<hbm>> -> memref<80x128xf32, #tpu.memory_space<hbm>>
      tpu.wait_dma2 semaphore(%arg12 : memref<!tpu.dma_semaphore, #tpu.memory_space<semaphore_mem>>) src(%arg9 : memref<80x128xf32, #tpu.memory_space<vmem>>) dst(%dma_wait3A_222 : memref<80x128xf32, #tpu.memory_space<hbm>>)
      "tpu.region"() ({
        %run_scoped3A_251 = tpu.sem_alloc : memref<!tpu.dma_semaphore, #tpu.memory_space<semaphore_mem>>
        %dma_start3A_252 = arith.constant 0 : i32
        %dma_start3A_253 = tpu.memref_slice %arg11[%add3A_216, %dma_start3A_252] : memref<10240x128xf32, #tpu.memory_space<vmem_shared>> -> memref<80x128xf32, #tpu.memory_space<vmem_shared>>
        %dma_start3A_254 = arith.constant 0 : i32
        %dma_start3A_255 = tpu.memref_slice %arg11[%add3A_216, %dma_start3A_254] : memref<10240x128xf32, #tpu.memory_space<vmem_shared>> -> memref<80x128xf32, #tpu.memory_space<vmem_shared>>
        tpu.enqueue_dma source(%dma_start3A_255 : memref<80x128xf32, #tpu.memory_space<vmem_shared>>) target(%arg9 : memref<80x128xf32, #tpu.memory_space<vmem>>) target_semaphore(%run_scoped3A_251 : memref<!tpu.dma_semaphore, #tpu.memory_space<semaphore_mem>>)
        %dma_wait3A_256 = arith.constant 0 : i32
        %dma_wait3A_257 = tpu.memref_slice %arg11[%add3A_216, %dma_wait3A_256] : memref<10240x128xf32, #tpu.memory_space<vmem_shared>> -> memref<80x128xf32, #tpu.memory_space<vmem_shared>>
        %dma_wait3A_258 = arith.constant 0 : i32
        %dma_wait3A_259 = tpu.memref_slice %arg11[%add3A_216, %dma_wait3A_258] : memref<10240x128xf32, #tpu.memory_space<vmem_shared>> -> memref<80x128xf32, #tpu.memory_space<vmem_shared>>
        tpu.wait_dma2 semaphore(%run_scoped3A_251 : memref<!tpu.dma_semaphore, #tpu.memory_space<semaphore_mem>>) src(%dma_wait3A_259 : memref<80x128xf32, #tpu.memory_space<vmem_shared>>) dst(%arg9 : memref<80x128xf32, #tpu.memory_space<vmem>>)
        tpu.yield
      }) : () -> ()
      %dma_start3A_223 = arith.constant 0 : i32
      %dma_start3A_224 = tpu.memref_slice %arg5[%add3A_216, %dma_start3A_223] : memref<10240x128xf32, #tpu.memory_space<hbm>> -> memref<80x128xf32, #tpu.memory_space<hbm>>
      %dma_start3A_225 = arith.constant 0 : i32
      %dma_start3A_226 = tpu.memref_slice %arg5[%add3A_216, %dma_start3A_225] : memref<10240x128xf32, #tpu.memory_space<hbm>> -> memref<80x128xf32, #tpu.memory_space<hbm>>
      tpu.enqueue_dma source(%arg9 : memref<80x128xf32, #tpu.memory_space<vmem>>) target(%dma_start3A_226 : memref<80x128xf32, #tpu.memory_space<hbm>>) target_semaphore(%arg12 : memref<!tpu.dma_semaphore, #tpu.memory_space<semaphore_mem>>)
      %add3A_227 = arith.constant 560 : i32
      %add3A_228 = arith.addi %mul3A_2, %add3A_227 : i32
      %add3A_229 = arith.constant 400 : i32
      %add3A_230 = arith.addi %mul3A_2, %add3A_229 : i32
      %dma_wait3A_231 = arith.constant 0 : i32
      %dma_wait3A_232 = tpu.memref_slice %arg5[%add3A_230, %dma_wait3A_231] : memref<10240x128xf32, #tpu.memory_space<hbm>> -> memref<80x128xf32, #tpu.memory_space<hbm>>
      %dma_wait3A_233 = arith.constant 0 : i32
      %dma_wait3A_234 = tpu.memref_slice %arg5[%add3A_230, %dma_wait3A_233] : memref<10240x128xf32, #tpu.memory_space<hbm>> -> memref<80x128xf32, #tpu.memory_space<hbm>>
      tpu.wait_dma2 semaphore(%arg13 : memref<!tpu.dma_semaphore, #tpu.memory_space<semaphore_mem>>) src(%arg10 : memref<80x128xf32, #tpu.memory_space<vmem>>) dst(%dma_wait3A_234 : memref<80x128xf32, #tpu.memory_space<hbm>>)
      "tpu.region"() ({
        %run_scoped3A_251 = tpu.sem_alloc : memref<!tpu.dma_semaphore, #tpu.memory_space<semaphore_mem>>
        %dma_start3A_252 = arith.constant 0 : i32
        %dma_start3A_253 = tpu.memref_slice %arg11[%add3A_228, %dma_start3A_252] : memref<10240x128xf32, #tpu.memory_space<vmem_shared>> -> memref<80x128xf32, #tpu.memory_space<vmem_shared>>
        %dma_start3A_254 = arith.constant 0 : i32
        %dma_start3A_255 = tpu.memref_slice %arg11[%add3A_228, %dma_start3A_254] : memref<10240x128xf32, #tpu.memory_space<vmem_shared>> -> memref<80x128xf32, #tpu.memory_space<vmem_shared>>
        tpu.enqueue_dma source(%dma_start3A_255 : memref<80x128xf32, #tpu.memory_space<vmem_shared>>) target(%arg10 : memref<80x128xf32, #tpu.memory_space<vmem>>) target_semaphore(%run_scoped3A_251 : memref<!tpu.dma_semaphore, #tpu.memory_space<semaphore_mem>>)
        %dma_wait3A_256 = arith.constant 0 : i32
        %dma_wait3A_257 = tpu.memref_slice %arg11[%add3A_228, %dma_wait3A_256] : memref<10240x128xf32, #tpu.memory_space<vmem_shared>> -> memref<80x128xf32, #tpu.memory_space<vmem_shared>>
        %dma_wait3A_258 = arith.constant 0 : i32
        %dma_wait3A_259 = tpu.memref_slice %arg11[%add3A_228, %dma_wait3A_258] : memref<10240x128xf32, #tpu.memory_space<vmem_shared>> -> memref<80x128xf32, #tpu.memory_space<vmem_shared>>
        tpu.wait_dma2 semaphore(%run_scoped3A_251 : memref<!tpu.dma_semaphore, #tpu.memory_space<semaphore_mem>>) src(%dma_wait3A_259 : memref<80x128xf32, #tpu.memory_space<vmem_shared>>) dst(%arg10 : memref<80x128xf32, #tpu.memory_space<vmem>>)
        tpu.yield
      }) : () -> ()
      %dma_start3A_235 = arith.constant 0 : i32
      %dma_start3A_236 = tpu.memref_slice %arg5[%add3A_228, %dma_start3A_235] : memref<10240x128xf32, #tpu.memory_space<hbm>> -> memref<80x128xf32, #tpu.memory_space<hbm>>
      %dma_start3A_237 = arith.constant 0 : i32
      %dma_start3A_238 = tpu.memref_slice %arg5[%add3A_228, %dma_start3A_237] : memref<10240x128xf32, #tpu.memory_space<hbm>> -> memref<80x128xf32, #tpu.memory_space<hbm>>
      tpu.enqueue_dma source(%arg10 : memref<80x128xf32, #tpu.memory_space<vmem>>) target(%dma_start3A_238 : memref<80x128xf32, #tpu.memory_space<hbm>>) target_semaphore(%arg13 : memref<!tpu.dma_semaphore, #tpu.memory_space<semaphore_mem>>)
      %add3A_239 = arith.constant 480 : i32
      %add3A_240 = arith.addi %mul3A_2, %add3A_239 : i32
      %dma_wait3A_241 = arith.constant 0 : i32
      %dma_wait3A_242 = tpu.memref_slice %arg5[%add3A_240, %dma_wait3A_241] : memref<10240x128xf32, #tpu.memory_space<hbm>> -> memref<80x128xf32, #tpu.memory_space<hbm>>
      %dma_wait3A_243 = arith.constant 0 : i32
      %dma_wait3A_244 = tpu.memref_slice %arg5[%add3A_240, %dma_wait3A_243] : memref<10240x128xf32, #tpu.memory_space<hbm>> -> memref<80x128xf32, #tpu.memory_space<hbm>>
      tpu.wait_dma2 semaphore(%arg12 : memref<!tpu.dma_semaphore, #tpu.memory_space<semaphore_mem>>) src(%arg9 : memref<80x128xf32, #tpu.memory_space<vmem>>) dst(%dma_wait3A_244 : memref<80x128xf32, #tpu.memory_space<hbm>>)
      %add3A_245 = arith.constant 560 : i32
      %add3A_246 = arith.addi %mul3A_2, %add3A_245 : i32
      %dma_wait3A_247 = arith.constant 0 : i32
      %dma_wait3A_248 = tpu.memref_slice %arg5[%add3A_246, %dma_wait3A_247] : memref<10240x128xf32, #tpu.memory_space<hbm>> -> memref<80x128xf32, #tpu.memory_space<hbm>>
      %dma_wait3A_249 = arith.constant 0 : i32
      %dma_wait3A_250 = tpu.memref_slice %arg5[%add3A_246, %dma_wait3A_249] : memref<10240x128xf32, #tpu.memory_space<hbm>> -> memref<80x128xf32, #tpu.memory_space<hbm>>
      tpu.wait_dma2 semaphore(%arg13 : memref<!tpu.dma_semaphore, #tpu.memory_space<semaphore_mem>>) src(%arg10 : memref<80x128xf32, #tpu.memory_space<vmem>>) dst(%dma_wait3A_250 : memref<80x128xf32, #tpu.memory_space<hbm>>)
    } else {
    }
    %ne3A = arith.constant 0 : i32
    %ne3A_151 = arith.cmpi ne, %arg0, %ne3A : i32
    %convert_element_type3A_152 = arith.extui %ne3A_151 : i1 to i32
    %cond3A_153 = arith.constant 0 : i32
    %cond3A_154 = arith.cmpi ne, %convert_element_type3A_152, %cond3A_153 : i32
    scf.if %cond3A_154 {
      %add3A_155 = arith.constant 0 : i32
      %add3A_156 = arith.addi %mul3A_2, %add3A_155 : i32
      "tpu.region"() ({
        %run_scoped3A_251 = tpu.sem_alloc : memref<!tpu.dma_semaphore, #tpu.memory_space<semaphore_mem>>
        %dma_start3A_252 = arith.constant 0 : i32
        %dma_start3A_253 = tpu.memref_slice %arg11[%add3A_156, %dma_start3A_252] : memref<10240x128xf32, #tpu.memory_space<vmem_shared>> -> memref<80x128xf32, #tpu.memory_space<vmem_shared>>
        %dma_start3A_254 = arith.constant 0 : i32
        %dma_start3A_255 = tpu.memref_slice %arg11[%add3A_156, %dma_start3A_254] : memref<10240x128xf32, #tpu.memory_space<vmem_shared>> -> memref<80x128xf32, #tpu.memory_space<vmem_shared>>
        tpu.enqueue_dma source(%dma_start3A_255 : memref<80x128xf32, #tpu.memory_space<vmem_shared>>) target(%arg9 : memref<80x128xf32, #tpu.memory_space<vmem>>) target_semaphore(%run_scoped3A_251 : memref<!tpu.dma_semaphore, #tpu.memory_space<semaphore_mem>>)
        %dma_wait3A_256 = arith.constant 0 : i32
        %dma_wait3A_257 = tpu.memref_slice %arg11[%add3A_156, %dma_wait3A_256] : memref<10240x128xf32, #tpu.memory_space<vmem_shared>> -> memref<80x128xf32, #tpu.memory_space<vmem_shared>>
        %dma_wait3A_258 = arith.constant 0 : i32
        %dma_wait3A_259 = tpu.memref_slice %arg11[%add3A_156, %dma_wait3A_258] : memref<10240x128xf32, #tpu.memory_space<vmem_shared>> -> memref<80x128xf32, #tpu.memory_space<vmem_shared>>
        tpu.wait_dma2 semaphore(%run_scoped3A_251 : memref<!tpu.dma_semaphore, #tpu.memory_space<semaphore_mem>>) src(%dma_wait3A_259 : memref<80x128xf32, #tpu.memory_space<vmem_shared>>) dst(%arg9 : memref<80x128xf32, #tpu.memory_space<vmem>>)
        tpu.yield
      }) : () -> ()
      %dma_start3A_157 = arith.constant 0 : i32
      %dma_start3A_158 = tpu.memref_slice %arg6[%add3A_156, %dma_start3A_157] : memref<10240x128xf32, #tpu.memory_space<hbm>> -> memref<80x128xf32, #tpu.memory_space<hbm>>
      %dma_start3A_159 = arith.constant 0 : i32
      %dma_start3A_160 = tpu.memref_slice %arg6[%add3A_156, %dma_start3A_159] : memref<10240x128xf32, #tpu.memory_space<hbm>> -> memref<80x128xf32, #tpu.memory_space<hbm>>
      tpu.enqueue_dma source(%arg9 : memref<80x128xf32, #tpu.memory_space<vmem>>) target(%dma_start3A_160 : memref<80x128xf32, #tpu.memory_space<hbm>>) target_semaphore(%arg12 : memref<!tpu.dma_semaphore, #tpu.memory_space<semaphore_mem>>)
      %add3A_161 = arith.constant 80 : i32
      %add3A_162 = arith.addi %mul3A_2, %add3A_161 : i32
      "tpu.region"() ({
        %run_scoped3A_251 = tpu.sem_alloc : memref<!tpu.dma_semaphore, #tpu.memory_space<semaphore_mem>>
        %dma_start3A_252 = arith.constant 0 : i32
        %dma_start3A_253 = tpu.memref_slice %arg11[%add3A_162, %dma_start3A_252] : memref<10240x128xf32, #tpu.memory_space<vmem_shared>> -> memref<80x128xf32, #tpu.memory_space<vmem_shared>>
        %dma_start3A_254 = arith.constant 0 : i32
        %dma_start3A_255 = tpu.memref_slice %arg11[%add3A_162, %dma_start3A_254] : memref<10240x128xf32, #tpu.memory_space<vmem_shared>> -> memref<80x128xf32, #tpu.memory_space<vmem_shared>>
        tpu.enqueue_dma source(%dma_start3A_255 : memref<80x128xf32, #tpu.memory_space<vmem_shared>>) target(%arg10 : memref<80x128xf32, #tpu.memory_space<vmem>>) target_semaphore(%run_scoped3A_251 : memref<!tpu.dma_semaphore, #tpu.memory_space<semaphore_mem>>)
        %dma_wait3A_256 = arith.constant 0 : i32
        %dma_wait3A_257 = tpu.memref_slice %arg11[%add3A_162, %dma_wait3A_256] : memref<10240x128xf32, #tpu.memory_space<vmem_shared>> -> memref<80x128xf32, #tpu.memory_space<vmem_shared>>
        %dma_wait3A_258 = arith.constant 0 : i32
        %dma_wait3A_259 = tpu.memref_slice %arg11[%add3A_162, %dma_wait3A_258] : memref<10240x128xf32, #tpu.memory_space<vmem_shared>> -> memref<80x128xf32, #tpu.memory_space<vmem_shared>>
        tpu.wait_dma2 semaphore(%run_scoped3A_251 : memref<!tpu.dma_semaphore, #tpu.memory_space<semaphore_mem>>) src(%dma_wait3A_259 : memref<80x128xf32, #tpu.memory_space<vmem_shared>>) dst(%arg10 : memref<80x128xf32, #tpu.memory_space<vmem>>)
        tpu.yield
      }) : () -> ()
      %dma_start3A_163 = arith.constant 0 : i32
      %dma_start3A_164 = tpu.memref_slice %arg6[%add3A_162, %dma_start3A_163] : memref<10240x128xf32, #tpu.memory_space<hbm>> -> memref<80x128xf32, #tpu.memory_space<hbm>>
      %dma_start3A_165 = arith.constant 0 : i32
      %dma_start3A_166 = tpu.memref_slice %arg6[%add3A_162, %dma_start3A_165] : memref<10240x128xf32, #tpu.memory_space<hbm>> -> memref<80x128xf32, #tpu.memory_space<hbm>>
      tpu.enqueue_dma source(%arg10 : memref<80x128xf32, #tpu.memory_space<vmem>>) target(%dma_start3A_166 : memref<80x128xf32, #tpu.memory_space<hbm>>) target_semaphore(%arg13 : memref<!tpu.dma_semaphore, #tpu.memory_space<semaphore_mem>>)
      %add3A_167 = arith.constant 160 : i32
      %add3A_168 = arith.addi %mul3A_2, %add3A_167 : i32
      %add3A_169 = arith.constant 0 : i32
      %add3A_170 = arith.addi %mul3A_2, %add3A_169 : i32
      %dma_wait3A_171 = arith.constant 0 : i32
      %dma_wait3A_172 = tpu.memref_slice %arg6[%add3A_170, %dma_wait3A_171] : memref<10240x128xf32, #tpu.memory_space<hbm>> -> memref<80x128xf32, #tpu.memory_space<hbm>>
      %dma_wait3A_173 = arith.constant 0 : i32
      %dma_wait3A_174 = tpu.memref_slice %arg6[%add3A_170, %dma_wait3A_173] : memref<10240x128xf32, #tpu.memory_space<hbm>> -> memref<80x128xf32, #tpu.memory_space<hbm>>
      tpu.wait_dma2 semaphore(%arg12 : memref<!tpu.dma_semaphore, #tpu.memory_space<semaphore_mem>>) src(%arg9 : memref<80x128xf32, #tpu.memory_space<vmem>>) dst(%dma_wait3A_174 : memref<80x128xf32, #tpu.memory_space<hbm>>)
      "tpu.region"() ({
        %run_scoped3A_251 = tpu.sem_alloc : memref<!tpu.dma_semaphore, #tpu.memory_space<semaphore_mem>>
        %dma_start3A_252 = arith.constant 0 : i32
        %dma_start3A_253 = tpu.memref_slice %arg11[%add3A_168, %dma_start3A_252] : memref<10240x128xf32, #tpu.memory_space<vmem_shared>> -> memref<80x128xf32, #tpu.memory_space<vmem_shared>>
        %dma_start3A_254 = arith.constant 0 : i32
        %dma_start3A_255 = tpu.memref_slice %arg11[%add3A_168, %dma_start3A_254] : memref<10240x128xf32, #tpu.memory_space<vmem_shared>> -> memref<80x128xf32, #tpu.memory_space<vmem_shared>>
        tpu.enqueue_dma source(%dma_start3A_255 : memref<80x128xf32, #tpu.memory_space<vmem_shared>>) target(%arg9 : memref<80x128xf32, #tpu.memory_space<vmem>>) target_semaphore(%run_scoped3A_251 : memref<!tpu.dma_semaphore, #tpu.memory_space<semaphore_mem>>)
        %dma_wait3A_256 = arith.constant 0 : i32
        %dma_wait3A_257 = tpu.memref_slice %arg11[%add3A_168, %dma_wait3A_256] : memref<10240x128xf32, #tpu.memory_space<vmem_shared>> -> memref<80x128xf32, #tpu.memory_space<vmem_shared>>
        %dma_wait3A_258 = arith.constant 0 : i32
        %dma_wait3A_259 = tpu.memref_slice %arg11[%add3A_168, %dma_wait3A_258] : memref<10240x128xf32, #tpu.memory_space<vmem_shared>> -> memref<80x128xf32, #tpu.memory_space<vmem_shared>>
        tpu.wait_dma2 semaphore(%run_scoped3A_251 : memref<!tpu.dma_semaphore, #tpu.memory_space<semaphore_mem>>) src(%dma_wait3A_259 : memref<80x128xf32, #tpu.memory_space<vmem_shared>>) dst(%arg9 : memref<80x128xf32, #tpu.memory_space<vmem>>)
        tpu.yield
      }) : () -> ()
      %dma_start3A_175 = arith.constant 0 : i32
      %dma_start3A_176 = tpu.memref_slice %arg6[%add3A_168, %dma_start3A_175] : memref<10240x128xf32, #tpu.memory_space<hbm>> -> memref<80x128xf32, #tpu.memory_space<hbm>>
      %dma_start3A_177 = arith.constant 0 : i32
      %dma_start3A_178 = tpu.memref_slice %arg6[%add3A_168, %dma_start3A_177] : memref<10240x128xf32, #tpu.memory_space<hbm>> -> memref<80x128xf32, #tpu.memory_space<hbm>>
      tpu.enqueue_dma source(%arg9 : memref<80x128xf32, #tpu.memory_space<vmem>>) target(%dma_start3A_178 : memref<80x128xf32, #tpu.memory_space<hbm>>) target_semaphore(%arg12 : memref<!tpu.dma_semaphore, #tpu.memory_space<semaphore_mem>>)
      %add3A_179 = arith.constant 240 : i32
      %add3A_180 = arith.addi %mul3A_2, %add3A_179 : i32
      %add3A_181 = arith.constant 80 : i32
      %add3A_182 = arith.addi %mul3A_2, %add3A_181 : i32
      %dma_wait3A_183 = arith.constant 0 : i32
      %dma_wait3A_184 = tpu.memref_slice %arg6[%add3A_182, %dma_wait3A_183] : memref<10240x128xf32, #tpu.memory_space<hbm>> -> memref<80x128xf32, #tpu.memory_space<hbm>>
      %dma_wait3A_185 = arith.constant 0 : i32
      %dma_wait3A_186 = tpu.memref_slice %arg6[%add3A_182, %dma_wait3A_185] : memref<10240x128xf32, #tpu.memory_space<hbm>> -> memref<80x128xf32, #tpu.memory_space<hbm>>
      tpu.wait_dma2 semaphore(%arg13 : memref<!tpu.dma_semaphore, #tpu.memory_space<semaphore_mem>>) src(%arg10 : memref<80x128xf32, #tpu.memory_space<vmem>>) dst(%dma_wait3A_186 : memref<80x128xf32, #tpu.memory_space<hbm>>)
      "tpu.region"() ({
        %run_scoped3A_251 = tpu.sem_alloc : memref<!tpu.dma_semaphore, #tpu.memory_space<semaphore_mem>>
        %dma_start3A_252 = arith.constant 0 : i32
        %dma_start3A_253 = tpu.memref_slice %arg11[%add3A_180, %dma_start3A_252] : memref<10240x128xf32, #tpu.memory_space<vmem_shared>> -> memref<80x128xf32, #tpu.memory_space<vmem_shared>>
        %dma_start3A_254 = arith.constant 0 : i32
        %dma_start3A_255 = tpu.memref_slice %arg11[%add3A_180, %dma_start3A_254] : memref<10240x128xf32, #tpu.memory_space<vmem_shared>> -> memref<80x128xf32, #tpu.memory_space<vmem_shared>>
        tpu.enqueue_dma source(%dma_start3A_255 : memref<80x128xf32, #tpu.memory_space<vmem_shared>>) target(%arg10 : memref<80x128xf32, #tpu.memory_space<vmem>>) target_semaphore(%run_scoped3A_251 : memref<!tpu.dma_semaphore, #tpu.memory_space<semaphore_mem>>)
        %dma_wait3A_256 = arith.constant 0 : i32
        %dma_wait3A_257 = tpu.memref_slice %arg11[%add3A_180, %dma_wait3A_256] : memref<10240x128xf32, #tpu.memory_space<vmem_shared>> -> memref<80x128xf32, #tpu.memory_space<vmem_shared>>
        %dma_wait3A_258 = arith.constant 0 : i32
        %dma_wait3A_259 = tpu.memref_slice %arg11[%add3A_180, %dma_wait3A_258] : memref<10240x128xf32, #tpu.memory_space<vmem_shared>> -> memref<80x128xf32, #tpu.memory_space<vmem_shared>>
        tpu.wait_dma2 semaphore(%run_scoped3A_251 : memref<!tpu.dma_semaphore, #tpu.memory_space<semaphore_mem>>) src(%dma_wait3A_259 : memref<80x128xf32, #tpu.memory_space<vmem_shared>>) dst(%arg10 : memref<80x128xf32, #tpu.memory_space<vmem>>)
        tpu.yield
      }) : () -> ()
      %dma_start3A_187 = arith.constant 0 : i32
      %dma_start3A_188 = tpu.memref_slice %arg6[%add3A_180, %dma_start3A_187] : memref<10240x128xf32, #tpu.memory_space<hbm>> -> memref<80x128xf32, #tpu.memory_space<hbm>>
      %dma_start3A_189 = arith.constant 0 : i32
      %dma_start3A_190 = tpu.memref_slice %arg6[%add3A_180, %dma_start3A_189] : memref<10240x128xf32, #tpu.memory_space<hbm>> -> memref<80x128xf32, #tpu.memory_space<hbm>>
      tpu.enqueue_dma source(%arg10 : memref<80x128xf32, #tpu.memory_space<vmem>>) target(%dma_start3A_190 : memref<80x128xf32, #tpu.memory_space<hbm>>) target_semaphore(%arg13 : memref<!tpu.dma_semaphore, #tpu.memory_space<semaphore_mem>>)
      %add3A_191 = arith.constant 320 : i32
      %add3A_192 = arith.addi %mul3A_2, %add3A_191 : i32
      %add3A_193 = arith.constant 160 : i32
      %add3A_194 = arith.addi %mul3A_2, %add3A_193 : i32
      %dma_wait3A_195 = arith.constant 0 : i32
      %dma_wait3A_196 = tpu.memref_slice %arg6[%add3A_194, %dma_wait3A_195] : memref<10240x128xf32, #tpu.memory_space<hbm>> -> memref<80x128xf32, #tpu.memory_space<hbm>>
      %dma_wait3A_197 = arith.constant 0 : i32
      %dma_wait3A_198 = tpu.memref_slice %arg6[%add3A_194, %dma_wait3A_197] : memref<10240x128xf32, #tpu.memory_space<hbm>> -> memref<80x128xf32, #tpu.memory_space<hbm>>
      tpu.wait_dma2 semaphore(%arg12 : memref<!tpu.dma_semaphore, #tpu.memory_space<semaphore_mem>>) src(%arg9 : memref<80x128xf32, #tpu.memory_space<vmem>>) dst(%dma_wait3A_198 : memref<80x128xf32, #tpu.memory_space<hbm>>)
      "tpu.region"() ({
        %run_scoped3A_251 = tpu.sem_alloc : memref<!tpu.dma_semaphore, #tpu.memory_space<semaphore_mem>>
        %dma_start3A_252 = arith.constant 0 : i32
        %dma_start3A_253 = tpu.memref_slice %arg11[%add3A_192, %dma_start3A_252] : memref<10240x128xf32, #tpu.memory_space<vmem_shared>> -> memref<80x128xf32, #tpu.memory_space<vmem_shared>>
        %dma_start3A_254 = arith.constant 0 : i32
        %dma_start3A_255 = tpu.memref_slice %arg11[%add3A_192, %dma_start3A_254] : memref<10240x128xf32, #tpu.memory_space<vmem_shared>> -> memref<80x128xf32, #tpu.memory_space<vmem_shared>>
        tpu.enqueue_dma source(%dma_start3A_255 : memref<80x128xf32, #tpu.memory_space<vmem_shared>>) target(%arg9 : memref<80x128xf32, #tpu.memory_space<vmem>>) target_semaphore(%run_scoped3A_251 : memref<!tpu.dma_semaphore, #tpu.memory_space<semaphore_mem>>)
        %dma_wait3A_256 = arith.constant 0 : i32
        %dma_wait3A_257 = tpu.memref_slice %arg11[%add3A_192, %dma_wait3A_256] : memref<10240x128xf32, #tpu.memory_space<vmem_shared>> -> memref<80x128xf32, #tpu.memory_space<vmem_shared>>
        %dma_wait3A_258 = arith.constant 0 : i32
        %dma_wait3A_259 = tpu.memref_slice %arg11[%add3A_192, %dma_wait3A_258] : memref<10240x128xf32, #tpu.memory_space<vmem_shared>> -> memref<80x128xf32, #tpu.memory_space<vmem_shared>>
        tpu.wait_dma2 semaphore(%run_scoped3A_251 : memref<!tpu.dma_semaphore, #tpu.memory_space<semaphore_mem>>) src(%dma_wait3A_259 : memref<80x128xf32, #tpu.memory_space<vmem_shared>>) dst(%arg9 : memref<80x128xf32, #tpu.memory_space<vmem>>)
        tpu.yield
      }) : () -> ()
      %dma_start3A_199 = arith.constant 0 : i32
      %dma_start3A_200 = tpu.memref_slice %arg6[%add3A_192, %dma_start3A_199] : memref<10240x128xf32, #tpu.memory_space<hbm>> -> memref<80x128xf32, #tpu.memory_space<hbm>>
      %dma_start3A_201 = arith.constant 0 : i32
      %dma_start3A_202 = tpu.memref_slice %arg6[%add3A_192, %dma_start3A_201] : memref<10240x128xf32, #tpu.memory_space<hbm>> -> memref<80x128xf32, #tpu.memory_space<hbm>>
      tpu.enqueue_dma source(%arg9 : memref<80x128xf32, #tpu.memory_space<vmem>>) target(%dma_start3A_202 : memref<80x128xf32, #tpu.memory_space<hbm>>) target_semaphore(%arg12 : memref<!tpu.dma_semaphore, #tpu.memory_space<semaphore_mem>>)
      %add3A_203 = arith.constant 400 : i32
      %add3A_204 = arith.addi %mul3A_2, %add3A_203 : i32
      %add3A_205 = arith.constant 240 : i32
      %add3A_206 = arith.addi %mul3A_2, %add3A_205 : i32
      %dma_wait3A_207 = arith.constant 0 : i32
      %dma_wait3A_208 = tpu.memref_slice %arg6[%add3A_206, %dma_wait3A_207] : memref<10240x128xf32, #tpu.memory_space<hbm>> -> memref<80x128xf32, #tpu.memory_space<hbm>>
      %dma_wait3A_209 = arith.constant 0 : i32
      %dma_wait3A_210 = tpu.memref_slice %arg6[%add3A_206, %dma_wait3A_209] : memref<10240x128xf32, #tpu.memory_space<hbm>> -> memref<80x128xf32, #tpu.memory_space<hbm>>
      tpu.wait_dma2 semaphore(%arg13 : memref<!tpu.dma_semaphore, #tpu.memory_space<semaphore_mem>>) src(%arg10 : memref<80x128xf32, #tpu.memory_space<vmem>>) dst(%dma_wait3A_210 : memref<80x128xf32, #tpu.memory_space<hbm>>)
      "tpu.region"() ({
        %run_scoped3A_251 = tpu.sem_alloc : memref<!tpu.dma_semaphore, #tpu.memory_space<semaphore_mem>>
        %dma_start3A_252 = arith.constant 0 : i32
        %dma_start3A_253 = tpu.memref_slice %arg11[%add3A_204, %dma_start3A_252] : memref<10240x128xf32, #tpu.memory_space<vmem_shared>> -> memref<80x128xf32, #tpu.memory_space<vmem_shared>>
        %dma_start3A_254 = arith.constant 0 : i32
        %dma_start3A_255 = tpu.memref_slice %arg11[%add3A_204, %dma_start3A_254] : memref<10240x128xf32, #tpu.memory_space<vmem_shared>> -> memref<80x128xf32, #tpu.memory_space<vmem_shared>>
        tpu.enqueue_dma source(%dma_start3A_255 : memref<80x128xf32, #tpu.memory_space<vmem_shared>>) target(%arg10 : memref<80x128xf32, #tpu.memory_space<vmem>>) target_semaphore(%run_scoped3A_251 : memref<!tpu.dma_semaphore, #tpu.memory_space<semaphore_mem>>)
        %dma_wait3A_256 = arith.constant 0 : i32
        %dma_wait3A_257 = tpu.memref_slice %arg11[%add3A_204, %dma_wait3A_256] : memref<10240x128xf32, #tpu.memory_space<vmem_shared>> -> memref<80x128xf32, #tpu.memory_space<vmem_shared>>
        %dma_wait3A_258 = arith.constant 0 : i32
        %dma_wait3A_259 = tpu.memref_slice %arg11[%add3A_204, %dma_wait3A_258] : memref<10240x128xf32, #tpu.memory_space<vmem_shared>> -> memref<80x128xf32, #tpu.memory_space<vmem_shared>>
        tpu.wait_dma2 semaphore(%run_scoped3A_251 : memref<!tpu.dma_semaphore, #tpu.memory_space<semaphore_mem>>) src(%dma_wait3A_259 : memref<80x128xf32, #tpu.memory_space<vmem_shared>>) dst(%arg10 : memref<80x128xf32, #tpu.memory_space<vmem>>)
        tpu.yield
      }) : () -> ()
      %dma_start3A_211 = arith.constant 0 : i32
      %dma_start3A_212 = tpu.memref_slice %arg6[%add3A_204, %dma_start3A_211] : memref<10240x128xf32, #tpu.memory_space<hbm>> -> memref<80x128xf32, #tpu.memory_space<hbm>>
      %dma_start3A_213 = arith.constant 0 : i32
      %dma_start3A_214 = tpu.memref_slice %arg6[%add3A_204, %dma_start3A_213] : memref<10240x128xf32, #tpu.memory_space<hbm>> -> memref<80x128xf32, #tpu.memory_space<hbm>>
      tpu.enqueue_dma source(%arg10 : memref<80x128xf32, #tpu.memory_space<vmem>>) target(%dma_start3A_214 : memref<80x128xf32, #tpu.memory_space<hbm>>) target_semaphore(%arg13 : memref<!tpu.dma_semaphore, #tpu.memory_space<semaphore_mem>>)
      %add3A_215 = arith.constant 480 : i32
      %add3A_216 = arith.addi %mul3A_2, %add3A_215 : i32
      %add3A_217 = arith.constant 320 : i32
      %add3A_218 = arith.addi %mul3A_2, %add3A_217 : i32
      %dma_wait3A_219 = arith.constant 0 : i32
      %dma_wait3A_220 = tpu.memref_slice %arg6[%add3A_218, %dma_wait3A_219] : memref<10240x128xf32, #tpu.memory_space<hbm>> -> memref<80x128xf32, #tpu.memory_space<hbm>>
      %dma_wait3A_221 = arith.constant 0 : i32
      %dma_wait3A_222 = tpu.memref_slice %arg6[%add3A_218, %dma_wait3A_221] : memref<10240x128xf32, #tpu.memory_space<hbm>> -> memref<80x128xf32, #tpu.memory_space<hbm>>
      tpu.wait_dma2 semaphore(%arg12 : memref<!tpu.dma_semaphore, #tpu.memory_space<semaphore_mem>>) src(%arg9 : memref<80x128xf32, #tpu.memory_space<vmem>>) dst(%dma_wait3A_222 : memref<80x128xf32, #tpu.memory_space<hbm>>)
      "tpu.region"() ({
        %run_scoped3A_251 = tpu.sem_alloc : memref<!tpu.dma_semaphore, #tpu.memory_space<semaphore_mem>>
        %dma_start3A_252 = arith.constant 0 : i32
        %dma_start3A_253 = tpu.memref_slice %arg11[%add3A_216, %dma_start3A_252] : memref<10240x128xf32, #tpu.memory_space<vmem_shared>> -> memref<80x128xf32, #tpu.memory_space<vmem_shared>>
        %dma_start3A_254 = arith.constant 0 : i32
        %dma_start3A_255 = tpu.memref_slice %arg11[%add3A_216, %dma_start3A_254] : memref<10240x128xf32, #tpu.memory_space<vmem_shared>> -> memref<80x128xf32, #tpu.memory_space<vmem_shared>>
        tpu.enqueue_dma source(%dma_start3A_255 : memref<80x128xf32, #tpu.memory_space<vmem_shared>>) target(%arg9 : memref<80x128xf32, #tpu.memory_space<vmem>>) target_semaphore(%run_scoped3A_251 : memref<!tpu.dma_semaphore, #tpu.memory_space<semaphore_mem>>)
        %dma_wait3A_256 = arith.constant 0 : i32
        %dma_wait3A_257 = tpu.memref_slice %arg11[%add3A_216, %dma_wait3A_256] : memref<10240x128xf32, #tpu.memory_space<vmem_shared>> -> memref<80x128xf32, #tpu.memory_space<vmem_shared>>
        %dma_wait3A_258 = arith.constant 0 : i32
        %dma_wait3A_259 = tpu.memref_slice %arg11[%add3A_216, %dma_wait3A_258] : memref<10240x128xf32, #tpu.memory_space<vmem_shared>> -> memref<80x128xf32, #tpu.memory_space<vmem_shared>>
        tpu.wait_dma2 semaphore(%run_scoped3A_251 : memref<!tpu.dma_semaphore, #tpu.memory_space<semaphore_mem>>) src(%dma_wait3A_259 : memref<80x128xf32, #tpu.memory_space<vmem_shared>>) dst(%arg9 : memref<80x128xf32, #tpu.memory_space<vmem>>)
        tpu.yield
      }) : () -> ()
      %dma_start3A_223 = arith.constant 0 : i32
      %dma_start3A_224 = tpu.memref_slice %arg6[%add3A_216, %dma_start3A_223] : memref<10240x128xf32, #tpu.memory_space<hbm>> -> memref<80x128xf32, #tpu.memory_space<hbm>>
      %dma_start3A_225 = arith.constant 0 : i32
      %dma_start3A_226 = tpu.memref_slice %arg6[%add3A_216, %dma_start3A_225] : memref<10240x128xf32, #tpu.memory_space<hbm>> -> memref<80x128xf32, #tpu.memory_space<hbm>>
      tpu.enqueue_dma source(%arg9 : memref<80x128xf32, #tpu.memory_space<vmem>>) target(%dma_start3A_226 : memref<80x128xf32, #tpu.memory_space<hbm>>) target_semaphore(%arg12 : memref<!tpu.dma_semaphore, #tpu.memory_space<semaphore_mem>>)
      %add3A_227 = arith.constant 560 : i32
      %add3A_228 = arith.addi %mul3A_2, %add3A_227 : i32
      %add3A_229 = arith.constant 400 : i32
      %add3A_230 = arith.addi %mul3A_2, %add3A_229 : i32
      %dma_wait3A_231 = arith.constant 0 : i32
      %dma_wait3A_232 = tpu.memref_slice %arg6[%add3A_230, %dma_wait3A_231] : memref<10240x128xf32, #tpu.memory_space<hbm>> -> memref<80x128xf32, #tpu.memory_space<hbm>>
      %dma_wait3A_233 = arith.constant 0 : i32
      %dma_wait3A_234 = tpu.memref_slice %arg6[%add3A_230, %dma_wait3A_233] : memref<10240x128xf32, #tpu.memory_space<hbm>> -> memref<80x128xf32, #tpu.memory_space<hbm>>
      tpu.wait_dma2 semaphore(%arg13 : memref<!tpu.dma_semaphore, #tpu.memory_space<semaphore_mem>>) src(%arg10 : memref<80x128xf32, #tpu.memory_space<vmem>>) dst(%dma_wait3A_234 : memref<80x128xf32, #tpu.memory_space<hbm>>)
      "tpu.region"() ({
        %run_scoped3A_251 = tpu.sem_alloc : memref<!tpu.dma_semaphore, #tpu.memory_space<semaphore_mem>>
        %dma_start3A_252 = arith.constant 0 : i32
        %dma_start3A_253 = tpu.memref_slice %arg11[%add3A_228, %dma_start3A_252] : memref<10240x128xf32, #tpu.memory_space<vmem_shared>> -> memref<80x128xf32, #tpu.memory_space<vmem_shared>>
        %dma_start3A_254 = arith.constant 0 : i32
        %dma_start3A_255 = tpu.memref_slice %arg11[%add3A_228, %dma_start3A_254] : memref<10240x128xf32, #tpu.memory_space<vmem_shared>> -> memref<80x128xf32, #tpu.memory_space<vmem_shared>>
        tpu.enqueue_dma source(%dma_start3A_255 : memref<80x128xf32, #tpu.memory_space<vmem_shared>>) target(%arg10 : memref<80x128xf32, #tpu.memory_space<vmem>>) target_semaphore(%run_scoped3A_251 : memref<!tpu.dma_semaphore, #tpu.memory_space<semaphore_mem>>)
        %dma_wait3A_256 = arith.constant 0 : i32
        %dma_wait3A_257 = tpu.memref_slice %arg11[%add3A_228, %dma_wait3A_256] : memref<10240x128xf32, #tpu.memory_space<vmem_shared>> -> memref<80x128xf32, #tpu.memory_space<vmem_shared>>
        %dma_wait3A_258 = arith.constant 0 : i32
        %dma_wait3A_259 = tpu.memref_slice %arg11[%add3A_228, %dma_wait3A_258] : memref<10240x128xf32, #tpu.memory_space<vmem_shared>> -> memref<80x128xf32, #tpu.memory_space<vmem_shared>>
        tpu.wait_dma2 semaphore(%run_scoped3A_251 : memref<!tpu.dma_semaphore, #tpu.memory_space<semaphore_mem>>) src(%dma_wait3A_259 : memref<80x128xf32, #tpu.memory_space<vmem_shared>>) dst(%arg10 : memref<80x128xf32, #tpu.memory_space<vmem>>)
        tpu.yield
      }) : () -> ()
      %dma_start3A_235 = arith.constant 0 : i32
      %dma_start3A_236 = tpu.memref_slice %arg6[%add3A_228, %dma_start3A_235] : memref<10240x128xf32, #tpu.memory_space<hbm>> -> memref<80x128xf32, #tpu.memory_space<hbm>>
      %dma_start3A_237 = arith.constant 0 : i32
      %dma_start3A_238 = tpu.memref_slice %arg6[%add3A_228, %dma_start3A_237] : memref<10240x128xf32, #tpu.memory_space<hbm>> -> memref<80x128xf32, #tpu.memory_space<hbm>>
      tpu.enqueue_dma source(%arg10 : memref<80x128xf32, #tpu.memory_space<vmem>>) target(%dma_start3A_238 : memref<80x128xf32, #tpu.memory_space<hbm>>) target_semaphore(%arg13 : memref<!tpu.dma_semaphore, #tpu.memory_space<semaphore_mem>>)
      %add3A_239 = arith.constant 480 : i32
      %add3A_240 = arith.addi %mul3A_2, %add3A_239 : i32
      %dma_wait3A_241 = arith.constant 0 : i32
      %dma_wait3A_242 = tpu.memref_slice %arg6[%add3A_240, %dma_wait3A_241] : memref<10240x128xf32, #tpu.memory_space<hbm>> -> memref<80x128xf32, #tpu.memory_space<hbm>>
      %dma_wait3A_243 = arith.constant 0 : i32
      %dma_wait3A_244 = tpu.memref_slice %arg6[%add3A_240, %dma_wait3A_243] : memref<10240x128xf32, #tpu.memory_space<hbm>> -> memref<80x128xf32, #tpu.memory_space<hbm>>
      tpu.wait_dma2 semaphore(%arg12 : memref<!tpu.dma_semaphore, #tpu.memory_space<semaphore_mem>>) src(%arg9 : memref<80x128xf32, #tpu.memory_space<vmem>>) dst(%dma_wait3A_244 : memref<80x128xf32, #tpu.memory_space<hbm>>)
      %add3A_245 = arith.constant 560 : i32
      %add3A_246 = arith.addi %mul3A_2, %add3A_245 : i32
      %dma_wait3A_247 = arith.constant 0 : i32
      %dma_wait3A_248 = tpu.memref_slice %arg6[%add3A_246, %dma_wait3A_247] : memref<10240x128xf32, #tpu.memory_space<hbm>> -> memref<80x128xf32, #tpu.memory_space<hbm>>
      %dma_wait3A_249 = arith.constant 0 : i32
      %dma_wait3A_250 = tpu.memref_slice %arg6[%add3A_246, %dma_wait3A_249] : memref<10240x128xf32, #tpu.memory_space<hbm>> -> memref<80x128xf32, #tpu.memory_space<hbm>>
      tpu.wait_dma2 semaphore(%arg13 : memref<!tpu.dma_semaphore, #tpu.memory_space<semaphore_mem>>) src(%arg10 : memref<80x128xf32, #tpu.memory_space<vmem>>) dst(%dma_wait3A_250 : memref<80x128xf32, #tpu.memory_space<hbm>>)
    } else {
    }
    return
  }
}

#map = affine_map<(d0, d1) -> (0, 0)>
#map1 = affine_map<(d0, d1) -> (0, 0, 0)>
module attributes {stable_mosaic.version = 14 : i64} {
  func.func @deg_kernel(%arg0: i32, %arg1: i32, %arg2: memref<32x10000xi32, #tpu.memory_space<hbm>>, %arg3: memref<1x128xi32, #tpu.memory_space<hbm>>, %arg4: memref<2x128x128xf32, #tpu.memory_space<hbm>>, %arg5: memref<10000xi32, #tpu.memory_space<vmem>>, %arg6: memref<16384xf32, #tpu.memory_space<vmem>>, %arg7: memref<128x128xf32, #tpu.memory_space<vmem>>, %arg8: memref<1x128xi32, #tpu.memory_space<vmem>>, %arg9: memref<8x128xf32, #tpu.memory_space<vmem>>, %arg10: memref<128x128xf32, #tpu.memory_space<vmem_shared>>) attributes {dimension_semantics = [#tpu.dimension_semantics<core_parallel>, #tpu.dimension_semantics<subcore_parallel>], iteration_bounds = array<i64: 2, 16>, scalar_prefetch = 0 : i64, scratch_operands = 6 : i64, tpu.core_type = #tpu.core_type<sc_vector_subcore>, window_params = [{transform_indices = #map}, {transform_indices = #map}, {transform_indices = #map1}]} {
    %mul3A = arith.constant 2 : i32
    %mul3A_0 = arith.muli %arg1, %mul3A : i32
    %add3A = arith.addi %mul3A_0, %arg0 : i32
    "tpu.region"() ({
      %run_scoped3A_36 = tpu.sem_alloc : memref<!tpu.dma_semaphore, #tpu.memory_space<semaphore_mem>>
      %dma_start3A = arith.constant 0 : i32
      %dma_start3A_37 = tpu.memref_slice %arg2[%add3A, %dma_start3A] : memref<32x10000xi32, #tpu.memory_space<hbm>> -> memref<1x10000xi32, #tpu.memory_space<hbm>>
      %dma_start3A_38 = tpu.memref_squeeze %dma_start3A_37 : memref<1x10000xi32, #tpu.memory_space<hbm>> -> memref<10000xi32, #tpu.memory_space<hbm>>
      %dma_start3A_39 = arith.constant 0 : i32
      %dma_start3A_40 = tpu.memref_slice %arg2[%add3A, %dma_start3A_39] : memref<32x10000xi32, #tpu.memory_space<hbm>> -> memref<1x10000xi32, #tpu.memory_space<hbm>>
      %dma_start3A_41 = tpu.memref_squeeze %dma_start3A_40 : memref<1x10000xi32, #tpu.memory_space<hbm>> -> memref<10000xi32, #tpu.memory_space<hbm>>
      tpu.enqueue_dma source(%dma_start3A_41 : memref<10000xi32, #tpu.memory_space<hbm>>) target(%arg5 : memref<10000xi32, #tpu.memory_space<vmem>>) target_semaphore(%run_scoped3A_36 : memref<!tpu.dma_semaphore, #tpu.memory_space<semaphore_mem>>)
      %dma_wait3A = arith.constant 0 : i32
      %dma_wait3A_42 = tpu.memref_slice %arg2[%add3A, %dma_wait3A] : memref<32x10000xi32, #tpu.memory_space<hbm>> -> memref<1x10000xi32, #tpu.memory_space<hbm>>
      %dma_wait3A_43 = tpu.memref_squeeze %dma_wait3A_42 : memref<1x10000xi32, #tpu.memory_space<hbm>> -> memref<10000xi32, #tpu.memory_space<hbm>>
      %dma_wait3A_44 = arith.constant 0 : i32
      %dma_wait3A_45 = tpu.memref_slice %arg2[%add3A, %dma_wait3A_44] : memref<32x10000xi32, #tpu.memory_space<hbm>> -> memref<1x10000xi32, #tpu.memory_space<hbm>>
      %dma_wait3A_46 = tpu.memref_squeeze %dma_wait3A_45 : memref<1x10000xi32, #tpu.memory_space<hbm>> -> memref<10000xi32, #tpu.memory_space<hbm>>
      tpu.wait_dma2 semaphore(%run_scoped3A_36 : memref<!tpu.dma_semaphore, #tpu.memory_space<semaphore_mem>>) src(%dma_wait3A_46 : memref<10000xi32, #tpu.memory_space<hbm>>) dst(%arg5 : memref<10000xi32, #tpu.memory_space<vmem>>)
      tpu.yield
    }) : () -> ()
    "tpu.region"() ({
      %run_scoped3A_36 = tpu.sem_alloc : memref<!tpu.dma_semaphore, #tpu.memory_space<semaphore_mem>>
      tpu.enqueue_dma source(%arg3 : memref<1x128xi32, #tpu.memory_space<hbm>>) target(%arg8 : memref<1x128xi32, #tpu.memory_space<vmem>>) target_semaphore(%run_scoped3A_36 : memref<!tpu.dma_semaphore, #tpu.memory_space<semaphore_mem>>)
      tpu.wait_dma2 semaphore(%run_scoped3A_36 : memref<!tpu.dma_semaphore, #tpu.memory_space<semaphore_mem>>) src(%arg3 : memref<1x128xi32, #tpu.memory_space<hbm>>) dst(%arg8 : memref<1x128xi32, #tpu.memory_space<vmem>>)
      tpu.yield
    }) : () -> ()
    %scan3A = arith.constant 0 : i32
    %scan3A_1 = arith.constant 0 : i32
    %scan3A_2 = arith.constant 1024 : i32
    %scan3A_3 = arith.addi %scan3A_1, %scan3A_2 : i32
    %scan3A_4 = arith.constant 1 : i32
    %scan3A_5 = scf.for %scan3A_36 = %scan3A_1 to %scan3A_3 step %scan3A_4 iter_args(%scan3A_37 = %scan3A) -> (i32)  : i32 {
      %broadcast_in_dim3A_38 = arith.constant 0.000000e+00 : f32
      %broadcast_in_dim3A_39 = vector.broadcast %broadcast_in_dim3A_38 : f32 to vector<16xf32>
      %mul3A_40 = arith.constant 16 : i32
      %mul3A_41 = arith.muli %scan3A_36, %mul3A_40 : i32
      %swap3A = arith.index_cast %mul3A_41 : i32 to index
      %swap3A_42 = tpu.vector_load %arg6[%swap3A] {strides = array<i32>} : memref<16384xf32, #tpu.memory_space<vmem>>, vector<16xf32>,
      tpu.vector_store %arg6[%swap3A], %broadcast_in_dim3A_39 {strides = array<i32>} : memref<16384xf32, #tpu.memory_space<vmem>>, vector<16xf32>,
      %scan3A_43 = arith.constant 0 : i32
      scf.yield %scan3A_43 : i32
    }
    %scan3A_6 = arith.constant 1024 : i32
    %scan3A_7 = arith.constant 0 : i32
    %scan3A_8 = arith.constant 0 : i32
    %scan3A_9 = arith.constant 64 : i32
    %scan3A_10 = arith.addi %scan3A_8, %scan3A_9 : i32
    %scan3A_11 = arith.constant 1 : i32
    %scan3A_12 = scf.for %scan3A_36 = %scan3A_8 to %scan3A_10 step %scan3A_11 iter_args(%scan3A_37 = %scan3A_7) -> (i32)  : i32 {
      %jit3A = arith.constant 8 : i32
      %div3A = arith.divsi %scan3A_36, %jit3A : i32
      %sign3A = arith.constant 0 : i32
      %sign3A_38 = arith.cmpi sgt, %scan3A_36, %sign3A : i32
      %sign3A_39 = arith.extui %sign3A_38 : i1 to i32
      %sign3A_40 = arith.constant 0 : i32
      %sign3A_41 = arith.cmpi slt, %scan3A_36, %sign3A_40 : i32
      %sign3A_42 = arith.extui %sign3A_41 : i1 to i32
      %sign3A_43 = arith.subi %sign3A_39, %sign3A_42 : i32
      %sign3A_44 = arith.constant 0 : i32
      %sign3A_45 = arith.cmpi sgt, %jit3A, %sign3A_44 : i32
      %sign3A_46 = arith.extui %sign3A_45 : i1 to i32
      %sign3A_47 = arith.constant 0 : i32
      %sign3A_48 = arith.cmpi slt, %jit3A, %sign3A_47 : i32
      %sign3A_49 = arith.extui %sign3A_48 : i1 to i32
      %sign3A_50 = arith.subi %sign3A_46, %sign3A_49 : i32
      %ne3A = arith.cmpi ne, %sign3A_43, %sign3A_50 : i32
      %rem3A = arith.remsi %scan3A_36, %jit3A : i32
      %ne3A_51 = arith.constant 0 : i32
      %ne3A_52 = arith.cmpi ne, %rem3A, %ne3A_51 : i32
      %and3A = arith.andi %ne3A, %ne3A_52 : i1
      %sub3A = arith.constant 1 : i32
      %sub3A_53 = arith.subi %div3A, %sub3A : i32
      %select_n3A = arith.select %and3A, %sub3A_53, %div3A : i32
      %jit3A_54 = arith.constant 8 : i32
      %eq3A = arith.constant 0 : i32
      %eq3A_55 = arith.cmpi eq, %jit3A_54, %eq3A : i32
      %jit3A_56 = arith.constant 1 : i32
      %select_n3A_57 = arith.select %eq3A_55, %jit3A_56, %jit3A_54 : i32
      %rem3A_58 = arith.remsi %scan3A_36, %select_n3A_57 : i32
      %ne3A_59 = arith.constant 0 : i32
      %ne3A_60 = arith.cmpi ne, %rem3A_58, %ne3A_59 : i32
      %lt3A = arith.constant 0 : i32
      %lt3A_61 = arith.cmpi slt, %rem3A_58, %lt3A : i32
      %lt3A_62 = arith.constant 0 : i32
      %lt3A_63 = arith.cmpi slt, %select_n3A_57, %lt3A_62 : i32
      %ne3A_64 = arith.xori %lt3A_61, %lt3A_63 : i1
      %and3A_65 = arith.andi %ne3A_64, %ne3A_60 : i1
      %add3A_66 = arith.addi %rem3A_58, %select_n3A_57 : i32
      %select_n3A_67 = arith.select %and3A_65, %add3A_66, %rem3A_58 : i32
      %broadcast_in_dim3A_68 = arith.constant 0.000000e+00 : f32
      %broadcast_in_dim3A_69 = vector.broadcast %broadcast_in_dim3A_68 : f32 to vector<16xf32>
      %mul3A_70 = arith.constant 16 : i32
      %mul3A_71 = arith.muli %select_n3A_67, %mul3A_70 : i32
      %swap3A = arith.index_cast %select_n3A : i32 to index
      %swap3A_72 = arith.index_cast %mul3A_71 : i32 to index
      %swap3A_73 = tpu.vector_load %arg9[%swap3A, %swap3A_72] {strides = array<i32>} : memref<8x128xf32, #tpu.memory_space<vmem>>, vector<16xf32>,
      tpu.vector_store %arg9[%swap3A, %swap3A_72], %broadcast_in_dim3A_69 {strides = array<i32>} : memref<8x128xf32, #tpu.memory_space<vmem>>, vector<16xf32>,
      %scan3A_74 = arith.constant 0 : i32
      scf.yield %scan3A_74 : i32
    }
    %scan3A_13 = arith.constant 64 : i32
    %mul3A_14 = arith.constant 8 : i32
    %mul3A_15 = arith.muli %arg1, %mul3A_14 : i32
    "tpu.region"() ({
      %run_scoped3A_36 = tpu.sem_alloc : memref<!tpu.dma_semaphore, #tpu.memory_space<semaphore_mem>>
      %dma_start3A = arith.constant 0 : i32
      %dma_start3A_37 = tpu.memref_slice %arg10[%mul3A_15, %dma_start3A] : memref<128x128xf32, #tpu.memory_space<vmem_shared>> -> memref<8x128xf32, #tpu.memory_space<vmem_shared>>
      %dma_start3A_38 = arith.constant 0 : i32
      %dma_start3A_39 = tpu.memref_slice %arg10[%mul3A_15, %dma_start3A_38] : memref<128x128xf32, #tpu.memory_space<vmem_shared>> -> memref<8x128xf32, #tpu.memory_space<vmem_shared>>
      tpu.enqueue_dma source(%arg9 : memref<8x128xf32, #tpu.memory_space<vmem>>) target(%dma_start3A_39 : memref<8x128xf32, #tpu.memory_space<vmem_shared>>) target_semaphore(%run_scoped3A_36 : memref<!tpu.dma_semaphore, #tpu.memory_space<semaphore_mem>>)
      %dma_wait3A = arith.constant 0 : i32
      %dma_wait3A_40 = tpu.memref_slice %arg10[%mul3A_15, %dma_wait3A] : memref<128x128xf32, #tpu.memory_space<vmem_shared>> -> memref<8x128xf32, #tpu.memory_space<vmem_shared>>
      %dma_wait3A_41 = arith.constant 0 : i32
      %dma_wait3A_42 = tpu.memref_slice %arg10[%mul3A_15, %dma_wait3A_41] : memref<128x128xf32, #tpu.memory_space<vmem_shared>> -> memref<8x128xf32, #tpu.memory_space<vmem_shared>>
      tpu.wait_dma2 semaphore(%run_scoped3A_36 : memref<!tpu.dma_semaphore, #tpu.memory_space<semaphore_mem>>) src(%arg9 : memref<8x128xf32, #tpu.memory_space<vmem>>) dst(%dma_wait3A_42 : memref<8x128xf32, #tpu.memory_space<vmem_shared>>)
      tpu.yield
    }) : () -> ()
    %broadcast_in_dim3A = arith.constant 1.000000e+00 : f32
    %broadcast_in_dim3A_16 = vector.broadcast %broadcast_in_dim3A : f32 to vector<16xf32>
    %scan3A_17 = arith.constant 0 : i32
    %scan3A_18 = arith.constant 0 : i32
    %scan3A_19 = arith.constant 625 : i32
    %scan3A_20 = arith.addi %scan3A_18, %scan3A_19 : i32
    %scan3A_21 = arith.constant 1 : i32
    %scan3A_22 = scf.for %scan3A_36 = %scan3A_18 to %scan3A_20 step %scan3A_21 iter_args(%scan3A_37 = %scan3A_17) -> (i32)  : i32 {
      %mul3A_38 = arith.constant 16 : i32
      %mul3A_39 = arith.muli %scan3A_36, %mul3A_38 : i32
      %get3A = arith.index_cast %mul3A_39 : i32 to index
      %get3A_40 = tpu.vector_load %arg5[%get3A] {strides = array<i32>} : memref<10000xi32, #tpu.memory_space<vmem>>, vector<16xi32>,
      tpu.vector_store_idx %arg6[%get3A_40], %broadcast_in_dim3A_16 {add = true} : memref<16384xf32, #tpu.memory_space<vmem>>[vector<16xi32>], vector<16xf32>,
      %scan3A_41 = arith.constant 0 : i32
      scf.yield %scan3A_41 : i32
    }
    %scan3A_23 = arith.constant 625 : i32
    %scan3A_24 = arith.constant 0 : i32
    %scan3A_25 = arith.constant 0 : i32
    %scan3A_26 = arith.constant 1024 : i32
    %scan3A_27 = arith.addi %scan3A_25, %scan3A_26 : i32
    %scan3A_28 = arith.constant 1 : i32
    %scan3A_29 = scf.for %scan3A_36 = %scan3A_25 to %scan3A_27 step %scan3A_28 iter_args(%scan3A_37 = %scan3A_24) -> (i32)  : i32 {
      %jit3A = arith.constant 8 : i32
      %div3A = arith.divsi %scan3A_36, %jit3A : i32
      %sign3A = arith.constant 0 : i32
      %sign3A_38 = arith.cmpi sgt, %scan3A_36, %sign3A : i32
      %sign3A_39 = arith.extui %sign3A_38 : i1 to i32
      %sign3A_40 = arith.constant 0 : i32
      %sign3A_41 = arith.cmpi slt, %scan3A_36, %sign3A_40 : i32
      %sign3A_42 = arith.extui %sign3A_41 : i1 to i32
      %sign3A_43 = arith.subi %sign3A_39, %sign3A_42 : i32
      %sign3A_44 = arith.constant 0 : i32
      %sign3A_45 = arith.cmpi sgt, %jit3A, %sign3A_44 : i32
      %sign3A_46 = arith.extui %sign3A_45 : i1 to i32
      %sign3A_47 = arith.constant 0 : i32
      %sign3A_48 = arith.cmpi slt, %jit3A, %sign3A_47 : i32
      %sign3A_49 = arith.extui %sign3A_48 : i1 to i32
      %sign3A_50 = arith.subi %sign3A_46, %sign3A_49 : i32
      %ne3A = arith.cmpi ne, %sign3A_43, %sign3A_50 : i32
      %rem3A = arith.remsi %scan3A_36, %jit3A : i32
      %ne3A_51 = arith.constant 0 : i32
      %ne3A_52 = arith.cmpi ne, %rem3A, %ne3A_51 : i32
      %and3A = arith.andi %ne3A, %ne3A_52 : i1
      %sub3A = arith.constant 1 : i32
      %sub3A_53 = arith.subi %div3A, %sub3A : i32
      %select_n3A = arith.select %and3A, %sub3A_53, %div3A : i32
      %jit3A_54 = arith.constant 8 : i32
      %eq3A = arith.constant 0 : i32
      %eq3A_55 = arith.cmpi eq, %jit3A_54, %eq3A : i32
      %jit3A_56 = arith.constant 1 : i32
      %select_n3A_57 = arith.select %eq3A_55, %jit3A_56, %jit3A_54 : i32
      %rem3A_58 = arith.remsi %scan3A_36, %select_n3A_57 : i32
      %ne3A_59 = arith.constant 0 : i32
      %ne3A_60 = arith.cmpi ne, %rem3A_58, %ne3A_59 : i32
      %lt3A = arith.constant 0 : i32
      %lt3A_61 = arith.cmpi slt, %rem3A_58, %lt3A : i32
      %lt3A_62 = arith.constant 0 : i32
      %lt3A_63 = arith.cmpi slt, %select_n3A_57, %lt3A_62 : i32
      %ne3A_64 = arith.xori %lt3A_61, %lt3A_63 : i1
      %and3A_65 = arith.andi %ne3A_64, %ne3A_60 : i1
      %add3A_66 = arith.addi %rem3A_58, %select_n3A_57 : i32
      %select_n3A_67 = arith.select %and3A_65, %add3A_66, %rem3A_58 : i32
      %mul3A_68 = arith.constant 128 : i32
      %mul3A_69 = arith.muli %select_n3A, %mul3A_68 : i32
      %mul3A_70 = arith.constant 16 : i32
      %mul3A_71 = arith.muli %select_n3A_67, %mul3A_70 : i32
      %add3A_72 = arith.addi %mul3A_69, %mul3A_71 : i32
      %get3A = arith.index_cast %add3A_72 : i32 to index
      %get3A_73 = tpu.vector_load %arg6[%get3A] {strides = array<i32>} : memref<16384xf32, #tpu.memory_space<vmem>>, vector<16xf32>,
      %mul3A_74 = arith.constant 16 : i32
      %mul3A_75 = arith.muli %select_n3A_67, %mul3A_74 : i32
      %swap3A = arith.index_cast %select_n3A : i32 to index
      %swap3A_76 = arith.index_cast %mul3A_75 : i32 to index
      %swap3A_77 = tpu.vector_load %arg7[%swap3A, %swap3A_76] {strides = array<i32>} : memref<128x128xf32, #tpu.memory_space<vmem>>, vector<16xf32>,
      tpu.vector_store %arg7[%swap3A, %swap3A_76], %get3A_73 {strides = array<i32>} : memref<128x128xf32, #tpu.memory_space<vmem>>, vector<16xf32>,
      %scan3A_78 = arith.constant 0 : i32
      scf.yield %scan3A_78 : i32
    }
    %scan3A_30 = arith.constant 1024 : i32
    %barrier3A = arith.constant 0 : index
    tpu.barrier barrier_id(%barrier3A)
    %run_scoped3A = arith.constant 0 : i32
    "tpu.region"() ({
      %run_scoped3A_36 = tpu.sem_alloc : memref<!tpu.dma_semaphore, #tpu.memory_space<semaphore_mem>>
      %dma_start3A = arith.constant 0 : i32
      %dma_start3A_37 = tpu.memref_slice %arg8[%run_scoped3A, %dma_start3A] : memref<1x128xi32, #tpu.memory_space<vmem>> -> memref<1x128xi32, #tpu.memory_space<vmem>>
      %dma_start3A_38 = tpu.memref_squeeze %dma_start3A_37 : memref<1x128xi32, #tpu.memory_space<vmem>> -> memref<128xi32, #tpu.memory_space<vmem>>
      %dma_start3A_39 = arith.constant 0 : i32
      %dma_start3A_40 = arith.constant 0 : i32
      %dma_start3A_41 = tpu.memref_slice %arg10[%dma_start3A_39, %dma_start3A_40] : memref<128x128xf32, #tpu.memory_space<vmem_shared>> -> memref<128x128xf32, #tpu.memory_space<vmem_shared>>
      tpu.enqueue_indirect_dma source(%arg7 : memref<128x128xf32, #tpu.memory_space<vmem>>) target(%dma_start3A_41 : memref<128x128xf32, #tpu.memory_space<vmem_shared>>) offsets(%dma_start3A_38 : memref<128xi32, #tpu.memory_space<vmem>>) semaphore(%run_scoped3A_36 : memref<!tpu.dma_semaphore, #tpu.memory_space<semaphore_mem>>) {add = true}
      %dma_wait3A = arith.constant 0 : i32
      %dma_wait3A_42 = tpu.memref_slice %arg8[%run_scoped3A, %dma_wait3A] : memref<1x128xi32, #tpu.memory_space<vmem>> -> memref<1x128xi32, #tpu.memory_space<vmem>>
      %dma_wait3A_43 = tpu.memref_squeeze %dma_wait3A_42 : memref<1x128xi32, #tpu.memory_space<vmem>> -> memref<128xi32, #tpu.memory_space<vmem>>
      %dma_wait3A_44 = arith.constant 0 : i32
      %dma_wait3A_45 = arith.constant 0 : i32
      %dma_wait3A_46 = tpu.memref_slice %arg10[%dma_wait3A_44, %dma_wait3A_45] : memref<128x128xf32, #tpu.memory_space<vmem_shared>> -> memref<128x128xf32, #tpu.memory_space<vmem_shared>>
      tpu.wait_indirect_dma semaphore(%run_scoped3A_36 : memref<!tpu.dma_semaphore, #tpu.memory_space<semaphore_mem>>) src(%arg7 : memref<128x128xf32, #tpu.memory_space<vmem>>) dst(%dma_wait3A_46 : memref<128x128xf32, #tpu.memory_space<vmem_shared>>)
      tpu.yield
    }) : () -> ()
    %barrier3A_31 = arith.constant 0 : index
    tpu.barrier barrier_id(%barrier3A_31)
    %mul3A_32 = arith.constant 8 : i32
    %mul3A_33 = arith.muli %arg1, %mul3A_32 : i32
    "tpu.region"() ({
      %run_scoped3A_36 = tpu.sem_alloc : memref<!tpu.dma_semaphore, #tpu.memory_space<semaphore_mem>>
      %dma_start3A = arith.constant 0 : i32
      %dma_start3A_37 = tpu.memref_slice %arg10[%mul3A_33, %dma_start3A] : memref<128x128xf32, #tpu.memory_space<vmem_shared>> -> memref<8x128xf32, #tpu.memory_space<vmem_shared>>
      %dma_start3A_38 = arith.constant 0 : i32
      %dma_start3A_39 = tpu.memref_slice %arg10[%mul3A_33, %dma_start3A_38] : memref<128x128xf32, #tpu.memory_space<vmem_shared>> -> memref<8x128xf32, #tpu.memory_space<vmem_shared>>
      tpu.enqueue_dma source(%dma_start3A_39 : memref<8x128xf32, #tpu.memory_space<vmem_shared>>) target(%arg9 : memref<8x128xf32, #tpu.memory_space<vmem>>) target_semaphore(%run_scoped3A_36 : memref<!tpu.dma_semaphore, #tpu.memory_space<semaphore_mem>>)
      %dma_wait3A = arith.constant 0 : i32
      %dma_wait3A_40 = tpu.memref_slice %arg10[%mul3A_33, %dma_wait3A] : memref<128x128xf32, #tpu.memory_space<vmem_shared>> -> memref<8x128xf32, #tpu.memory_space<vmem_shared>>
      %dma_wait3A_41 = arith.constant 0 : i32
      %dma_wait3A_42 = tpu.memref_slice %arg10[%mul3A_33, %dma_wait3A_41] : memref<128x128xf32, #tpu.memory_space<vmem_shared>> -> memref<8x128xf32, #tpu.memory_space<vmem_shared>>
      tpu.wait_dma2 semaphore(%run_scoped3A_36 : memref<!tpu.dma_semaphore, #tpu.memory_space<semaphore_mem>>) src(%dma_wait3A_42 : memref<8x128xf32, #tpu.memory_space<vmem_shared>>) dst(%arg9 : memref<8x128xf32, #tpu.memory_space<vmem>>)
      tpu.yield
    }) : () -> ()
    %mul3A_34 = arith.constant 8 : i32
    %mul3A_35 = arith.muli %arg1, %mul3A_34 : i32
    "tpu.region"() ({
      %run_scoped3A_36 = tpu.sem_alloc : memref<!tpu.dma_semaphore, #tpu.memory_space<semaphore_mem>>
      %dma_start3A = arith.constant 0 : i32
      %dma_start3A_37 = tpu.memref_slice %arg4[%arg0, %mul3A_35, %dma_start3A] : memref<2x128x128xf32, #tpu.memory_space<hbm>> -> memref<1x8x128xf32, #tpu.memory_space<hbm>>
      %dma_start3A_38 = tpu.memref_squeeze %dma_start3A_37 : memref<1x8x128xf32, #tpu.memory_space<hbm>> -> memref<8x128xf32, #tpu.memory_space<hbm>>
      %dma_start3A_39 = arith.constant 0 : i32
      %dma_start3A_40 = tpu.memref_slice %arg4[%arg0, %mul3A_35, %dma_start3A_39] : memref<2x128x128xf32, #tpu.memory_space<hbm>> -> memref<1x8x128xf32, #tpu.memory_space<hbm>>
      %dma_start3A_41 = tpu.memref_squeeze %dma_start3A_40 : memref<1x8x128xf32, #tpu.memory_space<hbm>> -> memref<8x128xf32, #tpu.memory_space<hbm>>
      tpu.enqueue_dma source(%arg9 : memref<8x128xf32, #tpu.memory_space<vmem>>) target(%dma_start3A_41 : memref<8x128xf32, #tpu.memory_space<hbm>>) target_semaphore(%run_scoped3A_36 : memref<!tpu.dma_semaphore, #tpu.memory_space<semaphore_mem>>)
      %dma_wait3A = arith.constant 0 : i32
      %dma_wait3A_42 = tpu.memref_slice %arg4[%arg0, %mul3A_35, %dma_wait3A] : memref<2x128x128xf32, #tpu.memory_space<hbm>> -> memref<1x8x128xf32, #tpu.memory_space<hbm>>
      %dma_wait3A_43 = tpu.memref_squeeze %dma_wait3A_42 : memref<1x8x128xf32, #tpu.memory_space<hbm>> -> memref<8x128xf32, #tpu.memory_space<hbm>>
      %dma_wait3A_44 = arith.constant 0 : i32
      %dma_wait3A_45 = tpu.memref_slice %arg4[%arg0, %mul3A_35, %dma_wait3A_44] : memref<2x128x128xf32, #tpu.memory_space<hbm>> -> memref<1x8x128xf32, #tpu.memory_space<hbm>>
      %dma_wait3A_46 = tpu.memref_squeeze %dma_wait3A_45 : memref<1x8x128xf32, #tpu.memory_space<hbm>> -> memref<8x128xf32, #tpu.memory_space<hbm>>
      tpu.wait_dma2 semaphore(%run_scoped3A_36 : memref<!tpu.dma_semaphore, #tpu.memory_space<semaphore_mem>>) src(%arg9 : memref<8x128xf32, #tpu.memory_space<vmem>>) dst(%dma_wait3A_46 : memref<8x128xf32, #tpu.memory_space<hbm>>)
      tpu.yield
    }) : () -> ()
    return
  }
}

#map = affine_map<(d0, d1) -> (0, 0)>
#map1 = affine_map<(d0, d1) -> (0, 0, 0)>
module attributes {stable_mosaic.version = 14 : i64} {
  func.func @prop_kernel(%arg0: i32, %arg1: i32, %arg2: memref<10240x128xf32, #tpu.memory_space<hbm>>, %arg3: memref<32x10000xi32, #tpu.memory_space<hbm>>, %arg4: memref<32x125x80xi32, #tpu.memory_space<hbm>>, %arg5: memref<10240x128xf32, #tpu.memory_space<hbm>>, %arg6: memref<10240x128xf32, #tpu.memory_space<hbm>>, %arg7: memref<10000xi32, #tpu.memory_space<vmem>>, %arg8: memref<125x80xi32, #tpu.memory_space<vmem>>, %arg9: memref<80x128xf32, #tpu.memory_space<vmem>>, %arg10: memref<80x128xf32, #tpu.memory_space<vmem>>, %arg11: memref<10240x128xf32, #tpu.memory_space<vmem_shared>>, %arg12: memref<!tpu.dma_semaphore, #tpu.memory_space<semaphore_mem>>, %arg13: memref<!tpu.dma_semaphore, #tpu.memory_space<semaphore_mem>>) attributes {dimension_semantics = [#tpu.dimension_semantics<core_parallel>, #tpu.dimension_semantics<subcore_parallel>], iteration_bounds = array<i64: 2, 16>, scalar_prefetch = 0 : i64, scratch_operands = 7 : i64, tpu.core_type = #tpu.core_type<sc_vector_subcore>, window_params = [{transform_indices = #map}, {transform_indices = #map}, {transform_indices = #map1}, {transform_indices = #map}, {transform_indices = #map}]} {
    %mul3A = arith.constant 2 : i32
    %mul3A_0 = arith.muli %arg1, %mul3A : i32
    %add3A = arith.addi %mul3A_0, %arg0 : i32
    %mul3A_1 = arith.constant 640 : i32
    %mul3A_2 = arith.muli %arg1, %mul3A_1 : i32
    %dma_start3A = arith.constant 0 : i32
    %dma_start3A_3 = tpu.memref_slice %arg3[%add3A, %dma_start3A] : memref<32x10000xi32, #tpu.memory_space<hbm>> -> memref<1x10000xi32, #tpu.memory_space<hbm>>
    %dma_start3A_4 = tpu.memref_squeeze %dma_start3A_3 : memref<1x10000xi32, #tpu.memory_space<hbm>> -> memref<10000xi32, #tpu.memory_space<hbm>>
    %dma_start3A_5 = arith.constant 0 : i32
    %dma_start3A_6 = tpu.memref_slice %arg3[%add3A, %dma_start3A_5] : memref<32x10000xi32, #tpu.memory_space<hbm>> -> memref<1x10000xi32, #tpu.memory_space<hbm>>
    %dma_start3A_7 = tpu.memref_squeeze %dma_start3A_6 : memref<1x10000xi32, #tpu.memory_space<hbm>> -> memref<10000xi32, #tpu.memory_space<hbm>>
    tpu.enqueue_dma source(%dma_start3A_7 : memref<10000xi32, #tpu.memory_space<hbm>>) target(%arg7 : memref<10000xi32, #tpu.memory_space<vmem>>) target_semaphore(%arg12 : memref<!tpu.dma_semaphore, #tpu.memory_space<semaphore_mem>>)
    %dma_start3A_8 = arith.constant 0 : i32
    %dma_start3A_9 = arith.constant 0 : i32
    %dma_start3A_10 = tpu.memref_slice %arg4[%add3A, %dma_start3A_8, %dma_start3A_9] : memref<32x125x80xi32, #tpu.memory_space<hbm>> -> memref<1x125x80xi32, #tpu.memory_space<hbm>>
    %dma_start3A_11 = tpu.memref_squeeze %dma_start3A_10 : memref<1x125x80xi32, #tpu.memory_space<hbm>> -> memref<125x80xi32, #tpu.memory_space<hbm>>
    %dma_start3A_12 = arith.constant 0 : i32
    %dma_start3A_13 = arith.constant 0 : i32
    %dma_start3A_14 = tpu.memref_slice %arg4[%add3A, %dma_start3A_12, %dma_start3A_13] : memref<32x125x80xi32, #tpu.memory_space<hbm>> -> memref<1x125x80xi32, #tpu.memory_space<hbm>>
    %dma_start3A_15 = tpu.memref_squeeze %dma_start3A_14 : memref<1x125x80xi32, #tpu.memory_space<hbm>> -> memref<125x80xi32, #tpu.memory_space<hbm>>
    tpu.enqueue_dma source(%dma_start3A_15 : memref<125x80xi32, #tpu.memory_space<hbm>>) target(%arg8 : memref<125x80xi32, #tpu.memory_space<vmem>>) target_semaphore(%arg13 : memref<!tpu.dma_semaphore, #tpu.memory_space<semaphore_mem>>)
    %dma_wait3A = arith.constant 0 : i32
    %dma_wait3A_16 = tpu.memref_slice %arg3[%add3A, %dma_wait3A] : memref<32x10000xi32, #tpu.memory_space<hbm>> -> memref<1x10000xi32, #tpu.memory_space<hbm>>
    %dma_wait3A_17 = tpu.memref_squeeze %dma_wait3A_16 : memref<1x10000xi32, #tpu.memory_space<hbm>> -> memref<10000xi32, #tpu.memory_space<hbm>>
    %dma_wait3A_18 = arith.constant 0 : i32
    %dma_wait3A_19 = tpu.memref_slice %arg3[%add3A, %dma_wait3A_18] : memref<32x10000xi32, #tpu.memory_space<hbm>> -> memref<1x10000xi32, #tpu.memory_space<hbm>>
    %dma_wait3A_20 = tpu.memref_squeeze %dma_wait3A_19 : memref<1x10000xi32, #tpu.memory_space<hbm>> -> memref<10000xi32, #tpu.memory_space<hbm>>
    tpu.wait_dma2 semaphore(%arg12 : memref<!tpu.dma_semaphore, #tpu.memory_space<semaphore_mem>>) src(%dma_wait3A_20 : memref<10000xi32, #tpu.memory_space<hbm>>) dst(%arg7 : memref<10000xi32, #tpu.memory_space<vmem>>)
    %dma_wait3A_21 = arith.constant 0 : i32
    %dma_wait3A_22 = arith.constant 0 : i32
    %dma_wait3A_23 = tpu.memref_slice %arg4[%add3A, %dma_wait3A_21, %dma_wait3A_22] : memref<32x125x80xi32, #tpu.memory_space<hbm>> -> memref<1x125x80xi32, #tpu.memory_space<hbm>>
    %dma_wait3A_24 = tpu.memref_squeeze %dma_wait3A_23 : memref<1x125x80xi32, #tpu.memory_space<hbm>> -> memref<125x80xi32, #tpu.memory_space<hbm>>
    %dma_wait3A_25 = arith.constant 0 : i32
    %dma_wait3A_26 = arith.constant 0 : i32
    %dma_wait3A_27 = tpu.memref_slice %arg4[%add3A, %dma_wait3A_25, %dma_wait3A_26] : memref<32x125x80xi32, #tpu.memory_space<hbm>> -> memref<1x125x80xi32, #tpu.memory_space<hbm>>
    %dma_wait3A_28 = tpu.memref_squeeze %dma_wait3A_27 : memref<1x125x80xi32, #tpu.memory_space<hbm>> -> memref<125x80xi32, #tpu.memory_space<hbm>>
    tpu.wait_dma2 semaphore(%arg13 : memref<!tpu.dma_semaphore, #tpu.memory_space<semaphore_mem>>) src(%dma_wait3A_28 : memref<125x80xi32, #tpu.memory_space<hbm>>) dst(%arg8 : memref<125x80xi32, #tpu.memory_space<vmem>>)
    %dma_start3A_29 = arith.constant 0 : i32
    %dma_start3A_30 = tpu.memref_slice %arg7[%dma_start3A_29] : memref<10000xi32, #tpu.memory_space<vmem>> -> memref<80xi32, #tpu.memory_space<vmem>>
    %dma_start3A_31 = arith.constant 0 : i32
    %dma_start3A_32 = arith.constant 0 : i32
    %dma_start3A_33 = tpu.memref_slice %arg2[%dma_start3A_31, %dma_start3A_32] : memref<10240x128xf32, #tpu.memory_space<hbm>> -> memref<10240x128xf32, #tpu.memory_space<hbm>>
    tpu.enqueue_indirect_dma source(%dma_start3A_33 : memref<10240x128xf32, #tpu.memory_space<hbm>>) target(%arg9 : memref<80x128xf32, #tpu.memory_space<vmem>>) offsets(%dma_start3A_30 : memref<80xi32, #tpu.memory_space<vmem>>) semaphore(%arg12 : memref<!tpu.dma_semaphore, #tpu.memory_space<semaphore_mem>>)
    %scan3A = arith.constant 0 : i32
    %scan3A_34 = arith.constant 0 : i32
    %scan3A_35 = arith.constant 640 : i32
    %scan3A_36 = arith.addi %scan3A_34, %scan3A_35 : i32
    %scan3A_37 = arith.constant 1 : i32
    %scan3A_38 = scf.for %scan3A_155 = %scan3A_34 to %scan3A_36 step %scan3A_37 iter_args(%scan3A_156 = %scan3A) -> (i32)  : i32 {
      %jit3A = arith.constant 8 : i32
      %div3A = arith.divsi %scan3A_155, %jit3A : i32
      %sign3A = arith.constant 0 : i32
      %sign3A_157 = arith.cmpi sgt, %scan3A_155, %sign3A : i32
      %sign3A_158 = arith.extui %sign3A_157 : i1 to i32
      %sign3A_159 = arith.constant 0 : i32
      %sign3A_160 = arith.cmpi slt, %scan3A_155, %sign3A_159 : i32
      %sign3A_161 = arith.extui %sign3A_160 : i1 to i32
      %sign3A_162 = arith.subi %sign3A_158, %sign3A_161 : i32
      %sign3A_163 = arith.constant 0 : i32
      %sign3A_164 = arith.cmpi sgt, %jit3A, %sign3A_163 : i32
      %sign3A_165 = arith.extui %sign3A_164 : i1 to i32
      %sign3A_166 = arith.constant 0 : i32
      %sign3A_167 = arith.cmpi slt, %jit3A, %sign3A_166 : i32
      %sign3A_168 = arith.extui %sign3A_167 : i1 to i32
      %sign3A_169 = arith.subi %sign3A_165, %sign3A_168 : i32
      %ne3A_170 = arith.cmpi ne, %sign3A_162, %sign3A_169 : i32
      %rem3A = arith.remsi %scan3A_155, %jit3A : i32
      %ne3A_171 = arith.constant 0 : i32
      %ne3A_172 = arith.cmpi ne, %rem3A, %ne3A_171 : i32
      %and3A = arith.andi %ne3A_170, %ne3A_172 : i1
      %sub3A = arith.constant 1 : i32
      %sub3A_173 = arith.subi %div3A, %sub3A : i32
      %select_n3A = arith.select %and3A, %sub3A_173, %div3A : i32
      %jit3A_174 = arith.constant 8 : i32
      %eq3A_175 = arith.constant 0 : i32
      %eq3A_176 = arith.cmpi eq, %jit3A_174, %eq3A_175 : i32
      %jit3A_177 = arith.constant 1 : i32
      %select_n3A_178 = arith.select %eq3A_176, %jit3A_177, %jit3A_174 : i32
      %rem3A_179 = arith.remsi %scan3A_155, %select_n3A_178 : i32
      %ne3A_180 = arith.constant 0 : i32
      %ne3A_181 = arith.cmpi ne, %rem3A_179, %ne3A_180 : i32
      %lt3A = arith.constant 0 : i32
      %lt3A_182 = arith.cmpi slt, %rem3A_179, %lt3A : i32
      %lt3A_183 = arith.constant 0 : i32
      %lt3A_184 = arith.cmpi slt, %select_n3A_178, %lt3A_183 : i32
      %ne3A_185 = arith.xori %lt3A_182, %lt3A_184 : i1
      %and3A_186 = arith.andi %ne3A_185, %ne3A_181 : i1
      %add3A_187 = arith.addi %rem3A_179, %select_n3A_178 : i32
      %select_n3A_188 = arith.select %and3A_186, %add3A_187, %rem3A_179 : i32
      %broadcast_in_dim3A = arith.constant 0.000000e+00 : f32
      %broadcast_in_dim3A_189 = vector.broadcast %broadcast_in_dim3A : f32 to vector<16xf32>
      %mul3A_190 = arith.constant 16 : i32
      %mul3A_191 = arith.muli %select_n3A_188, %mul3A_190 : i32
      %swap3A = arith.index_cast %select_n3A : i32 to index
      %swap3A_192 = arith.index_cast %mul3A_191 : i32 to index
      %swap3A_193 = tpu.vector_load %arg10[%swap3A, %swap3A_192] {strides = array<i32>} : memref<80x128xf32, #tpu.memory_space<vmem>>, vector<1x16xf32>,
      %swap3A_194 = vector.shape_cast %swap3A_193 : vector<1x16xf32> to vector<16xf32>
      %swap3A_195 = vector.shape_cast %broadcast_in_dim3A_189 : vector<16xf32> to vector<1x16xf32>
      tpu.vector_store %arg10[%swap3A, %swap3A_192], %swap3A_195 {strides = array<i32>} : memref<80x128xf32, #tpu.memory_space<vmem>>, vector<1x16xf32>,
      %scan3A_196 = arith.constant 0 : i32
      scf.yield %scan3A_196 : i32
    }
    %scan3A_39 = arith.constant 640 : i32
    %add3A_40 = arith.constant 0 : i32
    %add3A_41 = arith.addi %mul3A_2, %add3A_40 : i32
    %dma_start3A_42 = arith.constant 0 : i32
    %dma_start3A_43 = tpu.memref_slice %arg11[%add3A_41, %dma_start3A_42] : memref<10240x128xf32, #tpu.memory_space<vmem_shared>> -> memref<80x128xf32, #tpu.memory_space<vmem_shared>>
    %dma_start3A_44 = arith.constant 0 : i32
    %dma_start3A_45 = tpu.memref_slice %arg11[%add3A_41, %dma_start3A_44] : memref<10240x128xf32, #tpu.memory_space<vmem_shared>> -> memref<80x128xf32, #tpu.memory_space<vmem_shared>>
    tpu.enqueue_dma source(%arg10 : memref<80x128xf32, #tpu.memory_space<vmem>>) target(%dma_start3A_45 : memref<80x128xf32, #tpu.memory_space<vmem_shared>>) target_semaphore(%arg13 : memref<!tpu.dma_semaphore, #tpu.memory_space<semaphore_mem>>)
    %add3A_46 = arith.constant 80 : i32
    %add3A_47 = arith.addi %mul3A_2, %add3A_46 : i32
    %dma_start3A_48 = arith.constant 0 : i32
    %dma_start3A_49 = tpu.memref_slice %arg11[%add3A_47, %dma_start3A_48] : memref<10240x128xf32, #tpu.memory_space<vmem_shared>> -> memref<80x128xf32, #tpu.memory_space<vmem_shared>>
    %dma_start3A_50 = arith.constant 0 : i32
    %dma_start3A_51 = tpu.memref_slice %arg11[%add3A_47, %dma_start3A_50] : memref<10240x128xf32, #tpu.memory_space<vmem_shared>> -> memref<80x128xf32, #tpu.memory_space<vmem_shared>>
    tpu.enqueue_dma source(%arg10 : memref<80x128xf32, #tpu.memory_space<vmem>>) target(%dma_start3A_51 : memref<80x128xf32, #tpu.memory_space<vmem_shared>>) target_semaphore(%arg13 : memref<!tpu.dma_semaphore, #tpu.memory_space<semaphore_mem>>)
    %add3A_52 = arith.constant 160 : i32
    %add3A_53 = arith.addi %mul3A_2, %add3A_52 : i32
    %dma_start3A_54 = arith.constant 0 : i32
    %dma_start3A_55 = tpu.memref_slice %arg11[%add3A_53, %dma_start3A_54] : memref<10240x128xf32, #tpu.memory_space<vmem_shared>> -> memref<80x128xf32, #tpu.memory_space<vmem_shared>>
    %dma_start3A_56 = arith.constant 0 : i32
    %dma_start3A_57 = tpu.memref_slice %arg11[%add3A_53, %dma_start3A_56] : memref<10240x128xf32, #tpu.memory_space<vmem_shared>> -> memref<80x128xf32, #tpu.memory_space<vmem_shared>>
    tpu.enqueue_dma source(%arg10 : memref<80x128xf32, #tpu.memory_space<vmem>>) target(%dma_start3A_57 : memref<80x128xf32, #tpu.memory_space<vmem_shared>>) target_semaphore(%arg13 : memref<!tpu.dma_semaphore, #tpu.memory_space<semaphore_mem>>)
    %add3A_58 = arith.constant 240 : i32
    %add3A_59 = arith.addi %mul3A_2, %add3A_58 : i32
    %dma_start3A_60 = arith.constant 0 : i32
    %dma_start3A_61 = tpu.memref_slice %arg11[%add3A_59, %dma_start3A_60] : memref<10240x128xf32, #tpu.memory_space<vmem_shared>> -> memref<80x128xf32, #tpu.memory_space<vmem_shared>>
    %dma_start3A_62 = arith.constant 0 : i32
    %dma_start3A_63 = tpu.memref_slice %arg11[%add3A_59, %dma_start3A_62] : memref<10240x128xf32, #tpu.memory_space<vmem_shared>> -> memref<80x128xf32, #tpu.memory_space<vmem_shared>>
    tpu.enqueue_dma source(%arg10 : memref<80x128xf32, #tpu.memory_space<vmem>>) target(%dma_start3A_63 : memref<80x128xf32, #tpu.memory_space<vmem_shared>>) target_semaphore(%arg13 : memref<!tpu.dma_semaphore, #tpu.memory_space<semaphore_mem>>)
    %add3A_64 = arith.constant 320 : i32
    %add3A_65 = arith.addi %mul3A_2, %add3A_64 : i32
    %dma_start3A_66 = arith.constant 0 : i32
    %dma_start3A_67 = tpu.memref_slice %arg11[%add3A_65, %dma_start3A_66] : memref<10240x128xf32, #tpu.memory_space<vmem_shared>> -> memref<80x128xf32, #tpu.memory_space<vmem_shared>>
    %dma_start3A_68 = arith.constant 0 : i32
    %dma_start3A_69 = tpu.memref_slice %arg11[%add3A_65, %dma_start3A_68] : memref<10240x128xf32, #tpu.memory_space<vmem_shared>> -> memref<80x128xf32, #tpu.memory_space<vmem_shared>>
    tpu.enqueue_dma source(%arg10 : memref<80x128xf32, #tpu.memory_space<vmem>>) target(%dma_start3A_69 : memref<80x128xf32, #tpu.memory_space<vmem_shared>>) target_semaphore(%arg13 : memref<!tpu.dma_semaphore, #tpu.memory_space<semaphore_mem>>)
    %add3A_70 = arith.constant 400 : i32
    %add3A_71 = arith.addi %mul3A_2, %add3A_70 : i32
    %dma_start3A_72 = arith.constant 0 : i32
    %dma_start3A_73 = tpu.memref_slice %arg11[%add3A_71, %dma_start3A_72] : memref<10240x128xf32, #tpu.memory_space<vmem_shared>> -> memref<80x128xf32, #tpu.memory_space<vmem_shared>>
    %dma_start3A_74 = arith.constant 0 : i32
    %dma_start3A_75 = tpu.memref_slice %arg11[%add3A_71, %dma_start3A_74] : memref<10240x128xf32, #tpu.memory_space<vmem_shared>> -> memref<80x128xf32, #tpu.memory_space<vmem_shared>>
    tpu.enqueue_dma source(%arg10 : memref<80x128xf32, #tpu.memory_space<vmem>>) target(%dma_start3A_75 : memref<80x128xf32, #tpu.memory_space<vmem_shared>>) target_semaphore(%arg13 : memref<!tpu.dma_semaphore, #tpu.memory_space<semaphore_mem>>)
    %add3A_76 = arith.constant 480 : i32
    %add3A_77 = arith.addi %mul3A_2, %add3A_76 : i32
    %dma_start3A_78 = arith.constant 0 : i32
    %dma_start3A_79 = tpu.memref_slice %arg11[%add3A_77, %dma_start3A_78] : memref<10240x128xf32, #tpu.memory_space<vmem_shared>> -> memref<80x128xf32, #tpu.memory_space<vmem_shared>>
    %dma_start3A_80 = arith.constant 0 : i32
    %dma_start3A_81 = tpu.memref_slice %arg11[%add3A_77, %dma_start3A_80] : memref<10240x128xf32, #tpu.memory_space<vmem_shared>> -> memref<80x128xf32, #tpu.memory_space<vmem_shared>>
    tpu.enqueue_dma source(%arg10 : memref<80x128xf32, #tpu.memory_space<vmem>>) target(%dma_start3A_81 : memref<80x128xf32, #tpu.memory_space<vmem_shared>>) target_semaphore(%arg13 : memref<!tpu.dma_semaphore, #tpu.memory_space<semaphore_mem>>)
    %add3A_82 = arith.constant 560 : i32
    %add3A_83 = arith.addi %mul3A_2, %add3A_82 : i32
    %dma_start3A_84 = arith.constant 0 : i32
    %dma_start3A_85 = tpu.memref_slice %arg11[%add3A_83, %dma_start3A_84] : memref<10240x128xf32, #tpu.memory_space<vmem_shared>> -> memref<80x128xf32, #tpu.memory_space<vmem_shared>>
    %dma_start3A_86 = arith.constant 0 : i32
    %dma_start3A_87 = tpu.memref_slice %arg11[%add3A_83, %dma_start3A_86] : memref<10240x128xf32, #tpu.memory_space<vmem_shared>> -> memref<80x128xf32, #tpu.memory_space<vmem_shared>>
    tpu.enqueue_dma source(%arg10 : memref<80x128xf32, #tpu.memory_space<vmem>>) target(%dma_start3A_87 : memref<80x128xf32, #tpu.memory_space<vmem_shared>>) target_semaphore(%arg13 : memref<!tpu.dma_semaphore, #tpu.memory_space<semaphore_mem>>)
    %add3A_88 = arith.constant 0 : i32
    %add3A_89 = arith.addi %mul3A_2, %add3A_88 : i32
    %dma_wait3A_90 = arith.constant 0 : i32
    %dma_wait3A_91 = tpu.memref_slice %arg11[%add3A_89, %dma_wait3A_90] : memref<10240x128xf32, #tpu.memory_space<vmem_shared>> -> memref<80x128xf32, #tpu.memory_space<vmem_shared>>
    %dma_wait3A_92 = arith.constant 0 : i32
    %dma_wait3A_93 = tpu.memref_slice %arg11[%add3A_89, %dma_wait3A_92] : memref<10240x128xf32, #tpu.memory_space<vmem_shared>> -> memref<80x128xf32, #tpu.memory_space<vmem_shared>>
    tpu.wait_dma2 semaphore(%arg13 : memref<!tpu.dma_semaphore, #tpu.memory_space<semaphore_mem>>) src(%arg10 : memref<80x128xf32, #tpu.memory_space<vmem>>) dst(%dma_wait3A_93 : memref<80x128xf32, #tpu.memory_space<vmem_shared>>)
    %add3A_94 = arith.constant 80 : i32
    %add3A_95 = arith.addi %mul3A_2, %add3A_94 : i32
    %dma_wait3A_96 = arith.constant 0 : i32
    %dma_wait3A_97 = tpu.memref_slice %arg11[%add3A_95, %dma_wait3A_96] : memref<10240x128xf32, #tpu.memory_space<vmem_shared>> -> memref<80x128xf32, #tpu.memory_space<vmem_shared>>
    %dma_wait3A_98 = arith.constant 0 : i32
    %dma_wait3A_99 = tpu.memref_slice %arg11[%add3A_95, %dma_wait3A_98] : memref<10240x128xf32, #tpu.memory_space<vmem_shared>> -> memref<80x128xf32, #tpu.memory_space<vmem_shared>>
    tpu.wait_dma2 semaphore(%arg13 : memref<!tpu.dma_semaphore, #tpu.memory_space<semaphore_mem>>) src(%arg10 : memref<80x128xf32, #tpu.memory_space<vmem>>) dst(%dma_wait3A_99 : memref<80x128xf32, #tpu.memory_space<vmem_shared>>)
    %add3A_100 = arith.constant 160 : i32
    %add3A_101 = arith.addi %mul3A_2, %add3A_100 : i32
    %dma_wait3A_102 = arith.constant 0 : i32
    %dma_wait3A_103 = tpu.memref_slice %arg11[%add3A_101, %dma_wait3A_102] : memref<10240x128xf32, #tpu.memory_space<vmem_shared>> -> memref<80x128xf32, #tpu.memory_space<vmem_shared>>
    %dma_wait3A_104 = arith.constant 0 : i32
    %dma_wait3A_105 = tpu.memref_slice %arg11[%add3A_101, %dma_wait3A_104] : memref<10240x128xf32, #tpu.memory_space<vmem_shared>> -> memref<80x128xf32, #tpu.memory_space<vmem_shared>>
    tpu.wait_dma2 semaphore(%arg13 : memref<!tpu.dma_semaphore, #tpu.memory_space<semaphore_mem>>) src(%arg10 : memref<80x128xf32, #tpu.memory_space<vmem>>) dst(%dma_wait3A_105 : memref<80x128xf32, #tpu.memory_space<vmem_shared>>)
    %add3A_106 = arith.constant 240 : i32
    %add3A_107 = arith.addi %mul3A_2, %add3A_106 : i32
    %dma_wait3A_108 = arith.constant 0 : i32
    %dma_wait3A_109 = tpu.memref_slice %arg11[%add3A_107, %dma_wait3A_108] : memref<10240x128xf32, #tpu.memory_space<vmem_shared>> -> memref<80x128xf32, #tpu.memory_space<vmem_shared>>
    %dma_wait3A_110 = arith.constant 0 : i32
    %dma_wait3A_111 = tpu.memref_slice %arg11[%add3A_107, %dma_wait3A_110] : memref<10240x128xf32, #tpu.memory_space<vmem_shared>> -> memref<80x128xf32, #tpu.memory_space<vmem_shared>>
    tpu.wait_dma2 semaphore(%arg13 : memref<!tpu.dma_semaphore, #tpu.memory_space<semaphore_mem>>) src(%arg10 : memref<80x128xf32, #tpu.memory_space<vmem>>) dst(%dma_wait3A_111 : memref<80x128xf32, #tpu.memory_space<vmem_shared>>)
    %add3A_112 = arith.constant 320 : i32
    %add3A_113 = arith.addi %mul3A_2, %add3A_112 : i32
    %dma_wait3A_114 = arith.constant 0 : i32
    %dma_wait3A_115 = tpu.memref_slice %arg11[%add3A_113, %dma_wait3A_114] : memref<10240x128xf32, #tpu.memory_space<vmem_shared>> -> memref<80x128xf32, #tpu.memory_space<vmem_shared>>
    %dma_wait3A_116 = arith.constant 0 : i32
    %dma_wait3A_117 = tpu.memref_slice %arg11[%add3A_113, %dma_wait3A_116] : memref<10240x128xf32, #tpu.memory_space<vmem_shared>> -> memref<80x128xf32, #tpu.memory_space<vmem_shared>>
    tpu.wait_dma2 semaphore(%arg13 : memref<!tpu.dma_semaphore, #tpu.memory_space<semaphore_mem>>) src(%arg10 : memref<80x128xf32, #tpu.memory_space<vmem>>) dst(%dma_wait3A_117 : memref<80x128xf32, #tpu.memory_space<vmem_shared>>)
    %add3A_118 = arith.constant 400 : i32
    %add3A_119 = arith.addi %mul3A_2, %add3A_118 : i32
    %dma_wait3A_120 = arith.constant 0 : i32
    %dma_wait3A_121 = tpu.memref_slice %arg11[%add3A_119, %dma_wait3A_120] : memref<10240x128xf32, #tpu.memory_space<vmem_shared>> -> memref<80x128xf32, #tpu.memory_space<vmem_shared>>
    %dma_wait3A_122 = arith.constant 0 : i32
    %dma_wait3A_123 = tpu.memref_slice %arg11[%add3A_119, %dma_wait3A_122] : memref<10240x128xf32, #tpu.memory_space<vmem_shared>> -> memref<80x128xf32, #tpu.memory_space<vmem_shared>>
    tpu.wait_dma2 semaphore(%arg13 : memref<!tpu.dma_semaphore, #tpu.memory_space<semaphore_mem>>) src(%arg10 : memref<80x128xf32, #tpu.memory_space<vmem>>) dst(%dma_wait3A_123 : memref<80x128xf32, #tpu.memory_space<vmem_shared>>)
    %add3A_124 = arith.constant 480 : i32
    %add3A_125 = arith.addi %mul3A_2, %add3A_124 : i32
    %dma_wait3A_126 = arith.constant 0 : i32
    %dma_wait3A_127 = tpu.memref_slice %arg11[%add3A_125, %dma_wait3A_126] : memref<10240x128xf32, #tpu.memory_space<vmem_shared>> -> memref<80x128xf32, #tpu.memory_space<vmem_shared>>
    %dma_wait3A_128 = arith.constant 0 : i32
    %dma_wait3A_129 = tpu.memref_slice %arg11[%add3A_125, %dma_wait3A_128] : memref<10240x128xf32, #tpu.memory_space<vmem_shared>> -> memref<80x128xf32, #tpu.memory_space<vmem_shared>>
    tpu.wait_dma2 semaphore(%arg13 : memref<!tpu.dma_semaphore, #tpu.memory_space<semaphore_mem>>) src(%arg10 : memref<80x128xf32, #tpu.memory_space<vmem>>) dst(%dma_wait3A_129 : memref<80x128xf32, #tpu.memory_space<vmem_shared>>)
    %add3A_130 = arith.constant 560 : i32
    %add3A_131 = arith.addi %mul3A_2, %add3A_130 : i32
    %dma_wait3A_132 = arith.constant 0 : i32
    %dma_wait3A_133 = tpu.memref_slice %arg11[%add3A_131, %dma_wait3A_132] : memref<10240x128xf32, #tpu.memory_space<vmem_shared>> -> memref<80x128xf32, #tpu.memory_space<vmem_shared>>
    %dma_wait3A_134 = arith.constant 0 : i32
    %dma_wait3A_135 = tpu.memref_slice %arg11[%add3A_131, %dma_wait3A_134] : memref<10240x128xf32, #tpu.memory_space<vmem_shared>> -> memref<80x128xf32, #tpu.memory_space<vmem_shared>>
    tpu.wait_dma2 semaphore(%arg13 : memref<!tpu.dma_semaphore, #tpu.memory_space<semaphore_mem>>) src(%arg10 : memref<80x128xf32, #tpu.memory_space<vmem>>) dst(%dma_wait3A_135 : memref<80x128xf32, #tpu.memory_space<vmem_shared>>)
    %barrier3A = arith.constant 0 : index
    tpu.barrier barrier_id(%barrier3A)
    %scan3A_136 = arith.constant 0 : i32
    %scan3A_137 = arith.constant 0 : i32
    %scan3A_138 = arith.constant 62 : i32
    %scan3A_139 = arith.addi %scan3A_137, %scan3A_138 : i32
    %scan3A_140 = arith.constant 1 : i32
    %scan3A_141 = scf.for %scan3A_155 = %scan3A_137 to %scan3A_139 step %scan3A_140 iter_args(%scan3A_156 = %scan3A_136) -> (i32)  : i32 {
      %mul3A_157 = arith.constant 2 : i32
      %mul3A_158 = arith.muli %mul3A_157, %scan3A_155 : i32
      %mul3A_159 = arith.constant 2 : i32
      %mul3A_160 = arith.muli %mul3A_159, %scan3A_155 : i32
      %add3A_161 = arith.constant 1 : i32
      %add3A_162 = arith.addi %mul3A_160, %add3A_161 : i32
      %mul3A_163 = arith.constant 80 : i32
      %mul3A_164 = arith.muli %add3A_162, %mul3A_163 : i32
      %dma_start3A_165 = tpu.memref_slice %arg7[%mul3A_164] : memref<10000xi32, #tpu.memory_space<vmem>> -> memref<80xi32, #tpu.memory_space<vmem>>
      %dma_start3A_166 = arith.constant 0 : i32
      %dma_start3A_167 = arith.constant 0 : i32
      %dma_start3A_168 = tpu.memref_slice %arg2[%dma_start3A_166, %dma_start3A_167] : memref<10240x128xf32, #tpu.memory_space<hbm>> -> memref<10240x128xf32, #tpu.memory_space<hbm>>
      tpu.enqueue_indirect_dma source(%dma_start3A_168 : memref<10240x128xf32, #tpu.memory_space<hbm>>) target(%arg10 : memref<80x128xf32, #tpu.memory_space<vmem>>) offsets(%dma_start3A_165 : memref<80xi32, #tpu.memory_space<vmem>>) semaphore(%arg13 : memref<!tpu.dma_semaphore, #tpu.memory_space<semaphore_mem>>)
      %mul3A_169 = arith.constant 80 : i32
      %mul3A_170 = arith.muli %mul3A_158, %mul3A_169 : i32
      %dma_wait3A_171 = tpu.memref_slice %arg7[%mul3A_170] : memref<10000xi32, #tpu.memory_space<vmem>> -> memref<80xi32, #tpu.memory_space<vmem>>
      %dma_wait3A_172 = arith.constant 0 : i32
      %dma_wait3A_173 = arith.constant 0 : i32
      %dma_wait3A_174 = tpu.memref_slice %arg2[%dma_wait3A_172, %dma_wait3A_173] : memref<10240x128xf32, #tpu.memory_space<hbm>> -> memref<10240x128xf32, #tpu.memory_space<hbm>>
      tpu.wait_indirect_dma semaphore(%arg12 : memref<!tpu.dma_semaphore, #tpu.memory_space<semaphore_mem>>) src(%dma_wait3A_174 : memref<10240x128xf32, #tpu.memory_space<hbm>>) dst(%arg9 : memref<80x128xf32, #tpu.memory_space<vmem>>)
      "tpu.region"() ({
        %run_scoped3A_190 = tpu.sem_alloc : memref<!tpu.dma_semaphore, #tpu.memory_space<semaphore_mem>>
        %dma_start3A_191 = arith.constant 0 : i32
        %dma_start3A_192 = tpu.memref_slice %arg8[%mul3A_158, %dma_start3A_191] : memref<125x80xi32, #tpu.memory_space<vmem>> -> memref<1x80xi32, #tpu.memory_space<vmem>>
        %dma_start3A_193 = tpu.memref_squeeze %dma_start3A_192 : memref<1x80xi32, #tpu.memory_space<vmem>> -> memref<80xi32, #tpu.memory_space<vmem>>
        %dma_start3A_194 = arith.constant 0 : i32
        %dma_start3A_195 = arith.constant 0 : i32
        %dma_start3A_196 = tpu.memref_slice %arg11[%dma_start3A_194, %dma_start3A_195] : memref<10240x128xf32, #tpu.memory_space<vmem_shared>> -> memref<10240x128xf32, #tpu.memory_space<vmem_shared>>
        tpu.enqueue_indirect_dma source(%arg9 : memref<80x128xf32, #tpu.memory_space<vmem>>) target(%dma_start3A_196 : memref<10240x128xf32, #tpu.memory_space<vmem_shared>>) offsets(%dma_start3A_193 : memref<80xi32, #tpu.memory_space<vmem>>) semaphore(%run_scoped3A_190 : memref<!tpu.dma_semaphore, #tpu.memory_space<semaphore_mem>>) {add = true}
        %dma_wait3A_197 = arith.constant 0 : i32
        %dma_wait3A_198 = tpu.memref_slice %arg8[%mul3A_158, %dma_wait3A_197] : memref<125x80xi32, #tpu.memory_space<vmem>> -> memref<1x80xi32, #tpu.memory_space<vmem>>
        %dma_wait3A_199 = tpu.memref_squeeze %dma_wait3A_198 : memref<1x80xi32, #tpu.memory_space<vmem>> -> memref<80xi32, #tpu.memory_space<vmem>>
        %dma_wait3A_200 = arith.constant 0 : i32
        %dma_wait3A_201 = arith.constant 0 : i32
        %dma_wait3A_202 = tpu.memref_slice %arg11[%dma_wait3A_200, %dma_wait3A_201] : memref<10240x128xf32, #tpu.memory_space<vmem_shared>> -> memref<10240x128xf32, #tpu.memory_space<vmem_shared>>
        tpu.wait_indirect_dma semaphore(%run_scoped3A_190 : memref<!tpu.dma_semaphore, #tpu.memory_space<semaphore_mem>>) src(%arg9 : memref<80x128xf32, #tpu.memory_space<vmem>>) dst(%dma_wait3A_202 : memref<10240x128xf32, #tpu.memory_space<vmem_shared>>)
        tpu.yield
      }) : () -> ()
      %add3A_175 = arith.constant 2 : i32
      %add3A_176 = arith.addi %mul3A_158, %add3A_175 : i32
      %mul3A_177 = arith.constant 80 : i32
      %mul3A_178 = arith.muli %add3A_176, %mul3A_177 : i32
      %dma_start3A_179 = tpu.memref_slice %arg7[%mul3A_178] : memref<10000xi32, #tpu.memory_space<vmem>> -> memref<80xi32, #tpu.memory_space<vmem>>
      %dma_start3A_180 = arith.constant 0 : i32
      %dma_start3A_181 = arith.constant 0 : i32
      %dma_start3A_182 = tpu.memref_slice %arg2[%dma_start3A_180, %dma_start3A_181] : memref<10240x128xf32, #tpu.memory_space<hbm>> -> memref<10240x128xf32, #tpu.memory_space<hbm>>
      tpu.enqueue_indirect_dma source(%dma_start3A_182 : memref<10240x128xf32, #tpu.memory_space<hbm>>) target(%arg9 : memref<80x128xf32, #tpu.memory_space<vmem>>) offsets(%dma_start3A_179 : memref<80xi32, #tpu.memory_space<vmem>>) semaphore(%arg12 : memref<!tpu.dma_semaphore, #tpu.memory_space<semaphore_mem>>)
      %mul3A_183 = arith.constant 80 : i32
      %mul3A_184 = arith.muli %add3A_162, %mul3A_183 : i32
      %dma_wait3A_185 = tpu.memref_slice %arg7[%mul3A_184] : memref<10000xi32, #tpu.memory_space<vmem>> -> memref<80xi32, #tpu.memory_space<vmem>>
      %dma_wait3A_186 = arith.constant 0 : i32
      %dma_wait3A_187 = arith.constant 0 : i32
      %dma_wait3A_188 = tpu.memref_slice %arg2[%dma_wait3A_186, %dma_wait3A_187] : memref<10240x128xf32, #tpu.memory_space<hbm>> -> memref<10240x128xf32, #tpu.memory_space<hbm>>
      tpu.wait_indirect_dma semaphore(%arg13 : memref<!tpu.dma_semaphore, #tpu.memory_space<semaphore_mem>>) src(%dma_wait3A_188 : memref<10240x128xf32, #tpu.memory_space<hbm>>) dst(%arg10 : memref<80x128xf32, #tpu.memory_space<vmem>>)
      "tpu.region"() ({
        %run_scoped3A_190 = tpu.sem_alloc : memref<!tpu.dma_semaphore, #tpu.memory_space<semaphore_mem>>
        %dma_start3A_191 = arith.constant 0 : i32
        %dma_start3A_192 = tpu.memref_slice %arg8[%add3A_162, %dma_start3A_191] : memref<125x80xi32, #tpu.memory_space<vmem>> -> memref<1x80xi32, #tpu.memory_space<vmem>>
        %dma_start3A_193 = tpu.memref_squeeze %dma_start3A_192 : memref<1x80xi32, #tpu.memory_space<vmem>> -> memref<80xi32, #tpu.memory_space<vmem>>
        %dma_start3A_194 = arith.constant 0 : i32
        %dma_start3A_195 = arith.constant 0 : i32
        %dma_start3A_196 = tpu.memref_slice %arg11[%dma_start3A_194, %dma_start3A_195] : memref<10240x128xf32, #tpu.memory_space<vmem_shared>> -> memref<10240x128xf32, #tpu.memory_space<vmem_shared>>
        tpu.enqueue_indirect_dma source(%arg10 : memref<80x128xf32, #tpu.memory_space<vmem>>) target(%dma_start3A_196 : memref<10240x128xf32, #tpu.memory_space<vmem_shared>>) offsets(%dma_start3A_193 : memref<80xi32, #tpu.memory_space<vmem>>) semaphore(%run_scoped3A_190 : memref<!tpu.dma_semaphore, #tpu.memory_space<semaphore_mem>>) {add = true}
        %dma_wait3A_197 = arith.constant 0 : i32
        %dma_wait3A_198 = tpu.memref_slice %arg8[%add3A_162, %dma_wait3A_197] : memref<125x80xi32, #tpu.memory_space<vmem>> -> memref<1x80xi32, #tpu.memory_space<vmem>>
        %dma_wait3A_199 = tpu.memref_squeeze %dma_wait3A_198 : memref<1x80xi32, #tpu.memory_space<vmem>> -> memref<80xi32, #tpu.memory_space<vmem>>
        %dma_wait3A_200 = arith.constant 0 : i32
        %dma_wait3A_201 = arith.constant 0 : i32
        %dma_wait3A_202 = tpu.memref_slice %arg11[%dma_wait3A_200, %dma_wait3A_201] : memref<10240x128xf32, #tpu.memory_space<vmem_shared>> -> memref<10240x128xf32, #tpu.memory_space<vmem_shared>>
        tpu.wait_indirect_dma semaphore(%run_scoped3A_190 : memref<!tpu.dma_semaphore, #tpu.memory_space<semaphore_mem>>) src(%arg10 : memref<80x128xf32, #tpu.memory_space<vmem>>) dst(%dma_wait3A_202 : memref<10240x128xf32, #tpu.memory_space<vmem_shared>>)
        tpu.yield
      }) : () -> ()
      %scan3A_189 = arith.constant 0 : i32
      scf.yield %scan3A_189 : i32
    }
    %scan3A_142 = arith.constant 62 : i32
    %dma_wait3A_143 = arith.constant 9920 : i32
    %dma_wait3A_144 = tpu.memref_slice %arg7[%dma_wait3A_143] : memref<10000xi32, #tpu.memory_space<vmem>> -> memref<80xi32, #tpu.memory_space<vmem>>
    %dma_wait3A_145 = arith.constant 0 : i32
    %dma_wait3A_146 = arith.constant 0 : i32
    %dma_wait3A_147 = tpu.memref_slice %arg2[%dma_wait3A_145, %dma_wait3A_146] : memref<10240x128xf32, #tpu.memory_space<hbm>> -> memref<10240x128xf32, #tpu.memory_space<hbm>>
    tpu.wait_indirect_dma semaphore(%arg12 : memref<!tpu.dma_semaphore, #tpu.memory_space<semaphore_mem>>) src(%dma_wait3A_147 : memref<10240x128xf32, #tpu.memory_space<hbm>>) dst(%arg9 : memref<80x128xf32, #tpu.memory_space<vmem>>)
    %run_scoped3A = arith.constant 124 : i32
    "tpu.region"() ({
      %run_scoped3A_155 = tpu.sem_alloc : memref<!tpu.dma_semaphore, #tpu.memory_space<semaphore_mem>>
      %dma_start3A_156 = arith.constant 0 : i32
      %dma_start3A_157 = tpu.memref_slice %arg8[%run_scoped3A, %dma_start3A_156] : memref<125x80xi32, #tpu.memory_space<vmem>> -> memref<1x80xi32, #tpu.memory_space<vmem>>
      %dma_start3A_158 = tpu.memref_squeeze %dma_start3A_157 : memref<1x80xi32, #tpu.memory_space<vmem>> -> memref<80xi32, #tpu.memory_space<vmem>>
      %dma_start3A_159 = arith.constant 0 : i32
      %dma_start3A_160 = arith.constant 0 : i32
      %dma_start3A_161 = tpu.memref_slice %arg11[%dma_start3A_159, %dma_start3A_160] : memref<10240x128xf32, #tpu.memory_space<vmem_shared>> -> memref<10240x128xf32, #tpu.memory_space<vmem_shared>>
      tpu.enqueue_indirect_dma source(%arg9 : memref<80x128xf32, #tpu.memory_space<vmem>>) target(%dma_start3A_161 : memref<10240x128xf32, #tpu.memory_space<vmem_shared>>) offsets(%dma_start3A_158 : memref<80xi32, #tpu.memory_space<vmem>>) semaphore(%run_scoped3A_155 : memref<!tpu.dma_semaphore, #tpu.memory_space<semaphore_mem>>) {add = true}
      %dma_wait3A_162 = arith.constant 0 : i32
      %dma_wait3A_163 = tpu.memref_slice %arg8[%run_scoped3A, %dma_wait3A_162] : memref<125x80xi32, #tpu.memory_space<vmem>> -> memref<1x80xi32, #tpu.memory_space<vmem>>
      %dma_wait3A_164 = tpu.memref_squeeze %dma_wait3A_163 : memref<1x80xi32, #tpu.memory_space<vmem>> -> memref<80xi32, #tpu.memory_space<vmem>>
      %dma_wait3A_165 = arith.constant 0 : i32
      %dma_wait3A_166 = arith.constant 0 : i32
      %dma_wait3A_167 = tpu.memref_slice %arg11[%dma_wait3A_165, %dma_wait3A_166] : memref<10240x128xf32, #tpu.memory_space<vmem_shared>> -> memref<10240x128xf32, #tpu.memory_space<vmem_shared>>
      tpu.wait_indirect_dma semaphore(%run_scoped3A_155 : memref<!tpu.dma_semaphore, #tpu.memory_space<semaphore_mem>>) src(%arg9 : memref<80x128xf32, #tpu.memory_space<vmem>>) dst(%dma_wait3A_167 : memref<10240x128xf32, #tpu.memory_space<vmem_shared>>)
      tpu.yield
    }) : () -> ()
    %barrier3A_148 = arith.constant 0 : index
    tpu.barrier barrier_id(%barrier3A_148)
    %eq3A = arith.constant 0 : i32
    %eq3A_149 = arith.cmpi eq, %arg0, %eq3A : i32
    %convert_element_type3A = arith.extui %eq3A_149 : i1 to i32
    %cond3A = arith.constant 0 : i32
    %cond3A_150 = arith.cmpi ne, %convert_element_type3A, %cond3A : i32
    scf.if %cond3A_150 {
      %add3A_155 = arith.constant 0 : i32
      %add3A_156 = arith.addi %mul3A_2, %add3A_155 : i32
      "tpu.region"() ({
        %run_scoped3A_251 = tpu.sem_alloc : memref<!tpu.dma_semaphore, #tpu.memory_space<semaphore_mem>>
        %dma_start3A_252 = arith.constant 0 : i32
        %dma_start3A_253 = tpu.memref_slice %arg11[%add3A_156, %dma_start3A_252] : memref<10240x128xf32, #tpu.memory_space<vmem_shared>> -> memref<80x128xf32, #tpu.memory_space<vmem_shared>>
        %dma_start3A_254 = arith.constant 0 : i32
        %dma_start3A_255 = tpu.memref_slice %arg11[%add3A_156, %dma_start3A_254] : memref<10240x128xf32, #tpu.memory_space<vmem_shared>> -> memref<80x128xf32, #tpu.memory_space<vmem_shared>>
        tpu.enqueue_dma source(%dma_start3A_255 : memref<80x128xf32, #tpu.memory_space<vmem_shared>>) target(%arg9 : memref<80x128xf32, #tpu.memory_space<vmem>>) target_semaphore(%run_scoped3A_251 : memref<!tpu.dma_semaphore, #tpu.memory_space<semaphore_mem>>)
        %dma_wait3A_256 = arith.constant 0 : i32
        %dma_wait3A_257 = tpu.memref_slice %arg11[%add3A_156, %dma_wait3A_256] : memref<10240x128xf32, #tpu.memory_space<vmem_shared>> -> memref<80x128xf32, #tpu.memory_space<vmem_shared>>
        %dma_wait3A_258 = arith.constant 0 : i32
        %dma_wait3A_259 = tpu.memref_slice %arg11[%add3A_156, %dma_wait3A_258] : memref<10240x128xf32, #tpu.memory_space<vmem_shared>> -> memref<80x128xf32, #tpu.memory_space<vmem_shared>>
        tpu.wait_dma2 semaphore(%run_scoped3A_251 : memref<!tpu.dma_semaphore, #tpu.memory_space<semaphore_mem>>) src(%dma_wait3A_259 : memref<80x128xf32, #tpu.memory_space<vmem_shared>>) dst(%arg9 : memref<80x128xf32, #tpu.memory_space<vmem>>)
        tpu.yield
      }) : () -> ()
      %dma_start3A_157 = arith.constant 0 : i32
      %dma_start3A_158 = tpu.memref_slice %arg5[%add3A_156, %dma_start3A_157] : memref<10240x128xf32, #tpu.memory_space<hbm>> -> memref<80x128xf32, #tpu.memory_space<hbm>>
      %dma_start3A_159 = arith.constant 0 : i32
      %dma_start3A_160 = tpu.memref_slice %arg5[%add3A_156, %dma_start3A_159] : memref<10240x128xf32, #tpu.memory_space<hbm>> -> memref<80x128xf32, #tpu.memory_space<hbm>>
      tpu.enqueue_dma source(%arg9 : memref<80x128xf32, #tpu.memory_space<vmem>>) target(%dma_start3A_160 : memref<80x128xf32, #tpu.memory_space<hbm>>) target_semaphore(%arg12 : memref<!tpu.dma_semaphore, #tpu.memory_space<semaphore_mem>>)
      %add3A_161 = arith.constant 80 : i32
      %add3A_162 = arith.addi %mul3A_2, %add3A_161 : i32
      "tpu.region"() ({
        %run_scoped3A_251 = tpu.sem_alloc : memref<!tpu.dma_semaphore, #tpu.memory_space<semaphore_mem>>
        %dma_start3A_252 = arith.constant 0 : i32
        %dma_start3A_253 = tpu.memref_slice %arg11[%add3A_162, %dma_start3A_252] : memref<10240x128xf32, #tpu.memory_space<vmem_shared>> -> memref<80x128xf32, #tpu.memory_space<vmem_shared>>
        %dma_start3A_254 = arith.constant 0 : i32
        %dma_start3A_255 = tpu.memref_slice %arg11[%add3A_162, %dma_start3A_254] : memref<10240x128xf32, #tpu.memory_space<vmem_shared>> -> memref<80x128xf32, #tpu.memory_space<vmem_shared>>
        tpu.enqueue_dma source(%dma_start3A_255 : memref<80x128xf32, #tpu.memory_space<vmem_shared>>) target(%arg10 : memref<80x128xf32, #tpu.memory_space<vmem>>) target_semaphore(%run_scoped3A_251 : memref<!tpu.dma_semaphore, #tpu.memory_space<semaphore_mem>>)
        %dma_wait3A_256 = arith.constant 0 : i32
        %dma_wait3A_257 = tpu.memref_slice %arg11[%add3A_162, %dma_wait3A_256] : memref<10240x128xf32, #tpu.memory_space<vmem_shared>> -> memref<80x128xf32, #tpu.memory_space<vmem_shared>>
        %dma_wait3A_258 = arith.constant 0 : i32
        %dma_wait3A_259 = tpu.memref_slice %arg11[%add3A_162, %dma_wait3A_258] : memref<10240x128xf32, #tpu.memory_space<vmem_shared>> -> memref<80x128xf32, #tpu.memory_space<vmem_shared>>
        tpu.wait_dma2 semaphore(%run_scoped3A_251 : memref<!tpu.dma_semaphore, #tpu.memory_space<semaphore_mem>>) src(%dma_wait3A_259 : memref<80x128xf32, #tpu.memory_space<vmem_shared>>) dst(%arg10 : memref<80x128xf32, #tpu.memory_space<vmem>>)
        tpu.yield
      }) : () -> ()
      %dma_start3A_163 = arith.constant 0 : i32
      %dma_start3A_164 = tpu.memref_slice %arg5[%add3A_162, %dma_start3A_163] : memref<10240x128xf32, #tpu.memory_space<hbm>> -> memref<80x128xf32, #tpu.memory_space<hbm>>
      %dma_start3A_165 = arith.constant 0 : i32
      %dma_start3A_166 = tpu.memref_slice %arg5[%add3A_162, %dma_start3A_165] : memref<10240x128xf32, #tpu.memory_space<hbm>> -> memref<80x128xf32, #tpu.memory_space<hbm>>
      tpu.enqueue_dma source(%arg10 : memref<80x128xf32, #tpu.memory_space<vmem>>) target(%dma_start3A_166 : memref<80x128xf32, #tpu.memory_space<hbm>>) target_semaphore(%arg13 : memref<!tpu.dma_semaphore, #tpu.memory_space<semaphore_mem>>)
      %add3A_167 = arith.constant 160 : i32
      %add3A_168 = arith.addi %mul3A_2, %add3A_167 : i32
      %add3A_169 = arith.constant 0 : i32
      %add3A_170 = arith.addi %mul3A_2, %add3A_169 : i32
      %dma_wait3A_171 = arith.constant 0 : i32
      %dma_wait3A_172 = tpu.memref_slice %arg5[%add3A_170, %dma_wait3A_171] : memref<10240x128xf32, #tpu.memory_space<hbm>> -> memref<80x128xf32, #tpu.memory_space<hbm>>
      %dma_wait3A_173 = arith.constant 0 : i32
      %dma_wait3A_174 = tpu.memref_slice %arg5[%add3A_170, %dma_wait3A_173] : memref<10240x128xf32, #tpu.memory_space<hbm>> -> memref<80x128xf32, #tpu.memory_space<hbm>>
      tpu.wait_dma2 semaphore(%arg12 : memref<!tpu.dma_semaphore, #tpu.memory_space<semaphore_mem>>) src(%arg9 : memref<80x128xf32, #tpu.memory_space<vmem>>) dst(%dma_wait3A_174 : memref<80x128xf32, #tpu.memory_space<hbm>>)
      "tpu.region"() ({
        %run_scoped3A_251 = tpu.sem_alloc : memref<!tpu.dma_semaphore, #tpu.memory_space<semaphore_mem>>
        %dma_start3A_252 = arith.constant 0 : i32
        %dma_start3A_253 = tpu.memref_slice %arg11[%add3A_168, %dma_start3A_252] : memref<10240x128xf32, #tpu.memory_space<vmem_shared>> -> memref<80x128xf32, #tpu.memory_space<vmem_shared>>
        %dma_start3A_254 = arith.constant 0 : i32
        %dma_start3A_255 = tpu.memref_slice %arg11[%add3A_168, %dma_start3A_254] : memref<10240x128xf32, #tpu.memory_space<vmem_shared>> -> memref<80x128xf32, #tpu.memory_space<vmem_shared>>
        tpu.enqueue_dma source(%dma_start3A_255 : memref<80x128xf32, #tpu.memory_space<vmem_shared>>) target(%arg9 : memref<80x128xf32, #tpu.memory_space<vmem>>) target_semaphore(%run_scoped3A_251 : memref<!tpu.dma_semaphore, #tpu.memory_space<semaphore_mem>>)
        %dma_wait3A_256 = arith.constant 0 : i32
        %dma_wait3A_257 = tpu.memref_slice %arg11[%add3A_168, %dma_wait3A_256] : memref<10240x128xf32, #tpu.memory_space<vmem_shared>> -> memref<80x128xf32, #tpu.memory_space<vmem_shared>>
        %dma_wait3A_258 = arith.constant 0 : i32
        %dma_wait3A_259 = tpu.memref_slice %arg11[%add3A_168, %dma_wait3A_258] : memref<10240x128xf32, #tpu.memory_space<vmem_shared>> -> memref<80x128xf32, #tpu.memory_space<vmem_shared>>
        tpu.wait_dma2 semaphore(%run_scoped3A_251 : memref<!tpu.dma_semaphore, #tpu.memory_space<semaphore_mem>>) src(%dma_wait3A_259 : memref<80x128xf32, #tpu.memory_space<vmem_shared>>) dst(%arg9 : memref<80x128xf32, #tpu.memory_space<vmem>>)
        tpu.yield
      }) : () -> ()
      %dma_start3A_175 = arith.constant 0 : i32
      %dma_start3A_176 = tpu.memref_slice %arg5[%add3A_168, %dma_start3A_175] : memref<10240x128xf32, #tpu.memory_space<hbm>> -> memref<80x128xf32, #tpu.memory_space<hbm>>
      %dma_start3A_177 = arith.constant 0 : i32
      %dma_start3A_178 = tpu.memref_slice %arg5[%add3A_168, %dma_start3A_177] : memref<10240x128xf32, #tpu.memory_space<hbm>> -> memref<80x128xf32, #tpu.memory_space<hbm>>
      tpu.enqueue_dma source(%arg9 : memref<80x128xf32, #tpu.memory_space<vmem>>) target(%dma_start3A_178 : memref<80x128xf32, #tpu.memory_space<hbm>>) target_semaphore(%arg12 : memref<!tpu.dma_semaphore, #tpu.memory_space<semaphore_mem>>)
      %add3A_179 = arith.constant 240 : i32
      %add3A_180 = arith.addi %mul3A_2, %add3A_179 : i32
      %add3A_181 = arith.constant 80 : i32
      %add3A_182 = arith.addi %mul3A_2, %add3A_181 : i32
      %dma_wait3A_183 = arith.constant 0 : i32
      %dma_wait3A_184 = tpu.memref_slice %arg5[%add3A_182, %dma_wait3A_183] : memref<10240x128xf32, #tpu.memory_space<hbm>> -> memref<80x128xf32, #tpu.memory_space<hbm>>
      %dma_wait3A_185 = arith.constant 0 : i32
      %dma_wait3A_186 = tpu.memref_slice %arg5[%add3A_182, %dma_wait3A_185] : memref<10240x128xf32, #tpu.memory_space<hbm>> -> memref<80x128xf32, #tpu.memory_space<hbm>>
      tpu.wait_dma2 semaphore(%arg13 : memref<!tpu.dma_semaphore, #tpu.memory_space<semaphore_mem>>) src(%arg10 : memref<80x128xf32, #tpu.memory_space<vmem>>) dst(%dma_wait3A_186 : memref<80x128xf32, #tpu.memory_space<hbm>>)
      "tpu.region"() ({
        %run_scoped3A_251 = tpu.sem_alloc : memref<!tpu.dma_semaphore, #tpu.memory_space<semaphore_mem>>
        %dma_start3A_252 = arith.constant 0 : i32
        %dma_start3A_253 = tpu.memref_slice %arg11[%add3A_180, %dma_start3A_252] : memref<10240x128xf32, #tpu.memory_space<vmem_shared>> -> memref<80x128xf32, #tpu.memory_space<vmem_shared>>
        %dma_start3A_254 = arith.constant 0 : i32
        %dma_start3A_255 = tpu.memref_slice %arg11[%add3A_180, %dma_start3A_254] : memref<10240x128xf32, #tpu.memory_space<vmem_shared>> -> memref<80x128xf32, #tpu.memory_space<vmem_shared>>
        tpu.enqueue_dma source(%dma_start3A_255 : memref<80x128xf32, #tpu.memory_space<vmem_shared>>) target(%arg10 : memref<80x128xf32, #tpu.memory_space<vmem>>) target_semaphore(%run_scoped3A_251 : memref<!tpu.dma_semaphore, #tpu.memory_space<semaphore_mem>>)
        %dma_wait3A_256 = arith.constant 0 : i32
        %dma_wait3A_257 = tpu.memref_slice %arg11[%add3A_180, %dma_wait3A_256] : memref<10240x128xf32, #tpu.memory_space<vmem_shared>> -> memref<80x128xf32, #tpu.memory_space<vmem_shared>>
        %dma_wait3A_258 = arith.constant 0 : i32
        %dma_wait3A_259 = tpu.memref_slice %arg11[%add3A_180, %dma_wait3A_258] : memref<10240x128xf32, #tpu.memory_space<vmem_shared>> -> memref<80x128xf32, #tpu.memory_space<vmem_shared>>
        tpu.wait_dma2 semaphore(%run_scoped3A_251 : memref<!tpu.dma_semaphore, #tpu.memory_space<semaphore_mem>>) src(%dma_wait3A_259 : memref<80x128xf32, #tpu.memory_space<vmem_shared>>) dst(%arg10 : memref<80x128xf32, #tpu.memory_space<vmem>>)
        tpu.yield
      }) : () -> ()
      %dma_start3A_187 = arith.constant 0 : i32
      %dma_start3A_188 = tpu.memref_slice %arg5[%add3A_180, %dma_start3A_187] : memref<10240x128xf32, #tpu.memory_space<hbm>> -> memref<80x128xf32, #tpu.memory_space<hbm>>
      %dma_start3A_189 = arith.constant 0 : i32
      %dma_start3A_190 = tpu.memref_slice %arg5[%add3A_180, %dma_start3A_189] : memref<10240x128xf32, #tpu.memory_space<hbm>> -> memref<80x128xf32, #tpu.memory_space<hbm>>
      tpu.enqueue_dma source(%arg10 : memref<80x128xf32, #tpu.memory_space<vmem>>) target(%dma_start3A_190 : memref<80x128xf32, #tpu.memory_space<hbm>>) target_semaphore(%arg13 : memref<!tpu.dma_semaphore, #tpu.memory_space<semaphore_mem>>)
      %add3A_191 = arith.constant 320 : i32
      %add3A_192 = arith.addi %mul3A_2, %add3A_191 : i32
      %add3A_193 = arith.constant 160 : i32
      %add3A_194 = arith.addi %mul3A_2, %add3A_193 : i32
      %dma_wait3A_195 = arith.constant 0 : i32
      %dma_wait3A_196 = tpu.memref_slice %arg5[%add3A_194, %dma_wait3A_195] : memref<10240x128xf32, #tpu.memory_space<hbm>> -> memref<80x128xf32, #tpu.memory_space<hbm>>
      %dma_wait3A_197 = arith.constant 0 : i32
      %dma_wait3A_198 = tpu.memref_slice %arg5[%add3A_194, %dma_wait3A_197] : memref<10240x128xf32, #tpu.memory_space<hbm>> -> memref<80x128xf32, #tpu.memory_space<hbm>>
      tpu.wait_dma2 semaphore(%arg12 : memref<!tpu.dma_semaphore, #tpu.memory_space<semaphore_mem>>) src(%arg9 : memref<80x128xf32, #tpu.memory_space<vmem>>) dst(%dma_wait3A_198 : memref<80x128xf32, #tpu.memory_space<hbm>>)
      "tpu.region"() ({
        %run_scoped3A_251 = tpu.sem_alloc : memref<!tpu.dma_semaphore, #tpu.memory_space<semaphore_mem>>
        %dma_start3A_252 = arith.constant 0 : i32
        %dma_start3A_253 = tpu.memref_slice %arg11[%add3A_192, %dma_start3A_252] : memref<10240x128xf32, #tpu.memory_space<vmem_shared>> -> memref<80x128xf32, #tpu.memory_space<vmem_shared>>
        %dma_start3A_254 = arith.constant 0 : i32
        %dma_start3A_255 = tpu.memref_slice %arg11[%add3A_192, %dma_start3A_254] : memref<10240x128xf32, #tpu.memory_space<vmem_shared>> -> memref<80x128xf32, #tpu.memory_space<vmem_shared>>
        tpu.enqueue_dma source(%dma_start3A_255 : memref<80x128xf32, #tpu.memory_space<vmem_shared>>) target(%arg9 : memref<80x128xf32, #tpu.memory_space<vmem>>) target_semaphore(%run_scoped3A_251 : memref<!tpu.dma_semaphore, #tpu.memory_space<semaphore_mem>>)
        %dma_wait3A_256 = arith.constant 0 : i32
        %dma_wait3A_257 = tpu.memref_slice %arg11[%add3A_192, %dma_wait3A_256] : memref<10240x128xf32, #tpu.memory_space<vmem_shared>> -> memref<80x128xf32, #tpu.memory_space<vmem_shared>>
        %dma_wait3A_258 = arith.constant 0 : i32
        %dma_wait3A_259 = tpu.memref_slice %arg11[%add3A_192, %dma_wait3A_258] : memref<10240x128xf32, #tpu.memory_space<vmem_shared>> -> memref<80x128xf32, #tpu.memory_space<vmem_shared>>
        tpu.wait_dma2 semaphore(%run_scoped3A_251 : memref<!tpu.dma_semaphore, #tpu.memory_space<semaphore_mem>>) src(%dma_wait3A_259 : memref<80x128xf32, #tpu.memory_space<vmem_shared>>) dst(%arg9 : memref<80x128xf32, #tpu.memory_space<vmem>>)
        tpu.yield
      }) : () -> ()
      %dma_start3A_199 = arith.constant 0 : i32
      %dma_start3A_200 = tpu.memref_slice %arg5[%add3A_192, %dma_start3A_199] : memref<10240x128xf32, #tpu.memory_space<hbm>> -> memref<80x128xf32, #tpu.memory_space<hbm>>
      %dma_start3A_201 = arith.constant 0 : i32
      %dma_start3A_202 = tpu.memref_slice %arg5[%add3A_192, %dma_start3A_201] : memref<10240x128xf32, #tpu.memory_space<hbm>> -> memref<80x128xf32, #tpu.memory_space<hbm>>
      tpu.enqueue_dma source(%arg9 : memref<80x128xf32, #tpu.memory_space<vmem>>) target(%dma_start3A_202 : memref<80x128xf32, #tpu.memory_space<hbm>>) target_semaphore(%arg12 : memref<!tpu.dma_semaphore, #tpu.memory_space<semaphore_mem>>)
      %add3A_203 = arith.constant 400 : i32
      %add3A_204 = arith.addi %mul3A_2, %add3A_203 : i32
      %add3A_205 = arith.constant 240 : i32
      %add3A_206 = arith.addi %mul3A_2, %add3A_205 : i32
      %dma_wait3A_207 = arith.constant 0 : i32
      %dma_wait3A_208 = tpu.memref_slice %arg5[%add3A_206, %dma_wait3A_207] : memref<10240x128xf32, #tpu.memory_space<hbm>> -> memref<80x128xf32, #tpu.memory_space<hbm>>
      %dma_wait3A_209 = arith.constant 0 : i32
      %dma_wait3A_210 = tpu.memref_slice %arg5[%add3A_206, %dma_wait3A_209] : memref<10240x128xf32, #tpu.memory_space<hbm>> -> memref<80x128xf32, #tpu.memory_space<hbm>>
      tpu.wait_dma2 semaphore(%arg13 : memref<!tpu.dma_semaphore, #tpu.memory_space<semaphore_mem>>) src(%arg10 : memref<80x128xf32, #tpu.memory_space<vmem>>) dst(%dma_wait3A_210 : memref<80x128xf32, #tpu.memory_space<hbm>>)
      "tpu.region"() ({
        %run_scoped3A_251 = tpu.sem_alloc : memref<!tpu.dma_semaphore, #tpu.memory_space<semaphore_mem>>
        %dma_start3A_252 = arith.constant 0 : i32
        %dma_start3A_253 = tpu.memref_slice %arg11[%add3A_204, %dma_start3A_252] : memref<10240x128xf32, #tpu.memory_space<vmem_shared>> -> memref<80x128xf32, #tpu.memory_space<vmem_shared>>
        %dma_start3A_254 = arith.constant 0 : i32
        %dma_start3A_255 = tpu.memref_slice %arg11[%add3A_204, %dma_start3A_254] : memref<10240x128xf32, #tpu.memory_space<vmem_shared>> -> memref<80x128xf32, #tpu.memory_space<vmem_shared>>
        tpu.enqueue_dma source(%dma_start3A_255 : memref<80x128xf32, #tpu.memory_space<vmem_shared>>) target(%arg10 : memref<80x128xf32, #tpu.memory_space<vmem>>) target_semaphore(%run_scoped3A_251 : memref<!tpu.dma_semaphore, #tpu.memory_space<semaphore_mem>>)
        %dma_wait3A_256 = arith.constant 0 : i32
        %dma_wait3A_257 = tpu.memref_slice %arg11[%add3A_204, %dma_wait3A_256] : memref<10240x128xf32, #tpu.memory_space<vmem_shared>> -> memref<80x128xf32, #tpu.memory_space<vmem_shared>>
        %dma_wait3A_258 = arith.constant 0 : i32
        %dma_wait3A_259 = tpu.memref_slice %arg11[%add3A_204, %dma_wait3A_258] : memref<10240x128xf32, #tpu.memory_space<vmem_shared>> -> memref<80x128xf32, #tpu.memory_space<vmem_shared>>
        tpu.wait_dma2 semaphore(%run_scoped3A_251 : memref<!tpu.dma_semaphore, #tpu.memory_space<semaphore_mem>>) src(%dma_wait3A_259 : memref<80x128xf32, #tpu.memory_space<vmem_shared>>) dst(%arg10 : memref<80x128xf32, #tpu.memory_space<vmem>>)
        tpu.yield
      }) : () -> ()
      %dma_start3A_211 = arith.constant 0 : i32
      %dma_start3A_212 = tpu.memref_slice %arg5[%add3A_204, %dma_start3A_211] : memref<10240x128xf32, #tpu.memory_space<hbm>> -> memref<80x128xf32, #tpu.memory_space<hbm>>
      %dma_start3A_213 = arith.constant 0 : i32
      %dma_start3A_214 = tpu.memref_slice %arg5[%add3A_204, %dma_start3A_213] : memref<10240x128xf32, #tpu.memory_space<hbm>> -> memref<80x128xf32, #tpu.memory_space<hbm>>
      tpu.enqueue_dma source(%arg10 : memref<80x128xf32, #tpu.memory_space<vmem>>) target(%dma_start3A_214 : memref<80x128xf32, #tpu.memory_space<hbm>>) target_semaphore(%arg13 : memref<!tpu.dma_semaphore, #tpu.memory_space<semaphore_mem>>)
      %add3A_215 = arith.constant 480 : i32
      %add3A_216 = arith.addi %mul3A_2, %add3A_215 : i32
      %add3A_217 = arith.constant 320 : i32
      %add3A_218 = arith.addi %mul3A_2, %add3A_217 : i32
      %dma_wait3A_219 = arith.constant 0 : i32
      %dma_wait3A_220 = tpu.memref_slice %arg5[%add3A_218, %dma_wait3A_219] : memref<10240x128xf32, #tpu.memory_space<hbm>> -> memref<80x128xf32, #tpu.memory_space<hbm>>
      %dma_wait3A_221 = arith.constant 0 : i32
      %dma_wait3A_222 = tpu.memref_slice %arg5[%add3A_218, %dma_wait3A_221] : memref<10240x128xf32, #tpu.memory_space<hbm>> -> memref<80x128xf32, #tpu.memory_space<hbm>>
      tpu.wait_dma2 semaphore(%arg12 : memref<!tpu.dma_semaphore, #tpu.memory_space<semaphore_mem>>) src(%arg9 : memref<80x128xf32, #tpu.memory_space<vmem>>) dst(%dma_wait3A_222 : memref<80x128xf32, #tpu.memory_space<hbm>>)
      "tpu.region"() ({
        %run_scoped3A_251 = tpu.sem_alloc : memref<!tpu.dma_semaphore, #tpu.memory_space<semaphore_mem>>
        %dma_start3A_252 = arith.constant 0 : i32
        %dma_start3A_253 = tpu.memref_slice %arg11[%add3A_216, %dma_start3A_252] : memref<10240x128xf32, #tpu.memory_space<vmem_shared>> -> memref<80x128xf32, #tpu.memory_space<vmem_shared>>
        %dma_start3A_254 = arith.constant 0 : i32
        %dma_start3A_255 = tpu.memref_slice %arg11[%add3A_216, %dma_start3A_254] : memref<10240x128xf32, #tpu.memory_space<vmem_shared>> -> memref<80x128xf32, #tpu.memory_space<vmem_shared>>
        tpu.enqueue_dma source(%dma_start3A_255 : memref<80x128xf32, #tpu.memory_space<vmem_shared>>) target(%arg9 : memref<80x128xf32, #tpu.memory_space<vmem>>) target_semaphore(%run_scoped3A_251 : memref<!tpu.dma_semaphore, #tpu.memory_space<semaphore_mem>>)
        %dma_wait3A_256 = arith.constant 0 : i32
        %dma_wait3A_257 = tpu.memref_slice %arg11[%add3A_216, %dma_wait3A_256] : memref<10240x128xf32, #tpu.memory_space<vmem_shared>> -> memref<80x128xf32, #tpu.memory_space<vmem_shared>>
        %dma_wait3A_258 = arith.constant 0 : i32
        %dma_wait3A_259 = tpu.memref_slice %arg11[%add3A_216, %dma_wait3A_258] : memref<10240x128xf32, #tpu.memory_space<vmem_shared>> -> memref<80x128xf32, #tpu.memory_space<vmem_shared>>
        tpu.wait_dma2 semaphore(%run_scoped3A_251 : memref<!tpu.dma_semaphore, #tpu.memory_space<semaphore_mem>>) src(%dma_wait3A_259 : memref<80x128xf32, #tpu.memory_space<vmem_shared>>) dst(%arg9 : memref<80x128xf32, #tpu.memory_space<vmem>>)
        tpu.yield
      }) : () -> ()
      %dma_start3A_223 = arith.constant 0 : i32
      %dma_start3A_224 = tpu.memref_slice %arg5[%add3A_216, %dma_start3A_223] : memref<10240x128xf32, #tpu.memory_space<hbm>> -> memref<80x128xf32, #tpu.memory_space<hbm>>
      %dma_start3A_225 = arith.constant 0 : i32
      %dma_start3A_226 = tpu.memref_slice %arg5[%add3A_216, %dma_start3A_225] : memref<10240x128xf32, #tpu.memory_space<hbm>> -> memref<80x128xf32, #tpu.memory_space<hbm>>
      tpu.enqueue_dma source(%arg9 : memref<80x128xf32, #tpu.memory_space<vmem>>) target(%dma_start3A_226 : memref<80x128xf32, #tpu.memory_space<hbm>>) target_semaphore(%arg12 : memref<!tpu.dma_semaphore, #tpu.memory_space<semaphore_mem>>)
      %add3A_227 = arith.constant 560 : i32
      %add3A_228 = arith.addi %mul3A_2, %add3A_227 : i32
      %add3A_229 = arith.constant 400 : i32
      %add3A_230 = arith.addi %mul3A_2, %add3A_229 : i32
      %dma_wait3A_231 = arith.constant 0 : i32
      %dma_wait3A_232 = tpu.memref_slice %arg5[%add3A_230, %dma_wait3A_231] : memref<10240x128xf32, #tpu.memory_space<hbm>> -> memref<80x128xf32, #tpu.memory_space<hbm>>
      %dma_wait3A_233 = arith.constant 0 : i32
      %dma_wait3A_234 = tpu.memref_slice %arg5[%add3A_230, %dma_wait3A_233] : memref<10240x128xf32, #tpu.memory_space<hbm>> -> memref<80x128xf32, #tpu.memory_space<hbm>>
      tpu.wait_dma2 semaphore(%arg13 : memref<!tpu.dma_semaphore, #tpu.memory_space<semaphore_mem>>) src(%arg10 : memref<80x128xf32, #tpu.memory_space<vmem>>) dst(%dma_wait3A_234 : memref<80x128xf32, #tpu.memory_space<hbm>>)
      "tpu.region"() ({
        %run_scoped3A_251 = tpu.sem_alloc : memref<!tpu.dma_semaphore, #tpu.memory_space<semaphore_mem>>
        %dma_start3A_252 = arith.constant 0 : i32
        %dma_start3A_253 = tpu.memref_slice %arg11[%add3A_228, %dma_start3A_252] : memref<10240x128xf32, #tpu.memory_space<vmem_shared>> -> memref<80x128xf32, #tpu.memory_space<vmem_shared>>
        %dma_start3A_254 = arith.constant 0 : i32
        %dma_start3A_255 = tpu.memref_slice %arg11[%add3A_228, %dma_start3A_254] : memref<10240x128xf32, #tpu.memory_space<vmem_shared>> -> memref<80x128xf32, #tpu.memory_space<vmem_shared>>
        tpu.enqueue_dma source(%dma_start3A_255 : memref<80x128xf32, #tpu.memory_space<vmem_shared>>) target(%arg10 : memref<80x128xf32, #tpu.memory_space<vmem>>) target_semaphore(%run_scoped3A_251 : memref<!tpu.dma_semaphore, #tpu.memory_space<semaphore_mem>>)
        %dma_wait3A_256 = arith.constant 0 : i32
        %dma_wait3A_257 = tpu.memref_slice %arg11[%add3A_228, %dma_wait3A_256] : memref<10240x128xf32, #tpu.memory_space<vmem_shared>> -> memref<80x128xf32, #tpu.memory_space<vmem_shared>>
        %dma_wait3A_258 = arith.constant 0 : i32
        %dma_wait3A_259 = tpu.memref_slice %arg11[%add3A_228, %dma_wait3A_258] : memref<10240x128xf32, #tpu.memory_space<vmem_shared>> -> memref<80x128xf32, #tpu.memory_space<vmem_shared>>
        tpu.wait_dma2 semaphore(%run_scoped3A_251 : memref<!tpu.dma_semaphore, #tpu.memory_space<semaphore_mem>>) src(%dma_wait3A_259 : memref<80x128xf32, #tpu.memory_space<vmem_shared>>) dst(%arg10 : memref<80x128xf32, #tpu.memory_space<vmem>>)
        tpu.yield
      }) : () -> ()
      %dma_start3A_235 = arith.constant 0 : i32
      %dma_start3A_236 = tpu.memref_slice %arg5[%add3A_228, %dma_start3A_235] : memref<10240x128xf32, #tpu.memory_space<hbm>> -> memref<80x128xf32, #tpu.memory_space<hbm>>
      %dma_start3A_237 = arith.constant 0 : i32
      %dma_start3A_238 = tpu.memref_slice %arg5[%add3A_228, %dma_start3A_237] : memref<10240x128xf32, #tpu.memory_space<hbm>> -> memref<80x128xf32, #tpu.memory_space<hbm>>
      tpu.enqueue_dma source(%arg10 : memref<80x128xf32, #tpu.memory_space<vmem>>) target(%dma_start3A_238 : memref<80x128xf32, #tpu.memory_space<hbm>>) target_semaphore(%arg13 : memref<!tpu.dma_semaphore, #tpu.memory_space<semaphore_mem>>)
      %add3A_239 = arith.constant 480 : i32
      %add3A_240 = arith.addi %mul3A_2, %add3A_239 : i32
      %dma_wait3A_241 = arith.constant 0 : i32
      %dma_wait3A_242 = tpu.memref_slice %arg5[%add3A_240, %dma_wait3A_241] : memref<10240x128xf32, #tpu.memory_space<hbm>> -> memref<80x128xf32, #tpu.memory_space<hbm>>
      %dma_wait3A_243 = arith.constant 0 : i32
      %dma_wait3A_244 = tpu.memref_slice %arg5[%add3A_240, %dma_wait3A_243] : memref<10240x128xf32, #tpu.memory_space<hbm>> -> memref<80x128xf32, #tpu.memory_space<hbm>>
      tpu.wait_dma2 semaphore(%arg12 : memref<!tpu.dma_semaphore, #tpu.memory_space<semaphore_mem>>) src(%arg9 : memref<80x128xf32, #tpu.memory_space<vmem>>) dst(%dma_wait3A_244 : memref<80x128xf32, #tpu.memory_space<hbm>>)
      %add3A_245 = arith.constant 560 : i32
      %add3A_246 = arith.addi %mul3A_2, %add3A_245 : i32
      %dma_wait3A_247 = arith.constant 0 : i32
      %dma_wait3A_248 = tpu.memref_slice %arg5[%add3A_246, %dma_wait3A_247] : memref<10240x128xf32, #tpu.memory_space<hbm>> -> memref<80x128xf32, #tpu.memory_space<hbm>>
      %dma_wait3A_249 = arith.constant 0 : i32
      %dma_wait3A_250 = tpu.memref_slice %arg5[%add3A_246, %dma_wait3A_249] : memref<10240x128xf32, #tpu.memory_space<hbm>> -> memref<80x128xf32, #tpu.memory_space<hbm>>
      tpu.wait_dma2 semaphore(%arg13 : memref<!tpu.dma_semaphore, #tpu.memory_space<semaphore_mem>>) src(%arg10 : memref<80x128xf32, #tpu.memory_space<vmem>>) dst(%dma_wait3A_250 : memref<80x128xf32, #tpu.memory_space<hbm>>)
    } else {
    }
    %ne3A = arith.constant 0 : i32
    %ne3A_151 = arith.cmpi ne, %arg0, %ne3A : i32
    %convert_element_type3A_152 = arith.extui %ne3A_151 : i1 to i32
    %cond3A_153 = arith.constant 0 : i32
    %cond3A_154 = arith.cmpi ne, %convert_element_type3A_152, %cond3A_153 : i32
    scf.if %cond3A_154 {
      %add3A_155 = arith.constant 0 : i32
      %add3A_156 = arith.addi %mul3A_2, %add3A_155 : i32
      "tpu.region"() ({
        %run_scoped3A_251 = tpu.sem_alloc : memref<!tpu.dma_semaphore, #tpu.memory_space<semaphore_mem>>
        %dma_start3A_252 = arith.constant 0 : i32
        %dma_start3A_253 = tpu.memref_slice %arg11[%add3A_156, %dma_start3A_252] : memref<10240x128xf32, #tpu.memory_space<vmem_shared>> -> memref<80x128xf32, #tpu.memory_space<vmem_shared>>
        %dma_start3A_254 = arith.constant 0 : i32
        %dma_start3A_255 = tpu.memref_slice %arg11[%add3A_156, %dma_start3A_254] : memref<10240x128xf32, #tpu.memory_space<vmem_shared>> -> memref<80x128xf32, #tpu.memory_space<vmem_shared>>
        tpu.enqueue_dma source(%dma_start3A_255 : memref<80x128xf32, #tpu.memory_space<vmem_shared>>) target(%arg9 : memref<80x128xf32, #tpu.memory_space<vmem>>) target_semaphore(%run_scoped3A_251 : memref<!tpu.dma_semaphore, #tpu.memory_space<semaphore_mem>>)
        %dma_wait3A_256 = arith.constant 0 : i32
        %dma_wait3A_257 = tpu.memref_slice %arg11[%add3A_156, %dma_wait3A_256] : memref<10240x128xf32, #tpu.memory_space<vmem_shared>> -> memref<80x128xf32, #tpu.memory_space<vmem_shared>>
        %dma_wait3A_258 = arith.constant 0 : i32
        %dma_wait3A_259 = tpu.memref_slice %arg11[%add3A_156, %dma_wait3A_258] : memref<10240x128xf32, #tpu.memory_space<vmem_shared>> -> memref<80x128xf32, #tpu.memory_space<vmem_shared>>
        tpu.wait_dma2 semaphore(%run_scoped3A_251 : memref<!tpu.dma_semaphore, #tpu.memory_space<semaphore_mem>>) src(%dma_wait3A_259 : memref<80x128xf32, #tpu.memory_space<vmem_shared>>) dst(%arg9 : memref<80x128xf32, #tpu.memory_space<vmem>>)
        tpu.yield
      }) : () -> ()
      %dma_start3A_157 = arith.constant 0 : i32
      %dma_start3A_158 = tpu.memref_slice %arg6[%add3A_156, %dma_start3A_157] : memref<10240x128xf32, #tpu.memory_space<hbm>> -> memref<80x128xf32, #tpu.memory_space<hbm>>
      %dma_start3A_159 = arith.constant 0 : i32
      %dma_start3A_160 = tpu.memref_slice %arg6[%add3A_156, %dma_start3A_159] : memref<10240x128xf32, #tpu.memory_space<hbm>> -> memref<80x128xf32, #tpu.memory_space<hbm>>
      tpu.enqueue_dma source(%arg9 : memref<80x128xf32, #tpu.memory_space<vmem>>) target(%dma_start3A_160 : memref<80x128xf32, #tpu.memory_space<hbm>>) target_semaphore(%arg12 : memref<!tpu.dma_semaphore, #tpu.memory_space<semaphore_mem>>)
      %add3A_161 = arith.constant 80 : i32
      %add3A_162 = arith.addi %mul3A_2, %add3A_161 : i32
      "tpu.region"() ({
        %run_scoped3A_251 = tpu.sem_alloc : memref<!tpu.dma_semaphore, #tpu.memory_space<semaphore_mem>>
        %dma_start3A_252 = arith.constant 0 : i32
        %dma_start3A_253 = tpu.memref_slice %arg11[%add3A_162, %dma_start3A_252] : memref<10240x128xf32, #tpu.memory_space<vmem_shared>> -> memref<80x128xf32, #tpu.memory_space<vmem_shared>>
        %dma_start3A_254 = arith.constant 0 : i32
        %dma_start3A_255 = tpu.memref_slice %arg11[%add3A_162, %dma_start3A_254] : memref<10240x128xf32, #tpu.memory_space<vmem_shared>> -> memref<80x128xf32, #tpu.memory_space<vmem_shared>>
        tpu.enqueue_dma source(%dma_start3A_255 : memref<80x128xf32, #tpu.memory_space<vmem_shared>>) target(%arg10 : memref<80x128xf32, #tpu.memory_space<vmem>>) target_semaphore(%run_scoped3A_251 : memref<!tpu.dma_semaphore, #tpu.memory_space<semaphore_mem>>)
        %dma_wait3A_256 = arith.constant 0 : i32
        %dma_wait3A_257 = tpu.memref_slice %arg11[%add3A_162, %dma_wait3A_256] : memref<10240x128xf32, #tpu.memory_space<vmem_shared>> -> memref<80x128xf32, #tpu.memory_space<vmem_shared>>
        %dma_wait3A_258 = arith.constant 0 : i32
        %dma_wait3A_259 = tpu.memref_slice %arg11[%add3A_162, %dma_wait3A_258] : memref<10240x128xf32, #tpu.memory_space<vmem_shared>> -> memref<80x128xf32, #tpu.memory_space<vmem_shared>>
        tpu.wait_dma2 semaphore(%run_scoped3A_251 : memref<!tpu.dma_semaphore, #tpu.memory_space<semaphore_mem>>) src(%dma_wait3A_259 : memref<80x128xf32, #tpu.memory_space<vmem_shared>>) dst(%arg10 : memref<80x128xf32, #tpu.memory_space<vmem>>)
        tpu.yield
      }) : () -> ()
      %dma_start3A_163 = arith.constant 0 : i32
      %dma_start3A_164 = tpu.memref_slice %arg6[%add3A_162, %dma_start3A_163] : memref<10240x128xf32, #tpu.memory_space<hbm>> -> memref<80x128xf32, #tpu.memory_space<hbm>>
      %dma_start3A_165 = arith.constant 0 : i32
      %dma_start3A_166 = tpu.memref_slice %arg6[%add3A_162, %dma_start3A_165] : memref<10240x128xf32, #tpu.memory_space<hbm>> -> memref<80x128xf32, #tpu.memory_space<hbm>>
      tpu.enqueue_dma source(%arg10 : memref<80x128xf32, #tpu.memory_space<vmem>>) target(%dma_start3A_166 : memref<80x128xf32, #tpu.memory_space<hbm>>) target_semaphore(%arg13 : memref<!tpu.dma_semaphore, #tpu.memory_space<semaphore_mem>>)
      %add3A_167 = arith.constant 160 : i32
      %add3A_168 = arith.addi %mul3A_2, %add3A_167 : i32
      %add3A_169 = arith.constant 0 : i32
      %add3A_170 = arith.addi %mul3A_2, %add3A_169 : i32
      %dma_wait3A_171 = arith.constant 0 : i32
      %dma_wait3A_172 = tpu.memref_slice %arg6[%add3A_170, %dma_wait3A_171] : memref<10240x128xf32, #tpu.memory_space<hbm>> -> memref<80x128xf32, #tpu.memory_space<hbm>>
      %dma_wait3A_173 = arith.constant 0 : i32
      %dma_wait3A_174 = tpu.memref_slice %arg6[%add3A_170, %dma_wait3A_173] : memref<10240x128xf32, #tpu.memory_space<hbm>> -> memref<80x128xf32, #tpu.memory_space<hbm>>
      tpu.wait_dma2 semaphore(%arg12 : memref<!tpu.dma_semaphore, #tpu.memory_space<semaphore_mem>>) src(%arg9 : memref<80x128xf32, #tpu.memory_space<vmem>>) dst(%dma_wait3A_174 : memref<80x128xf32, #tpu.memory_space<hbm>>)
      "tpu.region"() ({
        %run_scoped3A_251 = tpu.sem_alloc : memref<!tpu.dma_semaphore, #tpu.memory_space<semaphore_mem>>
        %dma_start3A_252 = arith.constant 0 : i32
        %dma_start3A_253 = tpu.memref_slice %arg11[%add3A_168, %dma_start3A_252] : memref<10240x128xf32, #tpu.memory_space<vmem_shared>> -> memref<80x128xf32, #tpu.memory_space<vmem_shared>>
        %dma_start3A_254 = arith.constant 0 : i32
        %dma_start3A_255 = tpu.memref_slice %arg11[%add3A_168, %dma_start3A_254] : memref<10240x128xf32, #tpu.memory_space<vmem_shared>> -> memref<80x128xf32, #tpu.memory_space<vmem_shared>>
        tpu.enqueue_dma source(%dma_start3A_255 : memref<80x128xf32, #tpu.memory_space<vmem_shared>>) target(%arg9 : memref<80x128xf32, #tpu.memory_space<vmem>>) target_semaphore(%run_scoped3A_251 : memref<!tpu.dma_semaphore, #tpu.memory_space<semaphore_mem>>)
        %dma_wait3A_256 = arith.constant 0 : i32
        %dma_wait3A_257 = tpu.memref_slice %arg11[%add3A_168, %dma_wait3A_256] : memref<10240x128xf32, #tpu.memory_space<vmem_shared>> -> memref<80x128xf32, #tpu.memory_space<vmem_shared>>
        %dma_wait3A_258 = arith.constant 0 : i32
        %dma_wait3A_259 = tpu.memref_slice %arg11[%add3A_168, %dma_wait3A_258] : memref<10240x128xf32, #tpu.memory_space<vmem_shared>> -> memref<80x128xf32, #tpu.memory_space<vmem_shared>>
        tpu.wait_dma2 semaphore(%run_scoped3A_251 : memref<!tpu.dma_semaphore, #tpu.memory_space<semaphore_mem>>) src(%dma_wait3A_259 : memref<80x128xf32, #tpu.memory_space<vmem_shared>>) dst(%arg9 : memref<80x128xf32, #tpu.memory_space<vmem>>)
        tpu.yield
      }) : () -> ()
      %dma_start3A_175 = arith.constant 0 : i32
      %dma_start3A_176 = tpu.memref_slice %arg6[%add3A_168, %dma_start3A_175] : memref<10240x128xf32, #tpu.memory_space<hbm>> -> memref<80x128xf32, #tpu.memory_space<hbm>>
      %dma_start3A_177 = arith.constant 0 : i32
      %dma_start3A_178 = tpu.memref_slice %arg6[%add3A_168, %dma_start3A_177] : memref<10240x128xf32, #tpu.memory_space<hbm>> -> memref<80x128xf32, #tpu.memory_space<hbm>>
      tpu.enqueue_dma source(%arg9 : memref<80x128xf32, #tpu.memory_space<vmem>>) target(%dma_start3A_178 : memref<80x128xf32, #tpu.memory_space<hbm>>) target_semaphore(%arg12 : memref<!tpu.dma_semaphore, #tpu.memory_space<semaphore_mem>>)
      %add3A_179 = arith.constant 240 : i32
      %add3A_180 = arith.addi %mul3A_2, %add3A_179 : i32
      %add3A_181 = arith.constant 80 : i32
      %add3A_182 = arith.addi %mul3A_2, %add3A_181 : i32
      %dma_wait3A_183 = arith.constant 0 : i32
      %dma_wait3A_184 = tpu.memref_slice %arg6[%add3A_182, %dma_wait3A_183] : memref<10240x128xf32, #tpu.memory_space<hbm>> -> memref<80x128xf32, #tpu.memory_space<hbm>>
      %dma_wait3A_185 = arith.constant 0 : i32
      %dma_wait3A_186 = tpu.memref_slice %arg6[%add3A_182, %dma_wait3A_185] : memref<10240x128xf32, #tpu.memory_space<hbm>> -> memref<80x128xf32, #tpu.memory_space<hbm>>
      tpu.wait_dma2 semaphore(%arg13 : memref<!tpu.dma_semaphore, #tpu.memory_space<semaphore_mem>>) src(%arg10 : memref<80x128xf32, #tpu.memory_space<vmem>>) dst(%dma_wait3A_186 : memref<80x128xf32, #tpu.memory_space<hbm>>)
      "tpu.region"() ({
        %run_scoped3A_251 = tpu.sem_alloc : memref<!tpu.dma_semaphore, #tpu.memory_space<semaphore_mem>>
        %dma_start3A_252 = arith.constant 0 : i32
        %dma_start3A_253 = tpu.memref_slice %arg11[%add3A_180, %dma_start3A_252] : memref<10240x128xf32, #tpu.memory_space<vmem_shared>> -> memref<80x128xf32, #tpu.memory_space<vmem_shared>>
        %dma_start3A_254 = arith.constant 0 : i32
        %dma_start3A_255 = tpu.memref_slice %arg11[%add3A_180, %dma_start3A_254] : memref<10240x128xf32, #tpu.memory_space<vmem_shared>> -> memref<80x128xf32, #tpu.memory_space<vmem_shared>>
        tpu.enqueue_dma source(%dma_start3A_255 : memref<80x128xf32, #tpu.memory_space<vmem_shared>>) target(%arg10 : memref<80x128xf32, #tpu.memory_space<vmem>>) target_semaphore(%run_scoped3A_251 : memref<!tpu.dma_semaphore, #tpu.memory_space<semaphore_mem>>)
        %dma_wait3A_256 = arith.constant 0 : i32
        %dma_wait3A_257 = tpu.memref_slice %arg11[%add3A_180, %dma_wait3A_256] : memref<10240x128xf32, #tpu.memory_space<vmem_shared>> -> memref<80x128xf32, #tpu.memory_space<vmem_shared>>
        %dma_wait3A_258 = arith.constant 0 : i32
        %dma_wait3A_259 = tpu.memref_slice %arg11[%add3A_180, %dma_wait3A_258] : memref<10240x128xf32, #tpu.memory_space<vmem_shared>> -> memref<80x128xf32, #tpu.memory_space<vmem_shared>>
        tpu.wait_dma2 semaphore(%run_scoped3A_251 : memref<!tpu.dma_semaphore, #tpu.memory_space<semaphore_mem>>) src(%dma_wait3A_259 : memref<80x128xf32, #tpu.memory_space<vmem_shared>>) dst(%arg10 : memref<80x128xf32, #tpu.memory_space<vmem>>)
        tpu.yield
      }) : () -> ()
      %dma_start3A_187 = arith.constant 0 : i32
      %dma_start3A_188 = tpu.memref_slice %arg6[%add3A_180, %dma_start3A_187] : memref<10240x128xf32, #tpu.memory_space<hbm>> -> memref<80x128xf32, #tpu.memory_space<hbm>>
      %dma_start3A_189 = arith.constant 0 : i32
      %dma_start3A_190 = tpu.memref_slice %arg6[%add3A_180, %dma_start3A_189] : memref<10240x128xf32, #tpu.memory_space<hbm>> -> memref<80x128xf32, #tpu.memory_space<hbm>>
      tpu.enqueue_dma source(%arg10 : memref<80x128xf32, #tpu.memory_space<vmem>>) target(%dma_start3A_190 : memref<80x128xf32, #tpu.memory_space<hbm>>) target_semaphore(%arg13 : memref<!tpu.dma_semaphore, #tpu.memory_space<semaphore_mem>>)
      %add3A_191 = arith.constant 320 : i32
      %add3A_192 = arith.addi %mul3A_2, %add3A_191 : i32
      %add3A_193 = arith.constant 160 : i32
      %add3A_194 = arith.addi %mul3A_2, %add3A_193 : i32
      %dma_wait3A_195 = arith.constant 0 : i32
      %dma_wait3A_196 = tpu.memref_slice %arg6[%add3A_194, %dma_wait3A_195] : memref<10240x128xf32, #tpu.memory_space<hbm>> -> memref<80x128xf32, #tpu.memory_space<hbm>>
      %dma_wait3A_197 = arith.constant 0 : i32
      %dma_wait3A_198 = tpu.memref_slice %arg6[%add3A_194, %dma_wait3A_197] : memref<10240x128xf32, #tpu.memory_space<hbm>> -> memref<80x128xf32, #tpu.memory_space<hbm>>
      tpu.wait_dma2 semaphore(%arg12 : memref<!tpu.dma_semaphore, #tpu.memory_space<semaphore_mem>>) src(%arg9 : memref<80x128xf32, #tpu.memory_space<vmem>>) dst(%dma_wait3A_198 : memref<80x128xf32, #tpu.memory_space<hbm>>)
      "tpu.region"() ({
        %run_scoped3A_251 = tpu.sem_alloc : memref<!tpu.dma_semaphore, #tpu.memory_space<semaphore_mem>>
        %dma_start3A_252 = arith.constant 0 : i32
        %dma_start3A_253 = tpu.memref_slice %arg11[%add3A_192, %dma_start3A_252] : memref<10240x128xf32, #tpu.memory_space<vmem_shared>> -> memref<80x128xf32, #tpu.memory_space<vmem_shared>>
        %dma_start3A_254 = arith.constant 0 : i32
        %dma_start3A_255 = tpu.memref_slice %arg11[%add3A_192, %dma_start3A_254] : memref<10240x128xf32, #tpu.memory_space<vmem_shared>> -> memref<80x128xf32, #tpu.memory_space<vmem_shared>>
        tpu.enqueue_dma source(%dma_start3A_255 : memref<80x128xf32, #tpu.memory_space<vmem_shared>>) target(%arg9 : memref<80x128xf32, #tpu.memory_space<vmem>>) target_semaphore(%run_scoped3A_251 : memref<!tpu.dma_semaphore, #tpu.memory_space<semaphore_mem>>)
        %dma_wait3A_256 = arith.constant 0 : i32
        %dma_wait3A_257 = tpu.memref_slice %arg11[%add3A_192, %dma_wait3A_256] : memref<10240x128xf32, #tpu.memory_space<vmem_shared>> -> memref<80x128xf32, #tpu.memory_space<vmem_shared>>
        %dma_wait3A_258 = arith.constant 0 : i32
        %dma_wait3A_259 = tpu.memref_slice %arg11[%add3A_192, %dma_wait3A_258] : memref<10240x128xf32, #tpu.memory_space<vmem_shared>> -> memref<80x128xf32, #tpu.memory_space<vmem_shared>>
        tpu.wait_dma2 semaphore(%run_scoped3A_251 : memref<!tpu.dma_semaphore, #tpu.memory_space<semaphore_mem>>) src(%dma_wait3A_259 : memref<80x128xf32, #tpu.memory_space<vmem_shared>>) dst(%arg9 : memref<80x128xf32, #tpu.memory_space<vmem>>)
        tpu.yield
      }) : () -> ()
      %dma_start3A_199 = arith.constant 0 : i32
      %dma_start3A_200 = tpu.memref_slice %arg6[%add3A_192, %dma_start3A_199] : memref<10240x128xf32, #tpu.memory_space<hbm>> -> memref<80x128xf32, #tpu.memory_space<hbm>>
      %dma_start3A_201 = arith.constant 0 : i32
      %dma_start3A_202 = tpu.memref_slice %arg6[%add3A_192, %dma_start3A_201] : memref<10240x128xf32, #tpu.memory_space<hbm>> -> memref<80x128xf32, #tpu.memory_space<hbm>>
      tpu.enqueue_dma source(%arg9 : memref<80x128xf32, #tpu.memory_space<vmem>>) target(%dma_start3A_202 : memref<80x128xf32, #tpu.memory_space<hbm>>) target_semaphore(%arg12 : memref<!tpu.dma_semaphore, #tpu.memory_space<semaphore_mem>>)
      %add3A_203 = arith.constant 400 : i32
      %add3A_204 = arith.addi %mul3A_2, %add3A_203 : i32
      %add3A_205 = arith.constant 240 : i32
      %add3A_206 = arith.addi %mul3A_2, %add3A_205 : i32
      %dma_wait3A_207 = arith.constant 0 : i32
      %dma_wait3A_208 = tpu.memref_slice %arg6[%add3A_206, %dma_wait3A_207] : memref<10240x128xf32, #tpu.memory_space<hbm>> -> memref<80x128xf32, #tpu.memory_space<hbm>>
      %dma_wait3A_209 = arith.constant 0 : i32
      %dma_wait3A_210 = tpu.memref_slice %arg6[%add3A_206, %dma_wait3A_209] : memref<10240x128xf32, #tpu.memory_space<hbm>> -> memref<80x128xf32, #tpu.memory_space<hbm>>
      tpu.wait_dma2 semaphore(%arg13 : memref<!tpu.dma_semaphore, #tpu.memory_space<semaphore_mem>>) src(%arg10 : memref<80x128xf32, #tpu.memory_space<vmem>>) dst(%dma_wait3A_210 : memref<80x128xf32, #tpu.memory_space<hbm>>)
      "tpu.region"() ({
        %run_scoped3A_251 = tpu.sem_alloc : memref<!tpu.dma_semaphore, #tpu.memory_space<semaphore_mem>>
        %dma_start3A_252 = arith.constant 0 : i32
        %dma_start3A_253 = tpu.memref_slice %arg11[%add3A_204, %dma_start3A_252] : memref<10240x128xf32, #tpu.memory_space<vmem_shared>> -> memref<80x128xf32, #tpu.memory_space<vmem_shared>>
        %dma_start3A_254 = arith.constant 0 : i32
        %dma_start3A_255 = tpu.memref_slice %arg11[%add3A_204, %dma_start3A_254] : memref<10240x128xf32, #tpu.memory_space<vmem_shared>> -> memref<80x128xf32, #tpu.memory_space<vmem_shared>>
        tpu.enqueue_dma source(%dma_start3A_255 : memref<80x128xf32, #tpu.memory_space<vmem_shared>>) target(%arg10 : memref<80x128xf32, #tpu.memory_space<vmem>>) target_semaphore(%run_scoped3A_251 : memref<!tpu.dma_semaphore, #tpu.memory_space<semaphore_mem>>)
        %dma_wait3A_256 = arith.constant 0 : i32
        %dma_wait3A_257 = tpu.memref_slice %arg11[%add3A_204, %dma_wait3A_256] : memref<10240x128xf32, #tpu.memory_space<vmem_shared>> -> memref<80x128xf32, #tpu.memory_space<vmem_shared>>
        %dma_wait3A_258 = arith.constant 0 : i32
        %dma_wait3A_259 = tpu.memref_slice %arg11[%add3A_204, %dma_wait3A_258] : memref<10240x128xf32, #tpu.memory_space<vmem_shared>> -> memref<80x128xf32, #tpu.memory_space<vmem_shared>>
        tpu.wait_dma2 semaphore(%run_scoped3A_251 : memref<!tpu.dma_semaphore, #tpu.memory_space<semaphore_mem>>) src(%dma_wait3A_259 : memref<80x128xf32, #tpu.memory_space<vmem_shared>>) dst(%arg10 : memref<80x128xf32, #tpu.memory_space<vmem>>)
        tpu.yield
      }) : () -> ()
      %dma_start3A_211 = arith.constant 0 : i32
      %dma_start3A_212 = tpu.memref_slice %arg6[%add3A_204, %dma_start3A_211] : memref<10240x128xf32, #tpu.memory_space<hbm>> -> memref<80x128xf32, #tpu.memory_space<hbm>>
      %dma_start3A_213 = arith.constant 0 : i32
      %dma_start3A_214 = tpu.memref_slice %arg6[%add3A_204, %dma_start3A_213] : memref<10240x128xf32, #tpu.memory_space<hbm>> -> memref<80x128xf32, #tpu.memory_space<hbm>>
      tpu.enqueue_dma source(%arg10 : memref<80x128xf32, #tpu.memory_space<vmem>>) target(%dma_start3A_214 : memref<80x128xf32, #tpu.memory_space<hbm>>) target_semaphore(%arg13 : memref<!tpu.dma_semaphore, #tpu.memory_space<semaphore_mem>>)
      %add3A_215 = arith.constant 480 : i32
      %add3A_216 = arith.addi %mul3A_2, %add3A_215 : i32
      %add3A_217 = arith.constant 320 : i32
      %add3A_218 = arith.addi %mul3A_2, %add3A_217 : i32
      %dma_wait3A_219 = arith.constant 0 : i32
      %dma_wait3A_220 = tpu.memref_slice %arg6[%add3A_218, %dma_wait3A_219] : memref<10240x128xf32, #tpu.memory_space<hbm>> -> memref<80x128xf32, #tpu.memory_space<hbm>>
      %dma_wait3A_221 = arith.constant 0 : i32
      %dma_wait3A_222 = tpu.memref_slice %arg6[%add3A_218, %dma_wait3A_221] : memref<10240x128xf32, #tpu.memory_space<hbm>> -> memref<80x128xf32, #tpu.memory_space<hbm>>
      tpu.wait_dma2 semaphore(%arg12 : memref<!tpu.dma_semaphore, #tpu.memory_space<semaphore_mem>>) src(%arg9 : memref<80x128xf32, #tpu.memory_space<vmem>>) dst(%dma_wait3A_222 : memref<80x128xf32, #tpu.memory_space<hbm>>)
      "tpu.region"() ({
        %run_scoped3A_251 = tpu.sem_alloc : memref<!tpu.dma_semaphore, #tpu.memory_space<semaphore_mem>>
        %dma_start3A_252 = arith.constant 0 : i32
        %dma_start3A_253 = tpu.memref_slice %arg11[%add3A_216, %dma_start3A_252] : memref<10240x128xf32, #tpu.memory_space<vmem_shared>> -> memref<80x128xf32, #tpu.memory_space<vmem_shared>>
        %dma_start3A_254 = arith.constant 0 : i32
        %dma_start3A_255 = tpu.memref_slice %arg11[%add3A_216, %dma_start3A_254] : memref<10240x128xf32, #tpu.memory_space<vmem_shared>> -> memref<80x128xf32, #tpu.memory_space<vmem_shared>>
        tpu.enqueue_dma source(%dma_start3A_255 : memref<80x128xf32, #tpu.memory_space<vmem_shared>>) target(%arg9 : memref<80x128xf32, #tpu.memory_space<vmem>>) target_semaphore(%run_scoped3A_251 : memref<!tpu.dma_semaphore, #tpu.memory_space<semaphore_mem>>)
        %dma_wait3A_256 = arith.constant 0 : i32
        %dma_wait3A_257 = tpu.memref_slice %arg11[%add3A_216, %dma_wait3A_256] : memref<10240x128xf32, #tpu.memory_space<vmem_shared>> -> memref<80x128xf32, #tpu.memory_space<vmem_shared>>
        %dma_wait3A_258 = arith.constant 0 : i32
        %dma_wait3A_259 = tpu.memref_slice %arg11[%add3A_216, %dma_wait3A_258] : memref<10240x128xf32, #tpu.memory_space<vmem_shared>> -> memref<80x128xf32, #tpu.memory_space<vmem_shared>>
        tpu.wait_dma2 semaphore(%run_scoped3A_251 : memref<!tpu.dma_semaphore, #tpu.memory_space<semaphore_mem>>) src(%dma_wait3A_259 : memref<80x128xf32, #tpu.memory_space<vmem_shared>>) dst(%arg9 : memref<80x128xf32, #tpu.memory_space<vmem>>)
        tpu.yield
      }) : () -> ()
      %dma_start3A_223 = arith.constant 0 : i32
      %dma_start3A_224 = tpu.memref_slice %arg6[%add3A_216, %dma_start3A_223] : memref<10240x128xf32, #tpu.memory_space<hbm>> -> memref<80x128xf32, #tpu.memory_space<hbm>>
      %dma_start3A_225 = arith.constant 0 : i32
      %dma_start3A_226 = tpu.memref_slice %arg6[%add3A_216, %dma_start3A_225] : memref<10240x128xf32, #tpu.memory_space<hbm>> -> memref<80x128xf32, #tpu.memory_space<hbm>>
      tpu.enqueue_dma source(%arg9 : memref<80x128xf32, #tpu.memory_space<vmem>>) target(%dma_start3A_226 : memref<80x128xf32, #tpu.memory_space<hbm>>) target_semaphore(%arg12 : memref<!tpu.dma_semaphore, #tpu.memory_space<semaphore_mem>>)
      %add3A_227 = arith.constant 560 : i32
      %add3A_228 = arith.addi %mul3A_2, %add3A_227 : i32
      %add3A_229 = arith.constant 400 : i32
      %add3A_230 = arith.addi %mul3A_2, %add3A_229 : i32
      %dma_wait3A_231 = arith.constant 0 : i32
      %dma_wait3A_232 = tpu.memref_slice %arg6[%add3A_230, %dma_wait3A_231] : memref<10240x128xf32, #tpu.memory_space<hbm>> -> memref<80x128xf32, #tpu.memory_space<hbm>>
      %dma_wait3A_233 = arith.constant 0 : i32
      %dma_wait3A_234 = tpu.memref_slice %arg6[%add3A_230, %dma_wait3A_233] : memref<10240x128xf32, #tpu.memory_space<hbm>> -> memref<80x128xf32, #tpu.memory_space<hbm>>
      tpu.wait_dma2 semaphore(%arg13 : memref<!tpu.dma_semaphore, #tpu.memory_space<semaphore_mem>>) src(%arg10 : memref<80x128xf32, #tpu.memory_space<vmem>>) dst(%dma_wait3A_234 : memref<80x128xf32, #tpu.memory_space<hbm>>)
      "tpu.region"() ({
        %run_scoped3A_251 = tpu.sem_alloc : memref<!tpu.dma_semaphore, #tpu.memory_space<semaphore_mem>>
        %dma_start3A_252 = arith.constant 0 : i32
        %dma_start3A_253 = tpu.memref_slice %arg11[%add3A_228, %dma_start3A_252] : memref<10240x128xf32, #tpu.memory_space<vmem_shared>> -> memref<80x128xf32, #tpu.memory_space<vmem_shared>>
        %dma_start3A_254 = arith.constant 0 : i32
        %dma_start3A_255 = tpu.memref_slice %arg11[%add3A_228, %dma_start3A_254] : memref<10240x128xf32, #tpu.memory_space<vmem_shared>> -> memref<80x128xf32, #tpu.memory_space<vmem_shared>>
        tpu.enqueue_dma source(%dma_start3A_255 : memref<80x128xf32, #tpu.memory_space<vmem_shared>>) target(%arg10 : memref<80x128xf32, #tpu.memory_space<vmem>>) target_semaphore(%run_scoped3A_251 : memref<!tpu.dma_semaphore, #tpu.memory_space<semaphore_mem>>)
        %dma_wait3A_256 = arith.constant 0 : i32
        %dma_wait3A_257 = tpu.memref_slice %arg11[%add3A_228, %dma_wait3A_256] : memref<10240x128xf32, #tpu.memory_space<vmem_shared>> -> memref<80x128xf32, #tpu.memory_space<vmem_shared>>
        %dma_wait3A_258 = arith.constant 0 : i32
        %dma_wait3A_259 = tpu.memref_slice %arg11[%add3A_228, %dma_wait3A_258] : memref<10240x128xf32, #tpu.memory_space<vmem_shared>> -> memref<80x128xf32, #tpu.memory_space<vmem_shared>>
        tpu.wait_dma2 semaphore(%run_scoped3A_251 : memref<!tpu.dma_semaphore, #tpu.memory_space<semaphore_mem>>) src(%dma_wait3A_259 : memref<80x128xf32, #tpu.memory_space<vmem_shared>>) dst(%arg10 : memref<80x128xf32, #tpu.memory_space<vmem>>)
        tpu.yield
      }) : () -> ()
      %dma_start3A_235 = arith.constant 0 : i32
      %dma_start3A_236 = tpu.memref_slice %arg6[%add3A_228, %dma_start3A_235] : memref<10240x128xf32, #tpu.memory_space<hbm>> -> memref<80x128xf32, #tpu.memory_space<hbm>>
      %dma_start3A_237 = arith.constant 0 : i32
      %dma_start3A_238 = tpu.memref_slice %arg6[%add3A_228, %dma_start3A_237] : memref<10240x128xf32, #tpu.memory_space<hbm>> -> memref<80x128xf32, #tpu.memory_space<hbm>>
      tpu.enqueue_dma source(%arg10 : memref<80x128xf32, #tpu.memory_space<vmem>>) target(%dma_start3A_238 : memref<80x128xf32, #tpu.memory_space<hbm>>) target_semaphore(%arg13 : memref<!tpu.dma_semaphore, #tpu.memory_space<semaphore_mem>>)
      %add3A_239 = arith.constant 480 : i32
      %add3A_240 = arith.addi %mul3A_2, %add3A_239 : i32
      %dma_wait3A_241 = arith.constant 0 : i32
      %dma_wait3A_242 = tpu.memref_slice %arg6[%add3A_240, %dma_wait3A_241] : memref<10240x128xf32, #tpu.memory_space<hbm>> -> memref<80x128xf32, #tpu.memory_space<hbm>>
      %dma_wait3A_243 = arith.constant 0 : i32
      %dma_wait3A_244 = tpu.memref_slice %arg6[%add3A_240, %dma_wait3A_243] : memref<10240x128xf32, #tpu.memory_space<hbm>> -> memref<80x128xf32, #tpu.memory_space<hbm>>
      tpu.wait_dma2 semaphore(%arg12 : memref<!tpu.dma_semaphore, #tpu.memory_space<semaphore_mem>>) src(%arg9 : memref<80x128xf32, #tpu.memory_space<vmem>>) dst(%dma_wait3A_244 : memref<80x128xf32, #tpu.memory_space<hbm>>)
      %add3A_245 = arith.constant 560 : i32
      %add3A_246 = arith.addi %mul3A_2, %add3A_245 : i32
      %dma_wait3A_247 = arith.constant 0 : i32
      %dma_wait3A_248 = tpu.memref_slice %arg6[%add3A_246, %dma_wait3A_247] : memref<10240x128xf32, #tpu.memory_space<hbm>> -> memref<80x128xf32, #tpu.memory_space<hbm>>
      %dma_wait3A_249 = arith.constant 0 : i32
      %dma_wait3A_250 = tpu.memref_slice %arg6[%add3A_246, %dma_wait3A_249] : memref<10240x128xf32, #tpu.memory_space<hbm>> -> memref<80x128xf32, #tpu.memory_space<hbm>>
      tpu.wait_dma2 semaphore(%arg13 : memref<!tpu.dma_semaphore, #tpu.memory_space<semaphore_mem>>) src(%arg10 : memref<80x128xf32, #tpu.memory_space<vmem>>) dst(%dma_wait3A_250 : memref<80x128xf32, #tpu.memory_space<hbm>>)
    } else {
    }
    return
  }
}

#map = affine_map<(d0, d1) -> (0, 0)>
#map1 = affine_map<(d0, d1) -> (0, 0, 0)>
module attributes {stable_mosaic.version = 14 : i64} {
  func.func @prop_kernel(%arg0: i32, %arg1: i32, %arg2: memref<10240x128xf32, #tpu.memory_space<hbm>>, %arg3: memref<32x10000xi32, #tpu.memory_space<hbm>>, %arg4: memref<32x125x80xi32, #tpu.memory_space<hbm>>, %arg5: memref<10240x128xf32, #tpu.memory_space<hbm>>, %arg6: memref<10240x128xf32, #tpu.memory_space<hbm>>, %arg7: memref<10000xi32, #tpu.memory_space<vmem>>, %arg8: memref<125x80xi32, #tpu.memory_space<vmem>>, %arg9: memref<80x128xf32, #tpu.memory_space<vmem>>, %arg10: memref<80x128xf32, #tpu.memory_space<vmem>>, %arg11: memref<10240x128xf32, #tpu.memory_space<vmem_shared>>, %arg12: memref<!tpu.dma_semaphore, #tpu.memory_space<semaphore_mem>>, %arg13: memref<!tpu.dma_semaphore, #tpu.memory_space<semaphore_mem>>) attributes {dimension_semantics = [#tpu.dimension_semantics<core_parallel>, #tpu.dimension_semantics<subcore_parallel>], iteration_bounds = array<i64: 2, 16>, scalar_prefetch = 0 : i64, scratch_operands = 7 : i64, tpu.core_type = #tpu.core_type<sc_vector_subcore>, window_params = [{transform_indices = #map}, {transform_indices = #map}, {transform_indices = #map1}, {transform_indices = #map}, {transform_indices = #map}]} {
    %mul3A = arith.constant 2 : i32
    %mul3A_0 = arith.muli %arg1, %mul3A : i32
    %add3A = arith.addi %mul3A_0, %arg0 : i32
    %mul3A_1 = arith.constant 640 : i32
    %mul3A_2 = arith.muli %arg1, %mul3A_1 : i32
    %dma_start3A = arith.constant 0 : i32
    %dma_start3A_3 = tpu.memref_slice %arg3[%add3A, %dma_start3A] : memref<32x10000xi32, #tpu.memory_space<hbm>> -> memref<1x10000xi32, #tpu.memory_space<hbm>>
    %dma_start3A_4 = tpu.memref_squeeze %dma_start3A_3 : memref<1x10000xi32, #tpu.memory_space<hbm>> -> memref<10000xi32, #tpu.memory_space<hbm>>
    %dma_start3A_5 = arith.constant 0 : i32
    %dma_start3A_6 = tpu.memref_slice %arg3[%add3A, %dma_start3A_5] : memref<32x10000xi32, #tpu.memory_space<hbm>> -> memref<1x10000xi32, #tpu.memory_space<hbm>>
    %dma_start3A_7 = tpu.memref_squeeze %dma_start3A_6 : memref<1x10000xi32, #tpu.memory_space<hbm>> -> memref<10000xi32, #tpu.memory_space<hbm>>
    tpu.enqueue_dma source(%dma_start3A_7 : memref<10000xi32, #tpu.memory_space<hbm>>) target(%arg7 : memref<10000xi32, #tpu.memory_space<vmem>>) target_semaphore(%arg12 : memref<!tpu.dma_semaphore, #tpu.memory_space<semaphore_mem>>)
    %dma_start3A_8 = arith.constant 0 : i32
    %dma_start3A_9 = arith.constant 0 : i32
    %dma_start3A_10 = tpu.memref_slice %arg4[%add3A, %dma_start3A_8, %dma_start3A_9] : memref<32x125x80xi32, #tpu.memory_space<hbm>> -> memref<1x125x80xi32, #tpu.memory_space<hbm>>
    %dma_start3A_11 = tpu.memref_squeeze %dma_start3A_10 : memref<1x125x80xi32, #tpu.memory_space<hbm>> -> memref<125x80xi32, #tpu.memory_space<hbm>>
    %dma_start3A_12 = arith.constant 0 : i32
    %dma_start3A_13 = arith.constant 0 : i32
    %dma_start3A_14 = tpu.memref_slice %arg4[%add3A, %dma_start3A_12, %dma_start3A_13] : memref<32x125x80xi32, #tpu.memory_space<hbm>> -> memref<1x125x80xi32, #tpu.memory_space<hbm>>
    %dma_start3A_15 = tpu.memref_squeeze %dma_start3A_14 : memref<1x125x80xi32, #tpu.memory_space<hbm>> -> memref<125x80xi32, #tpu.memory_space<hbm>>
    tpu.enqueue_dma source(%dma_start3A_15 : memref<125x80xi32, #tpu.memory_space<hbm>>) target(%arg8 : memref<125x80xi32, #tpu.memory_space<vmem>>) target_semaphore(%arg13 : memref<!tpu.dma_semaphore, #tpu.memory_space<semaphore_mem>>)
    %dma_wait3A = arith.constant 0 : i32
    %dma_wait3A_16 = tpu.memref_slice %arg3[%add3A, %dma_wait3A] : memref<32x10000xi32, #tpu.memory_space<hbm>> -> memref<1x10000xi32, #tpu.memory_space<hbm>>
    %dma_wait3A_17 = tpu.memref_squeeze %dma_wait3A_16 : memref<1x10000xi32, #tpu.memory_space<hbm>> -> memref<10000xi32, #tpu.memory_space<hbm>>
    %dma_wait3A_18 = arith.constant 0 : i32
    %dma_wait3A_19 = tpu.memref_slice %arg3[%add3A, %dma_wait3A_18] : memref<32x10000xi32, #tpu.memory_space<hbm>> -> memref<1x10000xi32, #tpu.memory_space<hbm>>
    %dma_wait3A_20 = tpu.memref_squeeze %dma_wait3A_19 : memref<1x10000xi32, #tpu.memory_space<hbm>> -> memref<10000xi32, #tpu.memory_space<hbm>>
    tpu.wait_dma2 semaphore(%arg12 : memref<!tpu.dma_semaphore, #tpu.memory_space<semaphore_mem>>) src(%dma_wait3A_20 : memref<10000xi32, #tpu.memory_space<hbm>>) dst(%arg7 : memref<10000xi32, #tpu.memory_space<vmem>>)
    %dma_wait3A_21 = arith.constant 0 : i32
    %dma_wait3A_22 = arith.constant 0 : i32
    %dma_wait3A_23 = tpu.memref_slice %arg4[%add3A, %dma_wait3A_21, %dma_wait3A_22] : memref<32x125x80xi32, #tpu.memory_space<hbm>> -> memref<1x125x80xi32, #tpu.memory_space<hbm>>
    %dma_wait3A_24 = tpu.memref_squeeze %dma_wait3A_23 : memref<1x125x80xi32, #tpu.memory_space<hbm>> -> memref<125x80xi32, #tpu.memory_space<hbm>>
    %dma_wait3A_25 = arith.constant 0 : i32
    %dma_wait3A_26 = arith.constant 0 : i32
    %dma_wait3A_27 = tpu.memref_slice %arg4[%add3A, %dma_wait3A_25, %dma_wait3A_26] : memref<32x125x80xi32, #tpu.memory_space<hbm>> -> memref<1x125x80xi32, #tpu.memory_space<hbm>>
    %dma_wait3A_28 = tpu.memref_squeeze %dma_wait3A_27 : memref<1x125x80xi32, #tpu.memory_space<hbm>> -> memref<125x80xi32, #tpu.memory_space<hbm>>
    tpu.wait_dma2 semaphore(%arg13 : memref<!tpu.dma_semaphore, #tpu.memory_space<semaphore_mem>>) src(%dma_wait3A_28 : memref<125x80xi32, #tpu.memory_space<hbm>>) dst(%arg8 : memref<125x80xi32, #tpu.memory_space<vmem>>)
    %dma_start3A_29 = arith.constant 0 : i32
    %dma_start3A_30 = tpu.memref_slice %arg7[%dma_start3A_29] : memref<10000xi32, #tpu.memory_space<vmem>> -> memref<80xi32, #tpu.memory_space<vmem>>
    %dma_start3A_31 = arith.constant 0 : i32
    %dma_start3A_32 = arith.constant 0 : i32
    %dma_start3A_33 = tpu.memref_slice %arg2[%dma_start3A_31, %dma_start3A_32] : memref<10240x128xf32, #tpu.memory_space<hbm>> -> memref<10240x128xf32, #tpu.memory_space<hbm>>
    tpu.enqueue_indirect_dma source(%dma_start3A_33 : memref<10240x128xf32, #tpu.memory_space<hbm>>) target(%arg9 : memref<80x128xf32, #tpu.memory_space<vmem>>) offsets(%dma_start3A_30 : memref<80xi32, #tpu.memory_space<vmem>>) semaphore(%arg12 : memref<!tpu.dma_semaphore, #tpu.memory_space<semaphore_mem>>)
    %scan3A = arith.constant 0 : i32
    %scan3A_34 = arith.constant 0 : i32
    %scan3A_35 = arith.constant 640 : i32
    %scan3A_36 = arith.addi %scan3A_34, %scan3A_35 : i32
    %scan3A_37 = arith.constant 1 : i32
    %scan3A_38 = scf.for %scan3A_155 = %scan3A_34 to %scan3A_36 step %scan3A_37 iter_args(%scan3A_156 = %scan3A) -> (i32)  : i32 {
      %jit3A = arith.constant 8 : i32
      %div3A = arith.divsi %scan3A_155, %jit3A : i32
      %sign3A = arith.constant 0 : i32
      %sign3A_157 = arith.cmpi sgt, %scan3A_155, %sign3A : i32
      %sign3A_158 = arith.extui %sign3A_157 : i1 to i32
      %sign3A_159 = arith.constant 0 : i32
      %sign3A_160 = arith.cmpi slt, %scan3A_155, %sign3A_159 : i32
      %sign3A_161 = arith.extui %sign3A_160 : i1 to i32
      %sign3A_162 = arith.subi %sign3A_158, %sign3A_161 : i32
      %sign3A_163 = arith.constant 0 : i32
      %sign3A_164 = arith.cmpi sgt, %jit3A, %sign3A_163 : i32
      %sign3A_165 = arith.extui %sign3A_164 : i1 to i32
      %sign3A_166 = arith.constant 0 : i32
      %sign3A_167 = arith.cmpi slt, %jit3A, %sign3A_166 : i32
      %sign3A_168 = arith.extui %sign3A_167 : i1 to i32
      %sign3A_169 = arith.subi %sign3A_165, %sign3A_168 : i32
      %ne3A_170 = arith.cmpi ne, %sign3A_162, %sign3A_169 : i32
      %rem3A = arith.remsi %scan3A_155, %jit3A : i32
      %ne3A_171 = arith.constant 0 : i32
      %ne3A_172 = arith.cmpi ne, %rem3A, %ne3A_171 : i32
      %and3A = arith.andi %ne3A_170, %ne3A_172 : i1
      %sub3A = arith.constant 1 : i32
      %sub3A_173 = arith.subi %div3A, %sub3A : i32
      %select_n3A = arith.select %and3A, %sub3A_173, %div3A : i32
      %jit3A_174 = arith.constant 8 : i32
      %eq3A_175 = arith.constant 0 : i32
      %eq3A_176 = arith.cmpi eq, %jit3A_174, %eq3A_175 : i32
      %jit3A_177 = arith.constant 1 : i32
      %select_n3A_178 = arith.select %eq3A_176, %jit3A_177, %jit3A_174 : i32
      %rem3A_179 = arith.remsi %scan3A_155, %select_n3A_178 : i32
      %ne3A_180 = arith.constant 0 : i32
      %ne3A_181 = arith.cmpi ne, %rem3A_179, %ne3A_180 : i32
      %lt3A = arith.constant 0 : i32
      %lt3A_182 = arith.cmpi slt, %rem3A_179, %lt3A : i32
      %lt3A_183 = arith.constant 0 : i32
      %lt3A_184 = arith.cmpi slt, %select_n3A_178, %lt3A_183 : i32
      %ne3A_185 = arith.xori %lt3A_182, %lt3A_184 : i1
      %and3A_186 = arith.andi %ne3A_185, %ne3A_181 : i1
      %add3A_187 = arith.addi %rem3A_179, %select_n3A_178 : i32
      %select_n3A_188 = arith.select %and3A_186, %add3A_187, %rem3A_179 : i32
      %broadcast_in_dim3A = arith.constant 0.000000e+00 : f32
      %broadcast_in_dim3A_189 = vector.broadcast %broadcast_in_dim3A : f32 to vector<16xf32>
      %mul3A_190 = arith.constant 16 : i32
      %mul3A_191 = arith.muli %select_n3A_188, %mul3A_190 : i32
      %swap3A = arith.index_cast %select_n3A : i32 to index
      %swap3A_192 = arith.index_cast %mul3A_191 : i32 to index
      %swap3A_193 = tpu.vector_load %arg10[%swap3A, %swap3A_192] {strides = array<i32>} : memref<80x128xf32, #tpu.memory_space<vmem>>, vector<1x16xf32>,
      %swap3A_194 = vector.shape_cast %swap3A_193 : vector<1x16xf32> to vector<16xf32>
      %swap3A_195 = vector.shape_cast %broadcast_in_dim3A_189 : vector<16xf32> to vector<1x16xf32>
      tpu.vector_store %arg10[%swap3A, %swap3A_192], %swap3A_195 {strides = array<i32>} : memref<80x128xf32, #tpu.memory_space<vmem>>, vector<1x16xf32>,
      %scan3A_196 = arith.constant 0 : i32
      scf.yield %scan3A_196 : i32
    }
    %scan3A_39 = arith.constant 640 : i32
    %add3A_40 = arith.constant 0 : i32
    %add3A_41 = arith.addi %mul3A_2, %add3A_40 : i32
    %dma_start3A_42 = arith.constant 0 : i32
    %dma_start3A_43 = tpu.memref_slice %arg11[%add3A_41, %dma_start3A_42] : memref<10240x128xf32, #tpu.memory_space<vmem_shared>> -> memref<80x128xf32, #tpu.memory_space<vmem_shared>>
    %dma_start3A_44 = arith.constant 0 : i32
    %dma_start3A_45 = tpu.memref_slice %arg11[%add3A_41, %dma_start3A_44] : memref<10240x128xf32, #tpu.memory_space<vmem_shared>> -> memref<80x128xf32, #tpu.memory_space<vmem_shared>>
    tpu.enqueue_dma source(%arg10 : memref<80x128xf32, #tpu.memory_space<vmem>>) target(%dma_start3A_45 : memref<80x128xf32, #tpu.memory_space<vmem_shared>>) target_semaphore(%arg13 : memref<!tpu.dma_semaphore, #tpu.memory_space<semaphore_mem>>)
    %add3A_46 = arith.constant 80 : i32
    %add3A_47 = arith.addi %mul3A_2, %add3A_46 : i32
    %dma_start3A_48 = arith.constant 0 : i32
    %dma_start3A_49 = tpu.memref_slice %arg11[%add3A_47, %dma_start3A_48] : memref<10240x128xf32, #tpu.memory_space<vmem_shared>> -> memref<80x128xf32, #tpu.memory_space<vmem_shared>>
    %dma_start3A_50 = arith.constant 0 : i32
    %dma_start3A_51 = tpu.memref_slice %arg11[%add3A_47, %dma_start3A_50] : memref<10240x128xf32, #tpu.memory_space<vmem_shared>> -> memref<80x128xf32, #tpu.memory_space<vmem_shared>>
    tpu.enqueue_dma source(%arg10 : memref<80x128xf32, #tpu.memory_space<vmem>>) target(%dma_start3A_51 : memref<80x128xf32, #tpu.memory_space<vmem_shared>>) target_semaphore(%arg13 : memref<!tpu.dma_semaphore, #tpu.memory_space<semaphore_mem>>)
    %add3A_52 = arith.constant 160 : i32
    %add3A_53 = arith.addi %mul3A_2, %add3A_52 : i32
    %dma_start3A_54 = arith.constant 0 : i32
    %dma_start3A_55 = tpu.memref_slice %arg11[%add3A_53, %dma_start3A_54] : memref<10240x128xf32, #tpu.memory_space<vmem_shared>> -> memref<80x128xf32, #tpu.memory_space<vmem_shared>>
    %dma_start3A_56 = arith.constant 0 : i32
    %dma_start3A_57 = tpu.memref_slice %arg11[%add3A_53, %dma_start3A_56] : memref<10240x128xf32, #tpu.memory_space<vmem_shared>> -> memref<80x128xf32, #tpu.memory_space<vmem_shared>>
    tpu.enqueue_dma source(%arg10 : memref<80x128xf32, #tpu.memory_space<vmem>>) target(%dma_start3A_57 : memref<80x128xf32, #tpu.memory_space<vmem_shared>>) target_semaphore(%arg13 : memref<!tpu.dma_semaphore, #tpu.memory_space<semaphore_mem>>)
    %add3A_58 = arith.constant 240 : i32
    %add3A_59 = arith.addi %mul3A_2, %add3A_58 : i32
    %dma_start3A_60 = arith.constant 0 : i32
    %dma_start3A_61 = tpu.memref_slice %arg11[%add3A_59, %dma_start3A_60] : memref<10240x128xf32, #tpu.memory_space<vmem_shared>> -> memref<80x128xf32, #tpu.memory_space<vmem_shared>>
    %dma_start3A_62 = arith.constant 0 : i32
    %dma_start3A_63 = tpu.memref_slice %arg11[%add3A_59, %dma_start3A_62] : memref<10240x128xf32, #tpu.memory_space<vmem_shared>> -> memref<80x128xf32, #tpu.memory_space<vmem_shared>>
    tpu.enqueue_dma source(%arg10 : memref<80x128xf32, #tpu.memory_space<vmem>>) target(%dma_start3A_63 : memref<80x128xf32, #tpu.memory_space<vmem_shared>>) target_semaphore(%arg13 : memref<!tpu.dma_semaphore, #tpu.memory_space<semaphore_mem>>)
    %add3A_64 = arith.constant 320 : i32
    %add3A_65 = arith.addi %mul3A_2, %add3A_64 : i32
    %dma_start3A_66 = arith.constant 0 : i32
    %dma_start3A_67 = tpu.memref_slice %arg11[%add3A_65, %dma_start3A_66] : memref<10240x128xf32, #tpu.memory_space<vmem_shared>> -> memref<80x128xf32, #tpu.memory_space<vmem_shared>>
    %dma_start3A_68 = arith.constant 0 : i32
    %dma_start3A_69 = tpu.memref_slice %arg11[%add3A_65, %dma_start3A_68] : memref<10240x128xf32, #tpu.memory_space<vmem_shared>> -> memref<80x128xf32, #tpu.memory_space<vmem_shared>>
    tpu.enqueue_dma source(%arg10 : memref<80x128xf32, #tpu.memory_space<vmem>>) target(%dma_start3A_69 : memref<80x128xf32, #tpu.memory_space<vmem_shared>>) target_semaphore(%arg13 : memref<!tpu.dma_semaphore, #tpu.memory_space<semaphore_mem>>)
    %add3A_70 = arith.constant 400 : i32
    %add3A_71 = arith.addi %mul3A_2, %add3A_70 : i32
    %dma_start3A_72 = arith.constant 0 : i32
    %dma_start3A_73 = tpu.memref_slice %arg11[%add3A_71, %dma_start3A_72] : memref<10240x128xf32, #tpu.memory_space<vmem_shared>> -> memref<80x128xf32, #tpu.memory_space<vmem_shared>>
    %dma_start3A_74 = arith.constant 0 : i32
    %dma_start3A_75 = tpu.memref_slice %arg11[%add3A_71, %dma_start3A_74] : memref<10240x128xf32, #tpu.memory_space<vmem_shared>> -> memref<80x128xf32, #tpu.memory_space<vmem_shared>>
    tpu.enqueue_dma source(%arg10 : memref<80x128xf32, #tpu.memory_space<vmem>>) target(%dma_start3A_75 : memref<80x128xf32, #tpu.memory_space<vmem_shared>>) target_semaphore(%arg13 : memref<!tpu.dma_semaphore, #tpu.memory_space<semaphore_mem>>)
    %add3A_76 = arith.constant 480 : i32
    %add3A_77 = arith.addi %mul3A_2, %add3A_76 : i32
    %dma_start3A_78 = arith.constant 0 : i32
    %dma_start3A_79 = tpu.memref_slice %arg11[%add3A_77, %dma_start3A_78] : memref<10240x128xf32, #tpu.memory_space<vmem_shared>> -> memref<80x128xf32, #tpu.memory_space<vmem_shared>>
    %dma_start3A_80 = arith.constant 0 : i32
    %dma_start3A_81 = tpu.memref_slice %arg11[%add3A_77, %dma_start3A_80] : memref<10240x128xf32, #tpu.memory_space<vmem_shared>> -> memref<80x128xf32, #tpu.memory_space<vmem_shared>>
    tpu.enqueue_dma source(%arg10 : memref<80x128xf32, #tpu.memory_space<vmem>>) target(%dma_start3A_81 : memref<80x128xf32, #tpu.memory_space<vmem_shared>>) target_semaphore(%arg13 : memref<!tpu.dma_semaphore, #tpu.memory_space<semaphore_mem>>)
    %add3A_82 = arith.constant 560 : i32
    %add3A_83 = arith.addi %mul3A_2, %add3A_82 : i32
    %dma_start3A_84 = arith.constant 0 : i32
    %dma_start3A_85 = tpu.memref_slice %arg11[%add3A_83, %dma_start3A_84] : memref<10240x128xf32, #tpu.memory_space<vmem_shared>> -> memref<80x128xf32, #tpu.memory_space<vmem_shared>>
    %dma_start3A_86 = arith.constant 0 : i32
    %dma_start3A_87 = tpu.memref_slice %arg11[%add3A_83, %dma_start3A_86] : memref<10240x128xf32, #tpu.memory_space<vmem_shared>> -> memref<80x128xf32, #tpu.memory_space<vmem_shared>>
    tpu.enqueue_dma source(%arg10 : memref<80x128xf32, #tpu.memory_space<vmem>>) target(%dma_start3A_87 : memref<80x128xf32, #tpu.memory_space<vmem_shared>>) target_semaphore(%arg13 : memref<!tpu.dma_semaphore, #tpu.memory_space<semaphore_mem>>)
    %add3A_88 = arith.constant 0 : i32
    %add3A_89 = arith.addi %mul3A_2, %add3A_88 : i32
    %dma_wait3A_90 = arith.constant 0 : i32
    %dma_wait3A_91 = tpu.memref_slice %arg11[%add3A_89, %dma_wait3A_90] : memref<10240x128xf32, #tpu.memory_space<vmem_shared>> -> memref<80x128xf32, #tpu.memory_space<vmem_shared>>
    %dma_wait3A_92 = arith.constant 0 : i32
    %dma_wait3A_93 = tpu.memref_slice %arg11[%add3A_89, %dma_wait3A_92] : memref<10240x128xf32, #tpu.memory_space<vmem_shared>> -> memref<80x128xf32, #tpu.memory_space<vmem_shared>>
    tpu.wait_dma2 semaphore(%arg13 : memref<!tpu.dma_semaphore, #tpu.memory_space<semaphore_mem>>) src(%arg10 : memref<80x128xf32, #tpu.memory_space<vmem>>) dst(%dma_wait3A_93 : memref<80x128xf32, #tpu.memory_space<vmem_shared>>)
    %add3A_94 = arith.constant 80 : i32
    %add3A_95 = arith.addi %mul3A_2, %add3A_94 : i32
    %dma_wait3A_96 = arith.constant 0 : i32
    %dma_wait3A_97 = tpu.memref_slice %arg11[%add3A_95, %dma_wait3A_96] : memref<10240x128xf32, #tpu.memory_space<vmem_shared>> -> memref<80x128xf32, #tpu.memory_space<vmem_shared>>
    %dma_wait3A_98 = arith.constant 0 : i32
    %dma_wait3A_99 = tpu.memref_slice %arg11[%add3A_95, %dma_wait3A_98] : memref<10240x128xf32, #tpu.memory_space<vmem_shared>> -> memref<80x128xf32, #tpu.memory_space<vmem_shared>>
    tpu.wait_dma2 semaphore(%arg13 : memref<!tpu.dma_semaphore, #tpu.memory_space<semaphore_mem>>) src(%arg10 : memref<80x128xf32, #tpu.memory_space<vmem>>) dst(%dma_wait3A_99 : memref<80x128xf32, #tpu.memory_space<vmem_shared>>)
    %add3A_100 = arith.constant 160 : i32
    %add3A_101 = arith.addi %mul3A_2, %add3A_100 : i32
    %dma_wait3A_102 = arith.constant 0 : i32
    %dma_wait3A_103 = tpu.memref_slice %arg11[%add3A_101, %dma_wait3A_102] : memref<10240x128xf32, #tpu.memory_space<vmem_shared>> -> memref<80x128xf32, #tpu.memory_space<vmem_shared>>
    %dma_wait3A_104 = arith.constant 0 : i32
    %dma_wait3A_105 = tpu.memref_slice %arg11[%add3A_101, %dma_wait3A_104] : memref<10240x128xf32, #tpu.memory_space<vmem_shared>> -> memref<80x128xf32, #tpu.memory_space<vmem_shared>>
    tpu.wait_dma2 semaphore(%arg13 : memref<!tpu.dma_semaphore, #tpu.memory_space<semaphore_mem>>) src(%arg10 : memref<80x128xf32, #tpu.memory_space<vmem>>) dst(%dma_wait3A_105 : memref<80x128xf32, #tpu.memory_space<vmem_shared>>)
    %add3A_106 = arith.constant 240 : i32
    %add3A_107 = arith.addi %mul3A_2, %add3A_106 : i32
    %dma_wait3A_108 = arith.constant 0 : i32
    %dma_wait3A_109 = tpu.memref_slice %arg11[%add3A_107, %dma_wait3A_108] : memref<10240x128xf32, #tpu.memory_space<vmem_shared>> -> memref<80x128xf32, #tpu.memory_space<vmem_shared>>
    %dma_wait3A_110 = arith.constant 0 : i32
    %dma_wait3A_111 = tpu.memref_slice %arg11[%add3A_107, %dma_wait3A_110] : memref<10240x128xf32, #tpu.memory_space<vmem_shared>> -> memref<80x128xf32, #tpu.memory_space<vmem_shared>>
    tpu.wait_dma2 semaphore(%arg13 : memref<!tpu.dma_semaphore, #tpu.memory_space<semaphore_mem>>) src(%arg10 : memref<80x128xf32, #tpu.memory_space<vmem>>) dst(%dma_wait3A_111 : memref<80x128xf32, #tpu.memory_space<vmem_shared>>)
    %add3A_112 = arith.constant 320 : i32
    %add3A_113 = arith.addi %mul3A_2, %add3A_112 : i32
    %dma_wait3A_114 = arith.constant 0 : i32
    %dma_wait3A_115 = tpu.memref_slice %arg11[%add3A_113, %dma_wait3A_114] : memref<10240x128xf32, #tpu.memory_space<vmem_shared>> -> memref<80x128xf32, #tpu.memory_space<vmem_shared>>
    %dma_wait3A_116 = arith.constant 0 : i32
    %dma_wait3A_117 = tpu.memref_slice %arg11[%add3A_113, %dma_wait3A_116] : memref<10240x128xf32, #tpu.memory_space<vmem_shared>> -> memref<80x128xf32, #tpu.memory_space<vmem_shared>>
    tpu.wait_dma2 semaphore(%arg13 : memref<!tpu.dma_semaphore, #tpu.memory_space<semaphore_mem>>) src(%arg10 : memref<80x128xf32, #tpu.memory_space<vmem>>) dst(%dma_wait3A_117 : memref<80x128xf32, #tpu.memory_space<vmem_shared>>)
    %add3A_118 = arith.constant 400 : i32
    %add3A_119 = arith.addi %mul3A_2, %add3A_118 : i32
    %dma_wait3A_120 = arith.constant 0 : i32
    %dma_wait3A_121 = tpu.memref_slice %arg11[%add3A_119, %dma_wait3A_120] : memref<10240x128xf32, #tpu.memory_space<vmem_shared>> -> memref<80x128xf32, #tpu.memory_space<vmem_shared>>
    %dma_wait3A_122 = arith.constant 0 : i32
    %dma_wait3A_123 = tpu.memref_slice %arg11[%add3A_119, %dma_wait3A_122] : memref<10240x128xf32, #tpu.memory_space<vmem_shared>> -> memref<80x128xf32, #tpu.memory_space<vmem_shared>>
    tpu.wait_dma2 semaphore(%arg13 : memref<!tpu.dma_semaphore, #tpu.memory_space<semaphore_mem>>) src(%arg10 : memref<80x128xf32, #tpu.memory_space<vmem>>) dst(%dma_wait3A_123 : memref<80x128xf32, #tpu.memory_space<vmem_shared>>)
    %add3A_124 = arith.constant 480 : i32
    %add3A_125 = arith.addi %mul3A_2, %add3A_124 : i32
    %dma_wait3A_126 = arith.constant 0 : i32
    %dma_wait3A_127 = tpu.memref_slice %arg11[%add3A_125, %dma_wait3A_126] : memref<10240x128xf32, #tpu.memory_space<vmem_shared>> -> memref<80x128xf32, #tpu.memory_space<vmem_shared>>
    %dma_wait3A_128 = arith.constant 0 : i32
    %dma_wait3A_129 = tpu.memref_slice %arg11[%add3A_125, %dma_wait3A_128] : memref<10240x128xf32, #tpu.memory_space<vmem_shared>> -> memref<80x128xf32, #tpu.memory_space<vmem_shared>>
    tpu.wait_dma2 semaphore(%arg13 : memref<!tpu.dma_semaphore, #tpu.memory_space<semaphore_mem>>) src(%arg10 : memref<80x128xf32, #tpu.memory_space<vmem>>) dst(%dma_wait3A_129 : memref<80x128xf32, #tpu.memory_space<vmem_shared>>)
    %add3A_130 = arith.constant 560 : i32
    %add3A_131 = arith.addi %mul3A_2, %add3A_130 : i32
    %dma_wait3A_132 = arith.constant 0 : i32
    %dma_wait3A_133 = tpu.memref_slice %arg11[%add3A_131, %dma_wait3A_132] : memref<10240x128xf32, #tpu.memory_space<vmem_shared>> -> memref<80x128xf32, #tpu.memory_space<vmem_shared>>
    %dma_wait3A_134 = arith.constant 0 : i32
    %dma_wait3A_135 = tpu.memref_slice %arg11[%add3A_131, %dma_wait3A_134] : memref<10240x128xf32, #tpu.memory_space<vmem_shared>> -> memref<80x128xf32, #tpu.memory_space<vmem_shared>>
    tpu.wait_dma2 semaphore(%arg13 : memref<!tpu.dma_semaphore, #tpu.memory_space<semaphore_mem>>) src(%arg10 : memref<80x128xf32, #tpu.memory_space<vmem>>) dst(%dma_wait3A_135 : memref<80x128xf32, #tpu.memory_space<vmem_shared>>)
    %barrier3A = arith.constant 0 : index
    tpu.barrier barrier_id(%barrier3A)
    %scan3A_136 = arith.constant 0 : i32
    %scan3A_137 = arith.constant 0 : i32
    %scan3A_138 = arith.constant 62 : i32
    %scan3A_139 = arith.addi %scan3A_137, %scan3A_138 : i32
    %scan3A_140 = arith.constant 1 : i32
    %scan3A_141 = scf.for %scan3A_155 = %scan3A_137 to %scan3A_139 step %scan3A_140 iter_args(%scan3A_156 = %scan3A_136) -> (i32)  : i32 {
      %mul3A_157 = arith.constant 2 : i32
      %mul3A_158 = arith.muli %mul3A_157, %scan3A_155 : i32
      %mul3A_159 = arith.constant 2 : i32
      %mul3A_160 = arith.muli %mul3A_159, %scan3A_155 : i32
      %add3A_161 = arith.constant 1 : i32
      %add3A_162 = arith.addi %mul3A_160, %add3A_161 : i32
      %mul3A_163 = arith.constant 80 : i32
      %mul3A_164 = arith.muli %add3A_162, %mul3A_163 : i32
      %dma_start3A_165 = tpu.memref_slice %arg7[%mul3A_164] : memref<10000xi32, #tpu.memory_space<vmem>> -> memref<80xi32, #tpu.memory_space<vmem>>
      %dma_start3A_166 = arith.constant 0 : i32
      %dma_start3A_167 = arith.constant 0 : i32
      %dma_start3A_168 = tpu.memref_slice %arg2[%dma_start3A_166, %dma_start3A_167] : memref<10240x128xf32, #tpu.memory_space<hbm>> -> memref<10240x128xf32, #tpu.memory_space<hbm>>
      tpu.enqueue_indirect_dma source(%dma_start3A_168 : memref<10240x128xf32, #tpu.memory_space<hbm>>) target(%arg10 : memref<80x128xf32, #tpu.memory_space<vmem>>) offsets(%dma_start3A_165 : memref<80xi32, #tpu.memory_space<vmem>>) semaphore(%arg13 : memref<!tpu.dma_semaphore, #tpu.memory_space<semaphore_mem>>)
      %mul3A_169 = arith.constant 80 : i32
      %mul3A_170 = arith.muli %mul3A_158, %mul3A_169 : i32
      %dma_wait3A_171 = tpu.memref_slice %arg7[%mul3A_170] : memref<10000xi32, #tpu.memory_space<vmem>> -> memref<80xi32, #tpu.memory_space<vmem>>
      %dma_wait3A_172 = arith.constant 0 : i32
      %dma_wait3A_173 = arith.constant 0 : i32
      %dma_wait3A_174 = tpu.memref_slice %arg2[%dma_wait3A_172, %dma_wait3A_173] : memref<10240x128xf32, #tpu.memory_space<hbm>> -> memref<10240x128xf32, #tpu.memory_space<hbm>>
      tpu.wait_indirect_dma semaphore(%arg12 : memref<!tpu.dma_semaphore, #tpu.memory_space<semaphore_mem>>) src(%dma_wait3A_174 : memref<10240x128xf32, #tpu.memory_space<hbm>>) dst(%arg9 : memref<80x128xf32, #tpu.memory_space<vmem>>)
      "tpu.region"() ({
        %run_scoped3A_190 = tpu.sem_alloc : memref<!tpu.dma_semaphore, #tpu.memory_space<semaphore_mem>>
        %dma_start3A_191 = arith.constant 0 : i32
        %dma_start3A_192 = tpu.memref_slice %arg8[%mul3A_158, %dma_start3A_191] : memref<125x80xi32, #tpu.memory_space<vmem>> -> memref<1x80xi32, #tpu.memory_space<vmem>>
        %dma_start3A_193 = tpu.memref_squeeze %dma_start3A_192 : memref<1x80xi32, #tpu.memory_space<vmem>> -> memref<80xi32, #tpu.memory_space<vmem>>
        %dma_start3A_194 = arith.constant 0 : i32
        %dma_start3A_195 = arith.constant 0 : i32
        %dma_start3A_196 = tpu.memref_slice %arg11[%dma_start3A_194, %dma_start3A_195] : memref<10240x128xf32, #tpu.memory_space<vmem_shared>> -> memref<10240x128xf32, #tpu.memory_space<vmem_shared>>
        tpu.enqueue_indirect_dma source(%arg9 : memref<80x128xf32, #tpu.memory_space<vmem>>) target(%dma_start3A_196 : memref<10240x128xf32, #tpu.memory_space<vmem_shared>>) offsets(%dma_start3A_193 : memref<80xi32, #tpu.memory_space<vmem>>) semaphore(%run_scoped3A_190 : memref<!tpu.dma_semaphore, #tpu.memory_space<semaphore_mem>>) {add = true}
        %dma_wait3A_197 = arith.constant 0 : i32
        %dma_wait3A_198 = tpu.memref_slice %arg8[%mul3A_158, %dma_wait3A_197] : memref<125x80xi32, #tpu.memory_space<vmem>> -> memref<1x80xi32, #tpu.memory_space<vmem>>
        %dma_wait3A_199 = tpu.memref_squeeze %dma_wait3A_198 : memref<1x80xi32, #tpu.memory_space<vmem>> -> memref<80xi32, #tpu.memory_space<vmem>>
        %dma_wait3A_200 = arith.constant 0 : i32
        %dma_wait3A_201 = arith.constant 0 : i32
        %dma_wait3A_202 = tpu.memref_slice %arg11[%dma_wait3A_200, %dma_wait3A_201] : memref<10240x128xf32, #tpu.memory_space<vmem_shared>> -> memref<10240x128xf32, #tpu.memory_space<vmem_shared>>
        tpu.wait_indirect_dma semaphore(%run_scoped3A_190 : memref<!tpu.dma_semaphore, #tpu.memory_space<semaphore_mem>>) src(%arg9 : memref<80x128xf32, #tpu.memory_space<vmem>>) dst(%dma_wait3A_202 : memref<10240x128xf32, #tpu.memory_space<vmem_shared>>)
        tpu.yield
      }) : () -> ()
      %add3A_175 = arith.constant 2 : i32
      %add3A_176 = arith.addi %mul3A_158, %add3A_175 : i32
      %mul3A_177 = arith.constant 80 : i32
      %mul3A_178 = arith.muli %add3A_176, %mul3A_177 : i32
      %dma_start3A_179 = tpu.memref_slice %arg7[%mul3A_178] : memref<10000xi32, #tpu.memory_space<vmem>> -> memref<80xi32, #tpu.memory_space<vmem>>
      %dma_start3A_180 = arith.constant 0 : i32
      %dma_start3A_181 = arith.constant 0 : i32
      %dma_start3A_182 = tpu.memref_slice %arg2[%dma_start3A_180, %dma_start3A_181] : memref<10240x128xf32, #tpu.memory_space<hbm>> -> memref<10240x128xf32, #tpu.memory_space<hbm>>
      tpu.enqueue_indirect_dma source(%dma_start3A_182 : memref<10240x128xf32, #tpu.memory_space<hbm>>) target(%arg9 : memref<80x128xf32, #tpu.memory_space<vmem>>) offsets(%dma_start3A_179 : memref<80xi32, #tpu.memory_space<vmem>>) semaphore(%arg12 : memref<!tpu.dma_semaphore, #tpu.memory_space<semaphore_mem>>)
      %mul3A_183 = arith.constant 80 : i32
      %mul3A_184 = arith.muli %add3A_162, %mul3A_183 : i32
      %dma_wait3A_185 = tpu.memref_slice %arg7[%mul3A_184] : memref<10000xi32, #tpu.memory_space<vmem>> -> memref<80xi32, #tpu.memory_space<vmem>>
      %dma_wait3A_186 = arith.constant 0 : i32
      %dma_wait3A_187 = arith.constant 0 : i32
      %dma_wait3A_188 = tpu.memref_slice %arg2[%dma_wait3A_186, %dma_wait3A_187] : memref<10240x128xf32, #tpu.memory_space<hbm>> -> memref<10240x128xf32, #tpu.memory_space<hbm>>
      tpu.wait_indirect_dma semaphore(%arg13 : memref<!tpu.dma_semaphore, #tpu.memory_space<semaphore_mem>>) src(%dma_wait3A_188 : memref<10240x128xf32, #tpu.memory_space<hbm>>) dst(%arg10 : memref<80x128xf32, #tpu.memory_space<vmem>>)
      "tpu.region"() ({
        %run_scoped3A_190 = tpu.sem_alloc : memref<!tpu.dma_semaphore, #tpu.memory_space<semaphore_mem>>
        %dma_start3A_191 = arith.constant 0 : i32
        %dma_start3A_192 = tpu.memref_slice %arg8[%add3A_162, %dma_start3A_191] : memref<125x80xi32, #tpu.memory_space<vmem>> -> memref<1x80xi32, #tpu.memory_space<vmem>>
        %dma_start3A_193 = tpu.memref_squeeze %dma_start3A_192 : memref<1x80xi32, #tpu.memory_space<vmem>> -> memref<80xi32, #tpu.memory_space<vmem>>
        %dma_start3A_194 = arith.constant 0 : i32
        %dma_start3A_195 = arith.constant 0 : i32
        %dma_start3A_196 = tpu.memref_slice %arg11[%dma_start3A_194, %dma_start3A_195] : memref<10240x128xf32, #tpu.memory_space<vmem_shared>> -> memref<10240x128xf32, #tpu.memory_space<vmem_shared>>
        tpu.enqueue_indirect_dma source(%arg10 : memref<80x128xf32, #tpu.memory_space<vmem>>) target(%dma_start3A_196 : memref<10240x128xf32, #tpu.memory_space<vmem_shared>>) offsets(%dma_start3A_193 : memref<80xi32, #tpu.memory_space<vmem>>) semaphore(%run_scoped3A_190 : memref<!tpu.dma_semaphore, #tpu.memory_space<semaphore_mem>>) {add = true}
        %dma_wait3A_197 = arith.constant 0 : i32
        %dma_wait3A_198 = tpu.memref_slice %arg8[%add3A_162, %dma_wait3A_197] : memref<125x80xi32, #tpu.memory_space<vmem>> -> memref<1x80xi32, #tpu.memory_space<vmem>>
        %dma_wait3A_199 = tpu.memref_squeeze %dma_wait3A_198 : memref<1x80xi32, #tpu.memory_space<vmem>> -> memref<80xi32, #tpu.memory_space<vmem>>
        %dma_wait3A_200 = arith.constant 0 : i32
        %dma_wait3A_201 = arith.constant 0 : i32
        %dma_wait3A_202 = tpu.memref_slice %arg11[%dma_wait3A_200, %dma_wait3A_201] : memref<10240x128xf32, #tpu.memory_space<vmem_shared>> -> memref<10240x128xf32, #tpu.memory_space<vmem_shared>>
        tpu.wait_indirect_dma semaphore(%run_scoped3A_190 : memref<!tpu.dma_semaphore, #tpu.memory_space<semaphore_mem>>) src(%arg10 : memref<80x128xf32, #tpu.memory_space<vmem>>) dst(%dma_wait3A_202 : memref<10240x128xf32, #tpu.memory_space<vmem_shared>>)
        tpu.yield
      }) : () -> ()
      %scan3A_189 = arith.constant 0 : i32
      scf.yield %scan3A_189 : i32
    }
    %scan3A_142 = arith.constant 62 : i32
    %dma_wait3A_143 = arith.constant 9920 : i32
    %dma_wait3A_144 = tpu.memref_slice %arg7[%dma_wait3A_143] : memref<10000xi32, #tpu.memory_space<vmem>> -> memref<80xi32, #tpu.memory_space<vmem>>
    %dma_wait3A_145 = arith.constant 0 : i32
    %dma_wait3A_146 = arith.constant 0 : i32
    %dma_wait3A_147 = tpu.memref_slice %arg2[%dma_wait3A_145, %dma_wait3A_146] : memref<10240x128xf32, #tpu.memory_space<hbm>> -> memref<10240x128xf32, #tpu.memory_space<hbm>>
    tpu.wait_indirect_dma semaphore(%arg12 : memref<!tpu.dma_semaphore, #tpu.memory_space<semaphore_mem>>) src(%dma_wait3A_147 : memref<10240x128xf32, #tpu.memory_space<hbm>>) dst(%arg9 : memref<80x128xf32, #tpu.memory_space<vmem>>)
    %run_scoped3A = arith.constant 124 : i32
    "tpu.region"() ({
      %run_scoped3A_155 = tpu.sem_alloc : memref<!tpu.dma_semaphore, #tpu.memory_space<semaphore_mem>>
      %dma_start3A_156 = arith.constant 0 : i32
      %dma_start3A_157 = tpu.memref_slice %arg8[%run_scoped3A, %dma_start3A_156] : memref<125x80xi32, #tpu.memory_space<vmem>> -> memref<1x80xi32, #tpu.memory_space<vmem>>
      %dma_start3A_158 = tpu.memref_squeeze %dma_start3A_157 : memref<1x80xi32, #tpu.memory_space<vmem>> -> memref<80xi32, #tpu.memory_space<vmem>>
      %dma_start3A_159 = arith.constant 0 : i32
      %dma_start3A_160 = arith.constant 0 : i32
      %dma_start3A_161 = tpu.memref_slice %arg11[%dma_start3A_159, %dma_start3A_160] : memref<10240x128xf32, #tpu.memory_space<vmem_shared>> -> memref<10240x128xf32, #tpu.memory_space<vmem_shared>>
      tpu.enqueue_indirect_dma source(%arg9 : memref<80x128xf32, #tpu.memory_space<vmem>>) target(%dma_start3A_161 : memref<10240x128xf32, #tpu.memory_space<vmem_shared>>) offsets(%dma_start3A_158 : memref<80xi32, #tpu.memory_space<vmem>>) semaphore(%run_scoped3A_155 : memref<!tpu.dma_semaphore, #tpu.memory_space<semaphore_mem>>) {add = true}
      %dma_wait3A_162 = arith.constant 0 : i32
      %dma_wait3A_163 = tpu.memref_slice %arg8[%run_scoped3A, %dma_wait3A_162] : memref<125x80xi32, #tpu.memory_space<vmem>> -> memref<1x80xi32, #tpu.memory_space<vmem>>
      %dma_wait3A_164 = tpu.memref_squeeze %dma_wait3A_163 : memref<1x80xi32, #tpu.memory_space<vmem>> -> memref<80xi32, #tpu.memory_space<vmem>>
      %dma_wait3A_165 = arith.constant 0 : i32
      %dma_wait3A_166 = arith.constant 0 : i32
      %dma_wait3A_167 = tpu.memref_slice %arg11[%dma_wait3A_165, %dma_wait3A_166] : memref<10240x128xf32, #tpu.memory_space<vmem_shared>> -> memref<10240x128xf32, #tpu.memory_space<vmem_shared>>
      tpu.wait_indirect_dma semaphore(%run_scoped3A_155 : memref<!tpu.dma_semaphore, #tpu.memory_space<semaphore_mem>>) src(%arg9 : memref<80x128xf32, #tpu.memory_space<vmem>>) dst(%dma_wait3A_167 : memref<10240x128xf32, #tpu.memory_space<vmem_shared>>)
      tpu.yield
    }) : () -> ()
    %barrier3A_148 = arith.constant 0 : index
    tpu.barrier barrier_id(%barrier3A_148)
    %eq3A = arith.constant 0 : i32
    %eq3A_149 = arith.cmpi eq, %arg0, %eq3A : i32
    %convert_element_type3A = arith.extui %eq3A_149 : i1 to i32
    %cond3A = arith.constant 0 : i32
    %cond3A_150 = arith.cmpi ne, %convert_element_type3A, %cond3A : i32
    scf.if %cond3A_150 {
      %add3A_155 = arith.constant 0 : i32
      %add3A_156 = arith.addi %mul3A_2, %add3A_155 : i32
      "tpu.region"() ({
        %run_scoped3A_251 = tpu.sem_alloc : memref<!tpu.dma_semaphore, #tpu.memory_space<semaphore_mem>>
        %dma_start3A_252 = arith.constant 0 : i32
        %dma_start3A_253 = tpu.memref_slice %arg11[%add3A_156, %dma_start3A_252] : memref<10240x128xf32, #tpu.memory_space<vmem_shared>> -> memref<80x128xf32, #tpu.memory_space<vmem_shared>>
        %dma_start3A_254 = arith.constant 0 : i32
        %dma_start3A_255 = tpu.memref_slice %arg11[%add3A_156, %dma_start3A_254] : memref<10240x128xf32, #tpu.memory_space<vmem_shared>> -> memref<80x128xf32, #tpu.memory_space<vmem_shared>>
        tpu.enqueue_dma source(%dma_start3A_255 : memref<80x128xf32, #tpu.memory_space<vmem_shared>>) target(%arg9 : memref<80x128xf32, #tpu.memory_space<vmem>>) target_semaphore(%run_scoped3A_251 : memref<!tpu.dma_semaphore, #tpu.memory_space<semaphore_mem>>)
        %dma_wait3A_256 = arith.constant 0 : i32
        %dma_wait3A_257 = tpu.memref_slice %arg11[%add3A_156, %dma_wait3A_256] : memref<10240x128xf32, #tpu.memory_space<vmem_shared>> -> memref<80x128xf32, #tpu.memory_space<vmem_shared>>
        %dma_wait3A_258 = arith.constant 0 : i32
        %dma_wait3A_259 = tpu.memref_slice %arg11[%add3A_156, %dma_wait3A_258] : memref<10240x128xf32, #tpu.memory_space<vmem_shared>> -> memref<80x128xf32, #tpu.memory_space<vmem_shared>>
        tpu.wait_dma2 semaphore(%run_scoped3A_251 : memref<!tpu.dma_semaphore, #tpu.memory_space<semaphore_mem>>) src(%dma_wait3A_259 : memref<80x128xf32, #tpu.memory_space<vmem_shared>>) dst(%arg9 : memref<80x128xf32, #tpu.memory_space<vmem>>)
        tpu.yield
      }) : () -> ()
      %dma_start3A_157 = arith.constant 0 : i32
      %dma_start3A_158 = tpu.memref_slice %arg5[%add3A_156, %dma_start3A_157] : memref<10240x128xf32, #tpu.memory_space<hbm>> -> memref<80x128xf32, #tpu.memory_space<hbm>>
      %dma_start3A_159 = arith.constant 0 : i32
      %dma_start3A_160 = tpu.memref_slice %arg5[%add3A_156, %dma_start3A_159] : memref<10240x128xf32, #tpu.memory_space<hbm>> -> memref<80x128xf32, #tpu.memory_space<hbm>>
      tpu.enqueue_dma source(%arg9 : memref<80x128xf32, #tpu.memory_space<vmem>>) target(%dma_start3A_160 : memref<80x128xf32, #tpu.memory_space<hbm>>) target_semaphore(%arg12 : memref<!tpu.dma_semaphore, #tpu.memory_space<semaphore_mem>>)
      %add3A_161 = arith.constant 80 : i32
      %add3A_162 = arith.addi %mul3A_2, %add3A_161 : i32
      "tpu.region"() ({
        %run_scoped3A_251 = tpu.sem_alloc : memref<!tpu.dma_semaphore, #tpu.memory_space<semaphore_mem>>
        %dma_start3A_252 = arith.constant 0 : i32
        %dma_start3A_253 = tpu.memref_slice %arg11[%add3A_162, %dma_start3A_252] : memref<10240x128xf32, #tpu.memory_space<vmem_shared>> -> memref<80x128xf32, #tpu.memory_space<vmem_shared>>
        %dma_start3A_254 = arith.constant 0 : i32
        %dma_start3A_255 = tpu.memref_slice %arg11[%add3A_162, %dma_start3A_254] : memref<10240x128xf32, #tpu.memory_space<vmem_shared>> -> memref<80x128xf32, #tpu.memory_space<vmem_shared>>
        tpu.enqueue_dma source(%dma_start3A_255 : memref<80x128xf32, #tpu.memory_space<vmem_shared>>) target(%arg10 : memref<80x128xf32, #tpu.memory_space<vmem>>) target_semaphore(%run_scoped3A_251 : memref<!tpu.dma_semaphore, #tpu.memory_space<semaphore_mem>>)
        %dma_wait3A_256 = arith.constant 0 : i32
        %dma_wait3A_257 = tpu.memref_slice %arg11[%add3A_162, %dma_wait3A_256] : memref<10240x128xf32, #tpu.memory_space<vmem_shared>> -> memref<80x128xf32, #tpu.memory_space<vmem_shared>>
        %dma_wait3A_258 = arith.constant 0 : i32
        %dma_wait3A_259 = tpu.memref_slice %arg11[%add3A_162, %dma_wait3A_258] : memref<10240x128xf32, #tpu.memory_space<vmem_shared>> -> memref<80x128xf32, #tpu.memory_space<vmem_shared>>
        tpu.wait_dma2 semaphore(%run_scoped3A_251 : memref<!tpu.dma_semaphore, #tpu.memory_space<semaphore_mem>>) src(%dma_wait3A_259 : memref<80x128xf32, #tpu.memory_space<vmem_shared>>) dst(%arg10 : memref<80x128xf32, #tpu.memory_space<vmem>>)
        tpu.yield
      }) : () -> ()
      %dma_start3A_163 = arith.constant 0 : i32
      %dma_start3A_164 = tpu.memref_slice %arg5[%add3A_162, %dma_start3A_163] : memref<10240x128xf32, #tpu.memory_space<hbm>> -> memref<80x128xf32, #tpu.memory_space<hbm>>
      %dma_start3A_165 = arith.constant 0 : i32
      %dma_start3A_166 = tpu.memref_slice %arg5[%add3A_162, %dma_start3A_165] : memref<10240x128xf32, #tpu.memory_space<hbm>> -> memref<80x128xf32, #tpu.memory_space<hbm>>
      tpu.enqueue_dma source(%arg10 : memref<80x128xf32, #tpu.memory_space<vmem>>) target(%dma_start3A_166 : memref<80x128xf32, #tpu.memory_space<hbm>>) target_semaphore(%arg13 : memref<!tpu.dma_semaphore, #tpu.memory_space<semaphore_mem>>)
      %add3A_167 = arith.constant 160 : i32
      %add3A_168 = arith.addi %mul3A_2, %add3A_167 : i32
      %add3A_169 = arith.constant 0 : i32
      %add3A_170 = arith.addi %mul3A_2, %add3A_169 : i32
      %dma_wait3A_171 = arith.constant 0 : i32
      %dma_wait3A_172 = tpu.memref_slice %arg5[%add3A_170, %dma_wait3A_171] : memref<10240x128xf32, #tpu.memory_space<hbm>> -> memref<80x128xf32, #tpu.memory_space<hbm>>
      %dma_wait3A_173 = arith.constant 0 : i32
      %dma_wait3A_174 = tpu.memref_slice %arg5[%add3A_170, %dma_wait3A_173] : memref<10240x128xf32, #tpu.memory_space<hbm>> -> memref<80x128xf32, #tpu.memory_space<hbm>>
      tpu.wait_dma2 semaphore(%arg12 : memref<!tpu.dma_semaphore, #tpu.memory_space<semaphore_mem>>) src(%arg9 : memref<80x128xf32, #tpu.memory_space<vmem>>) dst(%dma_wait3A_174 : memref<80x128xf32, #tpu.memory_space<hbm>>)
      "tpu.region"() ({
        %run_scoped3A_251 = tpu.sem_alloc : memref<!tpu.dma_semaphore, #tpu.memory_space<semaphore_mem>>
        %dma_start3A_252 = arith.constant 0 : i32
        %dma_start3A_253 = tpu.memref_slice %arg11[%add3A_168, %dma_start3A_252] : memref<10240x128xf32, #tpu.memory_space<vmem_shared>> -> memref<80x128xf32, #tpu.memory_space<vmem_shared>>
        %dma_start3A_254 = arith.constant 0 : i32
        %dma_start3A_255 = tpu.memref_slice %arg11[%add3A_168, %dma_start3A_254] : memref<10240x128xf32, #tpu.memory_space<vmem_shared>> -> memref<80x128xf32, #tpu.memory_space<vmem_shared>>
        tpu.enqueue_dma source(%dma_start3A_255 : memref<80x128xf32, #tpu.memory_space<vmem_shared>>) target(%arg9 : memref<80x128xf32, #tpu.memory_space<vmem>>) target_semaphore(%run_scoped3A_251 : memref<!tpu.dma_semaphore, #tpu.memory_space<semaphore_mem>>)
        %dma_wait3A_256 = arith.constant 0 : i32
        %dma_wait3A_257 = tpu.memref_slice %arg11[%add3A_168, %dma_wait3A_256] : memref<10240x128xf32, #tpu.memory_space<vmem_shared>> -> memref<80x128xf32, #tpu.memory_space<vmem_shared>>
        %dma_wait3A_258 = arith.constant 0 : i32
        %dma_wait3A_259 = tpu.memref_slice %arg11[%add3A_168, %dma_wait3A_258] : memref<10240x128xf32, #tpu.memory_space<vmem_shared>> -> memref<80x128xf32, #tpu.memory_space<vmem_shared>>
        tpu.wait_dma2 semaphore(%run_scoped3A_251 : memref<!tpu.dma_semaphore, #tpu.memory_space<semaphore_mem>>) src(%dma_wait3A_259 : memref<80x128xf32, #tpu.memory_space<vmem_shared>>) dst(%arg9 : memref<80x128xf32, #tpu.memory_space<vmem>>)
        tpu.yield
      }) : () -> ()
      %dma_start3A_175 = arith.constant 0 : i32
      %dma_start3A_176 = tpu.memref_slice %arg5[%add3A_168, %dma_start3A_175] : memref<10240x128xf32, #tpu.memory_space<hbm>> -> memref<80x128xf32, #tpu.memory_space<hbm>>
      %dma_start3A_177 = arith.constant 0 : i32
      %dma_start3A_178 = tpu.memref_slice %arg5[%add3A_168, %dma_start3A_177] : memref<10240x128xf32, #tpu.memory_space<hbm>> -> memref<80x128xf32, #tpu.memory_space<hbm>>
      tpu.enqueue_dma source(%arg9 : memref<80x128xf32, #tpu.memory_space<vmem>>) target(%dma_start3A_178 : memref<80x128xf32, #tpu.memory_space<hbm>>) target_semaphore(%arg12 : memref<!tpu.dma_semaphore, #tpu.memory_space<semaphore_mem>>)
      %add3A_179 = arith.constant 240 : i32
      %add3A_180 = arith.addi %mul3A_2, %add3A_179 : i32
      %add3A_181 = arith.constant 80 : i32
      %add3A_182 = arith.addi %mul3A_2, %add3A_181 : i32
      %dma_wait3A_183 = arith.constant 0 : i32
      %dma_wait3A_184 = tpu.memref_slice %arg5[%add3A_182, %dma_wait3A_183] : memref<10240x128xf32, #tpu.memory_space<hbm>> -> memref<80x128xf32, #tpu.memory_space<hbm>>
      %dma_wait3A_185 = arith.constant 0 : i32
      %dma_wait3A_186 = tpu.memref_slice %arg5[%add3A_182, %dma_wait3A_185] : memref<10240x128xf32, #tpu.memory_space<hbm>> -> memref<80x128xf32, #tpu.memory_space<hbm>>
      tpu.wait_dma2 semaphore(%arg13 : memref<!tpu.dma_semaphore, #tpu.memory_space<semaphore_mem>>) src(%arg10 : memref<80x128xf32, #tpu.memory_space<vmem>>) dst(%dma_wait3A_186 : memref<80x128xf32, #tpu.memory_space<hbm>>)
      "tpu.region"() ({
        %run_scoped3A_251 = tpu.sem_alloc : memref<!tpu.dma_semaphore, #tpu.memory_space<semaphore_mem>>
        %dma_start3A_252 = arith.constant 0 : i32
        %dma_start3A_253 = tpu.memref_slice %arg11[%add3A_180, %dma_start3A_252] : memref<10240x128xf32, #tpu.memory_space<vmem_shared>> -> memref<80x128xf32, #tpu.memory_space<vmem_shared>>
        %dma_start3A_254 = arith.constant 0 : i32
        %dma_start3A_255 = tpu.memref_slice %arg11[%add3A_180, %dma_start3A_254] : memref<10240x128xf32, #tpu.memory_space<vmem_shared>> -> memref<80x128xf32, #tpu.memory_space<vmem_shared>>
        tpu.enqueue_dma source(%dma_start3A_255 : memref<80x128xf32, #tpu.memory_space<vmem_shared>>) target(%arg10 : memref<80x128xf32, #tpu.memory_space<vmem>>) target_semaphore(%run_scoped3A_251 : memref<!tpu.dma_semaphore, #tpu.memory_space<semaphore_mem>>)
        %dma_wait3A_256 = arith.constant 0 : i32
        %dma_wait3A_257 = tpu.memref_slice %arg11[%add3A_180, %dma_wait3A_256] : memref<10240x128xf32, #tpu.memory_space<vmem_shared>> -> memref<80x128xf32, #tpu.memory_space<vmem_shared>>
        %dma_wait3A_258 = arith.constant 0 : i32
        %dma_wait3A_259 = tpu.memref_slice %arg11[%add3A_180, %dma_wait3A_258] : memref<10240x128xf32, #tpu.memory_space<vmem_shared>> -> memref<80x128xf32, #tpu.memory_space<vmem_shared>>
        tpu.wait_dma2 semaphore(%run_scoped3A_251 : memref<!tpu.dma_semaphore, #tpu.memory_space<semaphore_mem>>) src(%dma_wait3A_259 : memref<80x128xf32, #tpu.memory_space<vmem_shared>>) dst(%arg10 : memref<80x128xf32, #tpu.memory_space<vmem>>)
        tpu.yield
      }) : () -> ()
      %dma_start3A_187 = arith.constant 0 : i32
      %dma_start3A_188 = tpu.memref_slice %arg5[%add3A_180, %dma_start3A_187] : memref<10240x128xf32, #tpu.memory_space<hbm>> -> memref<80x128xf32, #tpu.memory_space<hbm>>
      %dma_start3A_189 = arith.constant 0 : i32
      %dma_start3A_190 = tpu.memref_slice %arg5[%add3A_180, %dma_start3A_189] : memref<10240x128xf32, #tpu.memory_space<hbm>> -> memref<80x128xf32, #tpu.memory_space<hbm>>
      tpu.enqueue_dma source(%arg10 : memref<80x128xf32, #tpu.memory_space<vmem>>) target(%dma_start3A_190 : memref<80x128xf32, #tpu.memory_space<hbm>>) target_semaphore(%arg13 : memref<!tpu.dma_semaphore, #tpu.memory_space<semaphore_mem>>)
      %add3A_191 = arith.constant 320 : i32
      %add3A_192 = arith.addi %mul3A_2, %add3A_191 : i32
      %add3A_193 = arith.constant 160 : i32
      %add3A_194 = arith.addi %mul3A_2, %add3A_193 : i32
      %dma_wait3A_195 = arith.constant 0 : i32
      %dma_wait3A_196 = tpu.memref_slice %arg5[%add3A_194, %dma_wait3A_195] : memref<10240x128xf32, #tpu.memory_space<hbm>> -> memref<80x128xf32, #tpu.memory_space<hbm>>
      %dma_wait3A_197 = arith.constant 0 : i32
      %dma_wait3A_198 = tpu.memref_slice %arg5[%add3A_194, %dma_wait3A_197] : memref<10240x128xf32, #tpu.memory_space<hbm>> -> memref<80x128xf32, #tpu.memory_space<hbm>>
      tpu.wait_dma2 semaphore(%arg12 : memref<!tpu.dma_semaphore, #tpu.memory_space<semaphore_mem>>) src(%arg9 : memref<80x128xf32, #tpu.memory_space<vmem>>) dst(%dma_wait3A_198 : memref<80x128xf32, #tpu.memory_space<hbm>>)
      "tpu.region"() ({
        %run_scoped3A_251 = tpu.sem_alloc : memref<!tpu.dma_semaphore, #tpu.memory_space<semaphore_mem>>
        %dma_start3A_252 = arith.constant 0 : i32
        %dma_start3A_253 = tpu.memref_slice %arg11[%add3A_192, %dma_start3A_252] : memref<10240x128xf32, #tpu.memory_space<vmem_shared>> -> memref<80x128xf32, #tpu.memory_space<vmem_shared>>
        %dma_start3A_254 = arith.constant 0 : i32
        %dma_start3A_255 = tpu.memref_slice %arg11[%add3A_192, %dma_start3A_254] : memref<10240x128xf32, #tpu.memory_space<vmem_shared>> -> memref<80x128xf32, #tpu.memory_space<vmem_shared>>
        tpu.enqueue_dma source(%dma_start3A_255 : memref<80x128xf32, #tpu.memory_space<vmem_shared>>) target(%arg9 : memref<80x128xf32, #tpu.memory_space<vmem>>) target_semaphore(%run_scoped3A_251 : memref<!tpu.dma_semaphore, #tpu.memory_space<semaphore_mem>>)
        %dma_wait3A_256 = arith.constant 0 : i32
        %dma_wait3A_257 = tpu.memref_slice %arg11[%add3A_192, %dma_wait3A_256] : memref<10240x128xf32, #tpu.memory_space<vmem_shared>> -> memref<80x128xf32, #tpu.memory_space<vmem_shared>>
        %dma_wait3A_258 = arith.constant 0 : i32
        %dma_wait3A_259 = tpu.memref_slice %arg11[%add3A_192, %dma_wait3A_258] : memref<10240x128xf32, #tpu.memory_space<vmem_shared>> -> memref<80x128xf32, #tpu.memory_space<vmem_shared>>
        tpu.wait_dma2 semaphore(%run_scoped3A_251 : memref<!tpu.dma_semaphore, #tpu.memory_space<semaphore_mem>>) src(%dma_wait3A_259 : memref<80x128xf32, #tpu.memory_space<vmem_shared>>) dst(%arg9 : memref<80x128xf32, #tpu.memory_space<vmem>>)
        tpu.yield
      }) : () -> ()
      %dma_start3A_199 = arith.constant 0 : i32
      %dma_start3A_200 = tpu.memref_slice %arg5[%add3A_192, %dma_start3A_199] : memref<10240x128xf32, #tpu.memory_space<hbm>> -> memref<80x128xf32, #tpu.memory_space<hbm>>
      %dma_start3A_201 = arith.constant 0 : i32
      %dma_start3A_202 = tpu.memref_slice %arg5[%add3A_192, %dma_start3A_201] : memref<10240x128xf32, #tpu.memory_space<hbm>> -> memref<80x128xf32, #tpu.memory_space<hbm>>
      tpu.enqueue_dma source(%arg9 : memref<80x128xf32, #tpu.memory_space<vmem>>) target(%dma_start3A_202 : memref<80x128xf32, #tpu.memory_space<hbm>>) target_semaphore(%arg12 : memref<!tpu.dma_semaphore, #tpu.memory_space<semaphore_mem>>)
      %add3A_203 = arith.constant 400 : i32
      %add3A_204 = arith.addi %mul3A_2, %add3A_203 : i32
      %add3A_205 = arith.constant 240 : i32
      %add3A_206 = arith.addi %mul3A_2, %add3A_205 : i32
      %dma_wait3A_207 = arith.constant 0 : i32
      %dma_wait3A_208 = tpu.memref_slice %arg5[%add3A_206, %dma_wait3A_207] : memref<10240x128xf32, #tpu.memory_space<hbm>> -> memref<80x128xf32, #tpu.memory_space<hbm>>
      %dma_wait3A_209 = arith.constant 0 : i32
      %dma_wait3A_210 = tpu.memref_slice %arg5[%add3A_206, %dma_wait3A_209] : memref<10240x128xf32, #tpu.memory_space<hbm>> -> memref<80x128xf32, #tpu.memory_space<hbm>>
      tpu.wait_dma2 semaphore(%arg13 : memref<!tpu.dma_semaphore, #tpu.memory_space<semaphore_mem>>) src(%arg10 : memref<80x128xf32, #tpu.memory_space<vmem>>) dst(%dma_wait3A_210 : memref<80x128xf32, #tpu.memory_space<hbm>>)
      "tpu.region"() ({
        %run_scoped3A_251 = tpu.sem_alloc : memref<!tpu.dma_semaphore, #tpu.memory_space<semaphore_mem>>
        %dma_start3A_252 = arith.constant 0 : i32
        %dma_start3A_253 = tpu.memref_slice %arg11[%add3A_204, %dma_start3A_252] : memref<10240x128xf32, #tpu.memory_space<vmem_shared>> -> memref<80x128xf32, #tpu.memory_space<vmem_shared>>
        %dma_start3A_254 = arith.constant 0 : i32
        %dma_start3A_255 = tpu.memref_slice %arg11[%add3A_204, %dma_start3A_254] : memref<10240x128xf32, #tpu.memory_space<vmem_shared>> -> memref<80x128xf32, #tpu.memory_space<vmem_shared>>
        tpu.enqueue_dma source(%dma_start3A_255 : memref<80x128xf32, #tpu.memory_space<vmem_shared>>) target(%arg10 : memref<80x128xf32, #tpu.memory_space<vmem>>) target_semaphore(%run_scoped3A_251 : memref<!tpu.dma_semaphore, #tpu.memory_space<semaphore_mem>>)
        %dma_wait3A_256 = arith.constant 0 : i32
        %dma_wait3A_257 = tpu.memref_slice %arg11[%add3A_204, %dma_wait3A_256] : memref<10240x128xf32, #tpu.memory_space<vmem_shared>> -> memref<80x128xf32, #tpu.memory_space<vmem_shared>>
        %dma_wait3A_258 = arith.constant 0 : i32
        %dma_wait3A_259 = tpu.memref_slice %arg11[%add3A_204, %dma_wait3A_258] : memref<10240x128xf32, #tpu.memory_space<vmem_shared>> -> memref<80x128xf32, #tpu.memory_space<vmem_shared>>
        tpu.wait_dma2 semaphore(%run_scoped3A_251 : memref<!tpu.dma_semaphore, #tpu.memory_space<semaphore_mem>>) src(%dma_wait3A_259 : memref<80x128xf32, #tpu.memory_space<vmem_shared>>) dst(%arg10 : memref<80x128xf32, #tpu.memory_space<vmem>>)
        tpu.yield
      }) : () -> ()
      %dma_start3A_211 = arith.constant 0 : i32
      %dma_start3A_212 = tpu.memref_slice %arg5[%add3A_204, %dma_start3A_211] : memref<10240x128xf32, #tpu.memory_space<hbm>> -> memref<80x128xf32, #tpu.memory_space<hbm>>
      %dma_start3A_213 = arith.constant 0 : i32
      %dma_start3A_214 = tpu.memref_slice %arg5[%add3A_204, %dma_start3A_213] : memref<10240x128xf32, #tpu.memory_space<hbm>> -> memref<80x128xf32, #tpu.memory_space<hbm>>
      tpu.enqueue_dma source(%arg10 : memref<80x128xf32, #tpu.memory_space<vmem>>) target(%dma_start3A_214 : memref<80x128xf32, #tpu.memory_space<hbm>>) target_semaphore(%arg13 : memref<!tpu.dma_semaphore, #tpu.memory_space<semaphore_mem>>)
      %add3A_215 = arith.constant 480 : i32
      %add3A_216 = arith.addi %mul3A_2, %add3A_215 : i32
      %add3A_217 = arith.constant 320 : i32
      %add3A_218 = arith.addi %mul3A_2, %add3A_217 : i32
      %dma_wait3A_219 = arith.constant 0 : i32
      %dma_wait3A_220 = tpu.memref_slice %arg5[%add3A_218, %dma_wait3A_219] : memref<10240x128xf32, #tpu.memory_space<hbm>> -> memref<80x128xf32, #tpu.memory_space<hbm>>
      %dma_wait3A_221 = arith.constant 0 : i32
      %dma_wait3A_222 = tpu.memref_slice %arg5[%add3A_218, %dma_wait3A_221] : memref<10240x128xf32, #tpu.memory_space<hbm>> -> memref<80x128xf32, #tpu.memory_space<hbm>>
      tpu.wait_dma2 semaphore(%arg12 : memref<!tpu.dma_semaphore, #tpu.memory_space<semaphore_mem>>) src(%arg9 : memref<80x128xf32, #tpu.memory_space<vmem>>) dst(%dma_wait3A_222 : memref<80x128xf32, #tpu.memory_space<hbm>>)
      "tpu.region"() ({
        %run_scoped3A_251 = tpu.sem_alloc : memref<!tpu.dma_semaphore, #tpu.memory_space<semaphore_mem>>
        %dma_start3A_252 = arith.constant 0 : i32
        %dma_start3A_253 = tpu.memref_slice %arg11[%add3A_216, %dma_start3A_252] : memref<10240x128xf32, #tpu.memory_space<vmem_shared>> -> memref<80x128xf32, #tpu.memory_space<vmem_shared>>
        %dma_start3A_254 = arith.constant 0 : i32
        %dma_start3A_255 = tpu.memref_slice %arg11[%add3A_216, %dma_start3A_254] : memref<10240x128xf32, #tpu.memory_space<vmem_shared>> -> memref<80x128xf32, #tpu.memory_space<vmem_shared>>
        tpu.enqueue_dma source(%dma_start3A_255 : memref<80x128xf32, #tpu.memory_space<vmem_shared>>) target(%arg9 : memref<80x128xf32, #tpu.memory_space<vmem>>) target_semaphore(%run_scoped3A_251 : memref<!tpu.dma_semaphore, #tpu.memory_space<semaphore_mem>>)
        %dma_wait3A_256 = arith.constant 0 : i32
        %dma_wait3A_257 = tpu.memref_slice %arg11[%add3A_216, %dma_wait3A_256] : memref<10240x128xf32, #tpu.memory_space<vmem_shared>> -> memref<80x128xf32, #tpu.memory_space<vmem_shared>>
        %dma_wait3A_258 = arith.constant 0 : i32
        %dma_wait3A_259 = tpu.memref_slice %arg11[%add3A_216, %dma_wait3A_258] : memref<10240x128xf32, #tpu.memory_space<vmem_shared>> -> memref<80x128xf32, #tpu.memory_space<vmem_shared>>
        tpu.wait_dma2 semaphore(%run_scoped3A_251 : memref<!tpu.dma_semaphore, #tpu.memory_space<semaphore_mem>>) src(%dma_wait3A_259 : memref<80x128xf32, #tpu.memory_space<vmem_shared>>) dst(%arg9 : memref<80x128xf32, #tpu.memory_space<vmem>>)
        tpu.yield
      }) : () -> ()
      %dma_start3A_223 = arith.constant 0 : i32
      %dma_start3A_224 = tpu.memref_slice %arg5[%add3A_216, %dma_start3A_223] : memref<10240x128xf32, #tpu.memory_space<hbm>> -> memref<80x128xf32, #tpu.memory_space<hbm>>
      %dma_start3A_225 = arith.constant 0 : i32
      %dma_start3A_226 = tpu.memref_slice %arg5[%add3A_216, %dma_start3A_225] : memref<10240x128xf32, #tpu.memory_space<hbm>> -> memref<80x128xf32, #tpu.memory_space<hbm>>
      tpu.enqueue_dma source(%arg9 : memref<80x128xf32, #tpu.memory_space<vmem>>) target(%dma_start3A_226 : memref<80x128xf32, #tpu.memory_space<hbm>>) target_semaphore(%arg12 : memref<!tpu.dma_semaphore, #tpu.memory_space<semaphore_mem>>)
      %add3A_227 = arith.constant 560 : i32
      %add3A_228 = arith.addi %mul3A_2, %add3A_227 : i32
      %add3A_229 = arith.constant 400 : i32
      %add3A_230 = arith.addi %mul3A_2, %add3A_229 : i32
      %dma_wait3A_231 = arith.constant 0 : i32
      %dma_wait3A_232 = tpu.memref_slice %arg5[%add3A_230, %dma_wait3A_231] : memref<10240x128xf32, #tpu.memory_space<hbm>> -> memref<80x128xf32, #tpu.memory_space<hbm>>
      %dma_wait3A_233 = arith.constant 0 : i32
      %dma_wait3A_234 = tpu.memref_slice %arg5[%add3A_230, %dma_wait3A_233] : memref<10240x128xf32, #tpu.memory_space<hbm>> -> memref<80x128xf32, #tpu.memory_space<hbm>>
      tpu.wait_dma2 semaphore(%arg13 : memref<!tpu.dma_semaphore, #tpu.memory_space<semaphore_mem>>) src(%arg10 : memref<80x128xf32, #tpu.memory_space<vmem>>) dst(%dma_wait3A_234 : memref<80x128xf32, #tpu.memory_space<hbm>>)
      "tpu.region"() ({
        %run_scoped3A_251 = tpu.sem_alloc : memref<!tpu.dma_semaphore, #tpu.memory_space<semaphore_mem>>
        %dma_start3A_252 = arith.constant 0 : i32
        %dma_start3A_253 = tpu.memref_slice %arg11[%add3A_228, %dma_start3A_252] : memref<10240x128xf32, #tpu.memory_space<vmem_shared>> -> memref<80x128xf32, #tpu.memory_space<vmem_shared>>
        %dma_start3A_254 = arith.constant 0 : i32
        %dma_start3A_255 = tpu.memref_slice %arg11[%add3A_228, %dma_start3A_254] : memref<10240x128xf32, #tpu.memory_space<vmem_shared>> -> memref<80x128xf32, #tpu.memory_space<vmem_shared>>
        tpu.enqueue_dma source(%dma_start3A_255 : memref<80x128xf32, #tpu.memory_space<vmem_shared>>) target(%arg10 : memref<80x128xf32, #tpu.memory_space<vmem>>) target_semaphore(%run_scoped3A_251 : memref<!tpu.dma_semaphore, #tpu.memory_space<semaphore_mem>>)
        %dma_wait3A_256 = arith.constant 0 : i32
        %dma_wait3A_257 = tpu.memref_slice %arg11[%add3A_228, %dma_wait3A_256] : memref<10240x128xf32, #tpu.memory_space<vmem_shared>> -> memref<80x128xf32, #tpu.memory_space<vmem_shared>>
        %dma_wait3A_258 = arith.constant 0 : i32
        %dma_wait3A_259 = tpu.memref_slice %arg11[%add3A_228, %dma_wait3A_258] : memref<10240x128xf32, #tpu.memory_space<vmem_shared>> -> memref<80x128xf32, #tpu.memory_space<vmem_shared>>
        tpu.wait_dma2 semaphore(%run_scoped3A_251 : memref<!tpu.dma_semaphore, #tpu.memory_space<semaphore_mem>>) src(%dma_wait3A_259 : memref<80x128xf32, #tpu.memory_space<vmem_shared>>) dst(%arg10 : memref<80x128xf32, #tpu.memory_space<vmem>>)
        tpu.yield
      }) : () -> ()
      %dma_start3A_235 = arith.constant 0 : i32
      %dma_start3A_236 = tpu.memref_slice %arg5[%add3A_228, %dma_start3A_235] : memref<10240x128xf32, #tpu.memory_space<hbm>> -> memref<80x128xf32, #tpu.memory_space<hbm>>
      %dma_start3A_237 = arith.constant 0 : i32
      %dma_start3A_238 = tpu.memref_slice %arg5[%add3A_228, %dma_start3A_237] : memref<10240x128xf32, #tpu.memory_space<hbm>> -> memref<80x128xf32, #tpu.memory_space<hbm>>
      tpu.enqueue_dma source(%arg10 : memref<80x128xf32, #tpu.memory_space<vmem>>) target(%dma_start3A_238 : memref<80x128xf32, #tpu.memory_space<hbm>>) target_semaphore(%arg13 : memref<!tpu.dma_semaphore, #tpu.memory_space<semaphore_mem>>)
      %add3A_239 = arith.constant 480 : i32
      %add3A_240 = arith.addi %mul3A_2, %add3A_239 : i32
      %dma_wait3A_241 = arith.constant 0 : i32
      %dma_wait3A_242 = tpu.memref_slice %arg5[%add3A_240, %dma_wait3A_241] : memref<10240x128xf32, #tpu.memory_space<hbm>> -> memref<80x128xf32, #tpu.memory_space<hbm>>
      %dma_wait3A_243 = arith.constant 0 : i32
      %dma_wait3A_244 = tpu.memref_slice %arg5[%add3A_240, %dma_wait3A_243] : memref<10240x128xf32, #tpu.memory_space<hbm>> -> memref<80x128xf32, #tpu.memory_space<hbm>>
      tpu.wait_dma2 semaphore(%arg12 : memref<!tpu.dma_semaphore, #tpu.memory_space<semaphore_mem>>) src(%arg9 : memref<80x128xf32, #tpu.memory_space<vmem>>) dst(%dma_wait3A_244 : memref<80x128xf32, #tpu.memory_space<hbm>>)
      %add3A_245 = arith.constant 560 : i32
      %add3A_246 = arith.addi %mul3A_2, %add3A_245 : i32
      %dma_wait3A_247 = arith.constant 0 : i32
      %dma_wait3A_248 = tpu.memref_slice %arg5[%add3A_246, %dma_wait3A_247] : memref<10240x128xf32, #tpu.memory_space<hbm>> -> memref<80x128xf32, #tpu.memory_space<hbm>>
      %dma_wait3A_249 = arith.constant 0 : i32
      %dma_wait3A_250 = tpu.memref_slice %arg5[%add3A_246, %dma_wait3A_249] : memref<10240x128xf32, #tpu.memory_space<hbm>> -> memref<80x128xf32, #tpu.memory_space<hbm>>
      tpu.wait_dma2 semaphore(%arg13 : memref<!tpu.dma_semaphore, #tpu.memory_space<semaphore_mem>>) src(%arg10 : memref<80x128xf32, #tpu.memory_space<vmem>>) dst(%dma_wait3A_250 : memref<80x128xf32, #tpu.memory_space<hbm>>)
    } else {
    }
    %ne3A = arith.constant 0 : i32
    %ne3A_151 = arith.cmpi ne, %arg0, %ne3A : i32
    %convert_element_type3A_152 = arith.extui %ne3A_151 : i1 to i32
    %cond3A_153 = arith.constant 0 : i32
    %cond3A_154 = arith.cmpi ne, %convert_element_type3A_152, %cond3A_153 : i32
    scf.if %cond3A_154 {
      %add3A_155 = arith.constant 0 : i32
      %add3A_156 = arith.addi %mul3A_2, %add3A_155 : i32
      "tpu.region"() ({
        %run_scoped3A_251 = tpu.sem_alloc : memref<!tpu.dma_semaphore, #tpu.memory_space<semaphore_mem>>
        %dma_start3A_252 = arith.constant 0 : i32
        %dma_start3A_253 = tpu.memref_slice %arg11[%add3A_156, %dma_start3A_252] : memref<10240x128xf32, #tpu.memory_space<vmem_shared>> -> memref<80x128xf32, #tpu.memory_space<vmem_shared>>
        %dma_start3A_254 = arith.constant 0 : i32
        %dma_start3A_255 = tpu.memref_slice %arg11[%add3A_156, %dma_start3A_254] : memref<10240x128xf32, #tpu.memory_space<vmem_shared>> -> memref<80x128xf32, #tpu.memory_space<vmem_shared>>
        tpu.enqueue_dma source(%dma_start3A_255 : memref<80x128xf32, #tpu.memory_space<vmem_shared>>) target(%arg9 : memref<80x128xf32, #tpu.memory_space<vmem>>) target_semaphore(%run_scoped3A_251 : memref<!tpu.dma_semaphore, #tpu.memory_space<semaphore_mem>>)
        %dma_wait3A_256 = arith.constant 0 : i32
        %dma_wait3A_257 = tpu.memref_slice %arg11[%add3A_156, %dma_wait3A_256] : memref<10240x128xf32, #tpu.memory_space<vmem_shared>> -> memref<80x128xf32, #tpu.memory_space<vmem_shared>>
        %dma_wait3A_258 = arith.constant 0 : i32
        %dma_wait3A_259 = tpu.memref_slice %arg11[%add3A_156, %dma_wait3A_258] : memref<10240x128xf32, #tpu.memory_space<vmem_shared>> -> memref<80x128xf32, #tpu.memory_space<vmem_shared>>
        tpu.wait_dma2 semaphore(%run_scoped3A_251 : memref<!tpu.dma_semaphore, #tpu.memory_space<semaphore_mem>>) src(%dma_wait3A_259 : memref<80x128xf32, #tpu.memory_space<vmem_shared>>) dst(%arg9 : memref<80x128xf32, #tpu.memory_space<vmem>>)
        tpu.yield
      }) : () -> ()
      %dma_start3A_157 = arith.constant 0 : i32
      %dma_start3A_158 = tpu.memref_slice %arg6[%add3A_156, %dma_start3A_157] : memref<10240x128xf32, #tpu.memory_space<hbm>> -> memref<80x128xf32, #tpu.memory_space<hbm>>
      %dma_start3A_159 = arith.constant 0 : i32
      %dma_start3A_160 = tpu.memref_slice %arg6[%add3A_156, %dma_start3A_159] : memref<10240x128xf32, #tpu.memory_space<hbm>> -> memref<80x128xf32, #tpu.memory_space<hbm>>
      tpu.enqueue_dma source(%arg9 : memref<80x128xf32, #tpu.memory_space<vmem>>) target(%dma_start3A_160 : memref<80x128xf32, #tpu.memory_space<hbm>>) target_semaphore(%arg12 : memref<!tpu.dma_semaphore, #tpu.memory_space<semaphore_mem>>)
      %add3A_161 = arith.constant 80 : i32
      %add3A_162 = arith.addi %mul3A_2, %add3A_161 : i32
      "tpu.region"() ({
        %run_scoped3A_251 = tpu.sem_alloc : memref<!tpu.dma_semaphore, #tpu.memory_space<semaphore_mem>>
        %dma_start3A_252 = arith.constant 0 : i32
        %dma_start3A_253 = tpu.memref_slice %arg11[%add3A_162, %dma_start3A_252] : memref<10240x128xf32, #tpu.memory_space<vmem_shared>> -> memref<80x128xf32, #tpu.memory_space<vmem_shared>>
        %dma_start3A_254 = arith.constant 0 : i32
        %dma_start3A_255 = tpu.memref_slice %arg11[%add3A_162, %dma_start3A_254] : memref<10240x128xf32, #tpu.memory_space<vmem_shared>> -> memref<80x128xf32, #tpu.memory_space<vmem_shared>>
        tpu.enqueue_dma source(%dma_start3A_255 : memref<80x128xf32, #tpu.memory_space<vmem_shared>>) target(%arg10 : memref<80x128xf32, #tpu.memory_space<vmem>>) target_semaphore(%run_scoped3A_251 : memref<!tpu.dma_semaphore, #tpu.memory_space<semaphore_mem>>)
        %dma_wait3A_256 = arith.constant 0 : i32
        %dma_wait3A_257 = tpu.memref_slice %arg11[%add3A_162, %dma_wait3A_256] : memref<10240x128xf32, #tpu.memory_space<vmem_shared>> -> memref<80x128xf32, #tpu.memory_space<vmem_shared>>
        %dma_wait3A_258 = arith.constant 0 : i32
        %dma_wait3A_259 = tpu.memref_slice %arg11[%add3A_162, %dma_wait3A_258] : memref<10240x128xf32, #tpu.memory_space<vmem_shared>> -> memref<80x128xf32, #tpu.memory_space<vmem_shared>>
        tpu.wait_dma2 semaphore(%run_scoped3A_251 : memref<!tpu.dma_semaphore, #tpu.memory_space<semaphore_mem>>) src(%dma_wait3A_259 : memref<80x128xf32, #tpu.memory_space<vmem_shared>>) dst(%arg10 : memref<80x128xf32, #tpu.memory_space<vmem>>)
        tpu.yield
      }) : () -> ()
      %dma_start3A_163 = arith.constant 0 : i32
      %dma_start3A_164 = tpu.memref_slice %arg6[%add3A_162, %dma_start3A_163] : memref<10240x128xf32, #tpu.memory_space<hbm>> -> memref<80x128xf32, #tpu.memory_space<hbm>>
      %dma_start3A_165 = arith.constant 0 : i32
      %dma_start3A_166 = tpu.memref_slice %arg6[%add3A_162, %dma_start3A_165] : memref<10240x128xf32, #tpu.memory_space<hbm>> -> memref<80x128xf32, #tpu.memory_space<hbm>>
      tpu.enqueue_dma source(%arg10 : memref<80x128xf32, #tpu.memory_space<vmem>>) target(%dma_start3A_166 : memref<80x128xf32, #tpu.memory_space<hbm>>) target_semaphore(%arg13 : memref<!tpu.dma_semaphore, #tpu.memory_space<semaphore_mem>>)
      %add3A_167 = arith.constant 160 : i32
      %add3A_168 = arith.addi %mul3A_2, %add3A_167 : i32
      %add3A_169 = arith.constant 0 : i32
      %add3A_170 = arith.addi %mul3A_2, %add3A_169 : i32
      %dma_wait3A_171 = arith.constant 0 : i32
      %dma_wait3A_172 = tpu.memref_slice %arg6[%add3A_170, %dma_wait3A_171] : memref<10240x128xf32, #tpu.memory_space<hbm>> -> memref<80x128xf32, #tpu.memory_space<hbm>>
      %dma_wait3A_173 = arith.constant 0 : i32
      %dma_wait3A_174 = tpu.memref_slice %arg6[%add3A_170, %dma_wait3A_173] : memref<10240x128xf32, #tpu.memory_space<hbm>> -> memref<80x128xf32, #tpu.memory_space<hbm>>
      tpu.wait_dma2 semaphore(%arg12 : memref<!tpu.dma_semaphore, #tpu.memory_space<semaphore_mem>>) src(%arg9 : memref<80x128xf32, #tpu.memory_space<vmem>>) dst(%dma_wait3A_174 : memref<80x128xf32, #tpu.memory_space<hbm>>)
      "tpu.region"() ({
        %run_scoped3A_251 = tpu.sem_alloc : memref<!tpu.dma_semaphore, #tpu.memory_space<semaphore_mem>>
        %dma_start3A_252 = arith.constant 0 : i32
        %dma_start3A_253 = tpu.memref_slice %arg11[%add3A_168, %dma_start3A_252] : memref<10240x128xf32, #tpu.memory_space<vmem_shared>> -> memref<80x128xf32, #tpu.memory_space<vmem_shared>>
        %dma_start3A_254 = arith.constant 0 : i32
        %dma_start3A_255 = tpu.memref_slice %arg11[%add3A_168, %dma_start3A_254] : memref<10240x128xf32, #tpu.memory_space<vmem_shared>> -> memref<80x128xf32, #tpu.memory_space<vmem_shared>>
        tpu.enqueue_dma source(%dma_start3A_255 : memref<80x128xf32, #tpu.memory_space<vmem_shared>>) target(%arg9 : memref<80x128xf32, #tpu.memory_space<vmem>>) target_semaphore(%run_scoped3A_251 : memref<!tpu.dma_semaphore, #tpu.memory_space<semaphore_mem>>)
        %dma_wait3A_256 = arith.constant 0 : i32
        %dma_wait3A_257 = tpu.memref_slice %arg11[%add3A_168, %dma_wait3A_256] : memref<10240x128xf32, #tpu.memory_space<vmem_shared>> -> memref<80x128xf32, #tpu.memory_space<vmem_shared>>
        %dma_wait3A_258 = arith.constant 0 : i32
        %dma_wait3A_259 = tpu.memref_slice %arg11[%add3A_168, %dma_wait3A_258] : memref<10240x128xf32, #tpu.memory_space<vmem_shared>> -> memref<80x128xf32, #tpu.memory_space<vmem_shared>>
        tpu.wait_dma2 semaphore(%run_scoped3A_251 : memref<!tpu.dma_semaphore, #tpu.memory_space<semaphore_mem>>) src(%dma_wait3A_259 : memref<80x128xf32, #tpu.memory_space<vmem_shared>>) dst(%arg9 : memref<80x128xf32, #tpu.memory_space<vmem>>)
        tpu.yield
      }) : () -> ()
      %dma_start3A_175 = arith.constant 0 : i32
      %dma_start3A_176 = tpu.memref_slice %arg6[%add3A_168, %dma_start3A_175] : memref<10240x128xf32, #tpu.memory_space<hbm>> -> memref<80x128xf32, #tpu.memory_space<hbm>>
      %dma_start3A_177 = arith.constant 0 : i32
      %dma_start3A_178 = tpu.memref_slice %arg6[%add3A_168, %dma_start3A_177] : memref<10240x128xf32, #tpu.memory_space<hbm>> -> memref<80x128xf32, #tpu.memory_space<hbm>>
      tpu.enqueue_dma source(%arg9 : memref<80x128xf32, #tpu.memory_space<vmem>>) target(%dma_start3A_178 : memref<80x128xf32, #tpu.memory_space<hbm>>) target_semaphore(%arg12 : memref<!tpu.dma_semaphore, #tpu.memory_space<semaphore_mem>>)
      %add3A_179 = arith.constant 240 : i32
      %add3A_180 = arith.addi %mul3A_2, %add3A_179 : i32
      %add3A_181 = arith.constant 80 : i32
      %add3A_182 = arith.addi %mul3A_2, %add3A_181 : i32
      %dma_wait3A_183 = arith.constant 0 : i32
      %dma_wait3A_184 = tpu.memref_slice %arg6[%add3A_182, %dma_wait3A_183] : memref<10240x128xf32, #tpu.memory_space<hbm>> -> memref<80x128xf32, #tpu.memory_space<hbm>>
      %dma_wait3A_185 = arith.constant 0 : i32
      %dma_wait3A_186 = tpu.memref_slice %arg6[%add3A_182, %dma_wait3A_185] : memref<10240x128xf32, #tpu.memory_space<hbm>> -> memref<80x128xf32, #tpu.memory_space<hbm>>
      tpu.wait_dma2 semaphore(%arg13 : memref<!tpu.dma_semaphore, #tpu.memory_space<semaphore_mem>>) src(%arg10 : memref<80x128xf32, #tpu.memory_space<vmem>>) dst(%dma_wait3A_186 : memref<80x128xf32, #tpu.memory_space<hbm>>)
      "tpu.region"() ({
        %run_scoped3A_251 = tpu.sem_alloc : memref<!tpu.dma_semaphore, #tpu.memory_space<semaphore_mem>>
        %dma_start3A_252 = arith.constant 0 : i32
        %dma_start3A_253 = tpu.memref_slice %arg11[%add3A_180, %dma_start3A_252] : memref<10240x128xf32, #tpu.memory_space<vmem_shared>> -> memref<80x128xf32, #tpu.memory_space<vmem_shared>>
        %dma_start3A_254 = arith.constant 0 : i32
        %dma_start3A_255 = tpu.memref_slice %arg11[%add3A_180, %dma_start3A_254] : memref<10240x128xf32, #tpu.memory_space<vmem_shared>> -> memref<80x128xf32, #tpu.memory_space<vmem_shared>>
        tpu.enqueue_dma source(%dma_start3A_255 : memref<80x128xf32, #tpu.memory_space<vmem_shared>>) target(%arg10 : memref<80x128xf32, #tpu.memory_space<vmem>>) target_semaphore(%run_scoped3A_251 : memref<!tpu.dma_semaphore, #tpu.memory_space<semaphore_mem>>)
        %dma_wait3A_256 = arith.constant 0 : i32
        %dma_wait3A_257 = tpu.memref_slice %arg11[%add3A_180, %dma_wait3A_256] : memref<10240x128xf32, #tpu.memory_space<vmem_shared>> -> memref<80x128xf32, #tpu.memory_space<vmem_shared>>
        %dma_wait3A_258 = arith.constant 0 : i32
        %dma_wait3A_259 = tpu.memref_slice %arg11[%add3A_180, %dma_wait3A_258] : memref<10240x128xf32, #tpu.memory_space<vmem_shared>> -> memref<80x128xf32, #tpu.memory_space<vmem_shared>>
        tpu.wait_dma2 semaphore(%run_scoped3A_251 : memref<!tpu.dma_semaphore, #tpu.memory_space<semaphore_mem>>) src(%dma_wait3A_259 : memref<80x128xf32, #tpu.memory_space<vmem_shared>>) dst(%arg10 : memref<80x128xf32, #tpu.memory_space<vmem>>)
        tpu.yield
      }) : () -> ()
      %dma_start3A_187 = arith.constant 0 : i32
      %dma_start3A_188 = tpu.memref_slice %arg6[%add3A_180, %dma_start3A_187] : memref<10240x128xf32, #tpu.memory_space<hbm>> -> memref<80x128xf32, #tpu.memory_space<hbm>>
      %dma_start3A_189 = arith.constant 0 : i32
      %dma_start3A_190 = tpu.memref_slice %arg6[%add3A_180, %dma_start3A_189] : memref<10240x128xf32, #tpu.memory_space<hbm>> -> memref<80x128xf32, #tpu.memory_space<hbm>>
      tpu.enqueue_dma source(%arg10 : memref<80x128xf32, #tpu.memory_space<vmem>>) target(%dma_start3A_190 : memref<80x128xf32, #tpu.memory_space<hbm>>) target_semaphore(%arg13 : memref<!tpu.dma_semaphore, #tpu.memory_space<semaphore_mem>>)
      %add3A_191 = arith.constant 320 : i32
      %add3A_192 = arith.addi %mul3A_2, %add3A_191 : i32
      %add3A_193 = arith.constant 160 : i32
      %add3A_194 = arith.addi %mul3A_2, %add3A_193 : i32
      %dma_wait3A_195 = arith.constant 0 : i32
      %dma_wait3A_196 = tpu.memref_slice %arg6[%add3A_194, %dma_wait3A_195] : memref<10240x128xf32, #tpu.memory_space<hbm>> -> memref<80x128xf32, #tpu.memory_space<hbm>>
      %dma_wait3A_197 = arith.constant 0 : i32
      %dma_wait3A_198 = tpu.memref_slice %arg6[%add3A_194, %dma_wait3A_197] : memref<10240x128xf32, #tpu.memory_space<hbm>> -> memref<80x128xf32, #tpu.memory_space<hbm>>
      tpu.wait_dma2 semaphore(%arg12 : memref<!tpu.dma_semaphore, #tpu.memory_space<semaphore_mem>>) src(%arg9 : memref<80x128xf32, #tpu.memory_space<vmem>>) dst(%dma_wait3A_198 : memref<80x128xf32, #tpu.memory_space<hbm>>)
      "tpu.region"() ({
        %run_scoped3A_251 = tpu.sem_alloc : memref<!tpu.dma_semaphore, #tpu.memory_space<semaphore_mem>>
        %dma_start3A_252 = arith.constant 0 : i32
        %dma_start3A_253 = tpu.memref_slice %arg11[%add3A_192, %dma_start3A_252] : memref<10240x128xf32, #tpu.memory_space<vmem_shared>> -> memref<80x128xf32, #tpu.memory_space<vmem_shared>>
        %dma_start3A_254 = arith.constant 0 : i32
        %dma_start3A_255 = tpu.memref_slice %arg11[%add3A_192, %dma_start3A_254] : memref<10240x128xf32, #tpu.memory_space<vmem_shared>> -> memref<80x128xf32, #tpu.memory_space<vmem_shared>>
        tpu.enqueue_dma source(%dma_start3A_255 : memref<80x128xf32, #tpu.memory_space<vmem_shared>>) target(%arg9 : memref<80x128xf32, #tpu.memory_space<vmem>>) target_semaphore(%run_scoped3A_251 : memref<!tpu.dma_semaphore, #tpu.memory_space<semaphore_mem>>)
        %dma_wait3A_256 = arith.constant 0 : i32
        %dma_wait3A_257 = tpu.memref_slice %arg11[%add3A_192, %dma_wait3A_256] : memref<10240x128xf32, #tpu.memory_space<vmem_shared>> -> memref<80x128xf32, #tpu.memory_space<vmem_shared>>
        %dma_wait3A_258 = arith.constant 0 : i32
        %dma_wait3A_259 = tpu.memref_slice %arg11[%add3A_192, %dma_wait3A_258] : memref<10240x128xf32, #tpu.memory_space<vmem_shared>> -> memref<80x128xf32, #tpu.memory_space<vmem_shared>>
        tpu.wait_dma2 semaphore(%run_scoped3A_251 : memref<!tpu.dma_semaphore, #tpu.memory_space<semaphore_mem>>) src(%dma_wait3A_259 : memref<80x128xf32, #tpu.memory_space<vmem_shared>>) dst(%arg9 : memref<80x128xf32, #tpu.memory_space<vmem>>)
        tpu.yield
      }) : () -> ()
      %dma_start3A_199 = arith.constant 0 : i32
      %dma_start3A_200 = tpu.memref_slice %arg6[%add3A_192, %dma_start3A_199] : memref<10240x128xf32, #tpu.memory_space<hbm>> -> memref<80x128xf32, #tpu.memory_space<hbm>>
      %dma_start3A_201 = arith.constant 0 : i32
      %dma_start3A_202 = tpu.memref_slice %arg6[%add3A_192, %dma_start3A_201] : memref<10240x128xf32, #tpu.memory_space<hbm>> -> memref<80x128xf32, #tpu.memory_space<hbm>>
      tpu.enqueue_dma source(%arg9 : memref<80x128xf32, #tpu.memory_space<vmem>>) target(%dma_start3A_202 : memref<80x128xf32, #tpu.memory_space<hbm>>) target_semaphore(%arg12 : memref<!tpu.dma_semaphore, #tpu.memory_space<semaphore_mem>>)
      %add3A_203 = arith.constant 400 : i32
      %add3A_204 = arith.addi %mul3A_2, %add3A_203 : i32
      %add3A_205 = arith.constant 240 : i32
      %add3A_206 = arith.addi %mul3A_2, %add3A_205 : i32
      %dma_wait3A_207 = arith.constant 0 : i32
      %dma_wait3A_208 = tpu.memref_slice %arg6[%add3A_206, %dma_wait3A_207] : memref<10240x128xf32, #tpu.memory_space<hbm>> -> memref<80x128xf32, #tpu.memory_space<hbm>>
      %dma_wait3A_209 = arith.constant 0 : i32
      %dma_wait3A_210 = tpu.memref_slice %arg6[%add3A_206, %dma_wait3A_209] : memref<10240x128xf32, #tpu.memory_space<hbm>> -> memref<80x128xf32, #tpu.memory_space<hbm>>
      tpu.wait_dma2 semaphore(%arg13 : memref<!tpu.dma_semaphore, #tpu.memory_space<semaphore_mem>>) src(%arg10 : memref<80x128xf32, #tpu.memory_space<vmem>>) dst(%dma_wait3A_210 : memref<80x128xf32, #tpu.memory_space<hbm>>)
      "tpu.region"() ({
        %run_scoped3A_251 = tpu.sem_alloc : memref<!tpu.dma_semaphore, #tpu.memory_space<semaphore_mem>>
        %dma_start3A_252 = arith.constant 0 : i32
        %dma_start3A_253 = tpu.memref_slice %arg11[%add3A_204, %dma_start3A_252] : memref<10240x128xf32, #tpu.memory_space<vmem_shared>> -> memref<80x128xf32, #tpu.memory_space<vmem_shared>>
        %dma_start3A_254 = arith.constant 0 : i32
        %dma_start3A_255 = tpu.memref_slice %arg11[%add3A_204, %dma_start3A_254] : memref<10240x128xf32, #tpu.memory_space<vmem_shared>> -> memref<80x128xf32, #tpu.memory_space<vmem_shared>>
        tpu.enqueue_dma source(%dma_start3A_255 : memref<80x128xf32, #tpu.memory_space<vmem_shared>>) target(%arg10 : memref<80x128xf32, #tpu.memory_space<vmem>>) target_semaphore(%run_scoped3A_251 : memref<!tpu.dma_semaphore, #tpu.memory_space<semaphore_mem>>)
        %dma_wait3A_256 = arith.constant 0 : i32
        %dma_wait3A_257 = tpu.memref_slice %arg11[%add3A_204, %dma_wait3A_256] : memref<10240x128xf32, #tpu.memory_space<vmem_shared>> -> memref<80x128xf32, #tpu.memory_space<vmem_shared>>
        %dma_wait3A_258 = arith.constant 0 : i32
        %dma_wait3A_259 = tpu.memref_slice %arg11[%add3A_204, %dma_wait3A_258] : memref<10240x128xf32, #tpu.memory_space<vmem_shared>> -> memref<80x128xf32, #tpu.memory_space<vmem_shared>>
        tpu.wait_dma2 semaphore(%run_scoped3A_251 : memref<!tpu.dma_semaphore, #tpu.memory_space<semaphore_mem>>) src(%dma_wait3A_259 : memref<80x128xf32, #tpu.memory_space<vmem_shared>>) dst(%arg10 : memref<80x128xf32, #tpu.memory_space<vmem>>)
        tpu.yield
      }) : () -> ()
      %dma_start3A_211 = arith.constant 0 : i32
      %dma_start3A_212 = tpu.memref_slice %arg6[%add3A_204, %dma_start3A_211] : memref<10240x128xf32, #tpu.memory_space<hbm>> -> memref<80x128xf32, #tpu.memory_space<hbm>>
      %dma_start3A_213 = arith.constant 0 : i32
      %dma_start3A_214 = tpu.memref_slice %arg6[%add3A_204, %dma_start3A_213] : memref<10240x128xf32, #tpu.memory_space<hbm>> -> memref<80x128xf32, #tpu.memory_space<hbm>>
      tpu.enqueue_dma source(%arg10 : memref<80x128xf32, #tpu.memory_space<vmem>>) target(%dma_start3A_214 : memref<80x128xf32, #tpu.memory_space<hbm>>) target_semaphore(%arg13 : memref<!tpu.dma_semaphore, #tpu.memory_space<semaphore_mem>>)
      %add3A_215 = arith.constant 480 : i32
      %add3A_216 = arith.addi %mul3A_2, %add3A_215 : i32
      %add3A_217 = arith.constant 320 : i32
      %add3A_218 = arith.addi %mul3A_2, %add3A_217 : i32
      %dma_wait3A_219 = arith.constant 0 : i32
      %dma_wait3A_220 = tpu.memref_slice %arg6[%add3A_218, %dma_wait3A_219] : memref<10240x128xf32, #tpu.memory_space<hbm>> -> memref<80x128xf32, #tpu.memory_space<hbm>>
      %dma_wait3A_221 = arith.constant 0 : i32
      %dma_wait3A_222 = tpu.memref_slice %arg6[%add3A_218, %dma_wait3A_221] : memref<10240x128xf32, #tpu.memory_space<hbm>> -> memref<80x128xf32, #tpu.memory_space<hbm>>
      tpu.wait_dma2 semaphore(%arg12 : memref<!tpu.dma_semaphore, #tpu.memory_space<semaphore_mem>>) src(%arg9 : memref<80x128xf32, #tpu.memory_space<vmem>>) dst(%dma_wait3A_222 : memref<80x128xf32, #tpu.memory_space<hbm>>)
      "tpu.region"() ({
        %run_scoped3A_251 = tpu.sem_alloc : memref<!tpu.dma_semaphore, #tpu.memory_space<semaphore_mem>>
        %dma_start3A_252 = arith.constant 0 : i32
        %dma_start3A_253 = tpu.memref_slice %arg11[%add3A_216, %dma_start3A_252] : memref<10240x128xf32, #tpu.memory_space<vmem_shared>> -> memref<80x128xf32, #tpu.memory_space<vmem_shared>>
        %dma_start3A_254 = arith.constant 0 : i32
        %dma_start3A_255 = tpu.memref_slice %arg11[%add3A_216, %dma_start3A_254] : memref<10240x128xf32, #tpu.memory_space<vmem_shared>> -> memref<80x128xf32, #tpu.memory_space<vmem_shared>>
        tpu.enqueue_dma source(%dma_start3A_255 : memref<80x128xf32, #tpu.memory_space<vmem_shared>>) target(%arg9 : memref<80x128xf32, #tpu.memory_space<vmem>>) target_semaphore(%run_scoped3A_251 : memref<!tpu.dma_semaphore, #tpu.memory_space<semaphore_mem>>)
        %dma_wait3A_256 = arith.constant 0 : i32
        %dma_wait3A_257 = tpu.memref_slice %arg11[%add3A_216, %dma_wait3A_256] : memref<10240x128xf32, #tpu.memory_space<vmem_shared>> -> memref<80x128xf32, #tpu.memory_space<vmem_shared>>
        %dma_wait3A_258 = arith.constant 0 : i32
        %dma_wait3A_259 = tpu.memref_slice %arg11[%add3A_216, %dma_wait3A_258] : memref<10240x128xf32, #tpu.memory_space<vmem_shared>> -> memref<80x128xf32, #tpu.memory_space<vmem_shared>>
        tpu.wait_dma2 semaphore(%run_scoped3A_251 : memref<!tpu.dma_semaphore, #tpu.memory_space<semaphore_mem>>) src(%dma_wait3A_259 : memref<80x128xf32, #tpu.memory_space<vmem_shared>>) dst(%arg9 : memref<80x128xf32, #tpu.memory_space<vmem>>)
        tpu.yield
      }) : () -> ()
      %dma_start3A_223 = arith.constant 0 : i32
      %dma_start3A_224 = tpu.memref_slice %arg6[%add3A_216, %dma_start3A_223] : memref<10240x128xf32, #tpu.memory_space<hbm>> -> memref<80x128xf32, #tpu.memory_space<hbm>>
      %dma_start3A_225 = arith.constant 0 : i32
      %dma_start3A_226 = tpu.memref_slice %arg6[%add3A_216, %dma_start3A_225] : memref<10240x128xf32, #tpu.memory_space<hbm>> -> memref<80x128xf32, #tpu.memory_space<hbm>>
      tpu.enqueue_dma source(%arg9 : memref<80x128xf32, #tpu.memory_space<vmem>>) target(%dma_start3A_226 : memref<80x128xf32, #tpu.memory_space<hbm>>) target_semaphore(%arg12 : memref<!tpu.dma_semaphore, #tpu.memory_space<semaphore_mem>>)
      %add3A_227 = arith.constant 560 : i32
      %add3A_228 = arith.addi %mul3A_2, %add3A_227 : i32
      %add3A_229 = arith.constant 400 : i32
      %add3A_230 = arith.addi %mul3A_2, %add3A_229 : i32
      %dma_wait3A_231 = arith.constant 0 : i32
      %dma_wait3A_232 = tpu.memref_slice %arg6[%add3A_230, %dma_wait3A_231] : memref<10240x128xf32, #tpu.memory_space<hbm>> -> memref<80x128xf32, #tpu.memory_space<hbm>>
      %dma_wait3A_233 = arith.constant 0 : i32
      %dma_wait3A_234 = tpu.memref_slice %arg6[%add3A_230, %dma_wait3A_233] : memref<10240x128xf32, #tpu.memory_space<hbm>> -> memref<80x128xf32, #tpu.memory_space<hbm>>
      tpu.wait_dma2 semaphore(%arg13 : memref<!tpu.dma_semaphore, #tpu.memory_space<semaphore_mem>>) src(%arg10 : memref<80x128xf32, #tpu.memory_space<vmem>>) dst(%dma_wait3A_234 : memref<80x128xf32, #tpu.memory_space<hbm>>)
      "tpu.region"() ({
        %run_scoped3A_251 = tpu.sem_alloc : memref<!tpu.dma_semaphore, #tpu.memory_space<semaphore_mem>>
        %dma_start3A_252 = arith.constant 0 : i32
        %dma_start3A_253 = tpu.memref_slice %arg11[%add3A_228, %dma_start3A_252] : memref<10240x128xf32, #tpu.memory_space<vmem_shared>> -> memref<80x128xf32, #tpu.memory_space<vmem_shared>>
        %dma_start3A_254 = arith.constant 0 : i32
        %dma_start3A_255 = tpu.memref_slice %arg11[%add3A_228, %dma_start3A_254] : memref<10240x128xf32, #tpu.memory_space<vmem_shared>> -> memref<80x128xf32, #tpu.memory_space<vmem_shared>>
        tpu.enqueue_dma source(%dma_start3A_255 : memref<80x128xf32, #tpu.memory_space<vmem_shared>>) target(%arg10 : memref<80x128xf32, #tpu.memory_space<vmem>>) target_semaphore(%run_scoped3A_251 : memref<!tpu.dma_semaphore, #tpu.memory_space<semaphore_mem>>)
        %dma_wait3A_256 = arith.constant 0 : i32
        %dma_wait3A_257 = tpu.memref_slice %arg11[%add3A_228, %dma_wait3A_256] : memref<10240x128xf32, #tpu.memory_space<vmem_shared>> -> memref<80x128xf32, #tpu.memory_space<vmem_shared>>
        %dma_wait3A_258 = arith.constant 0 : i32
        %dma_wait3A_259 = tpu.memref_slice %arg11[%add3A_228, %dma_wait3A_258] : memref<10240x128xf32, #tpu.memory_space<vmem_shared>> -> memref<80x128xf32, #tpu.memory_space<vmem_shared>>
        tpu.wait_dma2 semaphore(%run_scoped3A_251 : memref<!tpu.dma_semaphore, #tpu.memory_space<semaphore_mem>>) src(%dma_wait3A_259 : memref<80x128xf32, #tpu.memory_space<vmem_shared>>) dst(%arg10 : memref<80x128xf32, #tpu.memory_space<vmem>>)
        tpu.yield
      }) : () -> ()
      %dma_start3A_235 = arith.constant 0 : i32
      %dma_start3A_236 = tpu.memref_slice %arg6[%add3A_228, %dma_start3A_235] : memref<10240x128xf32, #tpu.memory_space<hbm>> -> memref<80x128xf32, #tpu.memory_space<hbm>>
      %dma_start3A_237 = arith.constant 0 : i32
      %dma_start3A_238 = tpu.memref_slice %arg6[%add3A_228, %dma_start3A_237] : memref<10240x128xf32, #tpu.memory_space<hbm>> -> memref<80x128xf32, #tpu.memory_space<hbm>>
      tpu.enqueue_dma source(%arg10 : memref<80x128xf32, #tpu.memory_space<vmem>>) target(%dma_start3A_238 : memref<80x128xf32, #tpu.memory_space<hbm>>) target_semaphore(%arg13 : memref<!tpu.dma_semaphore, #tpu.memory_space<semaphore_mem>>)
      %add3A_239 = arith.constant 480 : i32
      %add3A_240 = arith.addi %mul3A_2, %add3A_239 : i32
      %dma_wait3A_241 = arith.constant 0 : i32
      %dma_wait3A_242 = tpu.memref_slice %arg6[%add3A_240, %dma_wait3A_241] : memref<10240x128xf32, #tpu.memory_space<hbm>> -> memref<80x128xf32, #tpu.memory_space<hbm>>
      %dma_wait3A_243 = arith.constant 0 : i32
      %dma_wait3A_244 = tpu.memref_slice %arg6[%add3A_240, %dma_wait3A_243] : memref<10240x128xf32, #tpu.memory_space<hbm>> -> memref<80x128xf32, #tpu.memory_space<hbm>>
      tpu.wait_dma2 semaphore(%arg12 : memref<!tpu.dma_semaphore, #tpu.memory_space<semaphore_mem>>) src(%arg9 : memref<80x128xf32, #tpu.memory_space<vmem>>) dst(%dma_wait3A_244 : memref<80x128xf32, #tpu.memory_space<hbm>>)
      %add3A_245 = arith.constant 560 : i32
      %add3A_246 = arith.addi %mul3A_2, %add3A_245 : i32
      %dma_wait3A_247 = arith.constant 0 : i32
      %dma_wait3A_248 = tpu.memref_slice %arg6[%add3A_246, %dma_wait3A_247] : memref<10240x128xf32, #tpu.memory_space<hbm>> -> memref<80x128xf32, #tpu.memory_space<hbm>>
      %dma_wait3A_249 = arith.constant 0 : i32
      %dma_wait3A_250 = tpu.memref_slice %arg6[%add3A_246, %dma_wait3A_249] : memref<10240x128xf32, #tpu.memory_space<hbm>> -> memref<80x128xf32, #tpu.memory_space<hbm>>
      tpu.wait_dma2 semaphore(%arg13 : memref<!tpu.dma_semaphore, #tpu.memory_space<semaphore_mem>>) src(%arg10 : memref<80x128xf32, #tpu.memory_space<vmem>>) dst(%dma_wait3A_250 : memref<80x128xf32, #tpu.memory_space<hbm>>)
    } else {
    }
    return
  }
}

#map = affine_map<(d0, d1) -> (0, 0)>
#map1 = affine_map<(d0, d1) -> (0, 0, 0)>
module attributes {stable_mosaic.version = 14 : i64} {
  func.func @prop_kernel(%arg0: i32, %arg1: i32, %arg2: memref<10240x128xf32, #tpu.memory_space<hbm>>, %arg3: memref<32x10000xi32, #tpu.memory_space<hbm>>, %arg4: memref<32x125x80xi32, #tpu.memory_space<hbm>>, %arg5: memref<10240x128xf32, #tpu.memory_space<hbm>>, %arg6: memref<10240x128xf32, #tpu.memory_space<hbm>>, %arg7: memref<10000xi32, #tpu.memory_space<vmem>>, %arg8: memref<125x80xi32, #tpu.memory_space<vmem>>, %arg9: memref<80x128xf32, #tpu.memory_space<vmem>>, %arg10: memref<80x128xf32, #tpu.memory_space<vmem>>, %arg11: memref<10240x128xf32, #tpu.memory_space<vmem_shared>>, %arg12: memref<!tpu.dma_semaphore, #tpu.memory_space<semaphore_mem>>, %arg13: memref<!tpu.dma_semaphore, #tpu.memory_space<semaphore_mem>>) attributes {dimension_semantics = [#tpu.dimension_semantics<core_parallel>, #tpu.dimension_semantics<subcore_parallel>], iteration_bounds = array<i64: 2, 16>, scalar_prefetch = 0 : i64, scratch_operands = 7 : i64, tpu.core_type = #tpu.core_type<sc_vector_subcore>, window_params = [{transform_indices = #map}, {transform_indices = #map}, {transform_indices = #map1}, {transform_indices = #map}, {transform_indices = #map}]} {
    %mul3A = arith.constant 2 : i32
    %mul3A_0 = arith.muli %arg1, %mul3A : i32
    %add3A = arith.addi %mul3A_0, %arg0 : i32
    %mul3A_1 = arith.constant 640 : i32
    %mul3A_2 = arith.muli %arg1, %mul3A_1 : i32
    %dma_start3A = arith.constant 0 : i32
    %dma_start3A_3 = tpu.memref_slice %arg3[%add3A, %dma_start3A] : memref<32x10000xi32, #tpu.memory_space<hbm>> -> memref<1x10000xi32, #tpu.memory_space<hbm>>
    %dma_start3A_4 = tpu.memref_squeeze %dma_start3A_3 : memref<1x10000xi32, #tpu.memory_space<hbm>> -> memref<10000xi32, #tpu.memory_space<hbm>>
    %dma_start3A_5 = arith.constant 0 : i32
    %dma_start3A_6 = tpu.memref_slice %arg3[%add3A, %dma_start3A_5] : memref<32x10000xi32, #tpu.memory_space<hbm>> -> memref<1x10000xi32, #tpu.memory_space<hbm>>
    %dma_start3A_7 = tpu.memref_squeeze %dma_start3A_6 : memref<1x10000xi32, #tpu.memory_space<hbm>> -> memref<10000xi32, #tpu.memory_space<hbm>>
    tpu.enqueue_dma source(%dma_start3A_7 : memref<10000xi32, #tpu.memory_space<hbm>>) target(%arg7 : memref<10000xi32, #tpu.memory_space<vmem>>) target_semaphore(%arg12 : memref<!tpu.dma_semaphore, #tpu.memory_space<semaphore_mem>>)
    %dma_start3A_8 = arith.constant 0 : i32
    %dma_start3A_9 = arith.constant 0 : i32
    %dma_start3A_10 = tpu.memref_slice %arg4[%add3A, %dma_start3A_8, %dma_start3A_9] : memref<32x125x80xi32, #tpu.memory_space<hbm>> -> memref<1x125x80xi32, #tpu.memory_space<hbm>>
    %dma_start3A_11 = tpu.memref_squeeze %dma_start3A_10 : memref<1x125x80xi32, #tpu.memory_space<hbm>> -> memref<125x80xi32, #tpu.memory_space<hbm>>
    %dma_start3A_12 = arith.constant 0 : i32
    %dma_start3A_13 = arith.constant 0 : i32
    %dma_start3A_14 = tpu.memref_slice %arg4[%add3A, %dma_start3A_12, %dma_start3A_13] : memref<32x125x80xi32, #tpu.memory_space<hbm>> -> memref<1x125x80xi32, #tpu.memory_space<hbm>>
    %dma_start3A_15 = tpu.memref_squeeze %dma_start3A_14 : memref<1x125x80xi32, #tpu.memory_space<hbm>> -> memref<125x80xi32, #tpu.memory_space<hbm>>
    tpu.enqueue_dma source(%dma_start3A_15 : memref<125x80xi32, #tpu.memory_space<hbm>>) target(%arg8 : memref<125x80xi32, #tpu.memory_space<vmem>>) target_semaphore(%arg13 : memref<!tpu.dma_semaphore, #tpu.memory_space<semaphore_mem>>)
    %dma_wait3A = arith.constant 0 : i32
    %dma_wait3A_16 = tpu.memref_slice %arg3[%add3A, %dma_wait3A] : memref<32x10000xi32, #tpu.memory_space<hbm>> -> memref<1x10000xi32, #tpu.memory_space<hbm>>
    %dma_wait3A_17 = tpu.memref_squeeze %dma_wait3A_16 : memref<1x10000xi32, #tpu.memory_space<hbm>> -> memref<10000xi32, #tpu.memory_space<hbm>>
    %dma_wait3A_18 = arith.constant 0 : i32
    %dma_wait3A_19 = tpu.memref_slice %arg3[%add3A, %dma_wait3A_18] : memref<32x10000xi32, #tpu.memory_space<hbm>> -> memref<1x10000xi32, #tpu.memory_space<hbm>>
    %dma_wait3A_20 = tpu.memref_squeeze %dma_wait3A_19 : memref<1x10000xi32, #tpu.memory_space<hbm>> -> memref<10000xi32, #tpu.memory_space<hbm>>
    tpu.wait_dma2 semaphore(%arg12 : memref<!tpu.dma_semaphore, #tpu.memory_space<semaphore_mem>>) src(%dma_wait3A_20 : memref<10000xi32, #tpu.memory_space<hbm>>) dst(%arg7 : memref<10000xi32, #tpu.memory_space<vmem>>)
    %dma_wait3A_21 = arith.constant 0 : i32
    %dma_wait3A_22 = arith.constant 0 : i32
    %dma_wait3A_23 = tpu.memref_slice %arg4[%add3A, %dma_wait3A_21, %dma_wait3A_22] : memref<32x125x80xi32, #tpu.memory_space<hbm>> -> memref<1x125x80xi32, #tpu.memory_space<hbm>>
    %dma_wait3A_24 = tpu.memref_squeeze %dma_wait3A_23 : memref<1x125x80xi32, #tpu.memory_space<hbm>> -> memref<125x80xi32, #tpu.memory_space<hbm>>
    %dma_wait3A_25 = arith.constant 0 : i32
    %dma_wait3A_26 = arith.constant 0 : i32
    %dma_wait3A_27 = tpu.memref_slice %arg4[%add3A, %dma_wait3A_25, %dma_wait3A_26] : memref<32x125x80xi32, #tpu.memory_space<hbm>> -> memref<1x125x80xi32, #tpu.memory_space<hbm>>
    %dma_wait3A_28 = tpu.memref_squeeze %dma_wait3A_27 : memref<1x125x80xi32, #tpu.memory_space<hbm>> -> memref<125x80xi32, #tpu.memory_space<hbm>>
    tpu.wait_dma2 semaphore(%arg13 : memref<!tpu.dma_semaphore, #tpu.memory_space<semaphore_mem>>) src(%dma_wait3A_28 : memref<125x80xi32, #tpu.memory_space<hbm>>) dst(%arg8 : memref<125x80xi32, #tpu.memory_space<vmem>>)
    %dma_start3A_29 = arith.constant 0 : i32
    %dma_start3A_30 = tpu.memref_slice %arg7[%dma_start3A_29] : memref<10000xi32, #tpu.memory_space<vmem>> -> memref<80xi32, #tpu.memory_space<vmem>>
    %dma_start3A_31 = arith.constant 0 : i32
    %dma_start3A_32 = arith.constant 0 : i32
    %dma_start3A_33 = tpu.memref_slice %arg2[%dma_start3A_31, %dma_start3A_32] : memref<10240x128xf32, #tpu.memory_space<hbm>> -> memref<10240x128xf32, #tpu.memory_space<hbm>>
    tpu.enqueue_indirect_dma source(%dma_start3A_33 : memref<10240x128xf32, #tpu.memory_space<hbm>>) target(%arg9 : memref<80x128xf32, #tpu.memory_space<vmem>>) offsets(%dma_start3A_30 : memref<80xi32, #tpu.memory_space<vmem>>) semaphore(%arg12 : memref<!tpu.dma_semaphore, #tpu.memory_space<semaphore_mem>>)
    %scan3A = arith.constant 0 : i32
    %scan3A_34 = arith.constant 0 : i32
    %scan3A_35 = arith.constant 640 : i32
    %scan3A_36 = arith.addi %scan3A_34, %scan3A_35 : i32
    %scan3A_37 = arith.constant 1 : i32
    %scan3A_38 = scf.for %scan3A_155 = %scan3A_34 to %scan3A_36 step %scan3A_37 iter_args(%scan3A_156 = %scan3A) -> (i32)  : i32 {
      %jit3A = arith.constant 8 : i32
      %div3A = arith.divsi %scan3A_155, %jit3A : i32
      %sign3A = arith.constant 0 : i32
      %sign3A_157 = arith.cmpi sgt, %scan3A_155, %sign3A : i32
      %sign3A_158 = arith.extui %sign3A_157 : i1 to i32
      %sign3A_159 = arith.constant 0 : i32
      %sign3A_160 = arith.cmpi slt, %scan3A_155, %sign3A_159 : i32
      %sign3A_161 = arith.extui %sign3A_160 : i1 to i32
      %sign3A_162 = arith.subi %sign3A_158, %sign3A_161 : i32
      %sign3A_163 = arith.constant 0 : i32
      %sign3A_164 = arith.cmpi sgt, %jit3A, %sign3A_163 : i32
      %sign3A_165 = arith.extui %sign3A_164 : i1 to i32
      %sign3A_166 = arith.constant 0 : i32
      %sign3A_167 = arith.cmpi slt, %jit3A, %sign3A_166 : i32
      %sign3A_168 = arith.extui %sign3A_167 : i1 to i32
      %sign3A_169 = arith.subi %sign3A_165, %sign3A_168 : i32
      %ne3A_170 = arith.cmpi ne, %sign3A_162, %sign3A_169 : i32
      %rem3A = arith.remsi %scan3A_155, %jit3A : i32
      %ne3A_171 = arith.constant 0 : i32
      %ne3A_172 = arith.cmpi ne, %rem3A, %ne3A_171 : i32
      %and3A = arith.andi %ne3A_170, %ne3A_172 : i1
      %sub3A = arith.constant 1 : i32
      %sub3A_173 = arith.subi %div3A, %sub3A : i32
      %select_n3A = arith.select %and3A, %sub3A_173, %div3A : i32
      %jit3A_174 = arith.constant 8 : i32
      %eq3A_175 = arith.constant 0 : i32
      %eq3A_176 = arith.cmpi eq, %jit3A_174, %eq3A_175 : i32
      %jit3A_177 = arith.constant 1 : i32
      %select_n3A_178 = arith.select %eq3A_176, %jit3A_177, %jit3A_174 : i32
      %rem3A_179 = arith.remsi %scan3A_155, %select_n3A_178 : i32
      %ne3A_180 = arith.constant 0 : i32
      %ne3A_181 = arith.cmpi ne, %rem3A_179, %ne3A_180 : i32
      %lt3A = arith.constant 0 : i32
      %lt3A_182 = arith.cmpi slt, %rem3A_179, %lt3A : i32
      %lt3A_183 = arith.constant 0 : i32
      %lt3A_184 = arith.cmpi slt, %select_n3A_178, %lt3A_183 : i32
      %ne3A_185 = arith.xori %lt3A_182, %lt3A_184 : i1
      %and3A_186 = arith.andi %ne3A_185, %ne3A_181 : i1
      %add3A_187 = arith.addi %rem3A_179, %select_n3A_178 : i32
      %select_n3A_188 = arith.select %and3A_186, %add3A_187, %rem3A_179 : i32
      %broadcast_in_dim3A = arith.constant 0.000000e+00 : f32
      %broadcast_in_dim3A_189 = vector.broadcast %broadcast_in_dim3A : f32 to vector<16xf32>
      %mul3A_190 = arith.constant 16 : i32
      %mul3A_191 = arith.muli %select_n3A_188, %mul3A_190 : i32
      %swap3A = arith.index_cast %select_n3A : i32 to index
      %swap3A_192 = arith.index_cast %mul3A_191 : i32 to index
      %swap3A_193 = tpu.vector_load %arg10[%swap3A, %swap3A_192] {strides = array<i32>} : memref<80x128xf32, #tpu.memory_space<vmem>>, vector<1x16xf32>,
      %swap3A_194 = vector.shape_cast %swap3A_193 : vector<1x16xf32> to vector<16xf32>
      %swap3A_195 = vector.shape_cast %broadcast_in_dim3A_189 : vector<16xf32> to vector<1x16xf32>
      tpu.vector_store %arg10[%swap3A, %swap3A_192], %swap3A_195 {strides = array<i32>} : memref<80x128xf32, #tpu.memory_space<vmem>>, vector<1x16xf32>,
      %scan3A_196 = arith.constant 0 : i32
      scf.yield %scan3A_196 : i32
    }
    %scan3A_39 = arith.constant 640 : i32
    %add3A_40 = arith.constant 0 : i32
    %add3A_41 = arith.addi %mul3A_2, %add3A_40 : i32
    %dma_start3A_42 = arith.constant 0 : i32
    %dma_start3A_43 = tpu.memref_slice %arg11[%add3A_41, %dma_start3A_42] : memref<10240x128xf32, #tpu.memory_space<vmem_shared>> -> memref<80x128xf32, #tpu.memory_space<vmem_shared>>
    %dma_start3A_44 = arith.constant 0 : i32
    %dma_start3A_45 = tpu.memref_slice %arg11[%add3A_41, %dma_start3A_44] : memref<10240x128xf32, #tpu.memory_space<vmem_shared>> -> memref<80x128xf32, #tpu.memory_space<vmem_shared>>
    tpu.enqueue_dma source(%arg10 : memref<80x128xf32, #tpu.memory_space<vmem>>) target(%dma_start3A_45 : memref<80x128xf32, #tpu.memory_space<vmem_shared>>) target_semaphore(%arg13 : memref<!tpu.dma_semaphore, #tpu.memory_space<semaphore_mem>>)
    %add3A_46 = arith.constant 80 : i32
    %add3A_47 = arith.addi %mul3A_2, %add3A_46 : i32
    %dma_start3A_48 = arith.constant 0 : i32
    %dma_start3A_49 = tpu.memref_slice %arg11[%add3A_47, %dma_start3A_48] : memref<10240x128xf32, #tpu.memory_space<vmem_shared>> -> memref<80x128xf32, #tpu.memory_space<vmem_shared>>
    %dma_start3A_50 = arith.constant 0 : i32
    %dma_start3A_51 = tpu.memref_slice %arg11[%add3A_47, %dma_start3A_50] : memref<10240x128xf32, #tpu.memory_space<vmem_shared>> -> memref<80x128xf32, #tpu.memory_space<vmem_shared>>
    tpu.enqueue_dma source(%arg10 : memref<80x128xf32, #tpu.memory_space<vmem>>) target(%dma_start3A_51 : memref<80x128xf32, #tpu.memory_space<vmem_shared>>) target_semaphore(%arg13 : memref<!tpu.dma_semaphore, #tpu.memory_space<semaphore_mem>>)
    %add3A_52 = arith.constant 160 : i32
    %add3A_53 = arith.addi %mul3A_2, %add3A_52 : i32
    %dma_start3A_54 = arith.constant 0 : i32
    %dma_start3A_55 = tpu.memref_slice %arg11[%add3A_53, %dma_start3A_54] : memref<10240x128xf32, #tpu.memory_space<vmem_shared>> -> memref<80x128xf32, #tpu.memory_space<vmem_shared>>
    %dma_start3A_56 = arith.constant 0 : i32
    %dma_start3A_57 = tpu.memref_slice %arg11[%add3A_53, %dma_start3A_56] : memref<10240x128xf32, #tpu.memory_space<vmem_shared>> -> memref<80x128xf32, #tpu.memory_space<vmem_shared>>
    tpu.enqueue_dma source(%arg10 : memref<80x128xf32, #tpu.memory_space<vmem>>) target(%dma_start3A_57 : memref<80x128xf32, #tpu.memory_space<vmem_shared>>) target_semaphore(%arg13 : memref<!tpu.dma_semaphore, #tpu.memory_space<semaphore_mem>>)
    %add3A_58 = arith.constant 240 : i32
    %add3A_59 = arith.addi %mul3A_2, %add3A_58 : i32
    %dma_start3A_60 = arith.constant 0 : i32
    %dma_start3A_61 = tpu.memref_slice %arg11[%add3A_59, %dma_start3A_60] : memref<10240x128xf32, #tpu.memory_space<vmem_shared>> -> memref<80x128xf32, #tpu.memory_space<vmem_shared>>
    %dma_start3A_62 = arith.constant 0 : i32
    %dma_start3A_63 = tpu.memref_slice %arg11[%add3A_59, %dma_start3A_62] : memref<10240x128xf32, #tpu.memory_space<vmem_shared>> -> memref<80x128xf32, #tpu.memory_space<vmem_shared>>
    tpu.enqueue_dma source(%arg10 : memref<80x128xf32, #tpu.memory_space<vmem>>) target(%dma_start3A_63 : memref<80x128xf32, #tpu.memory_space<vmem_shared>>) target_semaphore(%arg13 : memref<!tpu.dma_semaphore, #tpu.memory_space<semaphore_mem>>)
    %add3A_64 = arith.constant 320 : i32
    %add3A_65 = arith.addi %mul3A_2, %add3A_64 : i32
    %dma_start3A_66 = arith.constant 0 : i32
    %dma_start3A_67 = tpu.memref_slice %arg11[%add3A_65, %dma_start3A_66] : memref<10240x128xf32, #tpu.memory_space<vmem_shared>> -> memref<80x128xf32, #tpu.memory_space<vmem_shared>>
    %dma_start3A_68 = arith.constant 0 : i32
    %dma_start3A_69 = tpu.memref_slice %arg11[%add3A_65, %dma_start3A_68] : memref<10240x128xf32, #tpu.memory_space<vmem_shared>> -> memref<80x128xf32, #tpu.memory_space<vmem_shared>>
    tpu.enqueue_dma source(%arg10 : memref<80x128xf32, #tpu.memory_space<vmem>>) target(%dma_start3A_69 : memref<80x128xf32, #tpu.memory_space<vmem_shared>>) target_semaphore(%arg13 : memref<!tpu.dma_semaphore, #tpu.memory_space<semaphore_mem>>)
    %add3A_70 = arith.constant 400 : i32
    %add3A_71 = arith.addi %mul3A_2, %add3A_70 : i32
    %dma_start3A_72 = arith.constant 0 : i32
    %dma_start3A_73 = tpu.memref_slice %arg11[%add3A_71, %dma_start3A_72] : memref<10240x128xf32, #tpu.memory_space<vmem_shared>> -> memref<80x128xf32, #tpu.memory_space<vmem_shared>>
    %dma_start3A_74 = arith.constant 0 : i32
    %dma_start3A_75 = tpu.memref_slice %arg11[%add3A_71, %dma_start3A_74] : memref<10240x128xf32, #tpu.memory_space<vmem_shared>> -> memref<80x128xf32, #tpu.memory_space<vmem_shared>>
    tpu.enqueue_dma source(%arg10 : memref<80x128xf32, #tpu.memory_space<vmem>>) target(%dma_start3A_75 : memref<80x128xf32, #tpu.memory_space<vmem_shared>>) target_semaphore(%arg13 : memref<!tpu.dma_semaphore, #tpu.memory_space<semaphore_mem>>)
    %add3A_76 = arith.constant 480 : i32
    %add3A_77 = arith.addi %mul3A_2, %add3A_76 : i32
    %dma_start3A_78 = arith.constant 0 : i32
    %dma_start3A_79 = tpu.memref_slice %arg11[%add3A_77, %dma_start3A_78] : memref<10240x128xf32, #tpu.memory_space<vmem_shared>> -> memref<80x128xf32, #tpu.memory_space<vmem_shared>>
    %dma_start3A_80 = arith.constant 0 : i32
    %dma_start3A_81 = tpu.memref_slice %arg11[%add3A_77, %dma_start3A_80] : memref<10240x128xf32, #tpu.memory_space<vmem_shared>> -> memref<80x128xf32, #tpu.memory_space<vmem_shared>>
    tpu.enqueue_dma source(%arg10 : memref<80x128xf32, #tpu.memory_space<vmem>>) target(%dma_start3A_81 : memref<80x128xf32, #tpu.memory_space<vmem_shared>>) target_semaphore(%arg13 : memref<!tpu.dma_semaphore, #tpu.memory_space<semaphore_mem>>)
    %add3A_82 = arith.constant 560 : i32
    %add3A_83 = arith.addi %mul3A_2, %add3A_82 : i32
    %dma_start3A_84 = arith.constant 0 : i32
    %dma_start3A_85 = tpu.memref_slice %arg11[%add3A_83, %dma_start3A_84] : memref<10240x128xf32, #tpu.memory_space<vmem_shared>> -> memref<80x128xf32, #tpu.memory_space<vmem_shared>>
    %dma_start3A_86 = arith.constant 0 : i32
    %dma_start3A_87 = tpu.memref_slice %arg11[%add3A_83, %dma_start3A_86] : memref<10240x128xf32, #tpu.memory_space<vmem_shared>> -> memref<80x128xf32, #tpu.memory_space<vmem_shared>>
    tpu.enqueue_dma source(%arg10 : memref<80x128xf32, #tpu.memory_space<vmem>>) target(%dma_start3A_87 : memref<80x128xf32, #tpu.memory_space<vmem_shared>>) target_semaphore(%arg13 : memref<!tpu.dma_semaphore, #tpu.memory_space<semaphore_mem>>)
    %add3A_88 = arith.constant 0 : i32
    %add3A_89 = arith.addi %mul3A_2, %add3A_88 : i32
    %dma_wait3A_90 = arith.constant 0 : i32
    %dma_wait3A_91 = tpu.memref_slice %arg11[%add3A_89, %dma_wait3A_90] : memref<10240x128xf32, #tpu.memory_space<vmem_shared>> -> memref<80x128xf32, #tpu.memory_space<vmem_shared>>
    %dma_wait3A_92 = arith.constant 0 : i32
    %dma_wait3A_93 = tpu.memref_slice %arg11[%add3A_89, %dma_wait3A_92] : memref<10240x128xf32, #tpu.memory_space<vmem_shared>> -> memref<80x128xf32, #tpu.memory_space<vmem_shared>>
    tpu.wait_dma2 semaphore(%arg13 : memref<!tpu.dma_semaphore, #tpu.memory_space<semaphore_mem>>) src(%arg10 : memref<80x128xf32, #tpu.memory_space<vmem>>) dst(%dma_wait3A_93 : memref<80x128xf32, #tpu.memory_space<vmem_shared>>)
    %add3A_94 = arith.constant 80 : i32
    %add3A_95 = arith.addi %mul3A_2, %add3A_94 : i32
    %dma_wait3A_96 = arith.constant 0 : i32
    %dma_wait3A_97 = tpu.memref_slice %arg11[%add3A_95, %dma_wait3A_96] : memref<10240x128xf32, #tpu.memory_space<vmem_shared>> -> memref<80x128xf32, #tpu.memory_space<vmem_shared>>
    %dma_wait3A_98 = arith.constant 0 : i32
    %dma_wait3A_99 = tpu.memref_slice %arg11[%add3A_95, %dma_wait3A_98] : memref<10240x128xf32, #tpu.memory_space<vmem_shared>> -> memref<80x128xf32, #tpu.memory_space<vmem_shared>>
    tpu.wait_dma2 semaphore(%arg13 : memref<!tpu.dma_semaphore, #tpu.memory_space<semaphore_mem>>) src(%arg10 : memref<80x128xf32, #tpu.memory_space<vmem>>) dst(%dma_wait3A_99 : memref<80x128xf32, #tpu.memory_space<vmem_shared>>)
    %add3A_100 = arith.constant 160 : i32
    %add3A_101 = arith.addi %mul3A_2, %add3A_100 : i32
    %dma_wait3A_102 = arith.constant 0 : i32
    %dma_wait3A_103 = tpu.memref_slice %arg11[%add3A_101, %dma_wait3A_102] : memref<10240x128xf32, #tpu.memory_space<vmem_shared>> -> memref<80x128xf32, #tpu.memory_space<vmem_shared>>
    %dma_wait3A_104 = arith.constant 0 : i32
    %dma_wait3A_105 = tpu.memref_slice %arg11[%add3A_101, %dma_wait3A_104] : memref<10240x128xf32, #tpu.memory_space<vmem_shared>> -> memref<80x128xf32, #tpu.memory_space<vmem_shared>>
    tpu.wait_dma2 semaphore(%arg13 : memref<!tpu.dma_semaphore, #tpu.memory_space<semaphore_mem>>) src(%arg10 : memref<80x128xf32, #tpu.memory_space<vmem>>) dst(%dma_wait3A_105 : memref<80x128xf32, #tpu.memory_space<vmem_shared>>)
    %add3A_106 = arith.constant 240 : i32
    %add3A_107 = arith.addi %mul3A_2, %add3A_106 : i32
    %dma_wait3A_108 = arith.constant 0 : i32
    %dma_wait3A_109 = tpu.memref_slice %arg11[%add3A_107, %dma_wait3A_108] : memref<10240x128xf32, #tpu.memory_space<vmem_shared>> -> memref<80x128xf32, #tpu.memory_space<vmem_shared>>
    %dma_wait3A_110 = arith.constant 0 : i32
    %dma_wait3A_111 = tpu.memref_slice %arg11[%add3A_107, %dma_wait3A_110] : memref<10240x128xf32, #tpu.memory_space<vmem_shared>> -> memref<80x128xf32, #tpu.memory_space<vmem_shared>>
    tpu.wait_dma2 semaphore(%arg13 : memref<!tpu.dma_semaphore, #tpu.memory_space<semaphore_mem>>) src(%arg10 : memref<80x128xf32, #tpu.memory_space<vmem>>) dst(%dma_wait3A_111 : memref<80x128xf32, #tpu.memory_space<vmem_shared>>)
    %add3A_112 = arith.constant 320 : i32
    %add3A_113 = arith.addi %mul3A_2, %add3A_112 : i32
    %dma_wait3A_114 = arith.constant 0 : i32
    %dma_wait3A_115 = tpu.memref_slice %arg11[%add3A_113, %dma_wait3A_114] : memref<10240x128xf32, #tpu.memory_space<vmem_shared>> -> memref<80x128xf32, #tpu.memory_space<vmem_shared>>
    %dma_wait3A_116 = arith.constant 0 : i32
    %dma_wait3A_117 = tpu.memref_slice %arg11[%add3A_113, %dma_wait3A_116] : memref<10240x128xf32, #tpu.memory_space<vmem_shared>> -> memref<80x128xf32, #tpu.memory_space<vmem_shared>>
    tpu.wait_dma2 semaphore(%arg13 : memref<!tpu.dma_semaphore, #tpu.memory_space<semaphore_mem>>) src(%arg10 : memref<80x128xf32, #tpu.memory_space<vmem>>) dst(%dma_wait3A_117 : memref<80x128xf32, #tpu.memory_space<vmem_shared>>)
    %add3A_118 = arith.constant 400 : i32
    %add3A_119 = arith.addi %mul3A_2, %add3A_118 : i32
    %dma_wait3A_120 = arith.constant 0 : i32
    %dma_wait3A_121 = tpu.memref_slice %arg11[%add3A_119, %dma_wait3A_120] : memref<10240x128xf32, #tpu.memory_space<vmem_shared>> -> memref<80x128xf32, #tpu.memory_space<vmem_shared>>
    %dma_wait3A_122 = arith.constant 0 : i32
    %dma_wait3A_123 = tpu.memref_slice %arg11[%add3A_119, %dma_wait3A_122] : memref<10240x128xf32, #tpu.memory_space<vmem_shared>> -> memref<80x128xf32, #tpu.memory_space<vmem_shared>>
    tpu.wait_dma2 semaphore(%arg13 : memref<!tpu.dma_semaphore, #tpu.memory_space<semaphore_mem>>) src(%arg10 : memref<80x128xf32, #tpu.memory_space<vmem>>) dst(%dma_wait3A_123 : memref<80x128xf32, #tpu.memory_space<vmem_shared>>)
    %add3A_124 = arith.constant 480 : i32
    %add3A_125 = arith.addi %mul3A_2, %add3A_124 : i32
    %dma_wait3A_126 = arith.constant 0 : i32
    %dma_wait3A_127 = tpu.memref_slice %arg11[%add3A_125, %dma_wait3A_126] : memref<10240x128xf32, #tpu.memory_space<vmem_shared>> -> memref<80x128xf32, #tpu.memory_space<vmem_shared>>
    %dma_wait3A_128 = arith.constant 0 : i32
    %dma_wait3A_129 = tpu.memref_slice %arg11[%add3A_125, %dma_wait3A_128] : memref<10240x128xf32, #tpu.memory_space<vmem_shared>> -> memref<80x128xf32, #tpu.memory_space<vmem_shared>>
    tpu.wait_dma2 semaphore(%arg13 : memref<!tpu.dma_semaphore, #tpu.memory_space<semaphore_mem>>) src(%arg10 : memref<80x128xf32, #tpu.memory_space<vmem>>) dst(%dma_wait3A_129 : memref<80x128xf32, #tpu.memory_space<vmem_shared>>)
    %add3A_130 = arith.constant 560 : i32
    %add3A_131 = arith.addi %mul3A_2, %add3A_130 : i32
    %dma_wait3A_132 = arith.constant 0 : i32
    %dma_wait3A_133 = tpu.memref_slice %arg11[%add3A_131, %dma_wait3A_132] : memref<10240x128xf32, #tpu.memory_space<vmem_shared>> -> memref<80x128xf32, #tpu.memory_space<vmem_shared>>
    %dma_wait3A_134 = arith.constant 0 : i32
    %dma_wait3A_135 = tpu.memref_slice %arg11[%add3A_131, %dma_wait3A_134] : memref<10240x128xf32, #tpu.memory_space<vmem_shared>> -> memref<80x128xf32, #tpu.memory_space<vmem_shared>>
    tpu.wait_dma2 semaphore(%arg13 : memref<!tpu.dma_semaphore, #tpu.memory_space<semaphore_mem>>) src(%arg10 : memref<80x128xf32, #tpu.memory_space<vmem>>) dst(%dma_wait3A_135 : memref<80x128xf32, #tpu.memory_space<vmem_shared>>)
    %barrier3A = arith.constant 0 : index
    tpu.barrier barrier_id(%barrier3A)
    %scan3A_136 = arith.constant 0 : i32
    %scan3A_137 = arith.constant 0 : i32
    %scan3A_138 = arith.constant 62 : i32
    %scan3A_139 = arith.addi %scan3A_137, %scan3A_138 : i32
    %scan3A_140 = arith.constant 1 : i32
    %scan3A_141 = scf.for %scan3A_155 = %scan3A_137 to %scan3A_139 step %scan3A_140 iter_args(%scan3A_156 = %scan3A_136) -> (i32)  : i32 {
      %mul3A_157 = arith.constant 2 : i32
      %mul3A_158 = arith.muli %mul3A_157, %scan3A_155 : i32
      %mul3A_159 = arith.constant 2 : i32
      %mul3A_160 = arith.muli %mul3A_159, %scan3A_155 : i32
      %add3A_161 = arith.constant 1 : i32
      %add3A_162 = arith.addi %mul3A_160, %add3A_161 : i32
      %mul3A_163 = arith.constant 80 : i32
      %mul3A_164 = arith.muli %add3A_162, %mul3A_163 : i32
      %dma_start3A_165 = tpu.memref_slice %arg7[%mul3A_164] : memref<10000xi32, #tpu.memory_space<vmem>> -> memref<80xi32, #tpu.memory_space<vmem>>
      %dma_start3A_166 = arith.constant 0 : i32
      %dma_start3A_167 = arith.constant 0 : i32
      %dma_start3A_168 = tpu.memref_slice %arg2[%dma_start3A_166, %dma_start3A_167] : memref<10240x128xf32, #tpu.memory_space<hbm>> -> memref<10240x128xf32, #tpu.memory_space<hbm>>
      tpu.enqueue_indirect_dma source(%dma_start3A_168 : memref<10240x128xf32, #tpu.memory_space<hbm>>) target(%arg10 : memref<80x128xf32, #tpu.memory_space<vmem>>) offsets(%dma_start3A_165 : memref<80xi32, #tpu.memory_space<vmem>>) semaphore(%arg13 : memref<!tpu.dma_semaphore, #tpu.memory_space<semaphore_mem>>)
      %mul3A_169 = arith.constant 80 : i32
      %mul3A_170 = arith.muli %mul3A_158, %mul3A_169 : i32
      %dma_wait3A_171 = tpu.memref_slice %arg7[%mul3A_170] : memref<10000xi32, #tpu.memory_space<vmem>> -> memref<80xi32, #tpu.memory_space<vmem>>
      %dma_wait3A_172 = arith.constant 0 : i32
      %dma_wait3A_173 = arith.constant 0 : i32
      %dma_wait3A_174 = tpu.memref_slice %arg2[%dma_wait3A_172, %dma_wait3A_173] : memref<10240x128xf32, #tpu.memory_space<hbm>> -> memref<10240x128xf32, #tpu.memory_space<hbm>>
      tpu.wait_indirect_dma semaphore(%arg12 : memref<!tpu.dma_semaphore, #tpu.memory_space<semaphore_mem>>) src(%dma_wait3A_174 : memref<10240x128xf32, #tpu.memory_space<hbm>>) dst(%arg9 : memref<80x128xf32, #tpu.memory_space<vmem>>)
      "tpu.region"() ({
        %run_scoped3A_190 = tpu.sem_alloc : memref<!tpu.dma_semaphore, #tpu.memory_space<semaphore_mem>>
        %dma_start3A_191 = arith.constant 0 : i32
        %dma_start3A_192 = tpu.memref_slice %arg8[%mul3A_158, %dma_start3A_191] : memref<125x80xi32, #tpu.memory_space<vmem>> -> memref<1x80xi32, #tpu.memory_space<vmem>>
        %dma_start3A_193 = tpu.memref_squeeze %dma_start3A_192 : memref<1x80xi32, #tpu.memory_space<vmem>> -> memref<80xi32, #tpu.memory_space<vmem>>
        %dma_start3A_194 = arith.constant 0 : i32
        %dma_start3A_195 = arith.constant 0 : i32
        %dma_start3A_196 = tpu.memref_slice %arg11[%dma_start3A_194, %dma_start3A_195] : memref<10240x128xf32, #tpu.memory_space<vmem_shared>> -> memref<10240x128xf32, #tpu.memory_space<vmem_shared>>
        tpu.enqueue_indirect_dma source(%arg9 : memref<80x128xf32, #tpu.memory_space<vmem>>) target(%dma_start3A_196 : memref<10240x128xf32, #tpu.memory_space<vmem_shared>>) offsets(%dma_start3A_193 : memref<80xi32, #tpu.memory_space<vmem>>) semaphore(%run_scoped3A_190 : memref<!tpu.dma_semaphore, #tpu.memory_space<semaphore_mem>>) {add = true}
        %dma_wait3A_197 = arith.constant 0 : i32
        %dma_wait3A_198 = tpu.memref_slice %arg8[%mul3A_158, %dma_wait3A_197] : memref<125x80xi32, #tpu.memory_space<vmem>> -> memref<1x80xi32, #tpu.memory_space<vmem>>
        %dma_wait3A_199 = tpu.memref_squeeze %dma_wait3A_198 : memref<1x80xi32, #tpu.memory_space<vmem>> -> memref<80xi32, #tpu.memory_space<vmem>>
        %dma_wait3A_200 = arith.constant 0 : i32
        %dma_wait3A_201 = arith.constant 0 : i32
        %dma_wait3A_202 = tpu.memref_slice %arg11[%dma_wait3A_200, %dma_wait3A_201] : memref<10240x128xf32, #tpu.memory_space<vmem_shared>> -> memref<10240x128xf32, #tpu.memory_space<vmem_shared>>
        tpu.wait_indirect_dma semaphore(%run_scoped3A_190 : memref<!tpu.dma_semaphore, #tpu.memory_space<semaphore_mem>>) src(%arg9 : memref<80x128xf32, #tpu.memory_space<vmem>>) dst(%dma_wait3A_202 : memref<10240x128xf32, #tpu.memory_space<vmem_shared>>)
        tpu.yield
      }) : () -> ()
      %add3A_175 = arith.constant 2 : i32
      %add3A_176 = arith.addi %mul3A_158, %add3A_175 : i32
      %mul3A_177 = arith.constant 80 : i32
      %mul3A_178 = arith.muli %add3A_176, %mul3A_177 : i32
      %dma_start3A_179 = tpu.memref_slice %arg7[%mul3A_178] : memref<10000xi32, #tpu.memory_space<vmem>> -> memref<80xi32, #tpu.memory_space<vmem>>
      %dma_start3A_180 = arith.constant 0 : i32
      %dma_start3A_181 = arith.constant 0 : i32
      %dma_start3A_182 = tpu.memref_slice %arg2[%dma_start3A_180, %dma_start3A_181] : memref<10240x128xf32, #tpu.memory_space<hbm>> -> memref<10240x128xf32, #tpu.memory_space<hbm>>
      tpu.enqueue_indirect_dma source(%dma_start3A_182 : memref<10240x128xf32, #tpu.memory_space<hbm>>) target(%arg9 : memref<80x128xf32, #tpu.memory_space<vmem>>) offsets(%dma_start3A_179 : memref<80xi32, #tpu.memory_space<vmem>>) semaphore(%arg12 : memref<!tpu.dma_semaphore, #tpu.memory_space<semaphore_mem>>)
      %mul3A_183 = arith.constant 80 : i32
      %mul3A_184 = arith.muli %add3A_162, %mul3A_183 : i32
      %dma_wait3A_185 = tpu.memref_slice %arg7[%mul3A_184] : memref<10000xi32, #tpu.memory_space<vmem>> -> memref<80xi32, #tpu.memory_space<vmem>>
      %dma_wait3A_186 = arith.constant 0 : i32
      %dma_wait3A_187 = arith.constant 0 : i32
      %dma_wait3A_188 = tpu.memref_slice %arg2[%dma_wait3A_186, %dma_wait3A_187] : memref<10240x128xf32, #tpu.memory_space<hbm>> -> memref<10240x128xf32, #tpu.memory_space<hbm>>
      tpu.wait_indirect_dma semaphore(%arg13 : memref<!tpu.dma_semaphore, #tpu.memory_space<semaphore_mem>>) src(%dma_wait3A_188 : memref<10240x128xf32, #tpu.memory_space<hbm>>) dst(%arg10 : memref<80x128xf32, #tpu.memory_space<vmem>>)
      "tpu.region"() ({
        %run_scoped3A_190 = tpu.sem_alloc : memref<!tpu.dma_semaphore, #tpu.memory_space<semaphore_mem>>
        %dma_start3A_191 = arith.constant 0 : i32
        %dma_start3A_192 = tpu.memref_slice %arg8[%add3A_162, %dma_start3A_191] : memref<125x80xi32, #tpu.memory_space<vmem>> -> memref<1x80xi32, #tpu.memory_space<vmem>>
        %dma_start3A_193 = tpu.memref_squeeze %dma_start3A_192 : memref<1x80xi32, #tpu.memory_space<vmem>> -> memref<80xi32, #tpu.memory_space<vmem>>
        %dma_start3A_194 = arith.constant 0 : i32
        %dma_start3A_195 = arith.constant 0 : i32
        %dma_start3A_196 = tpu.memref_slice %arg11[%dma_start3A_194, %dma_start3A_195] : memref<10240x128xf32, #tpu.memory_space<vmem_shared>> -> memref<10240x128xf32, #tpu.memory_space<vmem_shared>>
        tpu.enqueue_indirect_dma source(%arg10 : memref<80x128xf32, #tpu.memory_space<vmem>>) target(%dma_start3A_196 : memref<10240x128xf32, #tpu.memory_space<vmem_shared>>) offsets(%dma_start3A_193 : memref<80xi32, #tpu.memory_space<vmem>>) semaphore(%run_scoped3A_190 : memref<!tpu.dma_semaphore, #tpu.memory_space<semaphore_mem>>) {add = true}
        %dma_wait3A_197 = arith.constant 0 : i32
        %dma_wait3A_198 = tpu.memref_slice %arg8[%add3A_162, %dma_wait3A_197] : memref<125x80xi32, #tpu.memory_space<vmem>> -> memref<1x80xi32, #tpu.memory_space<vmem>>
        %dma_wait3A_199 = tpu.memref_squeeze %dma_wait3A_198 : memref<1x80xi32, #tpu.memory_space<vmem>> -> memref<80xi32, #tpu.memory_space<vmem>>
        %dma_wait3A_200 = arith.constant 0 : i32
        %dma_wait3A_201 = arith.constant 0 : i32
        %dma_wait3A_202 = tpu.memref_slice %arg11[%dma_wait3A_200, %dma_wait3A_201] : memref<10240x128xf32, #tpu.memory_space<vmem_shared>> -> memref<10240x128xf32, #tpu.memory_space<vmem_shared>>
        tpu.wait_indirect_dma semaphore(%run_scoped3A_190 : memref<!tpu.dma_semaphore, #tpu.memory_space<semaphore_mem>>) src(%arg10 : memref<80x128xf32, #tpu.memory_space<vmem>>) dst(%dma_wait3A_202 : memref<10240x128xf32, #tpu.memory_space<vmem_shared>>)
        tpu.yield
      }) : () -> ()
      %scan3A_189 = arith.constant 0 : i32
      scf.yield %scan3A_189 : i32
    }
    %scan3A_142 = arith.constant 62 : i32
    %dma_wait3A_143 = arith.constant 9920 : i32
    %dma_wait3A_144 = tpu.memref_slice %arg7[%dma_wait3A_143] : memref<10000xi32, #tpu.memory_space<vmem>> -> memref<80xi32, #tpu.memory_space<vmem>>
    %dma_wait3A_145 = arith.constant 0 : i32
    %dma_wait3A_146 = arith.constant 0 : i32
    %dma_wait3A_147 = tpu.memref_slice %arg2[%dma_wait3A_145, %dma_wait3A_146] : memref<10240x128xf32, #tpu.memory_space<hbm>> -> memref<10240x128xf32, #tpu.memory_space<hbm>>
    tpu.wait_indirect_dma semaphore(%arg12 : memref<!tpu.dma_semaphore, #tpu.memory_space<semaphore_mem>>) src(%dma_wait3A_147 : memref<10240x128xf32, #tpu.memory_space<hbm>>) dst(%arg9 : memref<80x128xf32, #tpu.memory_space<vmem>>)
    %run_scoped3A = arith.constant 124 : i32
    "tpu.region"() ({
      %run_scoped3A_155 = tpu.sem_alloc : memref<!tpu.dma_semaphore, #tpu.memory_space<semaphore_mem>>
      %dma_start3A_156 = arith.constant 0 : i32
      %dma_start3A_157 = tpu.memref_slice %arg8[%run_scoped3A, %dma_start3A_156] : memref<125x80xi32, #tpu.memory_space<vmem>> -> memref<1x80xi32, #tpu.memory_space<vmem>>
      %dma_start3A_158 = tpu.memref_squeeze %dma_start3A_157 : memref<1x80xi32, #tpu.memory_space<vmem>> -> memref<80xi32, #tpu.memory_space<vmem>>
      %dma_start3A_159 = arith.constant 0 : i32
      %dma_start3A_160 = arith.constant 0 : i32
      %dma_start3A_161 = tpu.memref_slice %arg11[%dma_start3A_159, %dma_start3A_160] : memref<10240x128xf32, #tpu.memory_space<vmem_shared>> -> memref<10240x128xf32, #tpu.memory_space<vmem_shared>>
      tpu.enqueue_indirect_dma source(%arg9 : memref<80x128xf32, #tpu.memory_space<vmem>>) target(%dma_start3A_161 : memref<10240x128xf32, #tpu.memory_space<vmem_shared>>) offsets(%dma_start3A_158 : memref<80xi32, #tpu.memory_space<vmem>>) semaphore(%run_scoped3A_155 : memref<!tpu.dma_semaphore, #tpu.memory_space<semaphore_mem>>) {add = true}
      %dma_wait3A_162 = arith.constant 0 : i32
      %dma_wait3A_163 = tpu.memref_slice %arg8[%run_scoped3A, %dma_wait3A_162] : memref<125x80xi32, #tpu.memory_space<vmem>> -> memref<1x80xi32, #tpu.memory_space<vmem>>
      %dma_wait3A_164 = tpu.memref_squeeze %dma_wait3A_163 : memref<1x80xi32, #tpu.memory_space<vmem>> -> memref<80xi32, #tpu.memory_space<vmem>>
      %dma_wait3A_165 = arith.constant 0 : i32
      %dma_wait3A_166 = arith.constant 0 : i32
      %dma_wait3A_167 = tpu.memref_slice %arg11[%dma_wait3A_165, %dma_wait3A_166] : memref<10240x128xf32, #tpu.memory_space<vmem_shared>> -> memref<10240x128xf32, #tpu.memory_space<vmem_shared>>
      tpu.wait_indirect_dma semaphore(%run_scoped3A_155 : memref<!tpu.dma_semaphore, #tpu.memory_space<semaphore_mem>>) src(%arg9 : memref<80x128xf32, #tpu.memory_space<vmem>>) dst(%dma_wait3A_167 : memref<10240x128xf32, #tpu.memory_space<vmem_shared>>)
      tpu.yield
    }) : () -> ()
    %barrier3A_148 = arith.constant 0 : index
    tpu.barrier barrier_id(%barrier3A_148)
    %eq3A = arith.constant 0 : i32
    %eq3A_149 = arith.cmpi eq, %arg0, %eq3A : i32
    %convert_element_type3A = arith.extui %eq3A_149 : i1 to i32
    %cond3A = arith.constant 0 : i32
    %cond3A_150 = arith.cmpi ne, %convert_element_type3A, %cond3A : i32
    scf.if %cond3A_150 {
      %add3A_155 = arith.constant 0 : i32
      %add3A_156 = arith.addi %mul3A_2, %add3A_155 : i32
      "tpu.region"() ({
        %run_scoped3A_251 = tpu.sem_alloc : memref<!tpu.dma_semaphore, #tpu.memory_space<semaphore_mem>>
        %dma_start3A_252 = arith.constant 0 : i32
        %dma_start3A_253 = tpu.memref_slice %arg11[%add3A_156, %dma_start3A_252] : memref<10240x128xf32, #tpu.memory_space<vmem_shared>> -> memref<80x128xf32, #tpu.memory_space<vmem_shared>>
        %dma_start3A_254 = arith.constant 0 : i32
        %dma_start3A_255 = tpu.memref_slice %arg11[%add3A_156, %dma_start3A_254] : memref<10240x128xf32, #tpu.memory_space<vmem_shared>> -> memref<80x128xf32, #tpu.memory_space<vmem_shared>>
        tpu.enqueue_dma source(%dma_start3A_255 : memref<80x128xf32, #tpu.memory_space<vmem_shared>>) target(%arg9 : memref<80x128xf32, #tpu.memory_space<vmem>>) target_semaphore(%run_scoped3A_251 : memref<!tpu.dma_semaphore, #tpu.memory_space<semaphore_mem>>)
        %dma_wait3A_256 = arith.constant 0 : i32
        %dma_wait3A_257 = tpu.memref_slice %arg11[%add3A_156, %dma_wait3A_256] : memref<10240x128xf32, #tpu.memory_space<vmem_shared>> -> memref<80x128xf32, #tpu.memory_space<vmem_shared>>
        %dma_wait3A_258 = arith.constant 0 : i32
        %dma_wait3A_259 = tpu.memref_slice %arg11[%add3A_156, %dma_wait3A_258] : memref<10240x128xf32, #tpu.memory_space<vmem_shared>> -> memref<80x128xf32, #tpu.memory_space<vmem_shared>>
        tpu.wait_dma2 semaphore(%run_scoped3A_251 : memref<!tpu.dma_semaphore, #tpu.memory_space<semaphore_mem>>) src(%dma_wait3A_259 : memref<80x128xf32, #tpu.memory_space<vmem_shared>>) dst(%arg9 : memref<80x128xf32, #tpu.memory_space<vmem>>)
        tpu.yield
      }) : () -> ()
      %dma_start3A_157 = arith.constant 0 : i32
      %dma_start3A_158 = tpu.memref_slice %arg5[%add3A_156, %dma_start3A_157] : memref<10240x128xf32, #tpu.memory_space<hbm>> -> memref<80x128xf32, #tpu.memory_space<hbm>>
      %dma_start3A_159 = arith.constant 0 : i32
      %dma_start3A_160 = tpu.memref_slice %arg5[%add3A_156, %dma_start3A_159] : memref<10240x128xf32, #tpu.memory_space<hbm>> -> memref<80x128xf32, #tpu.memory_space<hbm>>
      tpu.enqueue_dma source(%arg9 : memref<80x128xf32, #tpu.memory_space<vmem>>) target(%dma_start3A_160 : memref<80x128xf32, #tpu.memory_space<hbm>>) target_semaphore(%arg12 : memref<!tpu.dma_semaphore, #tpu.memory_space<semaphore_mem>>)
      %add3A_161 = arith.constant 80 : i32
      %add3A_162 = arith.addi %mul3A_2, %add3A_161 : i32
      "tpu.region"() ({
        %run_scoped3A_251 = tpu.sem_alloc : memref<!tpu.dma_semaphore, #tpu.memory_space<semaphore_mem>>
        %dma_start3A_252 = arith.constant 0 : i32
        %dma_start3A_253 = tpu.memref_slice %arg11[%add3A_162, %dma_start3A_252] : memref<10240x128xf32, #tpu.memory_space<vmem_shared>> -> memref<80x128xf32, #tpu.memory_space<vmem_shared>>
        %dma_start3A_254 = arith.constant 0 : i32
        %dma_start3A_255 = tpu.memref_slice %arg11[%add3A_162, %dma_start3A_254] : memref<10240x128xf32, #tpu.memory_space<vmem_shared>> -> memref<80x128xf32, #tpu.memory_space<vmem_shared>>
        tpu.enqueue_dma source(%dma_start3A_255 : memref<80x128xf32, #tpu.memory_space<vmem_shared>>) target(%arg10 : memref<80x128xf32, #tpu.memory_space<vmem>>) target_semaphore(%run_scoped3A_251 : memref<!tpu.dma_semaphore, #tpu.memory_space<semaphore_mem>>)
        %dma_wait3A_256 = arith.constant 0 : i32
        %dma_wait3A_257 = tpu.memref_slice %arg11[%add3A_162, %dma_wait3A_256] : memref<10240x128xf32, #tpu.memory_space<vmem_shared>> -> memref<80x128xf32, #tpu.memory_space<vmem_shared>>
        %dma_wait3A_258 = arith.constant 0 : i32
        %dma_wait3A_259 = tpu.memref_slice %arg11[%add3A_162, %dma_wait3A_258] : memref<10240x128xf32, #tpu.memory_space<vmem_shared>> -> memref<80x128xf32, #tpu.memory_space<vmem_shared>>
        tpu.wait_dma2 semaphore(%run_scoped3A_251 : memref<!tpu.dma_semaphore, #tpu.memory_space<semaphore_mem>>) src(%dma_wait3A_259 : memref<80x128xf32, #tpu.memory_space<vmem_shared>>) dst(%arg10 : memref<80x128xf32, #tpu.memory_space<vmem>>)
        tpu.yield
      }) : () -> ()
      %dma_start3A_163 = arith.constant 0 : i32
      %dma_start3A_164 = tpu.memref_slice %arg5[%add3A_162, %dma_start3A_163] : memref<10240x128xf32, #tpu.memory_space<hbm>> -> memref<80x128xf32, #tpu.memory_space<hbm>>
      %dma_start3A_165 = arith.constant 0 : i32
      %dma_start3A_166 = tpu.memref_slice %arg5[%add3A_162, %dma_start3A_165] : memref<10240x128xf32, #tpu.memory_space<hbm>> -> memref<80x128xf32, #tpu.memory_space<hbm>>
      tpu.enqueue_dma source(%arg10 : memref<80x128xf32, #tpu.memory_space<vmem>>) target(%dma_start3A_166 : memref<80x128xf32, #tpu.memory_space<hbm>>) target_semaphore(%arg13 : memref<!tpu.dma_semaphore, #tpu.memory_space<semaphore_mem>>)
      %add3A_167 = arith.constant 160 : i32
      %add3A_168 = arith.addi %mul3A_2, %add3A_167 : i32
      %add3A_169 = arith.constant 0 : i32
      %add3A_170 = arith.addi %mul3A_2, %add3A_169 : i32
      %dma_wait3A_171 = arith.constant 0 : i32
      %dma_wait3A_172 = tpu.memref_slice %arg5[%add3A_170, %dma_wait3A_171] : memref<10240x128xf32, #tpu.memory_space<hbm>> -> memref<80x128xf32, #tpu.memory_space<hbm>>
      %dma_wait3A_173 = arith.constant 0 : i32
      %dma_wait3A_174 = tpu.memref_slice %arg5[%add3A_170, %dma_wait3A_173] : memref<10240x128xf32, #tpu.memory_space<hbm>> -> memref<80x128xf32, #tpu.memory_space<hbm>>
      tpu.wait_dma2 semaphore(%arg12 : memref<!tpu.dma_semaphore, #tpu.memory_space<semaphore_mem>>) src(%arg9 : memref<80x128xf32, #tpu.memory_space<vmem>>) dst(%dma_wait3A_174 : memref<80x128xf32, #tpu.memory_space<hbm>>)
      "tpu.region"() ({
        %run_scoped3A_251 = tpu.sem_alloc : memref<!tpu.dma_semaphore, #tpu.memory_space<semaphore_mem>>
        %dma_start3A_252 = arith.constant 0 : i32
        %dma_start3A_253 = tpu.memref_slice %arg11[%add3A_168, %dma_start3A_252] : memref<10240x128xf32, #tpu.memory_space<vmem_shared>> -> memref<80x128xf32, #tpu.memory_space<vmem_shared>>
        %dma_start3A_254 = arith.constant 0 : i32
        %dma_start3A_255 = tpu.memref_slice %arg11[%add3A_168, %dma_start3A_254] : memref<10240x128xf32, #tpu.memory_space<vmem_shared>> -> memref<80x128xf32, #tpu.memory_space<vmem_shared>>
        tpu.enqueue_dma source(%dma_start3A_255 : memref<80x128xf32, #tpu.memory_space<vmem_shared>>) target(%arg9 : memref<80x128xf32, #tpu.memory_space<vmem>>) target_semaphore(%run_scoped3A_251 : memref<!tpu.dma_semaphore, #tpu.memory_space<semaphore_mem>>)
        %dma_wait3A_256 = arith.constant 0 : i32
        %dma_wait3A_257 = tpu.memref_slice %arg11[%add3A_168, %dma_wait3A_256] : memref<10240x128xf32, #tpu.memory_space<vmem_shared>> -> memref<80x128xf32, #tpu.memory_space<vmem_shared>>
        %dma_wait3A_258 = arith.constant 0 : i32
        %dma_wait3A_259 = tpu.memref_slice %arg11[%add3A_168, %dma_wait3A_258] : memref<10240x128xf32, #tpu.memory_space<vmem_shared>> -> memref<80x128xf32, #tpu.memory_space<vmem_shared>>
        tpu.wait_dma2 semaphore(%run_scoped3A_251 : memref<!tpu.dma_semaphore, #tpu.memory_space<semaphore_mem>>) src(%dma_wait3A_259 : memref<80x128xf32, #tpu.memory_space<vmem_shared>>) dst(%arg9 : memref<80x128xf32, #tpu.memory_space<vmem>>)
        tpu.yield
      }) : () -> ()
      %dma_start3A_175 = arith.constant 0 : i32
      %dma_start3A_176 = tpu.memref_slice %arg5[%add3A_168, %dma_start3A_175] : memref<10240x128xf32, #tpu.memory_space<hbm>> -> memref<80x128xf32, #tpu.memory_space<hbm>>
      %dma_start3A_177 = arith.constant 0 : i32
      %dma_start3A_178 = tpu.memref_slice %arg5[%add3A_168, %dma_start3A_177] : memref<10240x128xf32, #tpu.memory_space<hbm>> -> memref<80x128xf32, #tpu.memory_space<hbm>>
      tpu.enqueue_dma source(%arg9 : memref<80x128xf32, #tpu.memory_space<vmem>>) target(%dma_start3A_178 : memref<80x128xf32, #tpu.memory_space<hbm>>) target_semaphore(%arg12 : memref<!tpu.dma_semaphore, #tpu.memory_space<semaphore_mem>>)
      %add3A_179 = arith.constant 240 : i32
      %add3A_180 = arith.addi %mul3A_2, %add3A_179 : i32
      %add3A_181 = arith.constant 80 : i32
      %add3A_182 = arith.addi %mul3A_2, %add3A_181 : i32
      %dma_wait3A_183 = arith.constant 0 : i32
      %dma_wait3A_184 = tpu.memref_slice %arg5[%add3A_182, %dma_wait3A_183] : memref<10240x128xf32, #tpu.memory_space<hbm>> -> memref<80x128xf32, #tpu.memory_space<hbm>>
      %dma_wait3A_185 = arith.constant 0 : i32
      %dma_wait3A_186 = tpu.memref_slice %arg5[%add3A_182, %dma_wait3A_185] : memref<10240x128xf32, #tpu.memory_space<hbm>> -> memref<80x128xf32, #tpu.memory_space<hbm>>
      tpu.wait_dma2 semaphore(%arg13 : memref<!tpu.dma_semaphore, #tpu.memory_space<semaphore_mem>>) src(%arg10 : memref<80x128xf32, #tpu.memory_space<vmem>>) dst(%dma_wait3A_186 : memref<80x128xf32, #tpu.memory_space<hbm>>)
      "tpu.region"() ({
        %run_scoped3A_251 = tpu.sem_alloc : memref<!tpu.dma_semaphore, #tpu.memory_space<semaphore_mem>>
        %dma_start3A_252 = arith.constant 0 : i32
        %dma_start3A_253 = tpu.memref_slice %arg11[%add3A_180, %dma_start3A_252] : memref<10240x128xf32, #tpu.memory_space<vmem_shared>> -> memref<80x128xf32, #tpu.memory_space<vmem_shared>>
        %dma_start3A_254 = arith.constant 0 : i32
        %dma_start3A_255 = tpu.memref_slice %arg11[%add3A_180, %dma_start3A_254] : memref<10240x128xf32, #tpu.memory_space<vmem_shared>> -> memref<80x128xf32, #tpu.memory_space<vmem_shared>>
        tpu.enqueue_dma source(%dma_start3A_255 : memref<80x128xf32, #tpu.memory_space<vmem_shared>>) target(%arg10 : memref<80x128xf32, #tpu.memory_space<vmem>>) target_semaphore(%run_scoped3A_251 : memref<!tpu.dma_semaphore, #tpu.memory_space<semaphore_mem>>)
        %dma_wait3A_256 = arith.constant 0 : i32
        %dma_wait3A_257 = tpu.memref_slice %arg11[%add3A_180, %dma_wait3A_256] : memref<10240x128xf32, #tpu.memory_space<vmem_shared>> -> memref<80x128xf32, #tpu.memory_space<vmem_shared>>
        %dma_wait3A_258 = arith.constant 0 : i32
        %dma_wait3A_259 = tpu.memref_slice %arg11[%add3A_180, %dma_wait3A_258] : memref<10240x128xf32, #tpu.memory_space<vmem_shared>> -> memref<80x128xf32, #tpu.memory_space<vmem_shared>>
        tpu.wait_dma2 semaphore(%run_scoped3A_251 : memref<!tpu.dma_semaphore, #tpu.memory_space<semaphore_mem>>) src(%dma_wait3A_259 : memref<80x128xf32, #tpu.memory_space<vmem_shared>>) dst(%arg10 : memref<80x128xf32, #tpu.memory_space<vmem>>)
        tpu.yield
      }) : () -> ()
      %dma_start3A_187 = arith.constant 0 : i32
      %dma_start3A_188 = tpu.memref_slice %arg5[%add3A_180, %dma_start3A_187] : memref<10240x128xf32, #tpu.memory_space<hbm>> -> memref<80x128xf32, #tpu.memory_space<hbm>>
      %dma_start3A_189 = arith.constant 0 : i32
      %dma_start3A_190 = tpu.memref_slice %arg5[%add3A_180, %dma_start3A_189] : memref<10240x128xf32, #tpu.memory_space<hbm>> -> memref<80x128xf32, #tpu.memory_space<hbm>>
      tpu.enqueue_dma source(%arg10 : memref<80x128xf32, #tpu.memory_space<vmem>>) target(%dma_start3A_190 : memref<80x128xf32, #tpu.memory_space<hbm>>) target_semaphore(%arg13 : memref<!tpu.dma_semaphore, #tpu.memory_space<semaphore_mem>>)
      %add3A_191 = arith.constant 320 : i32
      %add3A_192 = arith.addi %mul3A_2, %add3A_191 : i32
      %add3A_193 = arith.constant 160 : i32
      %add3A_194 = arith.addi %mul3A_2, %add3A_193 : i32
      %dma_wait3A_195 = arith.constant 0 : i32
      %dma_wait3A_196 = tpu.memref_slice %arg5[%add3A_194, %dma_wait3A_195] : memref<10240x128xf32, #tpu.memory_space<hbm>> -> memref<80x128xf32, #tpu.memory_space<hbm>>
      %dma_wait3A_197 = arith.constant 0 : i32
      %dma_wait3A_198 = tpu.memref_slice %arg5[%add3A_194, %dma_wait3A_197] : memref<10240x128xf32, #tpu.memory_space<hbm>> -> memref<80x128xf32, #tpu.memory_space<hbm>>
      tpu.wait_dma2 semaphore(%arg12 : memref<!tpu.dma_semaphore, #tpu.memory_space<semaphore_mem>>) src(%arg9 : memref<80x128xf32, #tpu.memory_space<vmem>>) dst(%dma_wait3A_198 : memref<80x128xf32, #tpu.memory_space<hbm>>)
      "tpu.region"() ({
        %run_scoped3A_251 = tpu.sem_alloc : memref<!tpu.dma_semaphore, #tpu.memory_space<semaphore_mem>>
        %dma_start3A_252 = arith.constant 0 : i32
        %dma_start3A_253 = tpu.memref_slice %arg11[%add3A_192, %dma_start3A_252] : memref<10240x128xf32, #tpu.memory_space<vmem_shared>> -> memref<80x128xf32, #tpu.memory_space<vmem_shared>>
        %dma_start3A_254 = arith.constant 0 : i32
        %dma_start3A_255 = tpu.memref_slice %arg11[%add3A_192, %dma_start3A_254] : memref<10240x128xf32, #tpu.memory_space<vmem_shared>> -> memref<80x128xf32, #tpu.memory_space<vmem_shared>>
        tpu.enqueue_dma source(%dma_start3A_255 : memref<80x128xf32, #tpu.memory_space<vmem_shared>>) target(%arg9 : memref<80x128xf32, #tpu.memory_space<vmem>>) target_semaphore(%run_scoped3A_251 : memref<!tpu.dma_semaphore, #tpu.memory_space<semaphore_mem>>)
        %dma_wait3A_256 = arith.constant 0 : i32
        %dma_wait3A_257 = tpu.memref_slice %arg11[%add3A_192, %dma_wait3A_256] : memref<10240x128xf32, #tpu.memory_space<vmem_shared>> -> memref<80x128xf32, #tpu.memory_space<vmem_shared>>
        %dma_wait3A_258 = arith.constant 0 : i32
        %dma_wait3A_259 = tpu.memref_slice %arg11[%add3A_192, %dma_wait3A_258] : memref<10240x128xf32, #tpu.memory_space<vmem_shared>> -> memref<80x128xf32, #tpu.memory_space<vmem_shared>>
        tpu.wait_dma2 semaphore(%run_scoped3A_251 : memref<!tpu.dma_semaphore, #tpu.memory_space<semaphore_mem>>) src(%dma_wait3A_259 : memref<80x128xf32, #tpu.memory_space<vmem_shared>>) dst(%arg9 : memref<80x128xf32, #tpu.memory_space<vmem>>)
        tpu.yield
      }) : () -> ()
      %dma_start3A_199 = arith.constant 0 : i32
      %dma_start3A_200 = tpu.memref_slice %arg5[%add3A_192, %dma_start3A_199] : memref<10240x128xf32, #tpu.memory_space<hbm>> -> memref<80x128xf32, #tpu.memory_space<hbm>>
      %dma_start3A_201 = arith.constant 0 : i32
      %dma_start3A_202 = tpu.memref_slice %arg5[%add3A_192, %dma_start3A_201] : memref<10240x128xf32, #tpu.memory_space<hbm>> -> memref<80x128xf32, #tpu.memory_space<hbm>>
      tpu.enqueue_dma source(%arg9 : memref<80x128xf32, #tpu.memory_space<vmem>>) target(%dma_start3A_202 : memref<80x128xf32, #tpu.memory_space<hbm>>) target_semaphore(%arg12 : memref<!tpu.dma_semaphore, #tpu.memory_space<semaphore_mem>>)
      %add3A_203 = arith.constant 400 : i32
      %add3A_204 = arith.addi %mul3A_2, %add3A_203 : i32
      %add3A_205 = arith.constant 240 : i32
      %add3A_206 = arith.addi %mul3A_2, %add3A_205 : i32
      %dma_wait3A_207 = arith.constant 0 : i32
      %dma_wait3A_208 = tpu.memref_slice %arg5[%add3A_206, %dma_wait3A_207] : memref<10240x128xf32, #tpu.memory_space<hbm>> -> memref<80x128xf32, #tpu.memory_space<hbm>>
      %dma_wait3A_209 = arith.constant 0 : i32
      %dma_wait3A_210 = tpu.memref_slice %arg5[%add3A_206, %dma_wait3A_209] : memref<10240x128xf32, #tpu.memory_space<hbm>> -> memref<80x128xf32, #tpu.memory_space<hbm>>
      tpu.wait_dma2 semaphore(%arg13 : memref<!tpu.dma_semaphore, #tpu.memory_space<semaphore_mem>>) src(%arg10 : memref<80x128xf32, #tpu.memory_space<vmem>>) dst(%dma_wait3A_210 : memref<80x128xf32, #tpu.memory_space<hbm>>)
      "tpu.region"() ({
        %run_scoped3A_251 = tpu.sem_alloc : memref<!tpu.dma_semaphore, #tpu.memory_space<semaphore_mem>>
        %dma_start3A_252 = arith.constant 0 : i32
        %dma_start3A_253 = tpu.memref_slice %arg11[%add3A_204, %dma_start3A_252] : memref<10240x128xf32, #tpu.memory_space<vmem_shared>> -> memref<80x128xf32, #tpu.memory_space<vmem_shared>>
        %dma_start3A_254 = arith.constant 0 : i32
        %dma_start3A_255 = tpu.memref_slice %arg11[%add3A_204, %dma_start3A_254] : memref<10240x128xf32, #tpu.memory_space<vmem_shared>> -> memref<80x128xf32, #tpu.memory_space<vmem_shared>>
        tpu.enqueue_dma source(%dma_start3A_255 : memref<80x128xf32, #tpu.memory_space<vmem_shared>>) target(%arg10 : memref<80x128xf32, #tpu.memory_space<vmem>>) target_semaphore(%run_scoped3A_251 : memref<!tpu.dma_semaphore, #tpu.memory_space<semaphore_mem>>)
        %dma_wait3A_256 = arith.constant 0 : i32
        %dma_wait3A_257 = tpu.memref_slice %arg11[%add3A_204, %dma_wait3A_256] : memref<10240x128xf32, #tpu.memory_space<vmem_shared>> -> memref<80x128xf32, #tpu.memory_space<vmem_shared>>
        %dma_wait3A_258 = arith.constant 0 : i32
        %dma_wait3A_259 = tpu.memref_slice %arg11[%add3A_204, %dma_wait3A_258] : memref<10240x128xf32, #tpu.memory_space<vmem_shared>> -> memref<80x128xf32, #tpu.memory_space<vmem_shared>>
        tpu.wait_dma2 semaphore(%run_scoped3A_251 : memref<!tpu.dma_semaphore, #tpu.memory_space<semaphore_mem>>) src(%dma_wait3A_259 : memref<80x128xf32, #tpu.memory_space<vmem_shared>>) dst(%arg10 : memref<80x128xf32, #tpu.memory_space<vmem>>)
        tpu.yield
      }) : () -> ()
      %dma_start3A_211 = arith.constant 0 : i32
      %dma_start3A_212 = tpu.memref_slice %arg5[%add3A_204, %dma_start3A_211] : memref<10240x128xf32, #tpu.memory_space<hbm>> -> memref<80x128xf32, #tpu.memory_space<hbm>>
      %dma_start3A_213 = arith.constant 0 : i32
      %dma_start3A_214 = tpu.memref_slice %arg5[%add3A_204, %dma_start3A_213] : memref<10240x128xf32, #tpu.memory_space<hbm>> -> memref<80x128xf32, #tpu.memory_space<hbm>>
      tpu.enqueue_dma source(%arg10 : memref<80x128xf32, #tpu.memory_space<vmem>>) target(%dma_start3A_214 : memref<80x128xf32, #tpu.memory_space<hbm>>) target_semaphore(%arg13 : memref<!tpu.dma_semaphore, #tpu.memory_space<semaphore_mem>>)
      %add3A_215 = arith.constant 480 : i32
      %add3A_216 = arith.addi %mul3A_2, %add3A_215 : i32
      %add3A_217 = arith.constant 320 : i32
      %add3A_218 = arith.addi %mul3A_2, %add3A_217 : i32
      %dma_wait3A_219 = arith.constant 0 : i32
      %dma_wait3A_220 = tpu.memref_slice %arg5[%add3A_218, %dma_wait3A_219] : memref<10240x128xf32, #tpu.memory_space<hbm>> -> memref<80x128xf32, #tpu.memory_space<hbm>>
      %dma_wait3A_221 = arith.constant 0 : i32
      %dma_wait3A_222 = tpu.memref_slice %arg5[%add3A_218, %dma_wait3A_221] : memref<10240x128xf32, #tpu.memory_space<hbm>> -> memref<80x128xf32, #tpu.memory_space<hbm>>
      tpu.wait_dma2 semaphore(%arg12 : memref<!tpu.dma_semaphore, #tpu.memory_space<semaphore_mem>>) src(%arg9 : memref<80x128xf32, #tpu.memory_space<vmem>>) dst(%dma_wait3A_222 : memref<80x128xf32, #tpu.memory_space<hbm>>)
      "tpu.region"() ({
        %run_scoped3A_251 = tpu.sem_alloc : memref<!tpu.dma_semaphore, #tpu.memory_space<semaphore_mem>>
        %dma_start3A_252 = arith.constant 0 : i32
        %dma_start3A_253 = tpu.memref_slice %arg11[%add3A_216, %dma_start3A_252] : memref<10240x128xf32, #tpu.memory_space<vmem_shared>> -> memref<80x128xf32, #tpu.memory_space<vmem_shared>>
        %dma_start3A_254 = arith.constant 0 : i32
        %dma_start3A_255 = tpu.memref_slice %arg11[%add3A_216, %dma_start3A_254] : memref<10240x128xf32, #tpu.memory_space<vmem_shared>> -> memref<80x128xf32, #tpu.memory_space<vmem_shared>>
        tpu.enqueue_dma source(%dma_start3A_255 : memref<80x128xf32, #tpu.memory_space<vmem_shared>>) target(%arg9 : memref<80x128xf32, #tpu.memory_space<vmem>>) target_semaphore(%run_scoped3A_251 : memref<!tpu.dma_semaphore, #tpu.memory_space<semaphore_mem>>)
        %dma_wait3A_256 = arith.constant 0 : i32
        %dma_wait3A_257 = tpu.memref_slice %arg11[%add3A_216, %dma_wait3A_256] : memref<10240x128xf32, #tpu.memory_space<vmem_shared>> -> memref<80x128xf32, #tpu.memory_space<vmem_shared>>
        %dma_wait3A_258 = arith.constant 0 : i32
        %dma_wait3A_259 = tpu.memref_slice %arg11[%add3A_216, %dma_wait3A_258] : memref<10240x128xf32, #tpu.memory_space<vmem_shared>> -> memref<80x128xf32, #tpu.memory_space<vmem_shared>>
        tpu.wait_dma2 semaphore(%run_scoped3A_251 : memref<!tpu.dma_semaphore, #tpu.memory_space<semaphore_mem>>) src(%dma_wait3A_259 : memref<80x128xf32, #tpu.memory_space<vmem_shared>>) dst(%arg9 : memref<80x128xf32, #tpu.memory_space<vmem>>)
        tpu.yield
      }) : () -> ()
      %dma_start3A_223 = arith.constant 0 : i32
      %dma_start3A_224 = tpu.memref_slice %arg5[%add3A_216, %dma_start3A_223] : memref<10240x128xf32, #tpu.memory_space<hbm>> -> memref<80x128xf32, #tpu.memory_space<hbm>>
      %dma_start3A_225 = arith.constant 0 : i32
      %dma_start3A_226 = tpu.memref_slice %arg5[%add3A_216, %dma_start3A_225] : memref<10240x128xf32, #tpu.memory_space<hbm>> -> memref<80x128xf32, #tpu.memory_space<hbm>>
      tpu.enqueue_dma source(%arg9 : memref<80x128xf32, #tpu.memory_space<vmem>>) target(%dma_start3A_226 : memref<80x128xf32, #tpu.memory_space<hbm>>) target_semaphore(%arg12 : memref<!tpu.dma_semaphore, #tpu.memory_space<semaphore_mem>>)
      %add3A_227 = arith.constant 560 : i32
      %add3A_228 = arith.addi %mul3A_2, %add3A_227 : i32
      %add3A_229 = arith.constant 400 : i32
      %add3A_230 = arith.addi %mul3A_2, %add3A_229 : i32
      %dma_wait3A_231 = arith.constant 0 : i32
      %dma_wait3A_232 = tpu.memref_slice %arg5[%add3A_230, %dma_wait3A_231] : memref<10240x128xf32, #tpu.memory_space<hbm>> -> memref<80x128xf32, #tpu.memory_space<hbm>>
      %dma_wait3A_233 = arith.constant 0 : i32
      %dma_wait3A_234 = tpu.memref_slice %arg5[%add3A_230, %dma_wait3A_233] : memref<10240x128xf32, #tpu.memory_space<hbm>> -> memref<80x128xf32, #tpu.memory_space<hbm>>
      tpu.wait_dma2 semaphore(%arg13 : memref<!tpu.dma_semaphore, #tpu.memory_space<semaphore_mem>>) src(%arg10 : memref<80x128xf32, #tpu.memory_space<vmem>>) dst(%dma_wait3A_234 : memref<80x128xf32, #tpu.memory_space<hbm>>)
      "tpu.region"() ({
        %run_scoped3A_251 = tpu.sem_alloc : memref<!tpu.dma_semaphore, #tpu.memory_space<semaphore_mem>>
        %dma_start3A_252 = arith.constant 0 : i32
        %dma_start3A_253 = tpu.memref_slice %arg11[%add3A_228, %dma_start3A_252] : memref<10240x128xf32, #tpu.memory_space<vmem_shared>> -> memref<80x128xf32, #tpu.memory_space<vmem_shared>>
        %dma_start3A_254 = arith.constant 0 : i32
        %dma_start3A_255 = tpu.memref_slice %arg11[%add3A_228, %dma_start3A_254] : memref<10240x128xf32, #tpu.memory_space<vmem_shared>> -> memref<80x128xf32, #tpu.memory_space<vmem_shared>>
        tpu.enqueue_dma source(%dma_start3A_255 : memref<80x128xf32, #tpu.memory_space<vmem_shared>>) target(%arg10 : memref<80x128xf32, #tpu.memory_space<vmem>>) target_semaphore(%run_scoped3A_251 : memref<!tpu.dma_semaphore, #tpu.memory_space<semaphore_mem>>)
        %dma_wait3A_256 = arith.constant 0 : i32
        %dma_wait3A_257 = tpu.memref_slice %arg11[%add3A_228, %dma_wait3A_256] : memref<10240x128xf32, #tpu.memory_space<vmem_shared>> -> memref<80x128xf32, #tpu.memory_space<vmem_shared>>
        %dma_wait3A_258 = arith.constant 0 : i32
        %dma_wait3A_259 = tpu.memref_slice %arg11[%add3A_228, %dma_wait3A_258] : memref<10240x128xf32, #tpu.memory_space<vmem_shared>> -> memref<80x128xf32, #tpu.memory_space<vmem_shared>>
        tpu.wait_dma2 semaphore(%run_scoped3A_251 : memref<!tpu.dma_semaphore, #tpu.memory_space<semaphore_mem>>) src(%dma_wait3A_259 : memref<80x128xf32, #tpu.memory_space<vmem_shared>>) dst(%arg10 : memref<80x128xf32, #tpu.memory_space<vmem>>)
        tpu.yield
      }) : () -> ()
      %dma_start3A_235 = arith.constant 0 : i32
      %dma_start3A_236 = tpu.memref_slice %arg5[%add3A_228, %dma_start3A_235] : memref<10240x128xf32, #tpu.memory_space<hbm>> -> memref<80x128xf32, #tpu.memory_space<hbm>>
      %dma_start3A_237 = arith.constant 0 : i32
      %dma_start3A_238 = tpu.memref_slice %arg5[%add3A_228, %dma_start3A_237] : memref<10240x128xf32, #tpu.memory_space<hbm>> -> memref<80x128xf32, #tpu.memory_space<hbm>>
      tpu.enqueue_dma source(%arg10 : memref<80x128xf32, #tpu.memory_space<vmem>>) target(%dma_start3A_238 : memref<80x128xf32, #tpu.memory_space<hbm>>) target_semaphore(%arg13 : memref<!tpu.dma_semaphore, #tpu.memory_space<semaphore_mem>>)
      %add3A_239 = arith.constant 480 : i32
      %add3A_240 = arith.addi %mul3A_2, %add3A_239 : i32
      %dma_wait3A_241 = arith.constant 0 : i32
      %dma_wait3A_242 = tpu.memref_slice %arg5[%add3A_240, %dma_wait3A_241] : memref<10240x128xf32, #tpu.memory_space<hbm>> -> memref<80x128xf32, #tpu.memory_space<hbm>>
      %dma_wait3A_243 = arith.constant 0 : i32
      %dma_wait3A_244 = tpu.memref_slice %arg5[%add3A_240, %dma_wait3A_243] : memref<10240x128xf32, #tpu.memory_space<hbm>> -> memref<80x128xf32, #tpu.memory_space<hbm>>
      tpu.wait_dma2 semaphore(%arg12 : memref<!tpu.dma_semaphore, #tpu.memory_space<semaphore_mem>>) src(%arg9 : memref<80x128xf32, #tpu.memory_space<vmem>>) dst(%dma_wait3A_244 : memref<80x128xf32, #tpu.memory_space<hbm>>)
      %add3A_245 = arith.constant 560 : i32
      %add3A_246 = arith.addi %mul3A_2, %add3A_245 : i32
      %dma_wait3A_247 = arith.constant 0 : i32
      %dma_wait3A_248 = tpu.memref_slice %arg5[%add3A_246, %dma_wait3A_247] : memref<10240x128xf32, #tpu.memory_space<hbm>> -> memref<80x128xf32, #tpu.memory_space<hbm>>
      %dma_wait3A_249 = arith.constant 0 : i32
      %dma_wait3A_250 = tpu.memref_slice %arg5[%add3A_246, %dma_wait3A_249] : memref<10240x128xf32, #tpu.memory_space<hbm>> -> memref<80x128xf32, #tpu.memory_space<hbm>>
      tpu.wait_dma2 semaphore(%arg13 : memref<!tpu.dma_semaphore, #tpu.memory_space<semaphore_mem>>) src(%arg10 : memref<80x128xf32, #tpu.memory_space<vmem>>) dst(%dma_wait3A_250 : memref<80x128xf32, #tpu.memory_space<hbm>>)
    } else {
    }
    %ne3A = arith.constant 0 : i32
    %ne3A_151 = arith.cmpi ne, %arg0, %ne3A : i32
    %convert_element_type3A_152 = arith.extui %ne3A_151 : i1 to i32
    %cond3A_153 = arith.constant 0 : i32
    %cond3A_154 = arith.cmpi ne, %convert_element_type3A_152, %cond3A_153 : i32
    scf.if %cond3A_154 {
      %add3A_155 = arith.constant 0 : i32
      %add3A_156 = arith.addi %mul3A_2, %add3A_155 : i32
      "tpu.region"() ({
        %run_scoped3A_251 = tpu.sem_alloc : memref<!tpu.dma_semaphore, #tpu.memory_space<semaphore_mem>>
        %dma_start3A_252 = arith.constant 0 : i32
        %dma_start3A_253 = tpu.memref_slice %arg11[%add3A_156, %dma_start3A_252] : memref<10240x128xf32, #tpu.memory_space<vmem_shared>> -> memref<80x128xf32, #tpu.memory_space<vmem_shared>>
        %dma_start3A_254 = arith.constant 0 : i32
        %dma_start3A_255 = tpu.memref_slice %arg11[%add3A_156, %dma_start3A_254] : memref<10240x128xf32, #tpu.memory_space<vmem_shared>> -> memref<80x128xf32, #tpu.memory_space<vmem_shared>>
        tpu.enqueue_dma source(%dma_start3A_255 : memref<80x128xf32, #tpu.memory_space<vmem_shared>>) target(%arg9 : memref<80x128xf32, #tpu.memory_space<vmem>>) target_semaphore(%run_scoped3A_251 : memref<!tpu.dma_semaphore, #tpu.memory_space<semaphore_mem>>)
        %dma_wait3A_256 = arith.constant 0 : i32
        %dma_wait3A_257 = tpu.memref_slice %arg11[%add3A_156, %dma_wait3A_256] : memref<10240x128xf32, #tpu.memory_space<vmem_shared>> -> memref<80x128xf32, #tpu.memory_space<vmem_shared>>
        %dma_wait3A_258 = arith.constant 0 : i32
        %dma_wait3A_259 = tpu.memref_slice %arg11[%add3A_156, %dma_wait3A_258] : memref<10240x128xf32, #tpu.memory_space<vmem_shared>> -> memref<80x128xf32, #tpu.memory_space<vmem_shared>>
        tpu.wait_dma2 semaphore(%run_scoped3A_251 : memref<!tpu.dma_semaphore, #tpu.memory_space<semaphore_mem>>) src(%dma_wait3A_259 : memref<80x128xf32, #tpu.memory_space<vmem_shared>>) dst(%arg9 : memref<80x128xf32, #tpu.memory_space<vmem>>)
        tpu.yield
      }) : () -> ()
      %dma_start3A_157 = arith.constant 0 : i32
      %dma_start3A_158 = tpu.memref_slice %arg6[%add3A_156, %dma_start3A_157] : memref<10240x128xf32, #tpu.memory_space<hbm>> -> memref<80x128xf32, #tpu.memory_space<hbm>>
      %dma_start3A_159 = arith.constant 0 : i32
      %dma_start3A_160 = tpu.memref_slice %arg6[%add3A_156, %dma_start3A_159] : memref<10240x128xf32, #tpu.memory_space<hbm>> -> memref<80x128xf32, #tpu.memory_space<hbm>>
      tpu.enqueue_dma source(%arg9 : memref<80x128xf32, #tpu.memory_space<vmem>>) target(%dma_start3A_160 : memref<80x128xf32, #tpu.memory_space<hbm>>) target_semaphore(%arg12 : memref<!tpu.dma_semaphore, #tpu.memory_space<semaphore_mem>>)
      %add3A_161 = arith.constant 80 : i32
      %add3A_162 = arith.addi %mul3A_2, %add3A_161 : i32
      "tpu.region"() ({
        %run_scoped3A_251 = tpu.sem_alloc : memref<!tpu.dma_semaphore, #tpu.memory_space<semaphore_mem>>
        %dma_start3A_252 = arith.constant 0 : i32
        %dma_start3A_253 = tpu.memref_slice %arg11[%add3A_162, %dma_start3A_252] : memref<10240x128xf32, #tpu.memory_space<vmem_shared>> -> memref<80x128xf32, #tpu.memory_space<vmem_shared>>
        %dma_start3A_254 = arith.constant 0 : i32
        %dma_start3A_255 = tpu.memref_slice %arg11[%add3A_162, %dma_start3A_254] : memref<10240x128xf32, #tpu.memory_space<vmem_shared>> -> memref<80x128xf32, #tpu.memory_space<vmem_shared>>
        tpu.enqueue_dma source(%dma_start3A_255 : memref<80x128xf32, #tpu.memory_space<vmem_shared>>) target(%arg10 : memref<80x128xf32, #tpu.memory_space<vmem>>) target_semaphore(%run_scoped3A_251 : memref<!tpu.dma_semaphore, #tpu.memory_space<semaphore_mem>>)
        %dma_wait3A_256 = arith.constant 0 : i32
        %dma_wait3A_257 = tpu.memref_slice %arg11[%add3A_162, %dma_wait3A_256] : memref<10240x128xf32, #tpu.memory_space<vmem_shared>> -> memref<80x128xf32, #tpu.memory_space<vmem_shared>>
        %dma_wait3A_258 = arith.constant 0 : i32
        %dma_wait3A_259 = tpu.memref_slice %arg11[%add3A_162, %dma_wait3A_258] : memref<10240x128xf32, #tpu.memory_space<vmem_shared>> -> memref<80x128xf32, #tpu.memory_space<vmem_shared>>
        tpu.wait_dma2 semaphore(%run_scoped3A_251 : memref<!tpu.dma_semaphore, #tpu.memory_space<semaphore_mem>>) src(%dma_wait3A_259 : memref<80x128xf32, #tpu.memory_space<vmem_shared>>) dst(%arg10 : memref<80x128xf32, #tpu.memory_space<vmem>>)
        tpu.yield
      }) : () -> ()
      %dma_start3A_163 = arith.constant 0 : i32
      %dma_start3A_164 = tpu.memref_slice %arg6[%add3A_162, %dma_start3A_163] : memref<10240x128xf32, #tpu.memory_space<hbm>> -> memref<80x128xf32, #tpu.memory_space<hbm>>
      %dma_start3A_165 = arith.constant 0 : i32
      %dma_start3A_166 = tpu.memref_slice %arg6[%add3A_162, %dma_start3A_165] : memref<10240x128xf32, #tpu.memory_space<hbm>> -> memref<80x128xf32, #tpu.memory_space<hbm>>
      tpu.enqueue_dma source(%arg10 : memref<80x128xf32, #tpu.memory_space<vmem>>) target(%dma_start3A_166 : memref<80x128xf32, #tpu.memory_space<hbm>>) target_semaphore(%arg13 : memref<!tpu.dma_semaphore, #tpu.memory_space<semaphore_mem>>)
      %add3A_167 = arith.constant 160 : i32
      %add3A_168 = arith.addi %mul3A_2, %add3A_167 : i32
      %add3A_169 = arith.constant 0 : i32
      %add3A_170 = arith.addi %mul3A_2, %add3A_169 : i32
      %dma_wait3A_171 = arith.constant 0 : i32
      %dma_wait3A_172 = tpu.memref_slice %arg6[%add3A_170, %dma_wait3A_171] : memref<10240x128xf32, #tpu.memory_space<hbm>> -> memref<80x128xf32, #tpu.memory_space<hbm>>
      %dma_wait3A_173 = arith.constant 0 : i32
      %dma_wait3A_174 = tpu.memref_slice %arg6[%add3A_170, %dma_wait3A_173] : memref<10240x128xf32, #tpu.memory_space<hbm>> -> memref<80x128xf32, #tpu.memory_space<hbm>>
      tpu.wait_dma2 semaphore(%arg12 : memref<!tpu.dma_semaphore, #tpu.memory_space<semaphore_mem>>) src(%arg9 : memref<80x128xf32, #tpu.memory_space<vmem>>) dst(%dma_wait3A_174 : memref<80x128xf32, #tpu.memory_space<hbm>>)
      "tpu.region"() ({
        %run_scoped3A_251 = tpu.sem_alloc : memref<!tpu.dma_semaphore, #tpu.memory_space<semaphore_mem>>
        %dma_start3A_252 = arith.constant 0 : i32
        %dma_start3A_253 = tpu.memref_slice %arg11[%add3A_168, %dma_start3A_252] : memref<10240x128xf32, #tpu.memory_space<vmem_shared>> -> memref<80x128xf32, #tpu.memory_space<vmem_shared>>
        %dma_start3A_254 = arith.constant 0 : i32
        %dma_start3A_255 = tpu.memref_slice %arg11[%add3A_168, %dma_start3A_254] : memref<10240x128xf32, #tpu.memory_space<vmem_shared>> -> memref<80x128xf32, #tpu.memory_space<vmem_shared>>
        tpu.enqueue_dma source(%dma_start3A_255 : memref<80x128xf32, #tpu.memory_space<vmem_shared>>) target(%arg9 : memref<80x128xf32, #tpu.memory_space<vmem>>) target_semaphore(%run_scoped3A_251 : memref<!tpu.dma_semaphore, #tpu.memory_space<semaphore_mem>>)
        %dma_wait3A_256 = arith.constant 0 : i32
        %dma_wait3A_257 = tpu.memref_slice %arg11[%add3A_168, %dma_wait3A_256] : memref<10240x128xf32, #tpu.memory_space<vmem_shared>> -> memref<80x128xf32, #tpu.memory_space<vmem_shared>>
        %dma_wait3A_258 = arith.constant 0 : i32
        %dma_wait3A_259 = tpu.memref_slice %arg11[%add3A_168, %dma_wait3A_258] : memref<10240x128xf32, #tpu.memory_space<vmem_shared>> -> memref<80x128xf32, #tpu.memory_space<vmem_shared>>
        tpu.wait_dma2 semaphore(%run_scoped3A_251 : memref<!tpu.dma_semaphore, #tpu.memory_space<semaphore_mem>>) src(%dma_wait3A_259 : memref<80x128xf32, #tpu.memory_space<vmem_shared>>) dst(%arg9 : memref<80x128xf32, #tpu.memory_space<vmem>>)
        tpu.yield
      }) : () -> ()
      %dma_start3A_175 = arith.constant 0 : i32
      %dma_start3A_176 = tpu.memref_slice %arg6[%add3A_168, %dma_start3A_175] : memref<10240x128xf32, #tpu.memory_space<hbm>> -> memref<80x128xf32, #tpu.memory_space<hbm>>
      %dma_start3A_177 = arith.constant 0 : i32
      %dma_start3A_178 = tpu.memref_slice %arg6[%add3A_168, %dma_start3A_177] : memref<10240x128xf32, #tpu.memory_space<hbm>> -> memref<80x128xf32, #tpu.memory_space<hbm>>
      tpu.enqueue_dma source(%arg9 : memref<80x128xf32, #tpu.memory_space<vmem>>) target(%dma_start3A_178 : memref<80x128xf32, #tpu.memory_space<hbm>>) target_semaphore(%arg12 : memref<!tpu.dma_semaphore, #tpu.memory_space<semaphore_mem>>)
      %add3A_179 = arith.constant 240 : i32
      %add3A_180 = arith.addi %mul3A_2, %add3A_179 : i32
      %add3A_181 = arith.constant 80 : i32
      %add3A_182 = arith.addi %mul3A_2, %add3A_181 : i32
      %dma_wait3A_183 = arith.constant 0 : i32
      %dma_wait3A_184 = tpu.memref_slice %arg6[%add3A_182, %dma_wait3A_183] : memref<10240x128xf32, #tpu.memory_space<hbm>> -> memref<80x128xf32, #tpu.memory_space<hbm>>
      %dma_wait3A_185 = arith.constant 0 : i32
      %dma_wait3A_186 = tpu.memref_slice %arg6[%add3A_182, %dma_wait3A_185] : memref<10240x128xf32, #tpu.memory_space<hbm>> -> memref<80x128xf32, #tpu.memory_space<hbm>>
      tpu.wait_dma2 semaphore(%arg13 : memref<!tpu.dma_semaphore, #tpu.memory_space<semaphore_mem>>) src(%arg10 : memref<80x128xf32, #tpu.memory_space<vmem>>) dst(%dma_wait3A_186 : memref<80x128xf32, #tpu.memory_space<hbm>>)
      "tpu.region"() ({
        %run_scoped3A_251 = tpu.sem_alloc : memref<!tpu.dma_semaphore, #tpu.memory_space<semaphore_mem>>
        %dma_start3A_252 = arith.constant 0 : i32
        %dma_start3A_253 = tpu.memref_slice %arg11[%add3A_180, %dma_start3A_252] : memref<10240x128xf32, #tpu.memory_space<vmem_shared>> -> memref<80x128xf32, #tpu.memory_space<vmem_shared>>
        %dma_start3A_254 = arith.constant 0 : i32
        %dma_start3A_255 = tpu.memref_slice %arg11[%add3A_180, %dma_start3A_254] : memref<10240x128xf32, #tpu.memory_space<vmem_shared>> -> memref<80x128xf32, #tpu.memory_space<vmem_shared>>
        tpu.enqueue_dma source(%dma_start3A_255 : memref<80x128xf32, #tpu.memory_space<vmem_shared>>) target(%arg10 : memref<80x128xf32, #tpu.memory_space<vmem>>) target_semaphore(%run_scoped3A_251 : memref<!tpu.dma_semaphore, #tpu.memory_space<semaphore_mem>>)
        %dma_wait3A_256 = arith.constant 0 : i32
        %dma_wait3A_257 = tpu.memref_slice %arg11[%add3A_180, %dma_wait3A_256] : memref<10240x128xf32, #tpu.memory_space<vmem_shared>> -> memref<80x128xf32, #tpu.memory_space<vmem_shared>>
        %dma_wait3A_258 = arith.constant 0 : i32
        %dma_wait3A_259 = tpu.memref_slice %arg11[%add3A_180, %dma_wait3A_258] : memref<10240x128xf32, #tpu.memory_space<vmem_shared>> -> memref<80x128xf32, #tpu.memory_space<vmem_shared>>
        tpu.wait_dma2 semaphore(%run_scoped3A_251 : memref<!tpu.dma_semaphore, #tpu.memory_space<semaphore_mem>>) src(%dma_wait3A_259 : memref<80x128xf32, #tpu.memory_space<vmem_shared>>) dst(%arg10 : memref<80x128xf32, #tpu.memory_space<vmem>>)
        tpu.yield
      }) : () -> ()
      %dma_start3A_187 = arith.constant 0 : i32
      %dma_start3A_188 = tpu.memref_slice %arg6[%add3A_180, %dma_start3A_187] : memref<10240x128xf32, #tpu.memory_space<hbm>> -> memref<80x128xf32, #tpu.memory_space<hbm>>
      %dma_start3A_189 = arith.constant 0 : i32
      %dma_start3A_190 = tpu.memref_slice %arg6[%add3A_180, %dma_start3A_189] : memref<10240x128xf32, #tpu.memory_space<hbm>> -> memref<80x128xf32, #tpu.memory_space<hbm>>
      tpu.enqueue_dma source(%arg10 : memref<80x128xf32, #tpu.memory_space<vmem>>) target(%dma_start3A_190 : memref<80x128xf32, #tpu.memory_space<hbm>>) target_semaphore(%arg13 : memref<!tpu.dma_semaphore, #tpu.memory_space<semaphore_mem>>)
      %add3A_191 = arith.constant 320 : i32
      %add3A_192 = arith.addi %mul3A_2, %add3A_191 : i32
      %add3A_193 = arith.constant 160 : i32
      %add3A_194 = arith.addi %mul3A_2, %add3A_193 : i32
      %dma_wait3A_195 = arith.constant 0 : i32
      %dma_wait3A_196 = tpu.memref_slice %arg6[%add3A_194, %dma_wait3A_195] : memref<10240x128xf32, #tpu.memory_space<hbm>> -> memref<80x128xf32, #tpu.memory_space<hbm>>
      %dma_wait3A_197 = arith.constant 0 : i32
      %dma_wait3A_198 = tpu.memref_slice %arg6[%add3A_194, %dma_wait3A_197] : memref<10240x128xf32, #tpu.memory_space<hbm>> -> memref<80x128xf32, #tpu.memory_space<hbm>>
      tpu.wait_dma2 semaphore(%arg12 : memref<!tpu.dma_semaphore, #tpu.memory_space<semaphore_mem>>) src(%arg9 : memref<80x128xf32, #tpu.memory_space<vmem>>) dst(%dma_wait3A_198 : memref<80x128xf32, #tpu.memory_space<hbm>>)
      "tpu.region"() ({
        %run_scoped3A_251 = tpu.sem_alloc : memref<!tpu.dma_semaphore, #tpu.memory_space<semaphore_mem>>
        %dma_start3A_252 = arith.constant 0 : i32
        %dma_start3A_253 = tpu.memref_slice %arg11[%add3A_192, %dma_start3A_252] : memref<10240x128xf32, #tpu.memory_space<vmem_shared>> -> memref<80x128xf32, #tpu.memory_space<vmem_shared>>
        %dma_start3A_254 = arith.constant 0 : i32
        %dma_start3A_255 = tpu.memref_slice %arg11[%add3A_192, %dma_start3A_254] : memref<10240x128xf32, #tpu.memory_space<vmem_shared>> -> memref<80x128xf32, #tpu.memory_space<vmem_shared>>
        tpu.enqueue_dma source(%dma_start3A_255 : memref<80x128xf32, #tpu.memory_space<vmem_shared>>) target(%arg9 : memref<80x128xf32, #tpu.memory_space<vmem>>) target_semaphore(%run_scoped3A_251 : memref<!tpu.dma_semaphore, #tpu.memory_space<semaphore_mem>>)
        %dma_wait3A_256 = arith.constant 0 : i32
        %dma_wait3A_257 = tpu.memref_slice %arg11[%add3A_192, %dma_wait3A_256] : memref<10240x128xf32, #tpu.memory_space<vmem_shared>> -> memref<80x128xf32, #tpu.memory_space<vmem_shared>>
        %dma_wait3A_258 = arith.constant 0 : i32
        %dma_wait3A_259 = tpu.memref_slice %arg11[%add3A_192, %dma_wait3A_258] : memref<10240x128xf32, #tpu.memory_space<vmem_shared>> -> memref<80x128xf32, #tpu.memory_space<vmem_shared>>
        tpu.wait_dma2 semaphore(%run_scoped3A_251 : memref<!tpu.dma_semaphore, #tpu.memory_space<semaphore_mem>>) src(%dma_wait3A_259 : memref<80x128xf32, #tpu.memory_space<vmem_shared>>) dst(%arg9 : memref<80x128xf32, #tpu.memory_space<vmem>>)
        tpu.yield
      }) : () -> ()
      %dma_start3A_199 = arith.constant 0 : i32
      %dma_start3A_200 = tpu.memref_slice %arg6[%add3A_192, %dma_start3A_199] : memref<10240x128xf32, #tpu.memory_space<hbm>> -> memref<80x128xf32, #tpu.memory_space<hbm>>
      %dma_start3A_201 = arith.constant 0 : i32
      %dma_start3A_202 = tpu.memref_slice %arg6[%add3A_192, %dma_start3A_201] : memref<10240x128xf32, #tpu.memory_space<hbm>> -> memref<80x128xf32, #tpu.memory_space<hbm>>
      tpu.enqueue_dma source(%arg9 : memref<80x128xf32, #tpu.memory_space<vmem>>) target(%dma_start3A_202 : memref<80x128xf32, #tpu.memory_space<hbm>>) target_semaphore(%arg12 : memref<!tpu.dma_semaphore, #tpu.memory_space<semaphore_mem>>)
      %add3A_203 = arith.constant 400 : i32
      %add3A_204 = arith.addi %mul3A_2, %add3A_203 : i32
      %add3A_205 = arith.constant 240 : i32
      %add3A_206 = arith.addi %mul3A_2, %add3A_205 : i32
      %dma_wait3A_207 = arith.constant 0 : i32
      %dma_wait3A_208 = tpu.memref_slice %arg6[%add3A_206, %dma_wait3A_207] : memref<10240x128xf32, #tpu.memory_space<hbm>> -> memref<80x128xf32, #tpu.memory_space<hbm>>
      %dma_wait3A_209 = arith.constant 0 : i32
      %dma_wait3A_210 = tpu.memref_slice %arg6[%add3A_206, %dma_wait3A_209] : memref<10240x128xf32, #tpu.memory_space<hbm>> -> memref<80x128xf32, #tpu.memory_space<hbm>>
      tpu.wait_dma2 semaphore(%arg13 : memref<!tpu.dma_semaphore, #tpu.memory_space<semaphore_mem>>) src(%arg10 : memref<80x128xf32, #tpu.memory_space<vmem>>) dst(%dma_wait3A_210 : memref<80x128xf32, #tpu.memory_space<hbm>>)
      "tpu.region"() ({
        %run_scoped3A_251 = tpu.sem_alloc : memref<!tpu.dma_semaphore, #tpu.memory_space<semaphore_mem>>
        %dma_start3A_252 = arith.constant 0 : i32
        %dma_start3A_253 = tpu.memref_slice %arg11[%add3A_204, %dma_start3A_252] : memref<10240x128xf32, #tpu.memory_space<vmem_shared>> -> memref<80x128xf32, #tpu.memory_space<vmem_shared>>
        %dma_start3A_254 = arith.constant 0 : i32
        %dma_start3A_255 = tpu.memref_slice %arg11[%add3A_204, %dma_start3A_254] : memref<10240x128xf32, #tpu.memory_space<vmem_shared>> -> memref<80x128xf32, #tpu.memory_space<vmem_shared>>
        tpu.enqueue_dma source(%dma_start3A_255 : memref<80x128xf32, #tpu.memory_space<vmem_shared>>) target(%arg10 : memref<80x128xf32, #tpu.memory_space<vmem>>) target_semaphore(%run_scoped3A_251 : memref<!tpu.dma_semaphore, #tpu.memory_space<semaphore_mem>>)
        %dma_wait3A_256 = arith.constant 0 : i32
        %dma_wait3A_257 = tpu.memref_slice %arg11[%add3A_204, %dma_wait3A_256] : memref<10240x128xf32, #tpu.memory_space<vmem_shared>> -> memref<80x128xf32, #tpu.memory_space<vmem_shared>>
        %dma_wait3A_258 = arith.constant 0 : i32
        %dma_wait3A_259 = tpu.memref_slice %arg11[%add3A_204, %dma_wait3A_258] : memref<10240x128xf32, #tpu.memory_space<vmem_shared>> -> memref<80x128xf32, #tpu.memory_space<vmem_shared>>
        tpu.wait_dma2 semaphore(%run_scoped3A_251 : memref<!tpu.dma_semaphore, #tpu.memory_space<semaphore_mem>>) src(%dma_wait3A_259 : memref<80x128xf32, #tpu.memory_space<vmem_shared>>) dst(%arg10 : memref<80x128xf32, #tpu.memory_space<vmem>>)
        tpu.yield
      }) : () -> ()
      %dma_start3A_211 = arith.constant 0 : i32
      %dma_start3A_212 = tpu.memref_slice %arg6[%add3A_204, %dma_start3A_211] : memref<10240x128xf32, #tpu.memory_space<hbm>> -> memref<80x128xf32, #tpu.memory_space<hbm>>
      %dma_start3A_213 = arith.constant 0 : i32
      %dma_start3A_214 = tpu.memref_slice %arg6[%add3A_204, %dma_start3A_213] : memref<10240x128xf32, #tpu.memory_space<hbm>> -> memref<80x128xf32, #tpu.memory_space<hbm>>
      tpu.enqueue_dma source(%arg10 : memref<80x128xf32, #tpu.memory_space<vmem>>) target(%dma_start3A_214 : memref<80x128xf32, #tpu.memory_space<hbm>>) target_semaphore(%arg13 : memref<!tpu.dma_semaphore, #tpu.memory_space<semaphore_mem>>)
      %add3A_215 = arith.constant 480 : i32
      %add3A_216 = arith.addi %mul3A_2, %add3A_215 : i32
      %add3A_217 = arith.constant 320 : i32
      %add3A_218 = arith.addi %mul3A_2, %add3A_217 : i32
      %dma_wait3A_219 = arith.constant 0 : i32
      %dma_wait3A_220 = tpu.memref_slice %arg6[%add3A_218, %dma_wait3A_219] : memref<10240x128xf32, #tpu.memory_space<hbm>> -> memref<80x128xf32, #tpu.memory_space<hbm>>
      %dma_wait3A_221 = arith.constant 0 : i32
      %dma_wait3A_222 = tpu.memref_slice %arg6[%add3A_218, %dma_wait3A_221] : memref<10240x128xf32, #tpu.memory_space<hbm>> -> memref<80x128xf32, #tpu.memory_space<hbm>>
      tpu.wait_dma2 semaphore(%arg12 : memref<!tpu.dma_semaphore, #tpu.memory_space<semaphore_mem>>) src(%arg9 : memref<80x128xf32, #tpu.memory_space<vmem>>) dst(%dma_wait3A_222 : memref<80x128xf32, #tpu.memory_space<hbm>>)
      "tpu.region"() ({
        %run_scoped3A_251 = tpu.sem_alloc : memref<!tpu.dma_semaphore, #tpu.memory_space<semaphore_mem>>
        %dma_start3A_252 = arith.constant 0 : i32
        %dma_start3A_253 = tpu.memref_slice %arg11[%add3A_216, %dma_start3A_252] : memref<10240x128xf32, #tpu.memory_space<vmem_shared>> -> memref<80x128xf32, #tpu.memory_space<vmem_shared>>
        %dma_start3A_254 = arith.constant 0 : i32
        %dma_start3A_255 = tpu.memref_slice %arg11[%add3A_216, %dma_start3A_254] : memref<10240x128xf32, #tpu.memory_space<vmem_shared>> -> memref<80x128xf32, #tpu.memory_space<vmem_shared>>
        tpu.enqueue_dma source(%dma_start3A_255 : memref<80x128xf32, #tpu.memory_space<vmem_shared>>) target(%arg9 : memref<80x128xf32, #tpu.memory_space<vmem>>) target_semaphore(%run_scoped3A_251 : memref<!tpu.dma_semaphore, #tpu.memory_space<semaphore_mem>>)
        %dma_wait3A_256 = arith.constant 0 : i32
        %dma_wait3A_257 = tpu.memref_slice %arg11[%add3A_216, %dma_wait3A_256] : memref<10240x128xf32, #tpu.memory_space<vmem_shared>> -> memref<80x128xf32, #tpu.memory_space<vmem_shared>>
        %dma_wait3A_258 = arith.constant 0 : i32
        %dma_wait3A_259 = tpu.memref_slice %arg11[%add3A_216, %dma_wait3A_258] : memref<10240x128xf32, #tpu.memory_space<vmem_shared>> -> memref<80x128xf32, #tpu.memory_space<vmem_shared>>
        tpu.wait_dma2 semaphore(%run_scoped3A_251 : memref<!tpu.dma_semaphore, #tpu.memory_space<semaphore_mem>>) src(%dma_wait3A_259 : memref<80x128xf32, #tpu.memory_space<vmem_shared>>) dst(%arg9 : memref<80x128xf32, #tpu.memory_space<vmem>>)
        tpu.yield
      }) : () -> ()
      %dma_start3A_223 = arith.constant 0 : i32
      %dma_start3A_224 = tpu.memref_slice %arg6[%add3A_216, %dma_start3A_223] : memref<10240x128xf32, #tpu.memory_space<hbm>> -> memref<80x128xf32, #tpu.memory_space<hbm>>
      %dma_start3A_225 = arith.constant 0 : i32
      %dma_start3A_226 = tpu.memref_slice %arg6[%add3A_216, %dma_start3A_225] : memref<10240x128xf32, #tpu.memory_space<hbm>> -> memref<80x128xf32, #tpu.memory_space<hbm>>
      tpu.enqueue_dma source(%arg9 : memref<80x128xf32, #tpu.memory_space<vmem>>) target(%dma_start3A_226 : memref<80x128xf32, #tpu.memory_space<hbm>>) target_semaphore(%arg12 : memref<!tpu.dma_semaphore, #tpu.memory_space<semaphore_mem>>)
      %add3A_227 = arith.constant 560 : i32
      %add3A_228 = arith.addi %mul3A_2, %add3A_227 : i32
      %add3A_229 = arith.constant 400 : i32
      %add3A_230 = arith.addi %mul3A_2, %add3A_229 : i32
      %dma_wait3A_231 = arith.constant 0 : i32
      %dma_wait3A_232 = tpu.memref_slice %arg6[%add3A_230, %dma_wait3A_231] : memref<10240x128xf32, #tpu.memory_space<hbm>> -> memref<80x128xf32, #tpu.memory_space<hbm>>
      %dma_wait3A_233 = arith.constant 0 : i32
      %dma_wait3A_234 = tpu.memref_slice %arg6[%add3A_230, %dma_wait3A_233] : memref<10240x128xf32, #tpu.memory_space<hbm>> -> memref<80x128xf32, #tpu.memory_space<hbm>>
      tpu.wait_dma2 semaphore(%arg13 : memref<!tpu.dma_semaphore, #tpu.memory_space<semaphore_mem>>) src(%arg10 : memref<80x128xf32, #tpu.memory_space<vmem>>) dst(%dma_wait3A_234 : memref<80x128xf32, #tpu.memory_space<hbm>>)
      "tpu.region"() ({
        %run_scoped3A_251 = tpu.sem_alloc : memref<!tpu.dma_semaphore, #tpu.memory_space<semaphore_mem>>
        %dma_start3A_252 = arith.constant 0 : i32
        %dma_start3A_253 = tpu.memref_slice %arg11[%add3A_228, %dma_start3A_252] : memref<10240x128xf32, #tpu.memory_space<vmem_shared>> -> memref<80x128xf32, #tpu.memory_space<vmem_shared>>
        %dma_start3A_254 = arith.constant 0 : i32
        %dma_start3A_255 = tpu.memref_slice %arg11[%add3A_228, %dma_start3A_254] : memref<10240x128xf32, #tpu.memory_space<vmem_shared>> -> memref<80x128xf32, #tpu.memory_space<vmem_shared>>
        tpu.enqueue_dma source(%dma_start3A_255 : memref<80x128xf32, #tpu.memory_space<vmem_shared>>) target(%arg10 : memref<80x128xf32, #tpu.memory_space<vmem>>) target_semaphore(%run_scoped3A_251 : memref<!tpu.dma_semaphore, #tpu.memory_space<semaphore_mem>>)
        %dma_wait3A_256 = arith.constant 0 : i32
        %dma_wait3A_257 = tpu.memref_slice %arg11[%add3A_228, %dma_wait3A_256] : memref<10240x128xf32, #tpu.memory_space<vmem_shared>> -> memref<80x128xf32, #tpu.memory_space<vmem_shared>>
        %dma_wait3A_258 = arith.constant 0 : i32
        %dma_wait3A_259 = tpu.memref_slice %arg11[%add3A_228, %dma_wait3A_258] : memref<10240x128xf32, #tpu.memory_space<vmem_shared>> -> memref<80x128xf32, #tpu.memory_space<vmem_shared>>
        tpu.wait_dma2 semaphore(%run_scoped3A_251 : memref<!tpu.dma_semaphore, #tpu.memory_space<semaphore_mem>>) src(%dma_wait3A_259 : memref<80x128xf32, #tpu.memory_space<vmem_shared>>) dst(%arg10 : memref<80x128xf32, #tpu.memory_space<vmem>>)
        tpu.yield
      }) : () -> ()
      %dma_start3A_235 = arith.constant 0 : i32
      %dma_start3A_236 = tpu.memref_slice %arg6[%add3A_228, %dma_start3A_235] : memref<10240x128xf32, #tpu.memory_space<hbm>> -> memref<80x128xf32, #tpu.memory_space<hbm>>
      %dma_start3A_237 = arith.constant 0 : i32
      %dma_start3A_238 = tpu.memref_slice %arg6[%add3A_228, %dma_start3A_237] : memref<10240x128xf32, #tpu.memory_space<hbm>> -> memref<80x128xf32, #tpu.memory_space<hbm>>
      tpu.enqueue_dma source(%arg10 : memref<80x128xf32, #tpu.memory_space<vmem>>) target(%dma_start3A_238 : memref<80x128xf32, #tpu.memory_space<hbm>>) target_semaphore(%arg13 : memref<!tpu.dma_semaphore, #tpu.memory_space<semaphore_mem>>)
      %add3A_239 = arith.constant 480 : i32
      %add3A_240 = arith.addi %mul3A_2, %add3A_239 : i32
      %dma_wait3A_241 = arith.constant 0 : i32
      %dma_wait3A_242 = tpu.memref_slice %arg6[%add3A_240, %dma_wait3A_241] : memref<10240x128xf32, #tpu.memory_space<hbm>> -> memref<80x128xf32, #tpu.memory_space<hbm>>
      %dma_wait3A_243 = arith.constant 0 : i32
      %dma_wait3A_244 = tpu.memref_slice %arg6[%add3A_240, %dma_wait3A_243] : memref<10240x128xf32, #tpu.memory_space<hbm>> -> memref<80x128xf32, #tpu.memory_space<hbm>>
      tpu.wait_dma2 semaphore(%arg12 : memref<!tpu.dma_semaphore, #tpu.memory_space<semaphore_mem>>) src(%arg9 : memref<80x128xf32, #tpu.memory_space<vmem>>) dst(%dma_wait3A_244 : memref<80x128xf32, #tpu.memory_space<hbm>>)
      %add3A_245 = arith.constant 560 : i32
      %add3A_246 = arith.addi %mul3A_2, %add3A_245 : i32
      %dma_wait3A_247 = arith.constant 0 : i32
      %dma_wait3A_248 = tpu.memref_slice %arg6[%add3A_246, %dma_wait3A_247] : memref<10240x128xf32, #tpu.memory_space<hbm>> -> memref<80x128xf32, #tpu.memory_space<hbm>>
      %dma_wait3A_249 = arith.constant 0 : i32
      %dma_wait3A_250 = tpu.memref_slice %arg6[%add3A_246, %dma_wait3A_249] : memref<10240x128xf32, #tpu.memory_space<hbm>> -> memref<80x128xf32, #tpu.memory_space<hbm>>
      tpu.wait_dma2 semaphore(%arg13 : memref<!tpu.dma_semaphore, #tpu.memory_space<semaphore_mem>>) src(%arg10 : memref<80x128xf32, #tpu.memory_space<vmem>>) dst(%dma_wait3A_250 : memref<80x128xf32, #tpu.memory_space<hbm>>)
    } else {
    }
    return
  }
}

module attributes {stable_mosaic.version = 14 : i64} {
  func.func @_xw_body(%arg0: i32, %arg1: memref<1024x128xf32, #tpu.memory_space<vmem>>, %arg2: memref<128x128xf32, #tpu.memory_space<vmem>>, %arg3: memref<1024x128xf32, #tpu.memory_space<vmem>>) attributes {dimension_semantics = [#tpu.dimension_semantics<arbitrary>], iteration_bounds = array<i64: 10>, scalar_prefetch = 0 : i64, scratch_operands = 0 : i64, tpu.core_type = #tpu.core_type<tc>, window_params = [{transform_indices = @transform_0, window_bounds = array<i64: 1024, 128>}, {pipeline_mode = #tpu.pipeline_mode<synchronous>, transform_indices = @transform_1, window_bounds = array<i64: 128, 128>}, {transform_indices = @transform_2, window_bounds = array<i64: 1024, 128>}]} {
    %get3A = arith.constant 0 : index
    %get3A_0 = arith.constant 0 : index
    %get3A_1 = vector.load %arg1[%get3A, %get3A_0] : memref<1024x128xf32, #tpu.memory_space<vmem>>, vector<1024x128xf32>
    %get3A_2 = arith.constant 0 : index
    %get3A_3 = arith.constant 0 : index
    %get3A_4 = vector.load %arg2[%get3A_2, %get3A_3] : memref<128x128xf32, #tpu.memory_space<vmem>>, vector<128x128xf32>
    %dot_general3A = arith.constant dense<0.000000e+00> : vector<1024x128xf32>
    %dot_general3A_5 = tpu.matmul %get3A_1, %get3A_4, %dot_general3A {dimension_numbers = #tpu.dot_dimension_numbers<[1], [0], [0], [1], [0, 0, 1, 1], [], []>, transpose_lhs_hint = false} : vector<1024x128xf32>, vector<128x128xf32>, vector<1024x128xf32> -> vector<1024x128xf32>
    %swap3A = arith.constant 0 : index
    %swap3A_6 = arith.constant 0 : index
    %swap3A_7 = vector.load %arg3[%swap3A, %swap3A_6] : memref<1024x128xf32, #tpu.memory_space<vmem>>, vector<1024x128xf32>
    tpu.vector_store %arg3[%swap3A, %swap3A_6], %dot_general3A_5 {strides = array<i32>} : memref<1024x128xf32, #tpu.memory_space<vmem>>, vector<1024x128xf32>,
    return
  }
  func.func @transform_0(%arg0: i32) -> (i32, i32) {
    %c0_i32 = arith.constant 0 : i32
    %c0_i32_0 = arith.constant 0 : i32
    return %arg0, %c0_i32 : i32, i32
  }
  func.func @transform_1(%arg0: i32) -> (i32, i32) {
    %c0_i32 = arith.constant 0 : i32
    %c0_i32_0 = arith.constant 0 : i32
    %c0_i32_1 = arith.constant 0 : i32
    return %c0_i32, %c0_i32_0 : i32, i32
  }
  func.func @transform_2(%arg0: i32) -> (i32, i32) {
    %c0_i32 = arith.constant 0 : i32
    %c0_i32_0 = arith.constant 0 : i32
    return %arg0, %c0_i32 : i32, i32
  }
}

module attributes {stable_mosaic.version = 14 : i64} {
  func.func @_scale_body(%arg0: i32, %arg1: memref<1024x128xf32, #tpu.memory_space<vmem>>, %arg2: memref<1024x1xf32, #tpu.memory_space<vmem>>, %arg3: memref<1024x1xf32, #tpu.memory_space<vmem>>, %arg4: memref<1024x128xf32, #tpu.memory_space<vmem>>) attributes {dimension_semantics = [#tpu.dimension_semantics<arbitrary>], iteration_bounds = array<i64: 10>, scalar_prefetch = 0 : i64, scratch_operands = 0 : i64, tpu.core_type = #tpu.core_type<tc>, window_params = [{transform_indices = @transform_0, window_bounds = array<i64: 1024, 128>}, {transform_indices = @transform_1, window_bounds = array<i64: 1024, 1>}, {transform_indices = @transform_2, window_bounds = array<i64: 1024, 1>}, {transform_indices = @transform_3, window_bounds = array<i64: 1024, 128>}]} {
    %get3A = arith.constant 0 : index
    %get3A_0 = arith.constant 0 : index
    %get3A_1 = vector.load %arg2[%get3A, %get3A_0] : memref<1024x1xf32, #tpu.memory_space<vmem>>, vector<1024x1xf32>
    %get3A_2 = arith.constant 0 : index
    %get3A_3 = arith.constant 0 : index
    %get3A_4 = vector.load %arg3[%get3A_2, %get3A_3] : memref<1024x1xf32, #tpu.memory_space<vmem>>, vector<1024x1xf32>
    %add3A = arith.addf %get3A_1, %get3A_4 : vector<1024x1xf32>
    %add3A_5 = arith.constant 1.000000e+00 : f32
    %add3A_6 = vector.broadcast %add3A_5 : f32 to vector<1024x1xf32>
    %add3A_7 = arith.addf %add3A, %add3A_6 : vector<1024x1xf32>
    %rsqrt3A = math.rsqrt %add3A_7 : vector<1024x1xf32>
    %get3A_8 = arith.constant 0 : index
    %get3A_9 = arith.constant 0 : index
    %get3A_10 = vector.load %arg1[%get3A_8, %get3A_9] : memref<1024x128xf32, #tpu.memory_space<vmem>>, vector<1024x128xf32>
    %mul3A = vector.broadcast %rsqrt3A : vector<1024x1xf32> to vector<1024x128xf32>
    %mul3A_11 = arith.mulf %mul3A, %get3A_10 : vector<1024x128xf32>
    %swap3A = arith.constant 0 : index
    %swap3A_12 = arith.constant 0 : index
    %swap3A_13 = vector.load %arg4[%swap3A, %swap3A_12] : memref<1024x128xf32, #tpu.memory_space<vmem>>, vector<1024x128xf32>
    tpu.vector_store %arg4[%swap3A, %swap3A_12], %mul3A_11 {strides = array<i32>} : memref<1024x128xf32, #tpu.memory_space<vmem>>, vector<1024x128xf32>,
    return
  }
  func.func @transform_0(%arg0: i32) -> (i32, i32) {
    %c0_i32 = arith.constant 0 : i32
    %c0_i32_0 = arith.constant 0 : i32
    return %arg0, %c0_i32 : i32, i32
  }
  func.func @transform_1(%arg0: i32) -> (i32, i32) {
    %c0_i32 = arith.constant 0 : i32
    %c0_i32_0 = arith.constant 0 : i32
    return %arg0, %c0_i32 : i32, i32
  }
  func.func @transform_2(%arg0: i32) -> (i32, i32) {
    %c0_i32 = arith.constant 0 : i32
    %c0_i32_0 = arith.constant 0 : i32
    return %arg0, %c0_i32 : i32, i32
  }
  func.func @transform_3(%arg0: i32) -> (i32, i32) {
    %c0_i32 = arith.constant 0 : i32
    %c0_i32_0 = arith.constant 0 : i32
    return %arg0, %c0_i32 : i32, i32
  }
}

module attributes {stable_mosaic.version = 14 : i64} {
  func.func @_y0_body(%arg0: i32, %arg1: memref<1024x128xf32, #tpu.memory_space<vmem>>, %arg2: memref<128x64xf32, #tpu.memory_space<vmem>>, %arg3: memref<1x64xf32, #tpu.memory_space<vmem>>, %arg4: memref<1024x64xf32, #tpu.memory_space<vmem>>) attributes {dimension_semantics = [#tpu.dimension_semantics<arbitrary>], iteration_bounds = array<i64: 10>, scalar_prefetch = 0 : i64, scratch_operands = 0 : i64, tpu.core_type = #tpu.core_type<tc>, window_params = [{transform_indices = @transform_0, window_bounds = array<i64: 1024, 128>}, {pipeline_mode = #tpu.pipeline_mode<synchronous>, transform_indices = @transform_1, window_bounds = array<i64: 128, 64>}, {pipeline_mode = #tpu.pipeline_mode<synchronous>, transform_indices = @transform_2, window_bounds = array<i64: 1, 64>}, {transform_indices = @transform_3, window_bounds = array<i64: 1024, 64>}]} {
    %get3A = arith.constant 0 : index
    %get3A_0 = arith.constant 0 : index
    %get3A_1 = vector.load %arg3[%get3A, %get3A_0] : memref<1x64xf32, #tpu.memory_space<vmem>>, vector<1x64xf32>
    %get3A_2 = arith.constant 0 : index
    %get3A_3 = arith.constant 0 : index
    %get3A_4 = vector.load %arg1[%get3A_2, %get3A_3] : memref<1024x128xf32, #tpu.memory_space<vmem>>, vector<1024x128xf32>
    %get3A_5 = arith.constant 0 : index
    %get3A_6 = arith.constant 0 : index
    %get3A_7 = vector.load %arg2[%get3A_5, %get3A_6] : memref<128x64xf32, #tpu.memory_space<vmem>>, vector<128x64xf32>
    %dot_general3A = arith.constant dense<0.000000e+00> : vector<1024x64xf32>
    %dot_general3A_8 = tpu.matmul %get3A_4, %get3A_7, %dot_general3A {dimension_numbers = #tpu.dot_dimension_numbers<[1], [0], [0], [1], [0, 0, 1, 1], [], []>, transpose_lhs_hint = false} : vector<1024x128xf32>, vector<128x64xf32>, vector<1024x64xf32> -> vector<1024x64xf32>
    %add3A = vector.broadcast %get3A_1 : vector<1x64xf32> to vector<1024x64xf32>
    %add3A_9 = arith.addf %add3A, %dot_general3A_8 : vector<1024x64xf32>
    %swap3A = arith.constant 0 : index
    %swap3A_10 = arith.constant 0 : index
    %swap3A_11 = vector.load %arg4[%swap3A, %swap3A_10] : memref<1024x64xf32, #tpu.memory_space<vmem>>, vector<1024x64xf32>
    tpu.vector_store %arg4[%swap3A, %swap3A_10], %add3A_9 {strides = array<i32>} : memref<1024x64xf32, #tpu.memory_space<vmem>>, vector<1024x64xf32>,
    return
  }
  func.func @transform_0(%arg0: i32) -> (i32, i32) {
    %c0_i32 = arith.constant 0 : i32
    %c0_i32_0 = arith.constant 0 : i32
    return %arg0, %c0_i32 : i32, i32
  }
  func.func @transform_1(%arg0: i32) -> (i32, i32) {
    %c0_i32 = arith.constant 0 : i32
    %c0_i32_0 = arith.constant 0 : i32
    %c0_i32_1 = arith.constant 0 : i32
    return %c0_i32, %c0_i32_0 : i32, i32
  }
  func.func @transform_2(%arg0: i32) -> (i32, i32) {
    %c0_i32 = arith.constant 0 : i32
    %c0_i32_0 = arith.constant 0 : i32
    %c0_i32_1 = arith.constant 0 : i32
    return %c0_i32, %c0_i32_0 : i32, i32
  }
  func.func @transform_3(%arg0: i32) -> (i32, i32) {
    %c0_i32 = arith.constant 0 : i32
    %c0_i32_0 = arith.constant 0 : i32
    return %arg0, %c0_i32 : i32, i32
  }
}

module attributes {stable_mosaic.version = 14 : i64} {
  func.func @_y_body(%arg0: i32, %arg1: memref<1024x128xf32, #tpu.memory_space<vmem>>, %arg2: memref<128x64xf32, #tpu.memory_space<vmem>>, %arg3: memref<1024x64xf32, #tpu.memory_space<vmem>>, %arg4: memref<1024x64xf32, #tpu.memory_space<vmem>>) attributes {dimension_semantics = [#tpu.dimension_semantics<arbitrary>], iteration_bounds = array<i64: 10>, scalar_prefetch = 0 : i64, scratch_operands = 0 : i64, tpu.core_type = #tpu.core_type<tc>, window_params = [{transform_indices = @transform_0, window_bounds = array<i64: 1024, 128>}, {pipeline_mode = #tpu.pipeline_mode<synchronous>, transform_indices = @transform_1, window_bounds = array<i64: 128, 64>}, {transform_indices = @transform_2, window_bounds = array<i64: 1024, 64>}, {transform_indices = @transform_3, window_bounds = array<i64: 1024, 64>}]} {
    %get3A = arith.constant 0 : index
    %get3A_0 = arith.constant 0 : index
    %get3A_1 = vector.load %arg3[%get3A, %get3A_0] : memref<1024x64xf32, #tpu.memory_space<vmem>>, vector<1024x64xf32>
    %get3A_2 = arith.constant 0 : index
    %get3A_3 = arith.constant 0 : index
    %get3A_4 = vector.load %arg1[%get3A_2, %get3A_3] : memref<1024x128xf32, #tpu.memory_space<vmem>>, vector<1024x128xf32>
    %get3A_5 = arith.constant 0 : index
    %get3A_6 = arith.constant 0 : index
    %get3A_7 = vector.load %arg2[%get3A_5, %get3A_6] : memref<128x64xf32, #tpu.memory_space<vmem>>, vector<128x64xf32>
    %dot_general3A = arith.constant dense<0.000000e+00> : vector<1024x64xf32>
    %dot_general3A_8 = tpu.matmul %get3A_4, %get3A_7, %dot_general3A {dimension_numbers = #tpu.dot_dimension_numbers<[1], [0], [0], [1], [0, 0, 1, 1], [], []>, transpose_lhs_hint = false} : vector<1024x128xf32>, vector<128x64xf32>, vector<1024x64xf32> -> vector<1024x64xf32>
    %add3A = arith.addf %get3A_1, %dot_general3A_8 : vector<1024x64xf32>
    %swap3A = arith.constant 0 : index
    %swap3A_9 = arith.constant 0 : index
    %swap3A_10 = vector.load %arg4[%swap3A, %swap3A_9] : memref<1024x64xf32, #tpu.memory_space<vmem>>, vector<1024x64xf32>
    tpu.vector_store %arg4[%swap3A, %swap3A_9], %add3A {strides = array<i32>} : memref<1024x64xf32, #tpu.memory_space<vmem>>, vector<1024x64xf32>,
    return
  }
  func.func @transform_0(%arg0: i32) -> (i32, i32) {
    %c0_i32 = arith.constant 0 : i32
    %c0_i32_0 = arith.constant 0 : i32
    return %arg0, %c0_i32 : i32, i32
  }
  func.func @transform_1(%arg0: i32) -> (i32, i32) {
    %c0_i32 = arith.constant 0 : i32
    %c0_i32_0 = arith.constant 0 : i32
    %c0_i32_1 = arith.constant 0 : i32
    return %c0_i32, %c0_i32_0 : i32, i32
  }
  func.func @transform_2(%arg0: i32) -> (i32, i32) {
    %c0_i32 = arith.constant 0 : i32
    %c0_i32_0 = arith.constant 0 : i32
    return %arg0, %c0_i32 : i32, i32
  }
  func.func @transform_3(%arg0: i32) -> (i32, i32) {
    %c0_i32 = arith.constant 0 : i32
    %c0_i32_0 = arith.constant 0 : i32
    return %arg0, %c0_i32 : i32, i32
  }
}

module attributes {stable_mosaic.version = 14 : i64} {
  func.func @_g_body(%arg0: i32, %arg1: memref<1024x128xf32, #tpu.memory_space<vmem>>, %arg2: memref<1024x128xf32, #tpu.memory_space<vmem>>, %arg3: memref<1024x128xf32, #tpu.memory_space<vmem>>, %arg4: memref<1024x1xf32, #tpu.memory_space<vmem>>, %arg5: memref<1024x1xf32, #tpu.memory_space<vmem>>, %arg6: memref<1x128xf32, #tpu.memory_space<vmem>>, %arg7: memref<128x128xf32, #tpu.memory_space<vmem>>, %arg8: memref<1024x128xf32, #tpu.memory_space<vmem>>, %arg9: memref<1024x128xf32, #tpu.memory_space<vmem>>) attributes {dimension_semantics = [#tpu.dimension_semantics<arbitrary>], iteration_bounds = array<i64: 10>, scalar_prefetch = 0 : i64, scratch_operands = 0 : i64, tpu.core_type = #tpu.core_type<tc>, window_params = [{transform_indices = @transform_0, window_bounds = array<i64: 1024, 128>}, {transform_indices = @transform_1, window_bounds = array<i64: 1024, 128>}, {transform_indices = @transform_2, window_bounds = array<i64: 1024, 128>}, {transform_indices = @transform_3, window_bounds = array<i64: 1024, 1>}, {transform_indices = @transform_4, window_bounds = array<i64: 1024, 1>}, {pipeline_mode = #tpu.pipeline_mode<synchronous>, transform_indices = @transform_5, window_bounds = array<i64: 1, 128>}, {pipeline_mode = #tpu.pipeline_mode<synchronous>, transform_indices = @transform_6, window_bounds = array<i64: 128, 128>}, {transform_indices = @transform_7, window_bounds = array<i64: 1024, 128>}, {transform_indices = @transform_8, window_bounds = array<i64: 1024, 128>}]} {
    %get3A = arith.constant 0 : index
    %get3A_0 = arith.constant 0 : index
    %get3A_1 = vector.load %arg4[%get3A, %get3A_0] : memref<1024x1xf32, #tpu.memory_space<vmem>>, vector<1024x1xf32>
    %get3A_2 = arith.constant 0 : index
    %get3A_3 = arith.constant 0 : index
    %get3A_4 = vector.load %arg5[%get3A_2, %get3A_3] : memref<1024x1xf32, #tpu.memory_space<vmem>>, vector<1024x1xf32>
    %add3A = arith.addf %get3A_1, %get3A_4 : vector<1024x1xf32>
    %add3A_5 = arith.constant 1.000000e+00 : f32
    %add3A_6 = vector.broadcast %add3A_5 : f32 to vector<1024x1xf32>
    %add3A_7 = arith.addf %add3A, %add3A_6 : vector<1024x1xf32>
    %rsqrt3A = math.rsqrt %add3A_7 : vector<1024x1xf32>
    %get3A_8 = arith.constant 0 : index
    %get3A_9 = arith.constant 0 : index
    %get3A_10 = vector.load %arg1[%get3A_8, %get3A_9] : memref<1024x128xf32, #tpu.memory_space<vmem>>, vector<1024x128xf32>
    %get3A_11 = arith.constant 0 : index
    %get3A_12 = arith.constant 0 : index
    %get3A_13 = vector.load %arg2[%get3A_11, %get3A_12] : memref<1024x128xf32, #tpu.memory_space<vmem>>, vector<1024x128xf32>
    %add3A_14 = arith.addf %get3A_10, %get3A_13 : vector<1024x128xf32>
    %get3A_15 = arith.constant 0 : index
    %get3A_16 = arith.constant 0 : index
    %get3A_17 = vector.load %arg3[%get3A_15, %get3A_16] : memref<1024x128xf32, #tpu.memory_space<vmem>>, vector<1024x128xf32>
    %add3A_18 = arith.addf %add3A_14, %get3A_17 : vector<1024x128xf32>
    %mul3A = vector.broadcast %rsqrt3A : vector<1024x1xf32> to vector<1024x128xf32>
    %mul3A_19 = arith.mulf %mul3A, %add3A_18 : vector<1024x128xf32>
    %get3A_20 = arith.constant 0 : index
    %get3A_21 = arith.constant 0 : index
    %get3A_22 = vector.load %arg6[%get3A_20, %get3A_21] : memref<1x128xf32, #tpu.memory_space<vmem>>, vector<1x128xf32>
    %add3A_23 = vector.broadcast %get3A_22 : vector<1x128xf32> to vector<1024x128xf32>
    %add3A_24 = arith.addf %mul3A_19, %add3A_23 : vector<1024x128xf32>
    %max3A = arith.constant 0.000000e+00 : f32
    %max3A_25 = vector.broadcast %max3A : f32 to vector<1024x128xf32>
    %max3A_26 = arith.maximumf %add3A_24, %max3A_25 : vector<1024x128xf32>
    %swap3A = arith.constant 0 : index
    %swap3A_27 = arith.constant 0 : index
    %swap3A_28 = vector.load %arg9[%swap3A, %swap3A_27] : memref<1024x128xf32, #tpu.memory_space<vmem>>, vector<1024x128xf32>
    tpu.vector_store %arg9[%swap3A, %swap3A_27], %max3A_26 {strides = array<i32>} : memref<1024x128xf32, #tpu.memory_space<vmem>>, vector<1024x128xf32>,
    %get3A_29 = arith.constant 0 : index
    %get3A_30 = arith.constant 0 : index
    %get3A_31 = vector.load %arg7[%get3A_29, %get3A_30] : memref<128x128xf32, #tpu.memory_space<vmem>>, vector<128x128xf32>
    %dot_general3A = arith.constant dense<0.000000e+00> : vector<1024x128xf32>
    %dot_general3A_32 = tpu.matmul %max3A_26, %get3A_31, %dot_general3A {dimension_numbers = #tpu.dot_dimension_numbers<[1], [0], [0], [1], [0, 0, 1, 1], [], []>, transpose_lhs_hint = false} : vector<1024x128xf32>, vector<128x128xf32>, vector<1024x128xf32> -> vector<1024x128xf32>
    %mul3A_33 = vector.broadcast %rsqrt3A : vector<1024x1xf32> to vector<1024x128xf32>
    %mul3A_34 = arith.mulf %mul3A_33, %dot_general3A_32 : vector<1024x128xf32>
    %swap3A_35 = arith.constant 0 : index
    %swap3A_36 = arith.constant 0 : index
    %swap3A_37 = vector.load %arg8[%swap3A_35, %swap3A_36] : memref<1024x128xf32, #tpu.memory_space<vmem>>, vector<1024x128xf32>
    tpu.vector_store %arg8[%swap3A_35, %swap3A_36], %mul3A_34 {strides = array<i32>} : memref<1024x128xf32, #tpu.memory_space<vmem>>, vector<1024x128xf32>,
    return
  }
  func.func @transform_0(%arg0: i32) -> (i32, i32) {
    %c0_i32 = arith.constant 0 : i32
    %c0_i32_0 = arith.constant 0 : i32
    return %arg0, %c0_i32 : i32, i32
  }
  func.func @transform_1(%arg0: i32) -> (i32, i32) {
    %c0_i32 = arith.constant 0 : i32
    %c0_i32_0 = arith.constant 0 : i32
    return %arg0, %c0_i32 : i32, i32
  }
  func.func @transform_2(%arg0: i32) -> (i32, i32) {
    %c0_i32 = arith.constant 0 : i32
    %c0_i32_0 = arith.constant 0 : i32
    return %arg0, %c0_i32 : i32, i32
  }
  func.func @transform_3(%arg0: i32) -> (i32, i32) {
    %c0_i32 = arith.constant 0 : i32
    %c0_i32_0 = arith.constant 0 : i32
    return %arg0, %c0_i32 : i32, i32
  }
  func.func @transform_4(%arg0: i32) -> (i32, i32) {
    %c0_i32 = arith.constant 0 : i32
    %c0_i32_0 = arith.constant 0 : i32
    return %arg0, %c0_i32 : i32, i32
  }
  func.func @transform_5(%arg0: i32) -> (i32, i32) {
    %c0_i32 = arith.constant 0 : i32
    %c0_i32_0 = arith.constant 0 : i32
    %c0_i32_1 = arith.constant 0 : i32
    return %c0_i32, %c0_i32_0 : i32, i32
  }
  func.func @transform_6(%arg0: i32) -> (i32, i32) {
    %c0_i32 = arith.constant 0 : i32
    %c0_i32_0 = arith.constant 0 : i32
    %c0_i32_1 = arith.constant 0 : i32
    return %c0_i32, %c0_i32_0 : i32, i32
  }
  func.func @transform_7(%arg0: i32) -> (i32, i32) {
    %c0_i32 = arith.constant 0 : i32
    %c0_i32_0 = arith.constant 0 : i32
    return %arg0, %c0_i32 : i32, i32
  }
  func.func @transform_8(%arg0: i32) -> (i32, i32) {
    %c0_i32 = arith.constant 0 : i32
    %c0_i32_0 = arith.constant 0 : i32
    return %arg0, %c0_i32 : i32, i32
  }
}

module attributes {stable_mosaic.version = 14 : i64} {
  func.func @_last_body(%arg0: i32, %arg1: memref<1000x128xf32, #tpu.memory_space<vmem>>, %arg2: memref<1000x128xf32, #tpu.memory_space<vmem>>, %arg3: memref<1000x128xf32, #tpu.memory_space<vmem>>, %arg4: memref<1000x1xf32, #tpu.memory_space<vmem>>, %arg5: memref<1000x1xf32, #tpu.memory_space<vmem>>, %arg6: memref<1x128xf32, #tpu.memory_space<vmem>>, %arg7: memref<128x64xf32, #tpu.memory_space<vmem>>, %arg8: memref<1000x64xf32, #tpu.memory_space<vmem>>, %arg9: memref<1000x64xf32, #tpu.memory_space<vmem>>) attributes {dimension_semantics = [#tpu.dimension_semantics<arbitrary>], iteration_bounds = array<i64: 10>, scalar_prefetch = 0 : i64, scratch_operands = 0 : i64, tpu.core_type = #tpu.core_type<tc>, window_params = [{transform_indices = @transform_0, window_bounds = array<i64: 1000, 128>}, {transform_indices = @transform_1, window_bounds = array<i64: 1000, 128>}, {transform_indices = @transform_2, window_bounds = array<i64: 1000, 128>}, {transform_indices = @transform_3, window_bounds = array<i64: 1000, 1>}, {transform_indices = @transform_4, window_bounds = array<i64: 1000, 1>}, {pipeline_mode = #tpu.pipeline_mode<synchronous>, transform_indices = @transform_5, window_bounds = array<i64: 1, 128>}, {pipeline_mode = #tpu.pipeline_mode<synchronous>, transform_indices = @transform_6, window_bounds = array<i64: 128, 64>}, {transform_indices = @transform_7, window_bounds = array<i64: 1000, 64>}, {transform_indices = @transform_8, window_bounds = array<i64: 1000, 64>}]} {
    %get3A = arith.constant 0 : index
    %get3A_0 = arith.constant 0 : index
    %get3A_1 = vector.load %arg4[%get3A, %get3A_0] : memref<1000x1xf32, #tpu.memory_space<vmem>>, vector<1000x1xf32>
    %get3A_2 = arith.constant 0 : index
    %get3A_3 = arith.constant 0 : index
    %get3A_4 = vector.load %arg5[%get3A_2, %get3A_3] : memref<1000x1xf32, #tpu.memory_space<vmem>>, vector<1000x1xf32>
    %add3A = arith.addf %get3A_1, %get3A_4 : vector<1000x1xf32>
    %add3A_5 = arith.constant 1.000000e+00 : f32
    %add3A_6 = vector.broadcast %add3A_5 : f32 to vector<1000x1xf32>
    %add3A_7 = arith.addf %add3A, %add3A_6 : vector<1000x1xf32>
    %rsqrt3A = math.rsqrt %add3A_7 : vector<1000x1xf32>
    %get3A_8 = arith.constant 0 : index
    %get3A_9 = arith.constant 0 : index
    %get3A_10 = vector.load %arg1[%get3A_8, %get3A_9] : memref<1000x128xf32, #tpu.memory_space<vmem>>, vector<1000x128xf32>
    %get3A_11 = arith.constant 0 : index
    %get3A_12 = arith.constant 0 : index
    %get3A_13 = vector.load %arg2[%get3A_11, %get3A_12] : memref<1000x128xf32, #tpu.memory_space<vmem>>, vector<1000x128xf32>
    %add3A_14 = arith.addf %get3A_10, %get3A_13 : vector<1000x128xf32>
    %get3A_15 = arith.constant 0 : index
    %get3A_16 = arith.constant 0 : index
    %get3A_17 = vector.load %arg3[%get3A_15, %get3A_16] : memref<1000x128xf32, #tpu.memory_space<vmem>>, vector<1000x128xf32>
    %add3A_18 = arith.addf %add3A_14, %get3A_17 : vector<1000x128xf32>
    %mul3A = vector.broadcast %rsqrt3A : vector<1000x1xf32> to vector<1000x128xf32>
    %mul3A_19 = arith.mulf %mul3A, %add3A_18 : vector<1000x128xf32>
    %get3A_20 = arith.constant 0 : index
    %get3A_21 = arith.constant 0 : index
    %get3A_22 = vector.load %arg6[%get3A_20, %get3A_21] : memref<1x128xf32, #tpu.memory_space<vmem>>, vector<1x128xf32>
    %add3A_23 = vector.broadcast %get3A_22 : vector<1x128xf32> to vector<1000x128xf32>
    %add3A_24 = arith.addf %mul3A_19, %add3A_23 : vector<1000x128xf32>
    %max3A = arith.constant 0.000000e+00 : f32
    %max3A_25 = vector.broadcast %max3A : f32 to vector<1000x128xf32>
    %max3A_26 = arith.maximumf %add3A_24, %max3A_25 : vector<1000x128xf32>
    %get3A_27 = arith.constant 0 : index
    %get3A_28 = arith.constant 0 : index
    %get3A_29 = vector.load %arg8[%get3A_27, %get3A_28] : memref<1000x64xf32, #tpu.memory_space<vmem>>, vector<1000x64xf32>
    %get3A_30 = arith.constant 0 : index
    %get3A_31 = arith.constant 0 : index
    %get3A_32 = vector.load %arg7[%get3A_30, %get3A_31] : memref<128x64xf32, #tpu.memory_space<vmem>>, vector<128x64xf32>
    %dot_general3A = arith.constant dense<0.000000e+00> : vector<1000x64xf32>
    %dot_general3A_33 = tpu.matmul %max3A_26, %get3A_32, %dot_general3A {dimension_numbers = #tpu.dot_dimension_numbers<[1], [0], [0], [1], [0, 0, 1, 1], [], []>, transpose_lhs_hint = false} : vector<1000x128xf32>, vector<128x64xf32>, vector<1000x64xf32> -> vector<1000x64xf32>
    %add3A_34 = arith.addf %get3A_29, %dot_general3A_33 : vector<1000x64xf32>
    %swap3A = arith.constant 0 : index
    %swap3A_35 = arith.constant 0 : index
    %swap3A_36 = vector.load %arg9[%swap3A, %swap3A_35] : memref<1000x64xf32, #tpu.memory_space<vmem>>, vector<1000x64xf32>
    tpu.vector_store %arg9[%swap3A, %swap3A_35], %add3A_34 {strides = array<i32>} : memref<1000x64xf32, #tpu.memory_space<vmem>>, vector<1000x64xf32>,
    return
  }
  func.func @transform_0(%arg0: i32) -> (i32, i32) {
    %c0_i32 = arith.constant 0 : i32
    %c0_i32_0 = arith.constant 0 : i32
    return %arg0, %c0_i32 : i32, i32
  }
  func.func @transform_1(%arg0: i32) -> (i32, i32) {
    %c0_i32 = arith.constant 0 : i32
    %c0_i32_0 = arith.constant 0 : i32
    return %arg0, %c0_i32 : i32, i32
  }
  func.func @transform_2(%arg0: i32) -> (i32, i32) {
    %c0_i32 = arith.constant 0 : i32
    %c0_i32_0 = arith.constant 0 : i32
    return %arg0, %c0_i32 : i32, i32
  }
  func.func @transform_3(%arg0: i32) -> (i32, i32) {
    %c0_i32 = arith.constant 0 : i32
    %c0_i32_0 = arith.constant 0 : i32
    return %arg0, %c0_i32 : i32, i32
  }
  func.func @transform_4(%arg0: i32) -> (i32, i32) {
    %c0_i32 = arith.constant 0 : i32
    %c0_i32_0 = arith.constant 0 : i32
    return %arg0, %c0_i32 : i32, i32
  }
  func.func @transform_5(%arg0: i32) -> (i32, i32) {
    %c0_i32 = arith.constant 0 : i32
    %c0_i32_0 = arith.constant 0 : i32
    %c0_i32_1 = arith.constant 0 : i32
    return %c0_i32, %c0_i32_0 : i32, i32
  }
  func.func @transform_6(%arg0: i32) -> (i32, i32) {
    %c0_i32 = arith.constant 0 : i32
    %c0_i32_0 = arith.constant 0 : i32
    %c0_i32_1 = arith.constant 0 : i32
    return %c0_i32, %c0_i32_0 : i32, i32
  }
  func.func @transform_7(%arg0: i32) -> (i32, i32) {
    %c0_i32 = arith.constant 0 : i32
    %c0_i32_0 = arith.constant 0 : i32
    return %arg0, %c0_i32 : i32, i32
  }
  func.func @transform_8(%arg0: i32) -> (i32, i32) {
    %c0_i32 = arith.constant 0 : i32
    %c0_i32_0 = arith.constant 0 : i32
    return %arg0, %c0_i32 : i32, i32
  }
}

</mosaic_0001>

<sc_bundles>
// kernel: kernel.16.cloned.1.call-start
scs
__scs_entry_jumppad:
0x0: {  	(pc) =	sbr.rel $0x88, $3  }
0x1: {  	(tag) =	ssettag $0x0;
	lr =	simm.s32 $0x1  }
0x2: {  	[smem:$0x3F95] =	sst lr;
	_ =	strace $0xD0000000  }
0x3: {  	_ = 	snop  }
0x4: {  	_ = 	snop  }
0x5: {  	_ = 	snop  }
0x6: {  	_ = 	snop  }
0x7: {  	_ = 	snop  }
__scs_overlays_trampoline_lowered:
0x8: {  	[smem:$0x3FA4] =	sst s0  }
0x9: {  	[smem:$0x3FA5] =	sst s1  }
0xa: {  	[smem:$0x3FA6] =	sst s2  }
0xb: {  	[smem:$0x3FA7] =	sst s3  }
0xc: {  	[smem:$0x3FA8] =	sst s4  }
0xd: {  	[smem:$0x3FA9] =	sst s5  }
0xe: {  	[smem:$0x3FAA] =	sst s6  }
0xf: {  	[smem:$0x3FAB] =	sst s7  }
0x10: {  	[smem:$0x3FAC] =	sst s8  }
0x11: {  	[smem:$0x3FAD] =	sst s9;
	s0 =	simm.s32 @!p0 $0x0  }
0x12: {  	s1 =	sld [smem:$0x3F93];
	s0 =	simm.s32 @p0 $0x1  }
0x13: {  	[smem:$0x3FAE] =	sst s0;
	s0 =	simm.s32 @!p1 $0x0  }
0x14: {  	s2 =	sld [smem:$0x3F92];
	s0 =	simm.s32 @p1 $0x1  }
0x15: {  	[smem:$0x3FAF] =	sst s0;
	s0 =	simm.s32 @!p2 $0x0  }
0x16: {  	s3 =	sld [smem:$0x3FDB];
	s0 =	simm.s32 @p2 $0x1  }
0x17: {  	s4 =	simm.s32 $0x1BF5;
	[smem:$0x3FB1] =	sst s0  }
0x18: {  	s0 =	sld [smem:$0x3F94];
	_ =	swait.ge [sflag:s4], $0x0  }
0x19: {  	s7 =	sld [smem:$0x3F95]  }
0x1a: {  	s8 =	sadd.s32 $0xFFFFE003, lr  }
0x1b: {  	s9 =	sadd.s32 $0xFFFFFEF7, lr;
	s5 =	simm.s32 $0xFFFFFFFF;
	p2 =	slt.u32 s8, $0xFFFFF086  }
0x1c: {  	p1 =	slt.u32 s9, $0xF7A;
	s5 =	simm.s32 @!p2 $0x0  }
0x1d: {  	s5 =	simm.s32 @p1 $0x1;
	p0 =	seq.s32 s7, s2  }
0x1e: {  	s7 =	smul.u32 @!p0 $0xF7A, s2;
	p2 =	seq.s32 @!p0 s5, $0x0  }
0x1f: {  	s9 =	smul.u32 $0xF7A, s1;
	s8 =	simm.s32 @!p0 $0x1BF5;
	p2 =	por !p2, p0  }
0x20: {  	[sflag:s8] =	ssyncset.s32 @!p0 $0xFFFFF086;
	s6 =	sadd.s32 @!p0 s3, s7;
	s7 =	simm.s32 @!p0 $0x108  }
0x21: {  	s3 =	sadd.s32 s3, s9;
	s6 =	sadd.s32 @!p0 $0x88, s6;
	s7 =	simm.s32 @p2 $0x1082  }
0x22: {  	[simem:s7], [sflag:s8] =	dma.local @!p0 [hbm:s6], $0xF7A  }
0x23: {  	s9 =	sor.u32 $0xD0000000, s2;
	s6 =	simm.s32 $0x108;
	_ =	swait.ge @!p0 [sflag:s8], $0x0  }
0x24: {  	s3 =	sadd.s32 $0x88, s3;
	s6 =	simm.s32 @!p1 $0x1082;
	[sflag:s4] =	ssyncset.s32 $0xFFFFF086  }
0x25: {  	[simem:s6], [sflag:s4] =	dma.local [hbm:s3], $0xF7A  }
0x26: {  	[smem:$0x3F95] =	sst s1;
	(tag) =	ssettag s2;
	_ =	strace s9  }
0x27: {  	s1 =	sld [smem:$0x3FA5]  }
0x28: {  	s2 =	sld [smem:$0x3FA6]  }
0x29: {  	s4 =	sld [smem:$0x3FA8]  }
0x2a: {  	p0 =	seq.s32 s5, $0x0;
	s5 =	sld [smem:$0x3FA9]  }
0x2b: {  	s6 =	sld [smem:$0x3FAA]  }
0x2c: {  	s7 =	sld [smem:$0x3FAB]  }
0x2d: {  	s3 =	simm.s32 $0x108;
	s8 =	sld [smem:$0x3FAC]  }
0x2e: {  	s3 =	simm.s32 @!p0 $0x1082;
	s9 =	sld [smem:$0x3FAD]  }
0x2f: {  	lr =	sadd.s32 s0, s3;
	s0 =	sld [smem:$0x3FA4]  }
0x30: {  	s3 =	sld [smem:$0x3FA7]  }
0x31: {  	[smem:$0x3FB0] =	sst s10  }
0x32: {  	s10 =	sld [smem:$0x3FAE];
	_ =	sdelay $0x3  }
0x33: {  	p0 =	seq.s32 s10, $0x1;
	s10 =	sld [smem:$0x3FB0];
	_ =	sdelay $0x3  }
0x34: {  	[smem:$0x3FB0] =	sst s10  }
0x35: {  	s10 =	sld [smem:$0x3FAF];
	_ =	sdelay $0x3  }
0x36: {  	p1 =	seq.s32 s10, $0x1;
	s10 =	sld [smem:$0x3FB0];
	_ =	sdelay $0x3  }
0x37: {  	[smem:$0x3FB0] =	sst s10  }
0x38: {  	s10 =	sld [smem:$0x3FB1]  }
0x39: {  	_ = 	snop;
	(pc) =	sbr.ind lr, $3  }
0x3a: {  	_ = 	snop  }
0x3b: {  	_ = 	snop  }
0x3c: {  	p2 =	seq.s32 s10, $0x1;
	s10 =	sld [smem:$0x3FB0]  }
0x3d: {  	_ =	shalt  }
0x3e: {  	_ =	shalt  }
0x3f: {  	_ =	shalt  }
0x40: {  	_ =	shalt  }
0x41: {  	_ =	shalt  }
0x42: {  	_ =	shalt  }
0x43: {  	_ =	shalt  }
0x44: {  	_ =	shalt  }
0x45: {  	_ =	shalt  }
0x46: {  	_ =	shalt  }
0x47: {  	_ =	shalt  }
0x48: {  	_ =	shalt  }
0x49: {  	_ =	shalt  }
0x4a: {  	_ =	shalt  }
0x4b: {  	_ =	shalt  }
0x4c: {  	_ =	shalt  }
0x4d: {  	_ =	shalt  }
0x4e: {  	_ =	shalt  }
0x4f: {  	_ =	shalt  }
0x50: {  	_ =	shalt  }
0x51: {  	_ =	shalt  }
0x52: {  	_ =	shalt  }
0x53: {  	_ =	shalt  }
0x54: {  	_ =	shalt  }
0x55: {  	_ =	shalt  }
0x56: {  	_ =	shalt  }
0x57: {  	_ =	shalt  }
0x58: {  	_ =	shalt  }
0x59: {  	_ =	shalt  }
0x5a: {  	_ =	shalt  }
0x5b: {  	_ =	shalt  }
0x5c: {  	_ =	shalt  }
0x5d: {  	_ =	shalt  }
0x5e: {  	_ =	shalt  }
0x5f: {  	_ =	shalt  }
0x60: {  	_ =	shalt  }
0x61: {  	_ =	shalt  }
0x62: {  	_ =	shalt  }
0x63: {  	_ =	shalt  }
0x64: {  	_ =	shalt  }
0x65: {  	_ =	shalt  }
0x66: {  	_ =	shalt  }
0x67: {  	_ =	shalt  }
0x68: {  	_ =	shalt  }
0x69: {  	_ =	shalt  }
0x6a: {  	_ =	shalt  }
0x6b: {  	_ =	shalt  }
0x6c: {  	_ =	shalt  }
0x6d: {  	_ =	shalt  }
0x6e: {  	_ =	shalt  }
0x6f: {  	_ =	shalt  }
0x70: {  	_ =	shalt  }
0x71: {  	_ =	shalt  }
0x72: {  	_ =	shalt  }
0x73: {  	_ =	shalt  }
0x74: {  	_ =	shalt  }
0x75: {  	_ =	shalt  }
0x76: {  	_ =	shalt  }
0x77: {  	_ =	shalt  }
0x78: {  	_ =	shalt  }
0x79: {  	_ =	shalt  }
0x7a: {  	_ =	shalt  }
0x7b: {  	_ =	shalt  }
0x7c: {  	_ =	shalt  }
0x7d: {  	_ =	shalt  }
0x7e: {  	_ =	shalt  }
0x7f: {  	_ =	shalt  }
0x80: {  	_ =	shalt  }
0x81: {  	_ =	shalt  }
0x82: {  	_ =	shalt  }
0x83: {  	_ =	shalt  }
0x84: {  	_ =	shalt  }
0x85: {  	_ =	shalt  }
0x86: {  	_ =	shalt  }
0x87: {  	_ =	shalt  }
.Lfunc_end0:
.L_simem_size_0:
called_computation_lowered:
.L_overlay_start_0:
0x88: {  	s2 =	sld [smem:$0x3FD9]  }
0x89: {  	s3 =	sld [smem:$0x3FFE];
	_ =	sdelay $0x1  }
0x8a: {  	s1 =	srdreg.scid  }
0x8b: {  	s0 =	sand.u32 $0x1, s1  }
0x8c: {  	s16 =	sshll.u32 s0, $0xA;
	s2 =	sadd.s32 s3, s2  }
0x8d: {  	s2 =	sadd.s32 s2, s16  }
0x8e: {  	[smem:$0x3FBC] =	sst s2  }
0x8f: {  	_ = 	snop  }
0x90: {  	(tm) =	ssettm $0x1  }
0x91: {  	s17 =	sld [smem:$0x3FFB];
	_ =	sdelay $0x3  }
0x92: {  	_ =	strace s17  }
0x93: {  	s2 =	sld [smem:$0x3FFC];
	_ =	sdelay $0x3  }
0x94: {  	_ =	strace s2  }
0x95: {  	s2 =	sld [smem:$0x3FFD];
	_ =	sdelay $0x3  }
0x96: {  	_ =	strace s2  }
0x97: {  	_ =	strace $0x8FFFFFFF  }
0x98: {  	s18 =	sld [smem:$0x3FDB];
	_ =	sdelay $0x1  }
0x99: {  	s19 =	simm.s32 $_scs_section_size  }
0x9a: {  	s4 =	simm.s32 $_size__tile_overlayer_lowered;
	s5 =	simm.s32 $_tile_overlayer_lowered  }
0x9b: {  	s22 =	simm.s32 $0x1BFF;
	s21 =	sshll.u32 s5, $0x1;
	s2 =	sadd.s32 s19, s18  }
0x9c: {  	s6 =	simm.s32 $0x0;
	s20 =	sshll.u32 s4, $0x1;
	s4 =	sadd.s32 s21, s2  }
0x9d: {  	[timem:s6], [sflag:s22] =	dma.local [hbm:s4], s20  }
0x9e: {  	_ =	swait.ge [sflag:s22], s20  }
0x9f: {  	s3 =	ssub.s32 $0x0, s20;
	[sflag:s22] =	ssyncset.done $0x0  }
0xa0: {  	[sflag:s22] =	ssyncadd.s32 s3;
	_ =	sdelay $0x1  }
0xa1: {  	s23 =	simm.s32 $0x1B8B  }
0xa2: {  	_ =	swait.ge [sflag:s23], $0x1  }
0xa3: {  	[sflag:s23] =	ssyncset.done $0x0  }
0xa4: {  	s25 =	simm.s32 $0x1B8E;
	s24 =	sld [smem:$0x3FFE];
	[sflag:s23] =	ssyncadd.s32 $0xFFFFFFFF  }
0xa5: {  	s26 =	simm.s32 $execute0_lowered;
	[smem:$0x3FD2] =	sst s25  }
0xa6: {  	s4 =	sshll.u32 s26, $0x1;
	_ =	strace $0x80000046;
	[dreg:$0x1] =	wrdreg $0xFFFFFFFF  }
0xa7: {  	s28 =	simm.s32 $_size_execute0_lowered;
	s2 =	sadd.s32 s2, s4;
	[dreg:$0x0] =	wrdreg $0x0  }
0xa8: {  	s4 =	sshll.u32 s28, $0x1;
	[dreg:$0x2] =	wrdreg s2  }
0xa9: {  	[dreg:$0x3] =	wrdreg s4  }
0xaa: {  	[dreg:$0x4] =	wrdreg $0xC0  }
0xab: {  	_ =	task [dreg:s6], $0x5FFFF  }
0xac: {  	[dreg:$0x1] =	wrdreg $0xFFFFFFFF  }
0xad: {  	[dreg:$0x0] =	wrdreg $0x60  }
0xae: {  	[dreg:$0x2] =	wrdreg s24  }
0xaf: {  	[dreg:$0x3] =	wrdreg $0xAC000  }
0xb0: {  	[dreg:$0x4] =	wrdreg $0x9  }
0xb1: {  	_ =	task.clear_ibuf [dreg:s6], $0x5FFFF;
	_ =	strace $0x90000046  }
0xb2: {  	s29 =	simm.s32 $0x9;
	_ =	strace $0x80000048  }
0xb3: {  	_ =	swait.ge [sflag:s29], $0x1  }
0xb4: {  	[sflag:s29] =	ssyncadd.s32 $0xFFFFFFFF  }
0xb5: {  	_ =	strace $0x90000048  }
0xb6: {  	_ =	sfence  }
0xb7: {  	s30 =	sld [smem:$0x0];
	_ =	sdelay $0x2  }
0xb8: {  	s31 =	sshll.u32 s1, $0xD;
	s1 =	sshrl.u32 s1, $0x2  }
0xb9: {  	s3 =	sand.u32 $0x4000, s31;
	s1 =	sadd.s32 s1, s30  }
0xba: {  	s0 =	sor.u32 s3, s0;
	s1 =	sshll.u32 s1, $0x11  }
0xbb: {  	s0 =	sor.u32 s1, s0  }
0xbc: {  	s0 =	sadd.s32 $0x8F2B, s0  }
0xbd: {  	[sflag:s0] =	ssyncadd.remote.s32 $0x1  }
0xbe: {  	_ =	sfence.sel $0xFFFF  }
0xbf: {  	[dreg:$0x0] =	wrdreg $0xFFFFFFFF;
	(pc) =	sbr.abs _section_cstart, $3  }
0xc0: {  	[dreg:$0x1] =	wrdreg $0xFFFFFFFF  }
0xc1: {  	_ =	task.clear_ibuf [dreg:s6], $0x2FFFF;
	_ =	strace $0x9FFFFFFF  }
0xc2: {  	(tm) =	ssettm $0x7FFFFFFF  }
0xc3: {  	_ =	shalt  }
tec
execute0_lowered:
.L_overlay_start_1:
0x0: {  	(tag) =	ssettag $0x1  }
0x1: {  	s5 =	rddreg [dreg:$0x0]  }
0x2: {  	s1 =	srdreg.scid;
	s0 =	stileid.u32  }
0x3: {  	s11 =	simm.s32 $0x1;
	s12 =	simm.s32 $0xA780;
	s13 =	simm.s32 $0xA800  }
0x4: {  	s14 =	simm.s32 $0x2780;
	s15 =	simm.s32 $0x6780;
	s16 =	simm.s32 $0x0  }
0x5: {  	s6 =	sand.u32 $0x1, s1;
	s26 =	sshrl.u32 s0, $0x2;
	s2 =	sshll.u32 s0, $0x8  }
0x6: {  	s1 =	rddreg [dreg:$0x2];
	s8 =	sshll.u32 s0, $0x7;
	s31 =	sshll.u32 s0, $0xA  }
0x7: {  	s4 =	smul.u32 $0x13C00, s26;
	s28 =	sshll.u32 s6, $0x7;
	s3 =	sand.u32 $0x300, s2  }
0x8: {  	s2 =	rddreg [dreg:$0x1];
	s9 =	ssub.s32 $0x2, s6;
	s7 =	sor.u32 s28, s3  }
0x9: {  	s6 =	sshll.u32 s6, $0xB;
	s3 =	simm.s32 $0x0;
	s4 =	sor.u32 s4, s7  }
0xa: {  	s30 =	sshrl.u32 s9, $0x1;
	[smem:$0x7FF] =	sst s3;
	s4 =	sshrl.u32 s4, $0x3  }
0xb: {  	_ =	strace $0x80000047;
	s29 =	sadd.s32 s4, s5;
	s4 =	sadd.s32 $0x11400, s5  }
0xc: {  	s5 =	sadd.s32 s8, s5;
	s8 =	ssub.s32 s9, s30;
	s9 =	simm.s32 $0x80  }
0xd: {  	s10 =	sadd.s32 s6, s5;
	s5 =	sadd.s32 $0x7600, s29;
	s6 =	sadd.s32 s31, s2  }
0xe: {  	v0 =	vimm.f32 $0.0e+00;
	v1 =	vimm.f32 $1.000000000e+00;
	s8 =	smax.u32 s8, $0x1;
	s7 =	sadd.s32 $0x11600, s10;
	s10 =	simm.s32 $0x400  }
.LBB2_1:
0xf: {  	[tilespmem:s3], [sflag:$0x1] =	stream.strided.gather [hbm4b:s5+s9], $0x2780, s10, s9, $0x38;
	[tilespmem:$0xB000] =	vst v63  }
0x10: {  	_ =	swait.ge [sflag:s11], $0x2780  }
0x11: {  	[sflag:s11] =	ssyncset.done $0x0  }
0x12: {  	[sflag:s11] =	ssyncadd.s32 $0xFFFFD880  }
0x13: {  	[tilespmem:s12], [sflag:$0x1] =	stream.linear.gather [hbm4b:s4+s3], $0x80, $0x38;
	[tilespmem:$0xB000] =	vst v63  }
0x14: {  	_ =	swait.ge [sflag:s11], $0x80  }
0x15: {  	[sflag:s11] =	ssyncset.done $0x0  }
0x16: {  	s17 =	simm.s32 $0x0;
	[sflag:s11] =	ssyncadd.s32 $0xFFFFFF80  }
.LBB2_2:
0x17: {  	p0 =	sne.s32 s17, $0xFFC0  }
.Ltmp0:
0x18: {  	_ = 	snop;
	(pc) =	sbr.rel @p0 .LBB2_2-.Ltmp0, $3  }
0x19: {  	_ =	sdelay $0x1  }
0x1a: {  	s18 =	sshra.s32 s17, $0x2  }
0x1b: {  	s17 =	sadd.s32 $0x40, s17;
	[tilespmem:s18+$0x2780] =	vst v0  }
0x1c: {  	s17 =	simm.s32 $0x0  }
0x1d: {  	s18 =	sand.u32 $0xE00, s17  }
0x1e: {  	s19 =	sand.u32 $0x70, s17;
	s20 =	sshrl.u32 s18, $0x2  }
0x1f: {  	s18 =	simm.s32 $0x40;
	s19 =	sor.u32 s19, s20  }
.LBB2_4:
0x20: {  	p0 =	sne.s32 s18, $0xFC0  }
0x21: {  	[tilespmem:s19+$0xA800] =	vst v0;
	s17 =	sadd.s32 $0x10, s17;
	s19 =	smov.u32 s18;
	s18 =	sadd.s32 $0x40, s18  }
.Ltmp1:
0x22: {  	(pc) =	sbr.rel @p0 .LBB2_4-.Ltmp1, $4  }
0x23: {  	_ = 	snop  }
0x24: {  	s19 =	sand.u32 $0xE00, s19  }
0x25: {  	s20 =	sand.u32 $0x70, s17;
	s19 =	sshrl.u32 s19, $0x2  }
0x26: {  	s19 =	sor.u32 s20, s19  }
0x27: {  	[tilespmem:s19+$0xA800] =	vst v0  }
0x28: {  	[spmem:s6] =	stream.linear.scatter [tilespmem:s13], [sflag:$0x1], $0x400, $0x38;
	[tilespmem:$0xB000] =	vst v63  }
0x29: {  	_ =	swait.ge [sflag:s11], $0x400  }
0x2a: {  	s17 =	simm.s32 $0x0;
	[sflag:s11] =	ssyncset.done $0x0  }
0x2b: {  	s19 =	simm.s32 $0x0;
	s18 =	simm.s32 $0x40;
	[sflag:s11] =	ssyncadd.s32 $0xFFFFFC00  }
.LBB2_6:
0x2c: {  	p0 =	sne.s32 s18, $0x9C00;
	v2 =	vld [tilespmem:s19+$0x0];
	_ =	sdelay $0x3  }
.Ltmp2:
0x2d: {  	(pc) =	sbr.rel @p0 .LBB2_6-.Ltmp2, $2  }
0x2e: {  	_ =	sdelay $0x2  }
0x2f: {  	s19 =	sshra.s32 s18, $0x2;
	s18 =	sadd.s32 $0x40, s18;
	[tilespmem:v2+s14+$0x0] =	vst.idx.add.f32.msk $0xffff, v1  }
0x30: {  	v2 =	vld [tilespmem:s19+$0x0];
	_ =	sdelay $0x5  }
0x31: {  	s18 =	simm.s32 $0x0  }
0x32: {  	s17 =	sand.u32 $0x70, s17;
	s18 =	sand.u32 $0x3F80, s18  }
0x33: {  	s17 =	sor.u32 s17, s18;
	[tilespmem:v2+s14+$0x0] =	vst.idx.add.f32.msk $0xffff, v1  }
0x34: {  	v2 =	vld [tilespmem:s17+$0x2780];
	_ =	sdelay $0x1  }
0x35: {  	s19 =	simm.s32 $0x10;
	s18 =	simm.s32 $0x40  }
.LBB2_8:
0x36: {  	s20 =	sshrl.u32 s18, $0x2;
	p0 =	sne.s32 s18, $0xFFC0;
	s18 =	sadd.s32 $0x40, s18  }
.Ltmp3:
0x37: {  	s21 =	sand.u32 $0x70, s19;
	s20 =	sand.u32 $0x3F80, s20;
	(pc) =	sbr.rel @p0 .LBB2_8-.Ltmp3, $3  }
0x38: {  	[tilespmem:s17+$0x6780] =	vst v2;
	s17 =	sor.u32 s21, s20  }
0x39: {  	v2 =	vld [tilespmem:s17+$0x2780];
	_ =	sdelay $0x1  }
0x3a: {  	s19 =	sadd.s32 $0x10, s19  }
0x3b: {  	_ =	sdelay $0x1  }
0x3c: {  	[tilespmem:s17+$0x6780] =	vst v2  }
0x3d: {  	[bflag:$0x0] =	sbarrier.arrive $0xFFFF  }
0x3e: {  	[spmem:s2] =	stream.indirect.scatter.add.f32 [tilespmem:s15], [sflag:$0x1], $0x80, s12, s9, $0xb8;
	[tilespmem:$0xB000] =	vst v63  }
0x3f: {  	_ =	swait.ge [sflag:s11], $0x4000  }
0x40: {  	[sflag:s11] =	ssyncset.done $0x0  }
0x41: {  	[sflag:s11] =	ssyncadd.s32 $0xFFFFC000  }
0x42: {  	[bflag:$0x0] =	sbarrier.arrive $0xFFFF  }
0x43: {  	[tilespmem:s13], [sflag:$0x1] =	stream.linear.gather [spmem:s6], $0x400, $0x38;
	[tilespmem:$0xB000] =	vst v63  }
0x44: {  	s16 =	sadd.s32 $0x1, s16;
	_ =	swait.ge [sflag:s11], $0x400  }
0x45: {  	p0 =	sne.s32 s16, s8;
	[sflag:s11] =	ssyncset.done $0x0  }
.Ltmp4:
0x46: {  	[sflag:s11] =	ssyncadd.s32 $0xFFFFFC00;
	(pc) =	sbr.rel @p0 .LBB2_1-.Ltmp4, $4  }
0x47: {  	[hbm4b:s7+s3] =	stream.linear.scatter [tilespmem:s13], [sflag:$0x1], $0x400, $0x38;
	[tilespmem:$0xB000] =	vst v63  }
0x48: {  	_ =	swait.ge [sflag:s11], $0x400  }
0x49: {  	[sflag:s11] =	ssyncset.done $0x0  }
0x4a: {  	[sflag:s11] =	ssyncadd.s32 $0xFFFFFC00  }
0x4b: {  	_ =	sfence.sel $0x180000  }
0x4c: {  	[bflag:$0x0] =	sbarrier.arrive $0xFFFF  }
0x4d: {  	p0 =	sne.s32 s0, $0x0;
	_ =	strace $0x90000047  }
0x4e: {  	s0 =	sadd.s32 @!p0 $0x100000, s1;
	[bflag:$0x2] =	sbarrier.arrive $0xFFFF  }
0x4f: {  	[sflag:s0] =	ssyncadd.tile.s32 @!p0 $0x1;
	_ =	shalt  }
.Lfunc_end2:
_tile_overlayer_lowered:
.L_overlay_start_2:
0x50: {  	(tag) =	ssettag $0x2  }
0x51: {  	s0 =	rddreg [dreg:$0x0];
	s2 =	stileid.u32  }
0x52: {  	s1 =	rddreg [dreg:$0x1];
	p0 =	sne.s32 s2, $0x0  }
0x53: {  	s3 =	rddreg [dreg:$0x2];
	[bflag:$0x3] =	sbarrier.arrive $0xFFFF;
	s2 =	simm.s32 @!p0 $0x1C01  }
0x54: {  	[timem:s3], [sflag:s2] =	dma.local @!p0 [hbm:s0], s1  }
0x55: {  	s0 =	simm.s32 @!p0 $0x1  }
0x56: {  	_ =	swait.ge @!p0 [sflag:s0], s1  }
0x57: {  	s1 =	ssub.s32 @!p0 $0x0, s1;
	[sflag:s0] =	ssyncset.done @!p0 $0x0  }
0x58: {  	[sflag:s0] =	ssyncadd.s32 @!p0 s1  }
0x59: {  	[bflag:$0x3] =	sbarrier.arrive $0xFFFF  }
0x5a: {  	_ =	shalt  }

// kernel: kernel.19.cloned.1.call-start
scs
__scs_entry_jumppad:
0x0: {  	(pc) =	sbr.rel $0x88, $3  }
0x1: {  	(tag) =	ssettag $0x0;
	lr =	simm.s32 $0x1  }
0x2: {  	[smem:$0x3F95] =	sst lr;
	_ =	strace $0xD0000000  }
0x3: {  	_ = 	snop  }
0x4: {  	_ = 	snop  }
0x5: {  	_ = 	snop  }
0x6: {  	_ = 	snop  }
0x7: {  	_ = 	snop  }
__scs_overlays_trampoline_lowered:
0x8: {  	[smem:$0x3FA4] =	sst s0  }
0x9: {  	[smem:$0x3FA5] =	sst s1  }
0xa: {  	[smem:$0x3FA6] =	sst s2  }
0xb: {  	[smem:$0x3FA7] =	sst s3  }
0xc: {  	[smem:$0x3FA8] =	sst s4  }
0xd: {  	[smem:$0x3FA9] =	sst s5  }
0xe: {  	[smem:$0x3FAA] =	sst s6  }
0xf: {  	[smem:$0x3FAB] =	sst s7  }
0x10: {  	[smem:$0x3FAC] =	sst s8  }
0x11: {  	[smem:$0x3FAD] =	sst s9;
	s0 =	simm.s32 @!p0 $0x0  }
0x12: {  	s1 =	sld [smem:$0x3F93];
	s0 =	simm.s32 @p0 $0x1  }
0x13: {  	[smem:$0x3FAE] =	sst s0;
	s0 =	simm.s32 @!p1 $0x0  }
0x14: {  	s2 =	sld [smem:$0x3F92];
	s0 =	simm.s32 @p1 $0x1  }
0x15: {  	[smem:$0x3FAF] =	sst s0;
	s0 =	simm.s32 @!p2 $0x0  }
0x16: {  	s3 =	sld [smem:$0x3FDB];
	s0 =	simm.s32 @p2 $0x1  }
0x17: {  	s4 =	simm.s32 $0x1BF5;
	[smem:$0x3FB1] =	sst s0  }
0x18: {  	s0 =	sld [smem:$0x3F94];
	_ =	swait.ge [sflag:s4], $0x0  }
0x19: {  	s7 =	sld [smem:$0x3F95]  }
0x1a: {  	s8 =	sadd.s32 $0xFFFFE003, lr  }
0x1b: {  	s9 =	sadd.s32 $0xFFFFFEF7, lr;
	s5 =	simm.s32 $0xFFFFFFFF;
	p2 =	slt.u32 s8, $0xFFFFF086  }
0x1c: {  	p1 =	slt.u32 s9, $0xF7A;
	s5 =	simm.s32 @!p2 $0x0  }
0x1d: {  	s5 =	simm.s32 @p1 $0x1;
	p0 =	seq.s32 s7, s2  }
0x1e: {  	s7 =	smul.u32 @!p0 $0xF7A, s2;
	p2 =	seq.s32 @!p0 s5, $0x0  }
0x1f: {  	s9 =	smul.u32 $0xF7A, s1;
	s8 =	simm.s32 @!p0 $0x1BF5;
	p2 =	por !p2, p0  }
0x20: {  	[sflag:s8] =	ssyncset.s32 @!p0 $0xFFFFF086;
	s6 =	sadd.s32 @!p0 s3, s7;
	s7 =	simm.s32 @!p0 $0x108  }
0x21: {  	s3 =	sadd.s32 s3, s9;
	s6 =	sadd.s32 @!p0 $0x88, s6;
	s7 =	simm.s32 @p2 $0x1082  }
0x22: {  	[simem:s7], [sflag:s8] =	dma.local @!p0 [hbm:s6], $0xF7A  }
0x23: {  	s9 =	sor.u32 $0xD0000000, s2;
	s6 =	simm.s32 $0x108;
	_ =	swait.ge @!p0 [sflag:s8], $0x0  }
0x24: {  	s3 =	sadd.s32 $0x88, s3;
	s6 =	simm.s32 @!p1 $0x1082;
	[sflag:s4] =	ssyncset.s32 $0xFFFFF086  }
0x25: {  	[simem:s6], [sflag:s4] =	dma.local [hbm:s3], $0xF7A  }
0x26: {  	[smem:$0x3F95] =	sst s1;
	(tag) =	ssettag s2;
	_ =	strace s9  }
0x27: {  	s1 =	sld [smem:$0x3FA5]  }
0x28: {  	s2 =	sld [smem:$0x3FA6]  }
0x29: {  	s4 =	sld [smem:$0x3FA8]  }
0x2a: {  	p0 =	seq.s32 s5, $0x0;
	s5 =	sld [smem:$0x3FA9]  }
0x2b: {  	s6 =	sld [smem:$0x3FAA]  }
0x2c: {  	s7 =	sld [smem:$0x3FAB]  }
0x2d: {  	s3 =	simm.s32 $0x108;
	s8 =	sld [smem:$0x3FAC]  }
0x2e: {  	s3 =	simm.s32 @!p0 $0x1082;
	s9 =	sld [smem:$0x3FAD]  }
0x2f: {  	lr =	sadd.s32 s0, s3;
	s0 =	sld [smem:$0x3FA4]  }
0x30: {  	s3 =	sld [smem:$0x3FA7]  }
0x31: {  	[smem:$0x3FB0] =	sst s10  }
0x32: {  	s10 =	sld [smem:$0x3FAE];
	_ =	sdelay $0x3  }
0x33: {  	p0 =	seq.s32 s10, $0x1;
	s10 =	sld [smem:$0x3FB0];
	_ =	sdelay $0x3  }
0x34: {  	[smem:$0x3FB0] =	sst s10  }
0x35: {  	s10 =	sld [smem:$0x3FAF];
	_ =	sdelay $0x3  }
0x36: {  	p1 =	seq.s32 s10, $0x1;
	s10 =	sld [smem:$0x3FB0];
	_ =	sdelay $0x3  }
0x37: {  	[smem:$0x3FB0] =	sst s10  }
0x38: {  	s10 =	sld [smem:$0x3FB1]  }
0x39: {  	_ = 	snop;
	(pc) =	sbr.ind lr, $3  }
0x3a: {  	_ = 	snop  }
0x3b: {  	_ = 	snop  }
0x3c: {  	p2 =	seq.s32 s10, $0x1;
	s10 =	sld [smem:$0x3FB0]  }
0x3d: {  	_ =	shalt  }
0x3e: {  	_ =	shalt  }
0x3f: {  	_ =	shalt  }
0x40: {  	_ =	shalt  }
0x41: {  	_ =	shalt  }
0x42: {  	_ =	shalt  }
0x43: {  	_ =	shalt  }
0x44: {  	_ =	shalt  }
0x45: {  	_ =	shalt  }
0x46: {  	_ =	shalt  }
0x47: {  	_ =	shalt  }
0x48: {  	_ =	shalt  }
0x49: {  	_ =	shalt  }
0x4a: {  	_ =	shalt  }
0x4b: {  	_ =	shalt  }
0x4c: {  	_ =	shalt  }
0x4d: {  	_ =	shalt  }
0x4e: {  	_ =	shalt  }
0x4f: {  	_ =	shalt  }
0x50: {  	_ =	shalt  }
0x51: {  	_ =	shalt  }
0x52: {  	_ =	shalt  }
0x53: {  	_ =	shalt  }
0x54: {  	_ =	shalt  }
0x55: {  	_ =	shalt  }
0x56: {  	_ =	shalt  }
0x57: {  	_ =	shalt  }
0x58: {  	_ =	shalt  }
0x59: {  	_ =	shalt  }
0x5a: {  	_ =	shalt  }
0x5b: {  	_ =	shalt  }
0x5c: {  	_ =	shalt  }
0x5d: {  	_ =	shalt  }
0x5e: {  	_ =	shalt  }
0x5f: {  	_ =	shalt  }
0x60: {  	_ =	shalt  }
0x61: {  	_ =	shalt  }
0x62: {  	_ =	shalt  }
0x63: {  	_ =	shalt  }
0x64: {  	_ =	shalt  }
0x65: {  	_ =	shalt  }
0x66: {  	_ =	shalt  }
0x67: {  	_ =	shalt  }
0x68: {  	_ =	shalt  }
0x69: {  	_ =	shalt  }
0x6a: {  	_ =	shalt  }
0x6b: {  	_ =	shalt  }
0x6c: {  	_ =	shalt  }
0x6d: {  	_ =	shalt  }
0x6e: {  	_ =	shalt  }
0x6f: {  	_ =	shalt  }
0x70: {  	_ =	shalt  }
0x71: {  	_ =	shalt  }
0x72: {  	_ =	shalt  }
0x73: {  	_ =	shalt  }
0x74: {  	_ =	shalt  }
0x75: {  	_ =	shalt  }
0x76: {  	_ =	shalt  }
0x77: {  	_ =	shalt  }
0x78: {  	_ =	shalt  }
0x79: {  	_ =	shalt  }
0x7a: {  	_ =	shalt  }
0x7b: {  	_ =	shalt  }
0x7c: {  	_ =	shalt  }
0x7d: {  	_ =	shalt  }
0x7e: {  	_ =	shalt  }
0x7f: {  	_ =	shalt  }
0x80: {  	_ =	shalt  }
0x81: {  	_ =	shalt  }
0x82: {  	_ =	shalt  }
0x83: {  	_ =	shalt  }
0x84: {  	_ =	shalt  }
0x85: {  	_ =	shalt  }
0x86: {  	_ =	shalt  }
0x87: {  	_ =	shalt  }
.Lfunc_end0:
.L_simem_size_0:
called_computation.1_lowered:
.L_overlay_start_0:
0x88: {  	s2 =	sld [smem:$0x3FD9]  }
0x89: {  	s3 =	sld [smem:$0x3FFE];
	_ =	sdelay $0x1  }
0x8a: {  	s1 =	srdreg.scid  }
0x8b: {  	s0 =	sand.u32 $0x1, s1  }
0x8c: {  	s17 =	sshll.u32 s0, $0xA;
	s2 =	sadd.s32 s3, s2  }
0x8d: {  	s2 =	sadd.s32 s2, s17  }
0x8e: {  	[smem:$0x3FBC] =	sst s2  }
0x8f: {  	_ = 	snop  }
0x90: {  	s2 =	sld [smem:$0x3FD0];
	(tm) =	ssettm $0x1  }
0x91: {  	s18 =	sld [smem:$0x3FFB];
	_ =	sdelay $0x3  }
0x92: {  	_ =	strace s18  }
0x93: {  	s3 =	sld [smem:$0x3FFC];
	_ =	sdelay $0x3  }
0x94: {  	_ =	strace s3  }
0x95: {  	s3 =	sld [smem:$0x3FFD];
	_ =	sdelay $0x3  }
0x96: {  	_ =	strace s3  }
0x97: {  	_ =	strace $0x8FFFFFFF  }
0x98: {  	s19 =	sld [smem:$0x3FDB];
	_ =	sdelay $0x1  }
0x99: {  	s4 =	simm.s32 $_scs_section_size  }
0x9a: {  	s5 =	simm.s32 $_size__tile_overlayer_lowered;
	s6 =	simm.s32 $_tile_overlayer_lowered  }
0x9b: {  	s22 =	simm.s32 $0x1BFF;
	s21 =	sshll.u32 s6, $0x1;
	s3 =	sadd.s32 s4, s19  }
0x9c: {  	s7 =	simm.s32 $0x0;
	s20 =	sshll.u32 s5, $0x1;
	s5 =	sadd.s32 s21, s3  }
0x9d: {  	[timem:s7], [sflag:s22] =	dma.local [hbm:s5], s20  }
0x9e: {  	_ =	swait.ge [sflag:s22], s20  }
0x9f: {  	s4 =	ssub.s32 $0x0, s20;
	[sflag:s22] =	ssyncset.done $0x0  }
0xa0: {  	[sflag:s22] =	ssyncadd.s32 s4;
	_ =	sdelay $0x1  }
0xa1: {  	s23 =	simm.s32 $0x1B8B  }
0xa2: {  	_ =	swait.ge [sflag:s23], $0x1  }
0xa3: {  	[sflag:s23] =	ssyncset.done $0x0  }
0xa4: {  	s25 =	simm.s32 $0x1B8E;
	s24 =	sld [smem:$0x3FFE];
	[sflag:s23] =	ssyncadd.s32 $0xFFFFFFFF  }
0xa5: {  	s26 =	simm.s32 $execute0_lowered;
	[smem:$0x3FD2] =	sst s25  }
0xa6: {  	s5 =	sshll.u32 s26, $0x1;
	_ =	strace $0x80000049;
	[dreg:$0x1] =	wrdreg $0xFFFFFFFF  }
0xa7: {  	s28 =	simm.s32 $_size_execute0_lowered;
	s3 =	sadd.s32 s3, s5;
	[dreg:$0x0] =	wrdreg $0x0  }
0xa8: {  	s5 =	sshll.u32 s28, $0x1;
	[dreg:$0x2] =	wrdreg s3  }
0xa9: {  	[dreg:$0x3] =	wrdreg s5  }
0xaa: {  	[dreg:$0x4] =	wrdreg $0xC0  }
0xab: {  	_ =	task [dreg:s7], $0x5FFFF  }
0xac: {  	[dreg:$0x1] =	wrdreg $0xFFFFFFFF  }
0xad: {  	[dreg:$0x0] =	wrdreg $0x60  }
0xae: {  	[dreg:$0x2] =	wrdreg s24  }
0xaf: {  	[dreg:$0x3] =	wrdreg s2  }
0xb0: {  	[dreg:$0x4] =	wrdreg $0xB7800  }
0xb1: {  	[dreg:$0x5] =	wrdreg $0x9  }
0xb2: {  	_ =	task.clear_ibuf [dreg:s7], $0x6FFFF;
	_ =	strace $0x90000049  }
0xb3: {  	s29 =	simm.s32 $0x9;
	_ =	strace $0x8000004B  }
0xb4: {  	_ =	swait.ge [sflag:s29], $0x1  }
0xb5: {  	[sflag:s29] =	ssyncadd.s32 $0xFFFFFFFF  }
0xb6: {  	_ =	strace $0x9000004B  }
0xb7: {  	_ =	sfence  }
0xb8: {  	s30 =	sld [smem:$0x0];
	_ =	sdelay $0x2  }
0xb9: {  	s31 =	sshll.u32 s1, $0xD;
	s1 =	sshrl.u32 s1, $0x2  }
0xba: {  	s3 =	sand.u32 $0x4000, s31;
	s1 =	sadd.s32 s1, s30  }
0xbb: {  	s0 =	sor.u32 s3, s0;
	s1 =	sshll.u32 s1, $0x11  }
0xbc: {  	s0 =	sor.u32 s1, s0  }
0xbd: {  	s0 =	sadd.s32 $0x8F2B, s0  }
0xbe: {  	[sflag:s0] =	ssyncadd.remote.s32 $0x1  }
0xbf: {  	_ =	sfence.sel $0xFFFF  }
0xc0: {  	[dreg:$0x0] =	wrdreg $0xFFFFFFFF;
	(pc) =	sbr.abs _section_cstart, $3  }
0xc1: {  	[dreg:$0x1] =	wrdreg $0xFFFFFFFF  }
0xc2: {  	_ =	task.clear_ibuf [dreg:s7], $0x2FFFF;
	_ =	strace $0x9FFFFFFF  }
0xc3: {  	(tm) =	ssettm $0x7FFFFFFF  }
tec
execute0_lowered:
.L_overlay_start_1:
0x0: {  	(tag) =	ssettag $0x1  }
0x1: {  	s0 =	rddreg [dreg:$0x0]  }
0x2: {  	s1 =	rddreg [dreg:$0x1];
	s3 =	srdreg.scid  }
0x3: {  	s22 =	stileid.u32;
	s2 =	rddreg [dreg:$0x2];
	s29 =	simm.s32 $0x2  }
0x4: {  	s30 =	simm.s32 $0x50;
	s31 =	simm.s32 $0x6780;
	s5 =	sand.u32 $0x1, s3  }
0x5: {  	s18 =	sshll.u32 s22, $0x1;
	s4 =	sshrl.u32 s22, $0x2;
	s12 =	smul.u32 $0x280, s22  }
0x6: {  	s3 =	simm.s32 $0x0;
	s10 =	smul.u32 $0x50000, s22;
	s6 =	sor.u32 s5, s18  }
0x7: {  	s4 =	smul.u32 $0x13C00, s4;
	[smem:$0x7FF] =	sst s3;
	s19 =	ssub.s32 $0x2, s5  }
0x8: {  	p0 =	seq.s32 s5, $0x0;
	s5 =	smul.u32 $0x2800, s22;
	s7 =	sshll.u32 s6, $0x7  }
0x9: {  	_ =	strace $0x8000004A;
	s9 =	sshrl.u32 s19, $0x1;
	s6 =	sshll.u32 s6, $0xB  }
0xa: {  	s21 =	sshrl.u32 s10, $0x2;
	s16 =	sor.u32 $0x50, s12;
	s24 =	sadd.s32 $0xA0, s12  }
0xb: {  	s17 =	sadd.s32 $0xF0, s12;
	s18 =	sadd.s32 $0x140, s12;
	s7 =	sand.u32 $0x380, s7  }
0xc: {  	s15 =	ssub.s32 s19, s9;
	s1 =	sadd.s32 s1, s6;
	s23 =	sshll.u32 s16, $0x7  }
0xd: {  	s25 =	sshll.u32 s24, $0x7;
	s26 =	sshll.u32 s17, $0x7;
	s11 =	sshll.u32 s18, $0x7  }
0xe: {  	s19 =	sadd.s32 $0x190, s12;
	s22 =	sshll.u32 s16, $0x4;
	s16 =	simm.s32 $0x94400  }
0xf: {  	s4 =	sor.u32 s4, s7;
	[dreg:$0x5] =	wrdreg s1;
	s7 =	sadd.s32 s21, s2  }
0x10: {  	s9 =	sadd.s32 s25, s2;
	s10 =	sadd.s32 s26, s2;
	s11 =	sadd.s32 s11, s2  }
0x11: {  	s13 =	sshll.u32 s19, $0x7;
	s21 =	sadd.s32 $0x230, s12;
	s1 =	sshll.u32 s24, $0x4  }
0x12: {  	s24 =	sshll.u32 s18, $0x4;
	s16 =	simm.s32 @!p0 $0xBC400;
	s25 =	sshll.u32 s19, $0x4  }
0x13: {  	s4 =	sshrl.u32 s4, $0x3;
	s6 =	sshll.u32 s21, $0x7;
	s28 =	sshll.u32 s21, $0x4  }
0x14: {  	s21 =	smax.u32 s15, $0x1;
	s8 =	sadd.s32 s4, s0;
	s4 =	sadd.s32 $0x6C400, s0  }
0x15: {  	s0 =	sadd.s32 s16, s0;
	[dreg:$0x6] =	wrdreg s21;
	s20 =	sadd.s32 $0x12600, s8  }
0x16: {  	s8 =	sadd.s32 s23, s2;
	s23 =	sshll.u32 s17, $0x4;
	s16 =	sadd.s32 s0, s5  }
0x17: {  	s17 =	sadd.s32 s0, s22;
	s18 =	sadd.s32 s0, s1;
	s21 =	sadd.s32 s0, s25  }
0x18: {  	s1 =	simm.s32 $0x8F80;
	s25 =	simm.s32 $0x0;
	[dreg:$0x4] =	wrdreg s20  }
0x19: {  	s20 =	sadd.s32 $0x1E0, s12;
	s12 =	sadd.s32 s13, s2;
	s19 =	sadd.s32 s0, s23  }
0x1a: {  	s23 =	sadd.s32 s0, s28;
	s28 =	simm.s32 $0x1;
	s14 =	sshll.u32 s20, $0x7  }
0x1b: {  	s26 =	sshll.u32 s20, $0x4;
	s20 =	sadd.s32 s0, s24;
	s13 =	sadd.s32 s14, s2  }
0x1c: {  	v0 =	vimm.f32 $0.0e+00;
	s14 =	sadd.s32 s6, s2;
	s22 =	sadd.s32 s0, s26;
	s0 =	simm.s32 $0x3  }
.LBB2_1:
0x1d: {  	s5 =	rddreg [dreg:$0x4];
	s6 =	simm.s32 $0x80;
	s15 =	simm.s32 $0x400  }
0x1e: {  	[tilespmem:s3], [sflag:$0x1] =	stream.strided.gather [hbm4b:s5+s6], $0x2780, s15, s6, $0x38;
	[tilespmem:$0x1F780] =	vst v63  }
0x1f: {  	s24 =	simm.s32 $0x2780;
	s15 =	rddreg [dreg:$0x5]  }
0x20: {  	[tilespmem:s24], [sflag:$0x2] =	stream.linear.gather [hbm4b:s15+s3], $0x3E80, $0x38;
	[tilespmem:$0x1F780] =	vst v63  }
0x21: {  	_ =	swait.ge [sflag:s28], $0x2780  }
0x22: {  	[sflag:s28] =	ssyncset.done $0x0  }
0x23: {  	s26 =	sand.u32 $0xFE00, s3;
	[sflag:s28] =	ssyncadd.s32 $0xFFFFD880  }
0x24: {  	s26 =	sshrl.u32 s26, $0x2;
	_ =	swait.ge [sflag:s29], $0x3E80  }
0x25: {  	s5 =	simm.s32 $0x40;
	s24 =	sand.u32 $0x70, s3;
	[sflag:s29] =	ssyncset.done $0x0  }
0x26: {  	s26 =	sor.u32 s24, s26;
	s24 =	simm.s32 $0x0;
	[sflag:s29] =	ssyncadd.s32 $0xFFFFC180  }
0x27: {  	[tilespmem:s31], [sflag:$0x1] =	stream.indirect.gather [hbm4b:s4+s30], $0x80, s3, s30, $0xb8;
	[tilespmem:$0x1F780] =	vst v63  }
.LBB2_2:
0x28: {  	p0 =	sne.s32 s5, $0x9FC0  }
0x29: {  	[tilespmem:s26+$0x8F80] =	vst v0;
	s24 =	sadd.s32 $0x10, s24;
	s26 =	smov.u32 s5;
	s5 =	sadd.s32 $0x40, s5  }
.Ltmp0:
0x2a: {  	(pc) =	sbr.rel @p0 .LBB2_2-.Ltmp0, $4  }
0x2b: {  	_ = 	snop  }
0x2c: {  	s26 =	sand.u32 $0xFE00, s26  }
0x2d: {  	s6 =	sand.u32 $0x70, s24;
	s26 =	sshrl.u32 s26, $0x2  }
0x2e: {  	s26 =	sor.u32 s6, s26  }
0x2f: {  	[tilespmem:s26+$0x8F80] =	vst v0  }
0x30: {  	[spmem:s7] =	stream.linear.scatter [tilespmem:s1], [sflag:$0x2], $0x2800, $0x38;
	[tilespmem:$0x1F780] =	vst v63  }
0x31: {  	_ = 	snop  }
0x32: {  	[spmem:s8] =	stream.linear.scatter [tilespmem:s1], [sflag:$0x2], $0x2800, $0x38;
	[tilespmem:$0x1F780] =	vst v63  }
0x33: {  	_ = 	snop  }
0x34: {  	[spmem:s9] =	stream.linear.scatter [tilespmem:s1], [sflag:$0x2], $0x2800, $0x38;
	[tilespmem:$0x1F780] =	vst v63  }
0x35: {  	_ = 	snop  }
0x36: {  	[spmem:s10] =	stream.linear.scatter [tilespmem:s1], [sflag:$0x2], $0x2800, $0x38;
	[tilespmem:$0x1F780] =	vst v63  }
0x37: {  	_ = 	snop  }
0x38: {  	[spmem:s11] =	stream.linear.scatter [tilespmem:s1], [sflag:$0x2], $0x2800, $0x38;
	[tilespmem:$0x1F780] =	vst v63  }
0x39: {  	_ = 	snop  }
0x3a: {  	[spmem:s12] =	stream.linear.scatter [tilespmem:s1], [sflag:$0x2], $0x2800, $0x38;
	[tilespmem:$0x1F780] =	vst v63  }
0x3b: {  	_ = 	snop  }
0x3c: {  	[spmem:s13] =	stream.linear.scatter [tilespmem:s1], [sflag:$0x2], $0x2800, $0x38;
	[tilespmem:$0x1F780] =	vst v63  }
0x3d: {  	_ = 	snop  }
0x3e: {  	[spmem:s14] =	stream.linear.scatter [tilespmem:s1], [sflag:$0x2], $0x2800, $0x38;
	[tilespmem:$0x1F780] =	vst v63  }
0x3f: {  	_ =	swait.ge [sflag:s29], $0x2800  }
0x40: {  	[sflag:s29] =	ssyncset.done $0x0  }
0x41: {  	[sflag:s29] =	ssyncadd.s32 $0xFFFFD800  }
0x42: {  	_ =	swait.ge [sflag:s29], $0x2800  }
0x43: {  	[sflag:s29] =	ssyncset.done $0x0  }
0x44: {  	[sflag:s29] =	ssyncadd.s32 $0xFFFFD800  }
0x45: {  	_ =	swait.ge [sflag:s29], $0x2800  }
0x46: {  	[sflag:s29] =	ssyncset.done $0x0  }
0x47: {  	[sflag:s29] =	ssyncadd.s32 $0xFFFFD800  }
0x48: {  	_ =	swait.ge [sflag:s29], $0x2800  }
0x49: {  	[sflag:s29] =	ssyncset.done $0x0  }
0x4a: {  	[sflag:s29] =	ssyncadd.s32 $0xFFFFD800  }
0x4b: {  	_ =	swait.ge [sflag:s29], $0x2800  }
0x4c: {  	[sflag:s29] =	ssyncset.done $0x0  }
0x4d: {  	[sflag:s29] =	ssyncadd.s32 $0xFFFFD800  }
0x4e: {  	_ =	swait.ge [sflag:s29], $0x2800  }
0x4f: {  	[sflag:s29] =	ssyncset.done $0x0  }
0x50: {  	[sflag:s29] =	ssyncadd.s32 $0xFFFFD800  }
0x51: {  	_ =	swait.ge [sflag:s29], $0x2800  }
0x52: {  	[sflag:s29] =	ssyncset.done $0x0  }
0x53: {  	[sflag:s29] =	ssyncadd.s32 $0xFFFFD800  }
0x54: {  	_ =	swait.ge [sflag:s29], $0x2800  }
0x55: {  	[sflag:s29] =	ssyncset.done $0x0  }
0x56: {  	[sflag:s29] =	ssyncadd.s32 $0xFFFFD800  }
0x57: {  	s5 =	simm.s32 $0x50;
	[bflag:$0x0] =	sbarrier.arrive $0xFFFF  }
0x58: {  	[tilespmem:s1], [sflag:$0x2] =	stream.indirect.gather [hbm4b:s4+s30], $0x80, s5, s30, $0xb8;
	[tilespmem:$0x1F780] =	vst v63  }
0x59: {  	_ =	swait.ge [sflag:s28], $0x2800  }
0x5a: {  	[sflag:s28] =	ssyncset.done $0x0  }
0x5b: {  	s15 =	simm.s32 $0x2780;
	[sflag:s28] =	ssyncadd.s32 $0xFFFFD800  }
0x5c: {  	[spmem:s2] =	stream.indirect.scatter.add.f32 [tilespmem:s31], [sflag:$0x3], $0x80, s15, s30, $0xb8;
	[tilespmem:$0x1F780] =	vst v63  }
0x5d: {  	_ =	swait.ge [sflag:s0], $0x2800  }
0x5e: {  	[sflag:s0] =	ssyncset.done $0x0  }
0x5f: {  	s24 =	simm.s32 $0xA0;
	[sflag:s0] =	ssyncadd.s32 $0xFFFFD800  }
0x60: {  	[tilespmem:s31], [sflag:$0x1] =	stream.indirect.gather [hbm4b:s4+s30], $0x80, s24, s30, $0xb8;
	[tilespmem:$0x1F780] =	vst v63  }
0x61: {  	_ =	swait.ge [sflag:s29], $0x2800  }
0x62: {  	[sflag:s29] =	ssyncset.done $0x0  }
0x63: {  	s26 =	simm.s32 $0x2800;
	[sflag:s29] =	ssyncadd.s32 $0xFFFFD800  }
0x64: {  	[spmem:s2] =	stream.indirect.scatter.add.f32 [tilespmem:s1], [sflag:$0x3], $0x80, s26, s30, $0xb8;
	[tilespmem:$0x1F780] =	vst v63  }
0x65: {  	s5 =	simm.s32 $0x800;
	_ =	swait.ge [sflag:s0], $0x2800  }
0x66: {  	s24 =	simm.s32 $0x400;
	s26 =	simm.s32 $0x140;
	[sflag:s0] =	ssyncset.done $0x0  }
.LBB2_4:
0x67: {  	p0 =	sne.s32 s5, $0xF400;
	s6 =	sadd.s32 $0xFFFFFFB0, s26;
	[sflag:s0] =	ssyncadd.s32 $0xFFFFD800  }
0x68: {  	[tilespmem:s1], [sflag:$0x2] =	stream.indirect.gather [hbm4b:s4+s30], $0x80, s6, s30, $0xb8;
	[tilespmem:$0x1F780] =	vst v63  }
0x69: {  	s6 =	smov.u32 s5;
	s5 =	sadd.s32 $0x400, s5;
	_ =	swait.ge [sflag:s28], $0x2800  }
0x6a: {  	s15 =	sshra.s32 s24, $0x2;
	s24 =	smov.u32 s6;
	[sflag:s28] =	ssyncset.done $0x0  }
0x6b: {  	s6 =	sadd.s32 $0x2780, s15;
	[sflag:s28] =	ssyncadd.s32 $0xFFFFD800  }
0x6c: {  	[spmem:s2] =	stream.indirect.scatter.add.f32 [tilespmem:s31], [sflag:$0x3], $0x80, s6, s30, $0xb8;
	[tilespmem:$0x1F780] =	vst v63  }
0x6d: {  	_ =	swait.ge [sflag:s0], $0x2800  }
0x6e: {  	[sflag:s0] =	ssyncset.done $0x0  }
0x6f: {  	[sflag:s0] =	ssyncadd.s32 $0xFFFFD800  }
0x70: {  	[tilespmem:s31], [sflag:$0x1] =	stream.indirect.gather [hbm4b:s4+s30], $0x80, s26, s30, $0xb8;
	[tilespmem:$0x1F780] =	vst v63  }
0x71: {  	_ =	swait.ge [sflag:s29], $0x2800  }
.Ltmp1:
0x72: {  	[sflag:s29] =	ssyncset.done $0x0;
	(pc) =	sbr.rel @p0 .LBB2_4-.Ltmp1, $4  }
0x73: {  	s6 =	sadd.s32 $0x2800, s15;
	[sflag:s29] =	ssyncadd.s32 $0xFFFFD800  }
0x74: {  	[spmem:s2] =	stream.indirect.scatter.add.f32 [tilespmem:s1], [sflag:$0x3], $0x80, s6, s30, $0xb8;
	[tilespmem:$0x1F780] =	vst v63  }
0x75: {  	_ =	swait.ge [sflag:s0], $0x2800  }
0x76: {  	s26 =	sadd.s32 $0xA0, s26;
	[sflag:s0] =	ssyncset.done $0x0  }
0x77: {  	s5 =	sadd.s32 $0xFFFFFFB0, s26;
	[sflag:s0] =	ssyncadd.s32 $0xFFFFD800  }
0x78: {  	[tilespmem:s1], [sflag:$0x2] =	stream.indirect.gather [hbm4b:s4+s30], $0x80, s5, s30, $0xb8;
	[tilespmem:$0x1F780] =	vst v63  }
0x79: {  	_ =	swait.ge [sflag:s28], $0x2800  }
0x7a: {  	s15 =	sshra.s32 s24, $0x2;
	[sflag:s28] =	ssyncset.done $0x0  }
0x7b: {  	s6 =	sadd.s32 $0x2780, s15;
	[sflag:s28] =	ssyncadd.s32 $0xFFFFD800  }
0x7c: {  	[spmem:s2] =	stream.indirect.scatter.add.f32 [tilespmem:s31], [sflag:$0x3], $0x80, s6, s30, $0xb8;
	[tilespmem:$0x1F780] =	vst v63  }
0x7d: {  	_ =	swait.ge [sflag:s0], $0x2800  }
0x7e: {  	[sflag:s0] =	ssyncset.done $0x0  }
0x7f: {  	[sflag:s0] =	ssyncadd.s32 $0xFFFFD800  }
0x80: {  	[tilespmem:s31], [sflag:$0x1] =	stream.indirect.gather [hbm4b:s4+s30], $0x80, s26, s30, $0xb8;
	[tilespmem:$0x1F780] =	vst v63  }
0x81: {  	_ =	swait.ge [sflag:s29], $0x2800  }
0x82: {  	[sflag:s29] =	ssyncset.done $0x0  }
0x83: {  	s5 =	sadd.s32 $0x2800, s15;
	[sflag:s29] =	ssyncadd.s32 $0xFFFFD800  }
0x84: {  	[spmem:s2] =	stream.indirect.scatter.add.f32 [tilespmem:s1], [sflag:$0x3], $0x80, s5, s30, $0xb8;
	[tilespmem:$0x1F780] =	vst v63  }
0x85: {  	_ =	swait.ge [sflag:s0], $0x2800  }
0x86: {  	[sflag:s0] =	ssyncset.done $0x0  }
0x87: {  	[sflag:s0] =	ssyncadd.s32 $0xFFFFD800  }
0x88: {  	_ =	swait.ge [sflag:s28], $0x2800  }
0x89: {  	[sflag:s28] =	ssyncset.done $0x0  }
0x8a: {  	s24 =	simm.s32 $0x6580;
	[sflag:s28] =	ssyncadd.s32 $0xFFFFD800  }
0x8b: {  	[spmem:s2] =	stream.indirect.scatter.add.f32 [tilespmem:s31], [sflag:$0x3], $0x80, s24, s30, $0xb8;
	[tilespmem:$0x1F780] =	vst v63  }
0x8c: {  	_ =	swait.ge [sflag:s0], $0x2800  }
0x8d: {  	[sflag:s0] =	ssyncset.done $0x0  }
0x8e: {  	[sflag:s0] =	ssyncadd.s32 $0xFFFFD800  }
0x8f: {  	[bflag:$0x0] =	sbarrier.arrive $0xFFFF  }
0x90: {  	[tilespmem:s31], [sflag:$0x3] =	stream.linear.gather [spmem:s7], $0x2800, $0x38;
	[tilespmem:$0x1F780] =	vst v63  }
0x91: {  	_ =	swait.ge [sflag:s0], $0x2800  }
0x92: {  	[sflag:s0] =	ssyncset.done $0x0  }
0x93: {  	[sflag:s0] =	ssyncadd.s32 $0xFFFFD800  }
0x94: {  	[hbm4b:s16+s3] =	stream.linear.scatter [tilespmem:s31], [sflag:$0x1], $0x2800, $0x38;
	[tilespmem:$0x1F780] =	vst v63  }
0x95: {  	_ = 	snop  }
0x96: {  	[tilespmem:s1], [sflag:$0x3] =	stream.linear.gather [spmem:s8], $0x2800, $0x38;
	[tilespmem:$0x1F780] =	vst v63  }
0x97: {  	_ =	swait.ge [sflag:s0], $0x2800  }
0x98: {  	[sflag:s0] =	ssyncset.done $0x0  }
0x99: {  	[sflag:s0] =	ssyncadd.s32 $0xFFFFD800  }
0x9a: {  	[hbm4b:s17+s3] =	stream.linear.scatter [tilespmem:s1], [sflag:$0x2], $0x2800, $0x38;
	[tilespmem:$0x1F780] =	vst v63  }
0x9b: {  	_ =	swait.ge [sflag:s28], $0x2800  }
0x9c: {  	[sflag:s28] =	ssyncset.done $0x0  }
0x9d: {  	[sflag:s28] =	ssyncadd.s32 $0xFFFFD800  }
0x9e: {  	[tilespmem:s31], [sflag:$0x3] =	stream.linear.gather [spmem:s9], $0x2800, $0x38;
	[tilespmem:$0x1F780] =	vst v63  }
0x9f: {  	_ =	swait.ge [sflag:s0], $0x2800  }
0xa0: {  	[sflag:s0] =	ssyncset.done $0x0  }
0xa1: {  	[sflag:s0] =	ssyncadd.s32 $0xFFFFD800  }
0xa2: {  	[hbm4b:s18+s3] =	stream.linear.scatter [tilespmem:s31], [sflag:$0x1], $0x2800, $0x38;
	[tilespmem:$0x1F780] =	vst v63  }
0xa3: {  	_ =	swait.ge [sflag:s29], $0x2800  }
0xa4: {  	[sflag:s29] =	ssyncset.done $0x0  }
0xa5: {  	[sflag:s29] =	ssyncadd.s32 $0xFFFFD800  }
0xa6: {  	[tilespmem:s1], [sflag:$0x3] =	stream.linear.gather [spmem:s10], $0x2800, $0x38;
	[tilespmem:$0x1F780] =	vst v63  }
0xa7: {  	_ =	swait.ge [sflag:s0], $0x2800  }
0xa8: {  	[sflag:s0] =	ssyncset.done $0x0  }
0xa9: {  	[sflag:s0] =	ssyncadd.s32 $0xFFFFD800  }
0xaa: {  	[hbm4b:s19+s3] =	stream.linear.scatter [tilespmem:s1], [sflag:$0x2], $0x2800, $0x38;
	[tilespmem:$0x1F780] =	vst v63  }
0xab: {  	_ =	swait.ge [sflag:s28], $0x2800  }
0xac: {  	[sflag:s28] =	ssyncset.done $0x0  }
0xad: {  	[sflag:s28] =	ssyncadd.s32 $0xFFFFD800  }
0xae: {  	[tilespmem:s31], [sflag:$0x3] =	stream.linear.gather [spmem:s11], $0x2800, $0x38;
	[tilespmem:$0x1F780] =	vst v63  }
0xaf: {  	_ =	swait.ge [sflag:s0], $0x2800  }
0xb0: {  	[sflag:s0] =	ssyncset.done $0x0  }
0xb1: {  	[sflag:s0] =	ssyncadd.s32 $0xFFFFD800  }
0xb2: {  	[hbm4b:s20+s3] =	stream.linear.scatter [tilespmem:s31], [sflag:$0x1], $0x2800, $0x38;
	[tilespmem:$0x1F780] =	vst v63  }
0xb3: {  	_ =	swait.ge [sflag:s29], $0x2800  }
0xb4: {  	[sflag:s29] =	ssyncset.done $0x0  }
0xb5: {  	[sflag:s29] =	ssyncadd.s32 $0xFFFFD800  }
0xb6: {  	[tilespmem:s1], [sflag:$0x3] =	stream.linear.gather [spmem:s12], $0x2800, $0x38;
	[tilespmem:$0x1F780] =	vst v63  }
0xb7: {  	_ =	swait.ge [sflag:s0], $0x2800  }
0xb8: {  	[sflag:s0] =	ssyncset.done $0x0  }
0xb9: {  	[sflag:s0] =	ssyncadd.s32 $0xFFFFD800  }
0xba: {  	[hbm4b:s21+s3] =	stream.linear.scatter [tilespmem:s1], [sflag:$0x2], $0x2800, $0x38;
	[tilespmem:$0x1F780] =	vst v63  }
0xbb: {  	_ =	swait.ge [sflag:s28], $0x2800  }
0xbc: {  	[sflag:s28] =	ssyncset.done $0x0  }
0xbd: {  	[sflag:s28] =	ssyncadd.s32 $0xFFFFD800  }
0xbe: {  	[tilespmem:s31], [sflag:$0x3] =	stream.linear.gather [spmem:s13], $0x2800, $0x38;
	[tilespmem:$0x1F780] =	vst v63  }
0xbf: {  	_ =	swait.ge [sflag:s0], $0x2800  }
0xc0: {  	[sflag:s0] =	ssyncset.done $0x0  }
0xc1: {  	[sflag:s0] =	ssyncadd.s32 $0xFFFFD800  }
0xc2: {  	[hbm4b:s22+s3] =	stream.linear.scatter [tilespmem:s31], [sflag:$0x1], $0x2800, $0x38;
	[tilespmem:$0x1F780] =	vst v63  }
0xc3: {  	_ =	swait.ge [sflag:s29], $0x2800  }
0xc4: {  	[sflag:s29] =	ssyncset.done $0x0  }
0xc5: {  	[sflag:s29] =	ssyncadd.s32 $0xFFFFD800  }
0xc6: {  	[tilespmem:s1], [sflag:$0x3] =	stream.linear.gather [spmem:s14], $0x2800, $0x38;
	[tilespmem:$0x1F780] =	vst v63  }
0xc7: {  	_ =	swait.ge [sflag:s0], $0x2800  }
0xc8: {  	[sflag:s0] =	ssyncset.done $0x0  }
0xc9: {  	[sflag:s0] =	ssyncadd.s32 $0xFFFFD800  }
0xca: {  	[hbm4b:s23+s3] =	stream.linear.scatter [tilespmem:s1], [sflag:$0x2], $0x2800, $0x38;
	[tilespmem:$0x1F780] =	vst v63  }
0xcb: {  	_ =	swait.ge [sflag:s28], $0x2800  }
0xcc: {  	[sflag:s28] =	ssyncset.done $0x0  }
0xcd: {  	[sflag:s28] =	ssyncadd.s32 $0xFFFFD800  }
0xce: {  	_ =	swait.ge [sflag:s29], $0x2800  }
0xcf: {  	s25 =	sadd.s32 $0x1, s25;
	s26 =	rddreg [dreg:$0x6]  }
0xd0: {  	p0 =	sne.s32 s25, s26  }
.Ltmp2:
0xd1: {  	_ = 	snop;
	(pc) =	sbr.rel @p0 .LBB2_1-.Ltmp2, $3  }
0xd2: {  	_ =	sdelay $0x1  }
0xd3: {  	[sflag:s29] =	ssyncset.done $0x0  }
0xd4: {  	[sflag:s29] =	ssyncadd.s32 $0xFFFFD800  }
0xd5: {  	_ =	sfence.sel $0x180000  }
0xd6: {  	[bflag:$0x0] =	sbarrier.arrive $0xFFFF  }
0xd7: {  	_ =	strace $0x9000004A  }
0xd8: {  	s0 =	stileid.u32;
	[bflag:$0x2] =	sbarrier.arrive $0xFFFF  }
0xd9: {  	p0 =	sne.s32 s0, $0x0;
	s0 =	rddreg [dreg:$0x3]  }
0xda: {  	s0 =	sadd.s32 @!p0 $0x100000, s0  }
0xdb: {  	[sflag:s0] =	ssyncadd.tile.s32 @!p0 $0x1;
	_ =	shalt  }
.Lfunc_end2:
_tile_overlayer_lowered:
.L_overlay_start_2:
0xdc: {  	(tag) =	ssettag $0x2  }
0xdd: {  	s0 =	rddreg [dreg:$0x0];
	s2 =	stileid.u32  }
0xde: {  	s1 =	rddreg [dreg:$0x1];
	p0 =	sne.s32 s2, $0x0  }
0xdf: {  	s3 =	rddreg [dreg:$0x2];
	[bflag:$0x3] =	sbarrier.arrive $0xFFFF;
	s2 =	simm.s32 @!p0 $0x1C03  }
0xe0: {  	[timem:s3], [sflag:s2] =	dma.local @!p0 [hbm:s0], s1  }
0xe1: {  	s0 =	simm.s32 @!p0 $0x3  }
0xe2: {  	_ =	swait.ge @!p0 [sflag:s0], s1  }
0xe3: {  	s1 =	ssub.s32 @!p0 $0x0, s1;
	[sflag:s0] =	ssyncset.done @!p0 $0x0  }
0xe4: {  	[sflag:s0] =	ssyncadd.s32 @!p0 s1  }
0xe5: {  	[bflag:$0x3] =	sbarrier.arrive $0xFFFF  }
0xe6: {  	_ =	shalt  }

// kernel: kernel.22.cloned.1.call-start
scs
__scs_entry_jumppad:
0x0: {  	(pc) =	sbr.rel $0x88, $3  }
0x1: {  	(tag) =	ssettag $0x0;
	lr =	simm.s32 $0x1  }
0x2: {  	[smem:$0x3F95] =	sst lr;
	_ =	strace $0xD0000000  }
0x3: {  	_ = 	snop  }
0x4: {  	_ = 	snop  }
0x5: {  	_ = 	snop  }
0x6: {  	_ = 	snop  }
0x7: {  	_ = 	snop  }
__scs_overlays_trampoline_lowered:
0x8: {  	[smem:$0x3FA4] =	sst s0  }
0x9: {  	[smem:$0x3FA5] =	sst s1  }
0xa: {  	[smem:$0x3FA6] =	sst s2  }
0xb: {  	[smem:$0x3FA7] =	sst s3  }
0xc: {  	[smem:$0x3FA8] =	sst s4  }
0xd: {  	[smem:$0x3FA9] =	sst s5  }
0xe: {  	[smem:$0x3FAA] =	sst s6  }
0xf: {  	[smem:$0x3FAB] =	sst s7  }
0x10: {  	[smem:$0x3FAC] =	sst s8  }
0x11: {  	[smem:$0x3FAD] =	sst s9;
	s0 =	simm.s32 @!p0 $0x0  }
0x12: {  	s1 =	sld [smem:$0x3F93];
	s0 =	simm.s32 @p0 $0x1  }
0x13: {  	[smem:$0x3FAE] =	sst s0;
	s0 =	simm.s32 @!p1 $0x0  }
0x14: {  	s2 =	sld [smem:$0x3F92];
	s0 =	simm.s32 @p1 $0x1  }
0x15: {  	[smem:$0x3FAF] =	sst s0;
	s0 =	simm.s32 @!p2 $0x0  }
0x16: {  	s3 =	sld [smem:$0x3FDB];
	s0 =	simm.s32 @p2 $0x1  }
0x17: {  	s4 =	simm.s32 $0x1BF5;
	[smem:$0x3FB1] =	sst s0  }
0x18: {  	s0 =	sld [smem:$0x3F94];
	_ =	swait.ge [sflag:s4], $0x0  }
0x19: {  	s7 =	sld [smem:$0x3F95]  }
0x1a: {  	s8 =	sadd.s32 $0xFFFFE003, lr  }
0x1b: {  	s9 =	sadd.s32 $0xFFFFFEF7, lr;
	s5 =	simm.s32 $0xFFFFFFFF;
	p2 =	slt.u32 s8, $0xFFFFF086  }
0x1c: {  	p1 =	slt.u32 s9, $0xF7A;
	s5 =	simm.s32 @!p2 $0x0  }
0x1d: {  	s5 =	simm.s32 @p1 $0x1;
	p0 =	seq.s32 s7, s2  }
0x1e: {  	s7 =	smul.u32 @!p0 $0xF7A, s2;
	p2 =	seq.s32 @!p0 s5, $0x0  }
0x1f: {  	s9 =	smul.u32 $0xF7A, s1;
	s8 =	simm.s32 @!p0 $0x1BF5;
	p2 =	por !p2, p0  }
0x20: {  	[sflag:s8] =	ssyncset.s32 @!p0 $0xFFFFF086;
	s6 =	sadd.s32 @!p0 s3, s7;
	s7 =	simm.s32 @!p0 $0x108  }
0x21: {  	s3 =	sadd.s32 s3, s9;
	s6 =	sadd.s32 @!p0 $0x88, s6;
	s7 =	simm.s32 @p2 $0x1082  }
0x22: {  	[simem:s7], [sflag:s8] =	dma.local @!p0 [hbm:s6], $0xF7A  }
0x23: {  	s9 =	sor.u32 $0xD0000000, s2;
	s6 =	simm.s32 $0x108;
	_ =	swait.ge @!p0 [sflag:s8], $0x0  }
0x24: {  	s3 =	sadd.s32 $0x88, s3;
	s6 =	simm.s32 @!p1 $0x1082;
	[sflag:s4] =	ssyncset.s32 $0xFFFFF086  }
0x25: {  	[simem:s6], [sflag:s4] =	dma.local [hbm:s3], $0xF7A  }
0x26: {  	[smem:$0x3F95] =	sst s1;
	(tag) =	ssettag s2;
	_ =	strace s9  }
0x27: {  	s1 =	sld [smem:$0x3FA5]  }
0x28: {  	s2 =	sld [smem:$0x3FA6]  }
0x29: {  	s4 =	sld [smem:$0x3FA8]  }
0x2a: {  	p0 =	seq.s32 s5, $0x0;
	s5 =	sld [smem:$0x3FA9]  }
0x2b: {  	s6 =	sld [smem:$0x3FAA]  }
0x2c: {  	s7 =	sld [smem:$0x3FAB]  }
0x2d: {  	s3 =	simm.s32 $0x108;
	s8 =	sld [smem:$0x3FAC]  }
0x2e: {  	s3 =	simm.s32 @!p0 $0x1082;
	s9 =	sld [smem:$0x3FAD]  }
0x2f: {  	lr =	sadd.s32 s0, s3;
	s0 =	sld [smem:$0x3FA4]  }
0x30: {  	s3 =	sld [smem:$0x3FA7]  }
0x31: {  	[smem:$0x3FB0] =	sst s10  }
0x32: {  	s10 =	sld [smem:$0x3FAE];
	_ =	sdelay $0x3  }
0x33: {  	p0 =	seq.s32 s10, $0x1;
	s10 =	sld [smem:$0x3FB0];
	_ =	sdelay $0x3  }
0x34: {  	[smem:$0x3FB0] =	sst s10  }
0x35: {  	s10 =	sld [smem:$0x3FAF];
	_ =	sdelay $0x3  }
0x36: {  	p1 =	seq.s32 s10, $0x1;
	s10 =	sld [smem:$0x3FB0];
	_ =	sdelay $0x3  }
0x37: {  	[smem:$0x3FB0] =	sst s10  }
0x38: {  	s10 =	sld [smem:$0x3FB1]  }
0x39: {  	_ = 	snop;
	(pc) =	sbr.ind lr, $3  }
0x3a: {  	_ = 	snop  }
0x3b: {  	_ = 	snop  }
0x3c: {  	p2 =	seq.s32 s10, $0x1;
	s10 =	sld [smem:$0x3FB0]  }
0x3d: {  	_ =	shalt  }
0x3e: {  	_ =	shalt  }
0x3f: {  	_ =	shalt  }
0x40: {  	_ =	shalt  }
0x41: {  	_ =	shalt  }
0x42: {  	_ =	shalt  }
0x43: {  	_ =	shalt  }
0x44: {  	_ =	shalt  }
0x45: {  	_ =	shalt  }
0x46: {  	_ =	shalt  }
0x47: {  	_ =	shalt  }
0x48: {  	_ =	shalt  }
0x49: {  	_ =	shalt  }
0x4a: {  	_ =	shalt  }
0x4b: {  	_ =	shalt  }
0x4c: {  	_ =	shalt  }
0x4d: {  	_ =	shalt  }
0x4e: {  	_ =	shalt  }
0x4f: {  	_ =	shalt  }
0x50: {  	_ =	shalt  }
0x51: {  	_ =	shalt  }
0x52: {  	_ =	shalt  }
0x53: {  	_ =	shalt  }
0x54: {  	_ =	shalt  }
0x55: {  	_ =	shalt  }
0x56: {  	_ =	shalt  }
0x57: {  	_ =	shalt  }
0x58: {  	_ =	shalt  }
0x59: {  	_ =	shalt  }
0x5a: {  	_ =	shalt  }
0x5b: {  	_ =	shalt  }
0x5c: {  	_ =	shalt  }
0x5d: {  	_ =	shalt  }
0x5e: {  	_ =	shalt  }
0x5f: {  	_ =	shalt  }
0x60: {  	_ =	shalt  }
0x61: {  	_ =	shalt  }
0x62: {  	_ =	shalt  }
0x63: {  	_ =	shalt  }
0x64: {  	_ =	shalt  }
0x65: {  	_ =	shalt  }
0x66: {  	_ =	shalt  }
0x67: {  	_ =	shalt  }
0x68: {  	_ =	shalt  }
0x69: {  	_ =	shalt  }
0x6a: {  	_ =	shalt  }
0x6b: {  	_ =	shalt  }
0x6c: {  	_ =	shalt  }
0x6d: {  	_ =	shalt  }
0x6e: {  	_ =	shalt  }
0x6f: {  	_ =	shalt  }
0x70: {  	_ =	shalt  }
0x71: {  	_ =	shalt  }
0x72: {  	_ =	shalt  }
0x73: {  	_ =	shalt  }
0x74: {  	_ =	shalt  }
0x75: {  	_ =	shalt  }
0x76: {  	_ =	shalt  }
0x77: {  	_ =	shalt  }
0x78: {  	_ =	shalt  }
0x79: {  	_ =	shalt  }
0x7a: {  	_ =	shalt  }
0x7b: {  	_ =	shalt  }
0x7c: {  	_ =	shalt  }
0x7d: {  	_ =	shalt  }
0x7e: {  	_ =	shalt  }
0x7f: {  	_ =	shalt  }
0x80: {  	_ =	shalt  }
0x81: {  	_ =	shalt  }
0x82: {  	_ =	shalt  }
0x83: {  	_ =	shalt  }
0x84: {  	_ =	shalt  }
0x85: {  	_ =	shalt  }
0x86: {  	_ =	shalt  }
0x87: {  	_ =	shalt  }
.Lfunc_end0:
.L_simem_size_0:
called_computation.2_lowered:
.L_overlay_start_0:
0x88: {  	s2 =	sld [smem:$0x3FD9]  }
0x89: {  	s3 =	sld [smem:$0x3FFE];
	_ =	sdelay $0x1  }
0x8a: {  	s1 =	srdreg.scid  }
0x8b: {  	s0 =	sand.u32 $0x1, s1  }
0x8c: {  	s17 =	sshll.u32 s0, $0xA;
	s2 =	sadd.s32 s3, s2  }
0x8d: {  	s2 =	sadd.s32 s2, s17  }
0x8e: {  	[smem:$0x3FBC] =	sst s2  }
0x8f: {  	_ = 	snop  }
0x90: {  	s2 =	sld [smem:$0x3FD0];
	(tm) =	ssettm $0x1  }
0x91: {  	s18 =	sld [smem:$0x3FFB];
	_ =	sdelay $0x3  }
0x92: {  	_ =	strace s18  }
0x93: {  	s3 =	sld [smem:$0x3FFC];
	_ =	sdelay $0x3  }
0x94: {  	_ =	strace s3  }
0x95: {  	s3 =	sld [smem:$0x3FFD];
	_ =	sdelay $0x3  }
0x96: {  	_ =	strace s3  }
0x97: {  	_ =	strace $0x8FFFFFFF  }
0x98: {  	s19 =	sld [smem:$0x3FDB];
	_ =	sdelay $0x1  }
0x99: {  	s4 =	simm.s32 $_scs_section_size  }
0x9a: {  	s5 =	simm.s32 $_size__tile_overlayer_lowered;
	s6 =	simm.s32 $_tile_overlayer_lowered  }
0x9b: {  	s22 =	simm.s32 $0x1BFF;
	s21 =	sshll.u32 s6, $0x1;
	s3 =	sadd.s32 s4, s19  }
0x9c: {  	s7 =	simm.s32 $0x0;
	s20 =	sshll.u32 s5, $0x1;
	s5 =	sadd.s32 s21, s3  }
0x9d: {  	[timem:s7], [sflag:s22] =	dma.local [hbm:s5], s20  }
0x9e: {  	_ =	swait.ge [sflag:s22], s20  }
0x9f: {  	s4 =	ssub.s32 $0x0, s20;
	[sflag:s22] =	ssyncset.done $0x0  }
0xa0: {  	[sflag:s22] =	ssyncadd.s32 s4;
	_ =	sdelay $0x1  }
0xa1: {  	s23 =	simm.s32 $0x1B8B  }
0xa2: {  	_ =	swait.ge [sflag:s23], $0x1  }
0xa3: {  	[sflag:s23] =	ssyncset.done $0x0  }
0xa4: {  	s25 =	simm.s32 $0x1B8E;
	s24 =	sld [smem:$0x3FFE];
	[sflag:s23] =	ssyncadd.s32 $0xFFFFFFFF  }
0xa5: {  	s26 =	simm.s32 $execute0_lowered;
	[smem:$0x3FD2] =	sst s25  }
0xa6: {  	s5 =	sshll.u32 s26, $0x1;
	_ =	strace $0x8000004C;
	[dreg:$0x1] =	wrdreg $0xFFFFFFFF  }
0xa7: {  	s28 =	simm.s32 $_size_execute0_lowered;
	s3 =	sadd.s32 s3, s5;
	[dreg:$0x0] =	wrdreg $0x0  }
0xa8: {  	s5 =	sshll.u32 s28, $0x1;
	[dreg:$0x2] =	wrdreg s3  }
0xa9: {  	[dreg:$0x3] =	wrdreg s5  }
0xaa: {  	[dreg:$0x4] =	wrdreg $0xC0  }
0xab: {  	_ =	task [dreg:s7], $0x5FFFF  }
0xac: {  	[dreg:$0x1] =	wrdreg $0xFFFFFFFF  }
0xad: {  	[dreg:$0x0] =	wrdreg $0x60  }
0xae: {  	[dreg:$0x2] =	wrdreg s24  }
0xaf: {  	[dreg:$0x3] =	wrdreg s2  }
0xb0: {  	[dreg:$0x4] =	wrdreg $0xB7800  }
0xb1: {  	[dreg:$0x5] =	wrdreg $0x9  }
0xb2: {  	_ =	task.clear_ibuf [dreg:s7], $0x6FFFF;
	_ =	strace $0x9000004C  }
0xb3: {  	s29 =	simm.s32 $0x9;
	_ =	strace $0x8000004E  }
0xb4: {  	_ =	swait.ge [sflag:s29], $0x1  }
0xb5: {  	[sflag:s29] =	ssyncadd.s32 $0xFFFFFFFF  }
0xb6: {  	_ =	strace $0x9000004E  }
0xb7: {  	_ =	sfence  }
0xb8: {  	s30 =	sld [smem:$0x0];
	_ =	sdelay $0x2  }
0xb9: {  	s31 =	sshll.u32 s1, $0xD;
	s1 =	sshrl.u32 s1, $0x2  }
0xba: {  	s3 =	sand.u32 $0x4000, s31;
	s1 =	sadd.s32 s1, s30  }
0xbb: {  	s0 =	sor.u32 s3, s0;
	s1 =	sshll.u32 s1, $0x11  }
0xbc: {  	s0 =	sor.u32 s1, s0  }
0xbd: {  	s0 =	sadd.s32 $0x8F2B, s0  }
0xbe: {  	[sflag:s0] =	ssyncadd.remote.s32 $0x1  }
0xbf: {  	_ =	sfence.sel $0xFFFF  }
0xc0: {  	[dreg:$0x0] =	wrdreg $0xFFFFFFFF;
	(pc) =	sbr.abs _section_cstart, $3  }
0xc1: {  	[dreg:$0x1] =	wrdreg $0xFFFFFFFF  }
0xc2: {  	_ =	task.clear_ibuf [dreg:s7], $0x2FFFF;
	_ =	strace $0x9FFFFFFF  }
0xc3: {  	(tm) =	ssettm $0x7FFFFFFF  }
tec
execute0_lowered:
.L_overlay_start_1:
0x0: {  	(tag) =	ssettag $0x1  }
0x1: {  	s0 =	rddreg [dreg:$0x0]  }
0x2: {  	s1 =	rddreg [dreg:$0x1];
	s3 =	srdreg.scid  }
0x3: {  	s22 =	stileid.u32;
	s2 =	rddreg [dreg:$0x2];
	s29 =	simm.s32 $0x2  }
0x4: {  	s30 =	simm.s32 $0x50;
	s31 =	simm.s32 $0x6780;
	s5 =	sand.u32 $0x1, s3  }
0x5: {  	s18 =	sshll.u32 s22, $0x1;
	s4 =	sshrl.u32 s22, $0x2;
	s12 =	smul.u32 $0x280, s22  }
0x6: {  	s3 =	simm.s32 $0x0;
	s10 =	smul.u32 $0x50000, s22;
	s6 =	sor.u32 s5, s18  }
0x7: {  	s4 =	smul.u32 $0x13C00, s4;
	[smem:$0x7FF] =	sst s3;
	s19 =	ssub.s32 $0x2, s5  }
0x8: {  	p0 =	seq.s32 s5, $0x0;
	s5 =	smul.u32 $0x2800, s22;
	s7 =	sshll.u32 s6, $0x7  }
0x9: {  	_ =	strace $0x8000004D;
	s9 =	sshrl.u32 s19, $0x1;
	s6 =	sshll.u32 s6, $0xB  }
0xa: {  	s21 =	sshrl.u32 s10, $0x2;
	s16 =	sor.u32 $0x50, s12;
	s24 =	sadd.s32 $0xA0, s12  }
0xb: {  	s17 =	sadd.s32 $0xF0, s12;
	s18 =	sadd.s32 $0x140, s12;
	s7 =	sand.u32 $0x380, s7  }
0xc: {  	s15 =	ssub.s32 s19, s9;
	s1 =	sadd.s32 s1, s6;
	s23 =	sshll.u32 s16, $0x7  }
0xd: {  	s25 =	sshll.u32 s24, $0x7;
	s26 =	sshll.u32 s17, $0x7;
	s11 =	sshll.u32 s18, $0x7  }
0xe: {  	s19 =	sadd.s32 $0x190, s12;
	s22 =	sshll.u32 s16, $0x4;
	s16 =	simm.s32 $0x94400  }
0xf: {  	s4 =	sor.u32 s4, s7;
	[dreg:$0x5] =	wrdreg s1;
	s7 =	sadd.s32 s21, s2  }
0x10: {  	s9 =	sadd.s32 s25, s2;
	s10 =	sadd.s32 s26, s2;
	s11 =	sadd.s32 s11, s2  }
0x11: {  	s13 =	sshll.u32 s19, $0x7;
	s21 =	sadd.s32 $0x230, s12;
	s1 =	sshll.u32 s24, $0x4  }
0x12: {  	s24 =	sshll.u32 s18, $0x4;
	s16 =	simm.s32 @!p0 $0xBC400;
	s25 =	sshll.u32 s19, $0x4  }
0x13: {  	s4 =	sshrl.u32 s4, $0x3;
	s6 =	sshll.u32 s21, $0x7;
	s28 =	sshll.u32 s21, $0x4  }
0x14: {  	s21 =	smax.u32 s15, $0x1;
	s8 =	sadd.s32 s4, s0;
	s4 =	sadd.s32 $0x6C400, s0  }
0x15: {  	s0 =	sadd.s32 s16, s0;
	[dreg:$0x6] =	wrdreg s21;
	s20 =	sadd.s32 $0x12600, s8  }
0x16: {  	s8 =	sadd.s32 s23, s2;
	s23 =	sshll.u32 s17, $0x4;
	s16 =	sadd.s32 s0, s5  }
0x17: {  	s17 =	sadd.s32 s0, s22;
	s18 =	sadd.s32 s0, s1;
	s21 =	sadd.s32 s0, s25  }
0x18: {  	s1 =	simm.s32 $0x8F80;
	s25 =	simm.s32 $0x0;
	[dreg:$0x4] =	wrdreg s20  }
0x19: {  	s20 =	sadd.s32 $0x1E0, s12;
	s12 =	sadd.s32 s13, s2;
	s19 =	sadd.s32 s0, s23  }
0x1a: {  	s23 =	sadd.s32 s0, s28;
	s28 =	simm.s32 $0x1;
	s14 =	sshll.u32 s20, $0x7  }
0x1b: {  	s26 =	sshll.u32 s20, $0x4;
	s20 =	sadd.s32 s0, s24;
	s13 =	sadd.s32 s14, s2  }
0x1c: {  	v0 =	vimm.f32 $0.0e+00;
	s14 =	sadd.s32 s6, s2;
	s22 =	sadd.s32 s0, s26;
	s0 =	simm.s32 $0x3  }
.LBB2_1:
0x1d: {  	s5 =	rddreg [dreg:$0x4];
	s6 =	simm.s32 $0x80;
	s15 =	simm.s32 $0x400  }
0x1e: {  	[tilespmem:s3], [sflag:$0x1] =	stream.strided.gather [hbm4b:s5+s6], $0x2780, s15, s6, $0x38;
	[tilespmem:$0x1F780] =	vst v63  }
0x1f: {  	s24 =	simm.s32 $0x2780;
	s15 =	rddreg [dreg:$0x5]  }
0x20: {  	[tilespmem:s24], [sflag:$0x2] =	stream.linear.gather [hbm4b:s15+s3], $0x3E80, $0x38;
	[tilespmem:$0x1F780] =	vst v63  }
0x21: {  	_ =	swait.ge [sflag:s28], $0x2780  }
0x22: {  	[sflag:s28] =	ssyncset.done $0x0  }
0x23: {  	s26 =	sand.u32 $0xFE00, s3;
	[sflag:s28] =	ssyncadd.s32 $0xFFFFD880  }
0x24: {  	s26 =	sshrl.u32 s26, $0x2;
	_ =	swait.ge [sflag:s29], $0x3E80  }
0x25: {  	s5 =	simm.s32 $0x40;
	s24 =	sand.u32 $0x70, s3;
	[sflag:s29] =	ssyncset.done $0x0  }
0x26: {  	s26 =	sor.u32 s24, s26;
	s24 =	simm.s32 $0x0;
	[sflag:s29] =	ssyncadd.s32 $0xFFFFC180  }
0x27: {  	[tilespmem:s31], [sflag:$0x1] =	stream.indirect.gather [hbm4b:s4+s30], $0x80, s3, s30, $0xb8;
	[tilespmem:$0x1F780] =	vst v63  }
.LBB2_2:
0x28: {  	p0 =	sne.s32 s5, $0x9FC0  }
0x29: {  	[tilespmem:s26+$0x8F80] =	vst v0;
	s24 =	sadd.s32 $0x10, s24;
	s26 =	smov.u32 s5;
	s5 =	sadd.s32 $0x40, s5  }
.Ltmp0:
0x2a: {  	(pc) =	sbr.rel @p0 .LBB2_2-.Ltmp0, $4  }
0x2b: {  	_ = 	snop  }
0x2c: {  	s26 =	sand.u32 $0xFE00, s26  }
0x2d: {  	s6 =	sand.u32 $0x70, s24;
	s26 =	sshrl.u32 s26, $0x2  }
0x2e: {  	s26 =	sor.u32 s6, s26  }
0x2f: {  	[tilespmem:s26+$0x8F80] =	vst v0  }
0x30: {  	[spmem:s7] =	stream.linear.scatter [tilespmem:s1], [sflag:$0x2], $0x2800, $0x38;
	[tilespmem:$0x1F780] =	vst v63  }
0x31: {  	_ = 	snop  }
0x32: {  	[spmem:s8] =	stream.linear.scatter [tilespmem:s1], [sflag:$0x2], $0x2800, $0x38;
	[tilespmem:$0x1F780] =	vst v63  }
0x33: {  	_ = 	snop  }
0x34: {  	[spmem:s9] =	stream.linear.scatter [tilespmem:s1], [sflag:$0x2], $0x2800, $0x38;
	[tilespmem:$0x1F780] =	vst v63  }
0x35: {  	_ = 	snop  }
0x36: {  	[spmem:s10] =	stream.linear.scatter [tilespmem:s1], [sflag:$0x2], $0x2800, $0x38;
	[tilespmem:$0x1F780] =	vst v63  }
0x37: {  	_ = 	snop  }
0x38: {  	[spmem:s11] =	stream.linear.scatter [tilespmem:s1], [sflag:$0x2], $0x2800, $0x38;
	[tilespmem:$0x1F780] =	vst v63  }
0x39: {  	_ = 	snop  }
0x3a: {  	[spmem:s12] =	stream.linear.scatter [tilespmem:s1], [sflag:$0x2], $0x2800, $0x38;
	[tilespmem:$0x1F780] =	vst v63  }
0x3b: {  	_ = 	snop  }
0x3c: {  	[spmem:s13] =	stream.linear.scatter [tilespmem:s1], [sflag:$0x2], $0x2800, $0x38;
	[tilespmem:$0x1F780] =	vst v63  }
0x3d: {  	_ = 	snop  }
0x3e: {  	[spmem:s14] =	stream.linear.scatter [tilespmem:s1], [sflag:$0x2], $0x2800, $0x38;
	[tilespmem:$0x1F780] =	vst v63  }
0x3f: {  	_ =	swait.ge [sflag:s29], $0x2800  }
0x40: {  	[sflag:s29] =	ssyncset.done $0x0  }
0x41: {  	[sflag:s29] =	ssyncadd.s32 $0xFFFFD800  }
0x42: {  	_ =	swait.ge [sflag:s29], $0x2800  }
0x43: {  	[sflag:s29] =	ssyncset.done $0x0  }
0x44: {  	[sflag:s29] =	ssyncadd.s32 $0xFFFFD800  }
0x45: {  	_ =	swait.ge [sflag:s29], $0x2800  }
0x46: {  	[sflag:s29] =	ssyncset.done $0x0  }
0x47: {  	[sflag:s29] =	ssyncadd.s32 $0xFFFFD800  }
0x48: {  	_ =	swait.ge [sflag:s29], $0x2800  }
0x49: {  	[sflag:s29] =	ssyncset.done $0x0  }
0x4a: {  	[sflag:s29] =	ssyncadd.s32 $0xFFFFD800  }
0x4b: {  	_ =	swait.ge [sflag:s29], $0x2800  }
0x4c: {  	[sflag:s29] =	ssyncset.done $0x0  }
0x4d: {  	[sflag:s29] =	ssyncadd.s32 $0xFFFFD800  }
0x4e: {  	_ =	swait.ge [sflag:s29], $0x2800  }
0x4f: {  	[sflag:s29] =	ssyncset.done $0x0  }
0x50: {  	[sflag:s29] =	ssyncadd.s32 $0xFFFFD800  }
0x51: {  	_ =	swait.ge [sflag:s29], $0x2800  }
0x52: {  	[sflag:s29] =	ssyncset.done $0x0  }
0x53: {  	[sflag:s29] =	ssyncadd.s32 $0xFFFFD800  }
0x54: {  	_ =	swait.ge [sflag:s29], $0x2800  }
0x55: {  	[sflag:s29] =	ssyncset.done $0x0  }
0x56: {  	[sflag:s29] =	ssyncadd.s32 $0xFFFFD800  }
0x57: {  	s5 =	simm.s32 $0x50;
	[bflag:$0x0] =	sbarrier.arrive $0xFFFF  }
0x58: {  	[tilespmem:s1], [sflag:$0x2] =	stream.indirect.gather [hbm4b:s4+s30], $0x80, s5, s30, $0xb8;
	[tilespmem:$0x1F780] =	vst v63  }
0x59: {  	_ =	swait.ge [sflag:s28], $0x2800  }
0x5a: {  	[sflag:s28] =	ssyncset.done $0x0  }
0x5b: {  	s15 =	simm.s32 $0x2780;
	[sflag:s28] =	ssyncadd.s32 $0xFFFFD800  }
0x5c: {  	[spmem:s2] =	stream.indirect.scatter.add.f32 [tilespmem:s31], [sflag:$0x3], $0x80, s15, s30, $0xb8;
	[tilespmem:$0x1F780] =	vst v63  }
0x5d: {  	_ =	swait.ge [sflag:s0], $0x2800  }
0x5e: {  	[sflag:s0] =	ssyncset.done $0x0  }
0x5f: {  	s24 =	simm.s32 $0xA0;
	[sflag:s0] =	ssyncadd.s32 $0xFFFFD800  }
0x60: {  	[tilespmem:s31], [sflag:$0x1] =	stream.indirect.gather [hbm4b:s4+s30], $0x80, s24, s30, $0xb8;
	[tilespmem:$0x1F780] =	vst v63  }
0x61: {  	_ =	swait.ge [sflag:s29], $0x2800  }
0x62: {  	[sflag:s29] =	ssyncset.done $0x0  }
0x63: {  	s26 =	simm.s32 $0x2800;
	[sflag:s29] =	ssyncadd.s32 $0xFFFFD800  }
0x64: {  	[spmem:s2] =	stream.indirect.scatter.add.f32 [tilespmem:s1], [sflag:$0x3], $0x80, s26, s30, $0xb8;
	[tilespmem:$0x1F780] =	vst v63  }
0x65: {  	s5 =	simm.s32 $0x800;
	_ =	swait.ge [sflag:s0], $0x2800  }
0x66: {  	s24 =	simm.s32 $0x400;
	s26 =	simm.s32 $0x140;
	[sflag:s0] =	ssyncset.done $0x0  }
.LBB2_4:
0x67: {  	p0 =	sne.s32 s5, $0xF400;
	s6 =	sadd.s32 $0xFFFFFFB0, s26;
	[sflag:s0] =	ssyncadd.s32 $0xFFFFD800  }
0x68: {  	[tilespmem:s1], [sflag:$0x2] =	stream.indirect.gather [hbm4b:s4+s30], $0x80, s6, s30, $0xb8;
	[tilespmem:$0x1F780] =	vst v63  }
0x69: {  	s6 =	smov.u32 s5;
	s5 =	sadd.s32 $0x400, s5;
	_ =	swait.ge [sflag:s28], $0x2800  }
0x6a: {  	s15 =	sshra.s32 s24, $0x2;
	s24 =	smov.u32 s6;
	[sflag:s28] =	ssyncset.done $0x0  }
0x6b: {  	s6 =	sadd.s32 $0x2780, s15;
	[sflag:s28] =	ssyncadd.s32 $0xFFFFD800  }
0x6c: {  	[spmem:s2] =	stream.indirect.scatter.add.f32 [tilespmem:s31], [sflag:$0x3], $0x80, s6, s30, $0xb8;
	[tilespmem:$0x1F780] =	vst v63  }
0x6d: {  	_ =	swait.ge [sflag:s0], $0x2800  }
0x6e: {  	[sflag:s0] =	ssyncset.done $0x0  }
0x6f: {  	[sflag:s0] =	ssyncadd.s32 $0xFFFFD800  }
0x70: {  	[tilespmem:s31], [sflag:$0x1] =	stream.indirect.gather [hbm4b:s4+s30], $0x80, s26, s30, $0xb8;
	[tilespmem:$0x1F780] =	vst v63  }
0x71: {  	_ =	swait.ge [sflag:s29], $0x2800  }
.Ltmp1:
0x72: {  	[sflag:s29] =	ssyncset.done $0x0;
	(pc) =	sbr.rel @p0 .LBB2_4-.Ltmp1, $4  }
0x73: {  	s6 =	sadd.s32 $0x2800, s15;
	[sflag:s29] =	ssyncadd.s32 $0xFFFFD800  }
0x74: {  	[spmem:s2] =	stream.indirect.scatter.add.f32 [tilespmem:s1], [sflag:$0x3], $0x80, s6, s30, $0xb8;
	[tilespmem:$0x1F780] =	vst v63  }
0x75: {  	_ =	swait.ge [sflag:s0], $0x2800  }
0x76: {  	s26 =	sadd.s32 $0xA0, s26;
	[sflag:s0] =	ssyncset.done $0x0  }
0x77: {  	s5 =	sadd.s32 $0xFFFFFFB0, s26;
	[sflag:s0] =	ssyncadd.s32 $0xFFFFD800  }
0x78: {  	[tilespmem:s1], [sflag:$0x2] =	stream.indirect.gather [hbm4b:s4+s30], $0x80, s5, s30, $0xb8;
	[tilespmem:$0x1F780] =	vst v63  }
0x79: {  	_ =	swait.ge [sflag:s28], $0x2800  }
0x7a: {  	s15 =	sshra.s32 s24, $0x2;
	[sflag:s28] =	ssyncset.done $0x0  }
0x7b: {  	s6 =	sadd.s32 $0x2780, s15;
	[sflag:s28] =	ssyncadd.s32 $0xFFFFD800  }
0x7c: {  	[spmem:s2] =	stream.indirect.scatter.add.f32 [tilespmem:s31], [sflag:$0x3], $0x80, s6, s30, $0xb8;
	[tilespmem:$0x1F780] =	vst v63  }
0x7d: {  	_ =	swait.ge [sflag:s0], $0x2800  }
0x7e: {  	[sflag:s0] =	ssyncset.done $0x0  }
0x7f: {  	[sflag:s0] =	ssyncadd.s32 $0xFFFFD800  }
0x80: {  	[tilespmem:s31], [sflag:$0x1] =	stream.indirect.gather [hbm4b:s4+s30], $0x80, s26, s30, $0xb8;
	[tilespmem:$0x1F780] =	vst v63  }
0x81: {  	_ =	swait.ge [sflag:s29], $0x2800  }
0x82: {  	[sflag:s29] =	ssyncset.done $0x0  }
0x83: {  	s5 =	sadd.s32 $0x2800, s15;
	[sflag:s29] =	ssyncadd.s32 $0xFFFFD800  }
0x84: {  	[spmem:s2] =	stream.indirect.scatter.add.f32 [tilespmem:s1], [sflag:$0x3], $0x80, s5, s30, $0xb8;
	[tilespmem:$0x1F780] =	vst v63  }
0x85: {  	_ =	swait.ge [sflag:s0], $0x2800  }
0x86: {  	[sflag:s0] =	ssyncset.done $0x0  }
0x87: {  	[sflag:s0] =	ssyncadd.s32 $0xFFFFD800  }
0x88: {  	_ =	swait.ge [sflag:s28], $0x2800  }
0x89: {  	[sflag:s28] =	ssyncset.done $0x0  }
0x8a: {  	s24 =	simm.s32 $0x6580;
	[sflag:s28] =	ssyncadd.s32 $0xFFFFD800  }
0x8b: {  	[spmem:s2] =	stream.indirect.scatter.add.f32 [tilespmem:s31], [sflag:$0x3], $0x80, s24, s30, $0xb8;
	[tilespmem:$0x1F780] =	vst v63  }
0x8c: {  	_ =	swait.ge [sflag:s0], $0x2800  }
0x8d: {  	[sflag:s0] =	ssyncset.done $0x0  }
0x8e: {  	[sflag:s0] =	ssyncadd.s32 $0xFFFFD800  }
0x8f: {  	[bflag:$0x0] =	sbarrier.arrive $0xFFFF  }
0x90: {  	[tilespmem:s31], [sflag:$0x3] =	stream.linear.gather [spmem:s7], $0x2800, $0x38;
	[tilespmem:$0x1F780] =	vst v63  }
0x91: {  	_ =	swait.ge [sflag:s0], $0x2800  }
0x92: {  	[sflag:s0] =	ssyncset.done $0x0  }
0x93: {  	[sflag:s0] =	ssyncadd.s32 $0xFFFFD800  }
0x94: {  	[hbm4b:s16+s3] =	stream.linear.scatter [tilespmem:s31], [sflag:$0x1], $0x2800, $0x38;
	[tilespmem:$0x1F780] =	vst v63  }
0x95: {  	_ = 	snop  }
0x96: {  	[tilespmem:s1], [sflag:$0x3] =	stream.linear.gather [spmem:s8], $0x2800, $0x38;
	[tilespmem:$0x1F780] =	vst v63  }
0x97: {  	_ =	swait.ge [sflag:s0], $0x2800  }
0x98: {  	[sflag:s0] =	ssyncset.done $0x0  }
0x99: {  	[sflag:s0] =	ssyncadd.s32 $0xFFFFD800  }
0x9a: {  	[hbm4b:s17+s3] =	stream.linear.scatter [tilespmem:s1], [sflag:$0x2], $0x2800, $0x38;
	[tilespmem:$0x1F780] =	vst v63  }
0x9b: {  	_ =	swait.ge [sflag:s28], $0x2800  }
0x9c: {  	[sflag:s28] =	ssyncset.done $0x0  }
0x9d: {  	[sflag:s28] =	ssyncadd.s32 $0xFFFFD800  }
0x9e: {  	[tilespmem:s31], [sflag:$0x3] =	stream.linear.gather [spmem:s9], $0x2800, $0x38;
	[tilespmem:$0x1F780] =	vst v63  }
0x9f: {  	_ =	swait.ge [sflag:s0], $0x2800  }
0xa0: {  	[sflag:s0] =	ssyncset.done $0x0  }
0xa1: {  	[sflag:s0] =	ssyncadd.s32 $0xFFFFD800  }
0xa2: {  	[hbm4b:s18+s3] =	stream.linear.scatter [tilespmem:s31], [sflag:$0x1], $0x2800, $0x38;
	[tilespmem:$0x1F780] =	vst v63  }
0xa3: {  	_ =	swait.ge [sflag:s29], $0x2800  }
0xa4: {  	[sflag:s29] =	ssyncset.done $0x0  }
0xa5: {  	[sflag:s29] =	ssyncadd.s32 $0xFFFFD800  }
0xa6: {  	[tilespmem:s1], [sflag:$0x3] =	stream.linear.gather [spmem:s10], $0x2800, $0x38;
	[tilespmem:$0x1F780] =	vst v63  }
0xa7: {  	_ =	swait.ge [sflag:s0], $0x2800  }
0xa8: {  	[sflag:s0] =	ssyncset.done $0x0  }
0xa9: {  	[sflag:s0] =	ssyncadd.s32 $0xFFFFD800  }
0xaa: {  	[hbm4b:s19+s3] =	stream.linear.scatter [tilespmem:s1], [sflag:$0x2], $0x2800, $0x38;
	[tilespmem:$0x1F780] =	vst v63  }
0xab: {  	_ =	swait.ge [sflag:s28], $0x2800  }
0xac: {  	[sflag:s28] =	ssyncset.done $0x0  }
0xad: {  	[sflag:s28] =	ssyncadd.s32 $0xFFFFD800  }
0xae: {  	[tilespmem:s31], [sflag:$0x3] =	stream.linear.gather [spmem:s11], $0x2800, $0x38;
	[tilespmem:$0x1F780] =	vst v63  }
0xaf: {  	_ =	swait.ge [sflag:s0], $0x2800  }
0xb0: {  	[sflag:s0] =	ssyncset.done $0x0  }
0xb1: {  	[sflag:s0] =	ssyncadd.s32 $0xFFFFD800  }
0xb2: {  	[hbm4b:s20+s3] =	stream.linear.scatter [tilespmem:s31], [sflag:$0x1], $0x2800, $0x38;
	[tilespmem:$0x1F780] =	vst v63  }
0xb3: {  	_ =	swait.ge [sflag:s29], $0x2800  }
0xb4: {  	[sflag:s29] =	ssyncset.done $0x0  }
0xb5: {  	[sflag:s29] =	ssyncadd.s32 $0xFFFFD800  }
0xb6: {  	[tilespmem:s1], [sflag:$0x3] =	stream.linear.gather [spmem:s12], $0x2800, $0x38;
	[tilespmem:$0x1F780] =	vst v63  }
0xb7: {  	_ =	swait.ge [sflag:s0], $0x2800  }
0xb8: {  	[sflag:s0] =	ssyncset.done $0x0  }
0xb9: {  	[sflag:s0] =	ssyncadd.s32 $0xFFFFD800  }
0xba: {  	[hbm4b:s21+s3] =	stream.linear.scatter [tilespmem:s1], [sflag:$0x2], $0x2800, $0x38;
	[tilespmem:$0x1F780] =	vst v63  }
0xbb: {  	_ =	swait.ge [sflag:s28], $0x2800  }
0xbc: {  	[sflag:s28] =	ssyncset.done $0x0  }
0xbd: {  	[sflag:s28] =	ssyncadd.s32 $0xFFFFD800  }
0xbe: {  	[tilespmem:s31], [sflag:$0x3] =	stream.linear.gather [spmem:s13], $0x2800, $0x38;
	[tilespmem:$0x1F780] =	vst v63  }
0xbf: {  	_ =	swait.ge [sflag:s0], $0x2800  }
0xc0: {  	[sflag:s0] =	ssyncset.done $0x0  }
0xc1: {  	[sflag:s0] =	ssyncadd.s32 $0xFFFFD800  }
0xc2: {  	[hbm4b:s22+s3] =	stream.linear.scatter [tilespmem:s31], [sflag:$0x1], $0x2800, $0x38;
	[tilespmem:$0x1F780] =	vst v63  }
0xc3: {  	_ =	swait.ge [sflag:s29], $0x2800  }
0xc4: {  	[sflag:s29] =	ssyncset.done $0x0  }
0xc5: {  	[sflag:s29] =	ssyncadd.s32 $0xFFFFD800  }
0xc6: {  	[tilespmem:s1], [sflag:$0x3] =	stream.linear.gather [spmem:s14], $0x2800, $0x38;
	[tilespmem:$0x1F780] =	vst v63  }
0xc7: {  	_ =	swait.ge [sflag:s0], $0x2800  }
0xc8: {  	[sflag:s0] =	ssyncset.done $0x0  }
0xc9: {  	[sflag:s0] =	ssyncadd.s32 $0xFFFFD800  }
0xca: {  	[hbm4b:s23+s3] =	stream.linear.scatter [tilespmem:s1], [sflag:$0x2], $0x2800, $0x38;
	[tilespmem:$0x1F780] =	vst v63  }
0xcb: {  	_ =	swait.ge [sflag:s28], $0x2800  }
0xcc: {  	[sflag:s28] =	ssyncset.done $0x0  }
0xcd: {  	[sflag:s28] =	ssyncadd.s32 $0xFFFFD800  }
0xce: {  	_ =	swait.ge [sflag:s29], $0x2800  }
0xcf: {  	s25 =	sadd.s32 $0x1, s25;
	s26 =	rddreg [dreg:$0x6]  }
0xd0: {  	p0 =	sne.s32 s25, s26  }
.Ltmp2:
0xd1: {  	_ = 	snop;
	(pc) =	sbr.rel @p0 .LBB2_1-.Ltmp2, $3  }
0xd2: {  	_ =	sdelay $0x1  }
0xd3: {  	[sflag:s29] =	ssyncset.done $0x0  }
0xd4: {  	[sflag:s29] =	ssyncadd.s32 $0xFFFFD800  }
0xd5: {  	_ =	sfence.sel $0x180000  }
0xd6: {  	[bflag:$0x0] =	sbarrier.arrive $0xFFFF  }
0xd7: {  	_ =	strace $0x9000004D  }
0xd8: {  	s0 =	stileid.u32;
	[bflag:$0x2] =	sbarrier.arrive $0xFFFF  }
0xd9: {  	p0 =	sne.s32 s0, $0x0;
	s0 =	rddreg [dreg:$0x3]  }
0xda: {  	s0 =	sadd.s32 @!p0 $0x100000, s0  }
0xdb: {  	[sflag:s0] =	ssyncadd.tile.s32 @!p0 $0x1;
	_ =	shalt  }
.Lfunc_end2:
_tile_overlayer_lowered:
.L_overlay_start_2:
0xdc: {  	(tag) =	ssettag $0x2  }
0xdd: {  	s0 =	rddreg [dreg:$0x0];
	s2 =	stileid.u32  }
0xde: {  	s1 =	rddreg [dreg:$0x1];
	p0 =	sne.s32 s2, $0x0  }
0xdf: {  	s3 =	rddreg [dreg:$0x2];
	[bflag:$0x3] =	sbarrier.arrive $0xFFFF;
	s2 =	simm.s32 @!p0 $0x1C03  }
0xe0: {  	[timem:s3], [sflag:s2] =	dma.local @!p0 [hbm:s0], s1  }
0xe1: {  	s0 =	simm.s32 @!p0 $0x3  }
0xe2: {  	_ =	swait.ge @!p0 [sflag:s0], s1  }
0xe3: {  	s1 =	ssub.s32 @!p0 $0x0, s1;
	[sflag:s0] =	ssyncset.done @!p0 $0x0  }
0xe4: {  	[sflag:s0] =	ssyncadd.s32 @!p0 s1  }
0xe5: {  	[bflag:$0x3] =	sbarrier.arrive $0xFFFF  }
0xe6: {  	_ =	shalt  }

// kernel: kernel.25.cloned.1.call-start
scs
__scs_entry_jumppad:
0x0: {  	(pc) =	sbr.rel $0x88, $3  }
0x1: {  	(tag) =	ssettag $0x0;
	lr =	simm.s32 $0x1  }
0x2: {  	[smem:$0x3F95] =	sst lr;
	_ =	strace $0xD0000000  }
0x3: {  	_ = 	snop  }
0x4: {  	_ = 	snop  }
0x5: {  	_ = 	snop  }
0x6: {  	_ = 	snop  }
0x7: {  	_ = 	snop  }
__scs_overlays_trampoline_lowered:
0x8: {  	[smem:$0x3FA4] =	sst s0  }
0x9: {  	[smem:$0x3FA5] =	sst s1  }
0xa: {  	[smem:$0x3FA6] =	sst s2  }
0xb: {  	[smem:$0x3FA7] =	sst s3  }
0xc: {  	[smem:$0x3FA8] =	sst s4  }
0xd: {  	[smem:$0x3FA9] =	sst s5  }
0xe: {  	[smem:$0x3FAA] =	sst s6  }
0xf: {  	[smem:$0x3FAB] =	sst s7  }
0x10: {  	[smem:$0x3FAC] =	sst s8  }
0x11: {  	[smem:$0x3FAD] =	sst s9;
	s0 =	simm.s32 @!p0 $0x0  }
0x12: {  	s1 =	sld [smem:$0x3F93];
	s0 =	simm.s32 @p0 $0x1  }
0x13: {  	[smem:$0x3FAE] =	sst s0;
	s0 =	simm.s32 @!p1 $0x0  }
0x14: {  	s2 =	sld [smem:$0x3F92];
	s0 =	simm.s32 @p1 $0x1  }
0x15: {  	[smem:$0x3FAF] =	sst s0;
	s0 =	simm.s32 @!p2 $0x0  }
0x16: {  	s3 =	sld [smem:$0x3FDB];
	s0 =	simm.s32 @p2 $0x1  }
0x17: {  	s4 =	simm.s32 $0x1BF5;
	[smem:$0x3FB1] =	sst s0  }
0x18: {  	s0 =	sld [smem:$0x3F94];
	_ =	swait.ge [sflag:s4], $0x0  }
0x19: {  	s7 =	sld [smem:$0x3F95]  }
0x1a: {  	s8 =	sadd.s32 $0xFFFFE003, lr  }
0x1b: {  	s9 =	sadd.s32 $0xFFFFFEF7, lr;
	s5 =	simm.s32 $0xFFFFFFFF;
	p2 =	slt.u32 s8, $0xFFFFF086  }
0x1c: {  	p1 =	slt.u32 s9, $0xF7A;
	s5 =	simm.s32 @!p2 $0x0  }
0x1d: {  	s5 =	simm.s32 @p1 $0x1;
	p0 =	seq.s32 s7, s2  }
0x1e: {  	s7 =	smul.u32 @!p0 $0xF7A, s2;
	p2 =	seq.s32 @!p0 s5, $0x0  }
0x1f: {  	s9 =	smul.u32 $0xF7A, s1;
	s8 =	simm.s32 @!p0 $0x1BF5;
	p2 =	por !p2, p0  }
0x20: {  	[sflag:s8] =	ssyncset.s32 @!p0 $0xFFFFF086;
	s6 =	sadd.s32 @!p0 s3, s7;
	s7 =	simm.s32 @!p0 $0x108  }
0x21: {  	s3 =	sadd.s32 s3, s9;
	s6 =	sadd.s32 @!p0 $0x88, s6;
	s7 =	simm.s32 @p2 $0x1082  }
0x22: {  	[simem:s7], [sflag:s8] =	dma.local @!p0 [hbm:s6], $0xF7A  }
0x23: {  	s9 =	sor.u32 $0xD0000000, s2;
	s6 =	simm.s32 $0x108;
	_ =	swait.ge @!p0 [sflag:s8], $0x0  }
0x24: {  	s3 =	sadd.s32 $0x88, s3;
	s6 =	simm.s32 @!p1 $0x1082;
	[sflag:s4] =	ssyncset.s32 $0xFFFFF086  }
0x25: {  	[simem:s6], [sflag:s4] =	dma.local [hbm:s3], $0xF7A  }
0x26: {  	[smem:$0x3F95] =	sst s1;
	(tag) =	ssettag s2;
	_ =	strace s9  }
0x27: {  	s1 =	sld [smem:$0x3FA5]  }
0x28: {  	s2 =	sld [smem:$0x3FA6]  }
0x29: {  	s4 =	sld [smem:$0x3FA8]  }
0x2a: {  	p0 =	seq.s32 s5, $0x0;
	s5 =	sld [smem:$0x3FA9]  }
0x2b: {  	s6 =	sld [smem:$0x3FAA]  }
0x2c: {  	s7 =	sld [smem:$0x3FAB]  }
0x2d: {  	s3 =	simm.s32 $0x108;
	s8 =	sld [smem:$0x3FAC]  }
0x2e: {  	s3 =	simm.s32 @!p0 $0x1082;
	s9 =	sld [smem:$0x3FAD]  }
0x2f: {  	lr =	sadd.s32 s0, s3;
	s0 =	sld [smem:$0x3FA4]  }
0x30: {  	s3 =	sld [smem:$0x3FA7]  }
0x31: {  	[smem:$0x3FB0] =	sst s10  }
0x32: {  	s10 =	sld [smem:$0x3FAE];
	_ =	sdelay $0x3  }
0x33: {  	p0 =	seq.s32 s10, $0x1;
	s10 =	sld [smem:$0x3FB0];
	_ =	sdelay $0x3  }
0x34: {  	[smem:$0x3FB0] =	sst s10  }
0x35: {  	s10 =	sld [smem:$0x3FAF];
	_ =	sdelay $0x3  }
0x36: {  	p1 =	seq.s32 s10, $0x1;
	s10 =	sld [smem:$0x3FB0];
	_ =	sdelay $0x3  }
0x37: {  	[smem:$0x3FB0] =	sst s10  }
0x38: {  	s10 =	sld [smem:$0x3FB1]  }
0x39: {  	_ = 	snop;
	(pc) =	sbr.ind lr, $3  }
0x3a: {  	_ = 	snop  }
0x3b: {  	_ = 	snop  }
0x3c: {  	p2 =	seq.s32 s10, $0x1;
	s10 =	sld [smem:$0x3FB0]  }
0x3d: {  	_ =	shalt  }
0x3e: {  	_ =	shalt  }
0x3f: {  	_ =	shalt  }
0x40: {  	_ =	shalt  }
0x41: {  	_ =	shalt  }
0x42: {  	_ =	shalt  }
0x43: {  	_ =	shalt  }
0x44: {  	_ =	shalt  }
0x45: {  	_ =	shalt  }
0x46: {  	_ =	shalt  }
0x47: {  	_ =	shalt  }
0x48: {  	_ =	shalt  }
0x49: {  	_ =	shalt  }
0x4a: {  	_ =	shalt  }
0x4b: {  	_ =	shalt  }
0x4c: {  	_ =	shalt  }
0x4d: {  	_ =	shalt  }
0x4e: {  	_ =	shalt  }
0x4f: {  	_ =	shalt  }
0x50: {  	_ =	shalt  }
0x51: {  	_ =	shalt  }
0x52: {  	_ =	shalt  }
0x53: {  	_ =	shalt  }
0x54: {  	_ =	shalt  }
0x55: {  	_ =	shalt  }
0x56: {  	_ =	shalt  }
0x57: {  	_ =	shalt  }
0x58: {  	_ =	shalt  }
0x59: {  	_ =	shalt  }
0x5a: {  	_ =	shalt  }
0x5b: {  	_ =	shalt  }
0x5c: {  	_ =	shalt  }
0x5d: {  	_ =	shalt  }
0x5e: {  	_ =	shalt  }
0x5f: {  	_ =	shalt  }
0x60: {  	_ =	shalt  }
0x61: {  	_ =	shalt  }
0x62: {  	_ =	shalt  }
0x63: {  	_ =	shalt  }
0x64: {  	_ =	shalt  }
0x65: {  	_ =	shalt  }
0x66: {  	_ =	shalt  }
0x67: {  	_ =	shalt  }
0x68: {  	_ =	shalt  }
0x69: {  	_ =	shalt  }
0x6a: {  	_ =	shalt  }
0x6b: {  	_ =	shalt  }
0x6c: {  	_ =	shalt  }
0x6d: {  	_ =	shalt  }
0x6e: {  	_ =	shalt  }
0x6f: {  	_ =	shalt  }
0x70: {  	_ =	shalt  }
0x71: {  	_ =	shalt  }
0x72: {  	_ =	shalt  }
0x73: {  	_ =	shalt  }
0x74: {  	_ =	shalt  }
0x75: {  	_ =	shalt  }
0x76: {  	_ =	shalt  }
0x77: {  	_ =	shalt  }
0x78: {  	_ =	shalt  }
0x79: {  	_ =	shalt  }
0x7a: {  	_ =	shalt  }
0x7b: {  	_ =	shalt  }
0x7c: {  	_ =	shalt  }
0x7d: {  	_ =	shalt  }
0x7e: {  	_ =	shalt  }
0x7f: {  	_ =	shalt  }
0x80: {  	_ =	shalt  }
0x81: {  	_ =	shalt  }
0x82: {  	_ =	shalt  }
0x83: {  	_ =	shalt  }
0x84: {  	_ =	shalt  }
0x85: {  	_ =	shalt  }
0x86: {  	_ =	shalt  }
0x87: {  	_ =	shalt  }
.Lfunc_end0:
.L_simem_size_0:
called_computation.3_lowered:
.L_overlay_start_0:
0x88: {  	s2 =	sld [smem:$0x3FD9]  }
0x89: {  	s3 =	sld [smem:$0x3FFE];
	_ =	sdelay $0x1  }
0x8a: {  	s1 =	srdreg.scid  }
0x8b: {  	s0 =	sand.u32 $0x1, s1  }
0x8c: {  	s17 =	sshll.u32 s0, $0xA;
	s2 =	sadd.s32 s3, s2  }
0x8d: {  	s2 =	sadd.s32 s2, s17  }
0x8e: {  	[smem:$0x3FBC] =	sst s2  }
0x8f: {  	_ = 	snop  }
0x90: {  	s2 =	sld [smem:$0x3FD0];
	(tm) =	ssettm $0x1  }
0x91: {  	s18 =	sld [smem:$0x3FFB];
	_ =	sdelay $0x3  }
0x92: {  	_ =	strace s18  }
0x93: {  	s3 =	sld [smem:$0x3FFC];
	_ =	sdelay $0x3  }
0x94: {  	_ =	strace s3  }
0x95: {  	s3 =	sld [smem:$0x3FFD];
	_ =	sdelay $0x3  }
0x96: {  	_ =	strace s3  }
0x97: {  	_ =	strace $0x8FFFFFFF  }
0x98: {  	s19 =	sld [smem:$0x3FDB];
	_ =	sdelay $0x1  }
0x99: {  	s4 =	simm.s32 $_scs_section_size  }
0x9a: {  	s5 =	simm.s32 $_size__tile_overlayer_lowered;
	s6 =	simm.s32 $_tile_overlayer_lowered  }
0x9b: {  	s22 =	simm.s32 $0x1BFF;
	s21 =	sshll.u32 s6, $0x1;
	s3 =	sadd.s32 s4, s19  }
0x9c: {  	s7 =	simm.s32 $0x0;
	s20 =	sshll.u32 s5, $0x1;
	s5 =	sadd.s32 s21, s3  }
0x9d: {  	[timem:s7], [sflag:s22] =	dma.local [hbm:s5], s20  }
0x9e: {  	_ =	swait.ge [sflag:s22], s20  }
0x9f: {  	s4 =	ssub.s32 $0x0, s20;
	[sflag:s22] =	ssyncset.done $0x0  }
0xa0: {  	[sflag:s22] =	ssyncadd.s32 s4;
	_ =	sdelay $0x1  }
0xa1: {  	s23 =	simm.s32 $0x1B8B  }
0xa2: {  	_ =	swait.ge [sflag:s23], $0x1  }
0xa3: {  	[sflag:s23] =	ssyncset.done $0x0  }
0xa4: {  	s25 =	simm.s32 $0x1B8E;
	s24 =	sld [smem:$0x3FFE];
	[sflag:s23] =	ssyncadd.s32 $0xFFFFFFFF  }
0xa5: {  	s26 =	simm.s32 $execute0_lowered;
	[smem:$0x3FD2] =	sst s25  }
0xa6: {  	s5 =	sshll.u32 s26, $0x1;
	_ =	strace $0x8000004F;
	[dreg:$0x1] =	wrdreg $0xFFFFFFFF  }
0xa7: {  	s28 =	simm.s32 $_size_execute0_lowered;
	s3 =	sadd.s32 s3, s5;
	[dreg:$0x0] =	wrdreg $0x0  }
0xa8: {  	s5 =	sshll.u32 s28, $0x1;
	[dreg:$0x2] =	wrdreg s3  }
0xa9: {  	[dreg:$0x3] =	wrdreg s5  }
0xaa: {  	[dreg:$0x4] =	wrdreg $0xC0  }
0xab: {  	_ =	task [dreg:s7], $0x5FFFF  }
0xac: {  	[dreg:$0x1] =	wrdreg $0xFFFFFFFF  }
0xad: {  	[dreg:$0x0] =	wrdreg $0x60  }
0xae: {  	[dreg:$0x2] =	wrdreg s24  }
0xaf: {  	[dreg:$0x3] =	wrdreg s2  }
0xb0: {  	[dreg:$0x4] =	wrdreg $0xB7800  }
0xb1: {  	[dreg:$0x5] =	wrdreg $0x9  }
0xb2: {  	_ =	task.clear_ibuf [dreg:s7], $0x6FFFF;
	_ =	strace $0x9000004F  }
0xb3: {  	s29 =	simm.s32 $0x9;
	_ =	strace $0x80000051  }
0xb4: {  	_ =	swait.ge [sflag:s29], $0x1  }
0xb5: {  	[sflag:s29] =	ssyncadd.s32 $0xFFFFFFFF  }
0xb6: {  	_ =	strace $0x90000051  }
0xb7: {  	_ =	sfence  }
0xb8: {  	s30 =	sld [smem:$0x0];
	_ =	sdelay $0x2  }
0xb9: {  	s31 =	sshll.u32 s1, $0xD;
	s1 =	sshrl.u32 s1, $0x2  }
0xba: {  	s3 =	sand.u32 $0x4000, s31;
	s1 =	sadd.s32 s1, s30  }
0xbb: {  	s0 =	sor.u32 s3, s0;
	s1 =	sshll.u32 s1, $0x11  }
0xbc: {  	s0 =	sor.u32 s1, s0  }
0xbd: {  	s0 =	sadd.s32 $0x8F2B, s0  }
0xbe: {  	[sflag:s0] =	ssyncadd.remote.s32 $0x1  }
0xbf: {  	_ =	sfence.sel $0xFFFF  }
0xc0: {  	[dreg:$0x0] =	wrdreg $0xFFFFFFFF;
	(pc) =	sbr.abs _section_cstart, $3  }
0xc1: {  	[dreg:$0x1] =	wrdreg $0xFFFFFFFF  }
0xc2: {  	_ =	task.clear_ibuf [dreg:s7], $0x2FFFF;
	_ =	strace $0x9FFFFFFF  }
0xc3: {  	(tm) =	ssettm $0x7FFFFFFF  }
tec
execute0_lowered:
.L_overlay_start_1:
0x0: {  	(tag) =	ssettag $0x1  }
0x1: {  	s0 =	rddreg [dreg:$0x0]  }
0x2: {  	s1 =	rddreg [dreg:$0x1];
	s3 =	srdreg.scid  }
0x3: {  	s22 =	stileid.u32;
	s2 =	rddreg [dreg:$0x2];
	s29 =	simm.s32 $0x2  }
0x4: {  	s30 =	simm.s32 $0x50;
	s31 =	simm.s32 $0x6780;
	s5 =	sand.u32 $0x1, s3  }
0x5: {  	s18 =	sshll.u32 s22, $0x1;
	s4 =	sshrl.u32 s22, $0x2;
	s12 =	smul.u32 $0x280, s22  }
0x6: {  	s3 =	simm.s32 $0x0;
	s10 =	smul.u32 $0x50000, s22;
	s6 =	sor.u32 s5, s18  }
0x7: {  	s4 =	smul.u32 $0x13C00, s4;
	[smem:$0x7FF] =	sst s3;
	s19 =	ssub.s32 $0x2, s5  }
0x8: {  	p0 =	seq.s32 s5, $0x0;
	s5 =	smul.u32 $0x2800, s22;
	s7 =	sshll.u32 s6, $0x7  }
0x9: {  	_ =	strace $0x80000050;
	s9 =	sshrl.u32 s19, $0x1;
	s6 =	sshll.u32 s6, $0xB  }
0xa: {  	s21 =	sshrl.u32 s10, $0x2;
	s16 =	sor.u32 $0x50, s12;
	s24 =	sadd.s32 $0xA0, s12  }
0xb: {  	s17 =	sadd.s32 $0xF0, s12;
	s18 =	sadd.s32 $0x140, s12;
	s7 =	sand.u32 $0x380, s7  }
0xc: {  	s15 =	ssub.s32 s19, s9;
	s1 =	sadd.s32 s1, s6;
	s23 =	sshll.u32 s16, $0x7  }
0xd: {  	s25 =	sshll.u32 s24, $0x7;
	s26 =	sshll.u32 s17, $0x7;
	s11 =	sshll.u32 s18, $0x7  }
0xe: {  	s19 =	sadd.s32 $0x190, s12;
	s22 =	sshll.u32 s16, $0x4;
	s16 =	simm.s32 $0xBC400  }
0xf: {  	s4 =	sor.u32 s4, s7;
	[dreg:$0x5] =	wrdreg s1;
	s7 =	sadd.s32 s21, s2  }
0x10: {  	s9 =	sadd.s32 s25, s2;
	s10 =	sadd.s32 s26, s2;
	s11 =	sadd.s32 s11, s2  }
0x11: {  	s13 =	sshll.u32 s19, $0x7;
	s21 =	sadd.s32 $0x230, s12;
	s1 =	sshll.u32 s24, $0x4  }
0x12: {  	s24 =	sshll.u32 s18, $0x4;
	s16 =	simm.s32 @!p0 $0xE4400;
	s25 =	sshll.u32 s19, $0x4  }
0x13: {  	s4 =	sshrl.u32 s4, $0x3;
	s6 =	sshll.u32 s21, $0x7;
	s28 =	sshll.u32 s21, $0x4  }
0x14: {  	s21 =	smax.u32 s15, $0x1;
	s8 =	sadd.s32 s4, s0;
	s4 =	sadd.s32 $0x6C400, s0  }
0x15: {  	s0 =	sadd.s32 s16, s0;
	[dreg:$0x6] =	wrdreg s21;
	s20 =	sadd.s32 $0x12600, s8  }
0x16: {  	s8 =	sadd.s32 s23, s2;
	s23 =	sshll.u32 s17, $0x4;
	s16 =	sadd.s32 s0, s5  }
0x17: {  	s17 =	sadd.s32 s0, s22;
	s18 =	sadd.s32 s0, s1;
	s21 =	sadd.s32 s0, s25  }
0x18: {  	s1 =	simm.s32 $0x8F80;
	s25 =	simm.s32 $0x0;
	[dreg:$0x4] =	wrdreg s20  }
0x19: {  	s20 =	sadd.s32 $0x1E0, s12;
	s12 =	sadd.s32 s13, s2;
	s19 =	sadd.s32 s0, s23  }
0x1a: {  	s23 =	sadd.s32 s0, s28;
	s28 =	simm.s32 $0x1;
	s14 =	sshll.u32 s20, $0x7  }
0x1b: {  	s26 =	sshll.u32 s20, $0x4;
	s20 =	sadd.s32 s0, s24;
	s13 =	sadd.s32 s14, s2  }
0x1c: {  	v0 =	vimm.f32 $0.0e+00;
	s14 =	sadd.s32 s6, s2;
	s22 =	sadd.s32 s0, s26;
	s0 =	simm.s32 $0x3  }
.LBB2_1:
0x1d: {  	s5 =	rddreg [dreg:$0x4];
	s6 =	simm.s32 $0x80;
	s15 =	simm.s32 $0x400  }
0x1e: {  	[tilespmem:s3], [sflag:$0x1] =	stream.strided.gather [hbm4b:s5+s6], $0x2780, s15, s6, $0x38;
	[tilespmem:$0x1F780] =	vst v63  }
0x1f: {  	s24 =	simm.s32 $0x2780;
	s15 =	rddreg [dreg:$0x5]  }
0x20: {  	[tilespmem:s24], [sflag:$0x2] =	stream.linear.gather [hbm4b:s15+s3], $0x3E80, $0x38;
	[tilespmem:$0x1F780] =	vst v63  }
0x21: {  	_ =	swait.ge [sflag:s28], $0x2780  }
0x22: {  	[sflag:s28] =	ssyncset.done $0x0  }
0x23: {  	s26 =	sand.u32 $0xFE00, s3;
	[sflag:s28] =	ssyncadd.s32 $0xFFFFD880  }
0x24: {  	s26 =	sshrl.u32 s26, $0x2;
	_ =	swait.ge [sflag:s29], $0x3E80  }
0x25: {  	s5 =	simm.s32 $0x40;
	s24 =	sand.u32 $0x70, s3;
	[sflag:s29] =	ssyncset.done $0x0  }
0x26: {  	s26 =	sor.u32 s24, s26;
	s24 =	simm.s32 $0x0;
	[sflag:s29] =	ssyncadd.s32 $0xFFFFC180  }
0x27: {  	[tilespmem:s31], [sflag:$0x1] =	stream.indirect.gather [hbm4b:s4+s30], $0x80, s3, s30, $0xb8;
	[tilespmem:$0x1F780] =	vst v63  }
.LBB2_2:
0x28: {  	p0 =	sne.s32 s5, $0x9FC0  }
0x29: {  	[tilespmem:s26+$0x8F80] =	vst v0;
	s24 =	sadd.s32 $0x10, s24;
	s26 =	smov.u32 s5;
	s5 =	sadd.s32 $0x40, s5  }
.Ltmp0:
0x2a: {  	(pc) =	sbr.rel @p0 .LBB2_2-.Ltmp0, $4  }
0x2b: {  	_ = 	snop  }
0x2c: {  	s26 =	sand.u32 $0xFE00, s26  }
0x2d: {  	s6 =	sand.u32 $0x70, s24;
	s26 =	sshrl.u32 s26, $0x2  }
0x2e: {  	s26 =	sor.u32 s6, s26  }
0x2f: {  	[tilespmem:s26+$0x8F80] =	vst v0  }
0x30: {  	[spmem:s7] =	stream.linear.scatter [tilespmem:s1], [sflag:$0x2], $0x2800, $0x38;
	[tilespmem:$0x1F780] =	vst v63  }
0x31: {  	_ = 	snop  }
0x32: {  	[spmem:s8] =	stream.linear.scatter [tilespmem:s1], [sflag:$0x2], $0x2800, $0x38;
	[tilespmem:$0x1F780] =	vst v63  }
0x33: {  	_ = 	snop  }
0x34: {  	[spmem:s9] =	stream.linear.scatter [tilespmem:s1], [sflag:$0x2], $0x2800, $0x38;
	[tilespmem:$0x1F780] =	vst v63  }
0x35: {  	_ = 	snop  }
0x36: {  	[spmem:s10] =	stream.linear.scatter [tilespmem:s1], [sflag:$0x2], $0x2800, $0x38;
	[tilespmem:$0x1F780] =	vst v63  }
0x37: {  	_ = 	snop  }
0x38: {  	[spmem:s11] =	stream.linear.scatter [tilespmem:s1], [sflag:$0x2], $0x2800, $0x38;
	[tilespmem:$0x1F780] =	vst v63  }
0x39: {  	_ = 	snop  }
0x3a: {  	[spmem:s12] =	stream.linear.scatter [tilespmem:s1], [sflag:$0x2], $0x2800, $0x38;
	[tilespmem:$0x1F780] =	vst v63  }
0x3b: {  	_ = 	snop  }
0x3c: {  	[spmem:s13] =	stream.linear.scatter [tilespmem:s1], [sflag:$0x2], $0x2800, $0x38;
	[tilespmem:$0x1F780] =	vst v63  }
0x3d: {  	_ = 	snop  }
0x3e: {  	[spmem:s14] =	stream.linear.scatter [tilespmem:s1], [sflag:$0x2], $0x2800, $0x38;
	[tilespmem:$0x1F780] =	vst v63  }
0x3f: {  	_ =	swait.ge [sflag:s29], $0x2800  }
0x40: {  	[sflag:s29] =	ssyncset.done $0x0  }
0x41: {  	[sflag:s29] =	ssyncadd.s32 $0xFFFFD800  }
0x42: {  	_ =	swait.ge [sflag:s29], $0x2800  }
0x43: {  	[sflag:s29] =	ssyncset.done $0x0  }
0x44: {  	[sflag:s29] =	ssyncadd.s32 $0xFFFFD800  }
0x45: {  	_ =	swait.ge [sflag:s29], $0x2800  }
0x46: {  	[sflag:s29] =	ssyncset.done $0x0  }
0x47: {  	[sflag:s29] =	ssyncadd.s32 $0xFFFFD800  }
0x48: {  	_ =	swait.ge [sflag:s29], $0x2800  }
0x49: {  	[sflag:s29] =	ssyncset.done $0x0  }
0x4a: {  	[sflag:s29] =	ssyncadd.s32 $0xFFFFD800  }
0x4b: {  	_ =	swait.ge [sflag:s29], $0x2800  }
0x4c: {  	[sflag:s29] =	ssyncset.done $0x0  }
0x4d: {  	[sflag:s29] =	ssyncadd.s32 $0xFFFFD800  }
0x4e: {  	_ =	swait.ge [sflag:s29], $0x2800  }
0x4f: {  	[sflag:s29] =	ssyncset.done $0x0  }
0x50: {  	[sflag:s29] =	ssyncadd.s32 $0xFFFFD800  }
0x51: {  	_ =	swait.ge [sflag:s29], $0x2800  }
0x52: {  	[sflag:s29] =	ssyncset.done $0x0  }
0x53: {  	[sflag:s29] =	ssyncadd.s32 $0xFFFFD800  }
0x54: {  	_ =	swait.ge [sflag:s29], $0x2800  }
0x55: {  	[sflag:s29] =	ssyncset.done $0x0  }
0x56: {  	[sflag:s29] =	ssyncadd.s32 $0xFFFFD800  }
0x57: {  	s5 =	simm.s32 $0x50;
	[bflag:$0x0] =	sbarrier.arrive $0xFFFF  }
0x58: {  	[tilespmem:s1], [sflag:$0x2] =	stream.indirect.gather [hbm4b:s4+s30], $0x80, s5, s30, $0xb8;
	[tilespmem:$0x1F780] =	vst v63  }
0x59: {  	_ =	swait.ge [sflag:s28], $0x2800  }
0x5a: {  	[sflag:s28] =	ssyncset.done $0x0  }
0x5b: {  	s15 =	simm.s32 $0x2780;
	[sflag:s28] =	ssyncadd.s32 $0xFFFFD800  }
0x5c: {  	[spmem:s2] =	stream.indirect.scatter.add.f32 [tilespmem:s31], [sflag:$0x3], $0x80, s15, s30, $0xb8;
	[tilespmem:$0x1F780] =	vst v63  }
0x5d: {  	_ =	swait.ge [sflag:s0], $0x2800  }
0x5e: {  	[sflag:s0] =	ssyncset.done $0x0  }
0x5f: {  	s24 =	simm.s32 $0xA0;
	[sflag:s0] =	ssyncadd.s32 $0xFFFFD800  }
0x60: {  	[tilespmem:s31], [sflag:$0x1] =	stream.indirect.gather [hbm4b:s4+s30], $0x80, s24, s30, $0xb8;
	[tilespmem:$0x1F780] =	vst v63  }
0x61: {  	_ =	swait.ge [sflag:s29], $0x2800  }
0x62: {  	[sflag:s29] =	ssyncset.done $0x0  }
0x63: {  	s26 =	simm.s32 $0x2800;
	[sflag:s29] =	ssyncadd.s32 $0xFFFFD800  }
0x64: {  	[spmem:s2] =	stream.indirect.scatter.add.f32 [tilespmem:s1], [sflag:$0x3], $0x80, s26, s30, $0xb8;
	[tilespmem:$0x1F780] =	vst v63  }
0x65: {  	s5 =	simm.s32 $0x800;
	_ =	swait.ge [sflag:s0], $0x2800  }
0x66: {  	s24 =	simm.s32 $0x400;
	s26 =	simm.s32 $0x140;
	[sflag:s0] =	ssyncset.done $0x0  }
.LBB2_4:
0x67: {  	p0 =	sne.s32 s5, $0xF400;
	s6 =	sadd.s32 $0xFFFFFFB0, s26;
	[sflag:s0] =	ssyncadd.s32 $0xFFFFD800  }
0x68: {  	[tilespmem:s1], [sflag:$0x2] =	stream.indirect.gather [hbm4b:s4+s30], $0x80, s6, s30, $0xb8;
	[tilespmem:$0x1F780] =	vst v63  }
0x69: {  	s6 =	smov.u32 s5;
	s5 =	sadd.s32 $0x400, s5;
	_ =	swait.ge [sflag:s28], $0x2800  }
0x6a: {  	s15 =	sshra.s32 s24, $0x2;
	s24 =	smov.u32 s6;
	[sflag:s28] =	ssyncset.done $0x0  }
0x6b: {  	s6 =	sadd.s32 $0x2780, s15;
	[sflag:s28] =	ssyncadd.s32 $0xFFFFD800  }
0x6c: {  	[spmem:s2] =	stream.indirect.scatter.add.f32 [tilespmem:s31], [sflag:$0x3], $0x80, s6, s30, $0xb8;
	[tilespmem:$0x1F780] =	vst v63  }
0x6d: {  	_ =	swait.ge [sflag:s0], $0x2800  }
0x6e: {  	[sflag:s0] =	ssyncset.done $0x0  }
0x6f: {  	[sflag:s0] =	ssyncadd.s32 $0xFFFFD800  }
0x70: {  	[tilespmem:s31], [sflag:$0x1] =	stream.indirect.gather [hbm4b:s4+s30], $0x80, s26, s30, $0xb8;
	[tilespmem:$0x1F780] =	vst v63  }
0x71: {  	_ =	swait.ge [sflag:s29], $0x2800  }
.Ltmp1:
0x72: {  	[sflag:s29] =	ssyncset.done $0x0;
	(pc) =	sbr.rel @p0 .LBB2_4-.Ltmp1, $4  }
0x73: {  	s6 =	sadd.s32 $0x2800, s15;
	[sflag:s29] =	ssyncadd.s32 $0xFFFFD800  }
0x74: {  	[spmem:s2] =	stream.indirect.scatter.add.f32 [tilespmem:s1], [sflag:$0x3], $0x80, s6, s30, $0xb8;
	[tilespmem:$0x1F780] =	vst v63  }
0x75: {  	_ =	swait.ge [sflag:s0], $0x2800  }
0x76: {  	s26 =	sadd.s32 $0xA0, s26;
	[sflag:s0] =	ssyncset.done $0x0  }
0x77: {  	s5 =	sadd.s32 $0xFFFFFFB0, s26;
	[sflag:s0] =	ssyncadd.s32 $0xFFFFD800  }
0x78: {  	[tilespmem:s1], [sflag:$0x2] =	stream.indirect.gather [hbm4b:s4+s30], $0x80, s5, s30, $0xb8;
	[tilespmem:$0x1F780] =	vst v63  }
0x79: {  	_ =	swait.ge [sflag:s28], $0x2800  }
0x7a: {  	s15 =	sshra.s32 s24, $0x2;
	[sflag:s28] =	ssyncset.done $0x0  }
0x7b: {  	s6 =	sadd.s32 $0x2780, s15;
	[sflag:s28] =	ssyncadd.s32 $0xFFFFD800  }
0x7c: {  	[spmem:s2] =	stream.indirect.scatter.add.f32 [tilespmem:s31], [sflag:$0x3], $0x80, s6, s30, $0xb8;
	[tilespmem:$0x1F780] =	vst v63  }
0x7d: {  	_ =	swait.ge [sflag:s0], $0x2800  }
0x7e: {  	[sflag:s0] =	ssyncset.done $0x0  }
0x7f: {  	[sflag:s0] =	ssyncadd.s32 $0xFFFFD800  }
0x80: {  	[tilespmem:s31], [sflag:$0x1] =	stream.indirect.gather [hbm4b:s4+s30], $0x80, s26, s30, $0xb8;
	[tilespmem:$0x1F780] =	vst v63  }
0x81: {  	_ =	swait.ge [sflag:s29], $0x2800  }
0x82: {  	[sflag:s29] =	ssyncset.done $0x0  }
0x83: {  	s5 =	sadd.s32 $0x2800, s15;
	[sflag:s29] =	ssyncadd.s32 $0xFFFFD800  }
0x84: {  	[spmem:s2] =	stream.indirect.scatter.add.f32 [tilespmem:s1], [sflag:$0x3], $0x80, s5, s30, $0xb8;
	[tilespmem:$0x1F780] =	vst v63  }
0x85: {  	_ =	swait.ge [sflag:s0], $0x2800  }
0x86: {  	[sflag:s0] =	ssyncset.done $0x0  }
0x87: {  	[sflag:s0] =	ssyncadd.s32 $0xFFFFD800  }
0x88: {  	_ =	swait.ge [sflag:s28], $0x2800  }
0x89: {  	[sflag:s28] =	ssyncset.done $0x0  }
0x8a: {  	s24 =	simm.s32 $0x6580;
	[sflag:s28] =	ssyncadd.s32 $0xFFFFD800  }
0x8b: {  	[spmem:s2] =	stream.indirect.scatter.add.f32 [tilespmem:s31], [sflag:$0x3], $0x80, s24, s30, $0xb8;
	[tilespmem:$0x1F780] =	vst v63  }
0x8c: {  	_ =	swait.ge [sflag:s0], $0x2800  }
0x8d: {  	[sflag:s0] =	ssyncset.done $0x0  }
0x8e: {  	[sflag:s0] =	ssyncadd.s32 $0xFFFFD800  }
0x8f: {  	[bflag:$0x0] =	sbarrier.arrive $0xFFFF  }
0x90: {  	[tilespmem:s31], [sflag:$0x3] =	stream.linear.gather [spmem:s7], $0x2800, $0x38;
	[tilespmem:$0x1F780] =	vst v63  }
0x91: {  	_ =	swait.ge [sflag:s0], $0x2800  }
0x92: {  	[sflag:s0] =	ssyncset.done $0x0  }
0x93: {  	[sflag:s0] =	ssyncadd.s32 $0xFFFFD800  }
0x94: {  	[hbm4b:s16+s3] =	stream.linear.scatter [tilespmem:s31], [sflag:$0x1], $0x2800, $0x38;
	[tilespmem:$0x1F780] =	vst v63  }
0x95: {  	_ = 	snop  }
0x96: {  	[tilespmem:s1], [sflag:$0x3] =	stream.linear.gather [spmem:s8], $0x2800, $0x38;
	[tilespmem:$0x1F780] =	vst v63  }
0x97: {  	_ =	swait.ge [sflag:s0], $0x2800  }
0x98: {  	[sflag:s0] =	ssyncset.done $0x0  }
0x99: {  	[sflag:s0] =	ssyncadd.s32 $0xFFFFD800  }
0x9a: {  	[hbm4b:s17+s3] =	stream.linear.scatter [tilespmem:s1], [sflag:$0x2], $0x2800, $0x38;
	[tilespmem:$0x1F780] =	vst v63  }
0x9b: {  	_ =	swait.ge [sflag:s28], $0x2800  }
0x9c: {  	[sflag:s28] =	ssyncset.done $0x0  }
0x9d: {  	[sflag:s28] =	ssyncadd.s32 $0xFFFFD800  }
0x9e: {  	[tilespmem:s31], [sflag:$0x3] =	stream.linear.gather [spmem:s9], $0x2800, $0x38;
	[tilespmem:$0x1F780] =	vst v63  }
0x9f: {  	_ =	swait.ge [sflag:s0], $0x2800  }
0xa0: {  	[sflag:s0] =	ssyncset.done $0x0  }
0xa1: {  	[sflag:s0] =	ssyncadd.s32 $0xFFFFD800  }
0xa2: {  	[hbm4b:s18+s3] =	stream.linear.scatter [tilespmem:s31], [sflag:$0x1], $0x2800, $0x38;
	[tilespmem:$0x1F780] =	vst v63  }
0xa3: {  	_ =	swait.ge [sflag:s29], $0x2800  }
0xa4: {  	[sflag:s29] =	ssyncset.done $0x0  }
0xa5: {  	[sflag:s29] =	ssyncadd.s32 $0xFFFFD800  }
0xa6: {  	[tilespmem:s1], [sflag:$0x3] =	stream.linear.gather [spmem:s10], $0x2800, $0x38;
	[tilespmem:$0x1F780] =	vst v63  }
0xa7: {  	_ =	swait.ge [sflag:s0], $0x2800  }
0xa8: {  	[sflag:s0] =	ssyncset.done $0x0  }
0xa9: {  	[sflag:s0] =	ssyncadd.s32 $0xFFFFD800  }
0xaa: {  	[hbm4b:s19+s3] =	stream.linear.scatter [tilespmem:s1], [sflag:$0x2], $0x2800, $0x38;
	[tilespmem:$0x1F780] =	vst v63  }
0xab: {  	_ =	swait.ge [sflag:s28], $0x2800  }
0xac: {  	[sflag:s28] =	ssyncset.done $0x0  }
0xad: {  	[sflag:s28] =	ssyncadd.s32 $0xFFFFD800  }
0xae: {  	[tilespmem:s31], [sflag:$0x3] =	stream.linear.gather [spmem:s11], $0x2800, $0x38;
	[tilespmem:$0x1F780] =	vst v63  }
0xaf: {  	_ =	swait.ge [sflag:s0], $0x2800  }
0xb0: {  	[sflag:s0] =	ssyncset.done $0x0  }
0xb1: {  	[sflag:s0] =	ssyncadd.s32 $0xFFFFD800  }
0xb2: {  	[hbm4b:s20+s3] =	stream.linear.scatter [tilespmem:s31], [sflag:$0x1], $0x2800, $0x38;
	[tilespmem:$0x1F780] =	vst v63  }
0xb3: {  	_ =	swait.ge [sflag:s29], $0x2800  }
0xb4: {  	[sflag:s29] =	ssyncset.done $0x0  }
0xb5: {  	[sflag:s29] =	ssyncadd.s32 $0xFFFFD800  }
0xb6: {  	[tilespmem:s1], [sflag:$0x3] =	stream.linear.gather [spmem:s12], $0x2800, $0x38;
	[tilespmem:$0x1F780] =	vst v63  }
0xb7: {  	_ =	swait.ge [sflag:s0], $0x2800  }
0xb8: {  	[sflag:s0] =	ssyncset.done $0x0  }
0xb9: {  	[sflag:s0] =	ssyncadd.s32 $0xFFFFD800  }
0xba: {  	[hbm4b:s21+s3] =	stream.linear.scatter [tilespmem:s1], [sflag:$0x2], $0x2800, $0x38;
	[tilespmem:$0x1F780] =	vst v63  }
0xbb: {  	_ =	swait.ge [sflag:s28], $0x2800  }
0xbc: {  	[sflag:s28] =	ssyncset.done $0x0  }
0xbd: {  	[sflag:s28] =	ssyncadd.s32 $0xFFFFD800  }
0xbe: {  	[tilespmem:s31], [sflag:$0x3] =	stream.linear.gather [spmem:s13], $0x2800, $0x38;
	[tilespmem:$0x1F780] =	vst v63  }
0xbf: {  	_ =	swait.ge [sflag:s0], $0x2800  }
0xc0: {  	[sflag:s0] =	ssyncset.done $0x0  }
0xc1: {  	[sflag:s0] =	ssyncadd.s32 $0xFFFFD800  }
0xc2: {  	[hbm4b:s22+s3] =	stream.linear.scatter [tilespmem:s31], [sflag:$0x1], $0x2800, $0x38;
	[tilespmem:$0x1F780] =	vst v63  }
0xc3: {  	_ =	swait.ge [sflag:s29], $0x2800  }
0xc4: {  	[sflag:s29] =	ssyncset.done $0x0  }
0xc5: {  	[sflag:s29] =	ssyncadd.s32 $0xFFFFD800  }
0xc6: {  	[tilespmem:s1], [sflag:$0x3] =	stream.linear.gather [spmem:s14], $0x2800, $0x38;
	[tilespmem:$0x1F780] =	vst v63  }
0xc7: {  	_ =	swait.ge [sflag:s0], $0x2800  }
0xc8: {  	[sflag:s0] =	ssyncset.done $0x0  }
0xc9: {  	[sflag:s0] =	ssyncadd.s32 $0xFFFFD800  }
0xca: {  	[hbm4b:s23+s3] =	stream.linear.scatter [tilespmem:s1], [sflag:$0x2], $0x2800, $0x38;
	[tilespmem:$0x1F780] =	vst v63  }
0xcb: {  	_ =	swait.ge [sflag:s28], $0x2800  }
0xcc: {  	[sflag:s28] =	ssyncset.done $0x0  }
0xcd: {  	[sflag:s28] =	ssyncadd.s32 $0xFFFFD800  }
0xce: {  	_ =	swait.ge [sflag:s29], $0x2800  }
0xcf: {  	s25 =	sadd.s32 $0x1, s25;
	s26 =	rddreg [dreg:$0x6]  }
0xd0: {  	p0 =	sne.s32 s25, s26  }
.Ltmp2:
0xd1: {  	_ = 	snop;
	(pc) =	sbr.rel @p0 .LBB2_1-.Ltmp2, $3  }
0xd2: {  	_ =	sdelay $0x1  }
0xd3: {  	[sflag:s29] =	ssyncset.done $0x0  }
0xd4: {  	[sflag:s29] =	ssyncadd.s32 $0xFFFFD800  }
0xd5: {  	_ =	sfence.sel $0x180000  }
0xd6: {  	[bflag:$0x0] =	sbarrier.arrive $0xFFFF  }
0xd7: {  	_ =	strace $0x90000050  }
0xd8: {  	s0 =	stileid.u32;
	[bflag:$0x2] =	sbarrier.arrive $0xFFFF  }
0xd9: {  	p0 =	sne.s32 s0, $0x0;
	s0 =	rddreg [dreg:$0x3]  }
0xda: {  	s0 =	sadd.s32 @!p0 $0x100000, s0  }
0xdb: {  	[sflag:s0] =	ssyncadd.tile.s32 @!p0 $0x1;
	_ =	shalt  }
.Lfunc_end2:
_tile_overlayer_lowered:
.L_overlay_start_2:
0xdc: {  	(tag) =	ssettag $0x2  }
0xdd: {  	s0 =	rddreg [dreg:$0x0];
	s2 =	stileid.u32  }
0xde: {  	s1 =	rddreg [dreg:$0x1];
	p0 =	sne.s32 s2, $0x0  }
0xdf: {  	s3 =	rddreg [dreg:$0x2];
	[bflag:$0x3] =	sbarrier.arrive $0xFFFF;
	s2 =	simm.s32 @!p0 $0x1C03  }
0xe0: {  	[timem:s3], [sflag:s2] =	dma.local @!p0 [hbm:s0], s1  }
0xe1: {  	s0 =	simm.s32 @!p0 $0x3  }
0xe2: {  	_ =	swait.ge @!p0 [sflag:s0], s1  }
0xe3: {  	s1 =	ssub.s32 @!p0 $0x0, s1;
	[sflag:s0] =	ssyncset.done @!p0 $0x0  }
0xe4: {  	[sflag:s0] =	ssyncadd.s32 @!p0 s1  }
0xe5: {  	[bflag:$0x3] =	sbarrier.arrive $0xFFFF  }
0xe6: {  	_ =	shalt  }

// kernel: kernel.28.cloned.1.call-start
scs
__scs_entry_jumppad:
0x0: {  	(pc) =	sbr.rel $0x88, $3  }
0x1: {  	(tag) =	ssettag $0x0;
	lr =	simm.s32 $0x1  }
0x2: {  	[smem:$0x3F95] =	sst lr;
	_ =	strace $0xD0000000  }
0x3: {  	_ = 	snop  }
0x4: {  	_ = 	snop  }
0x5: {  	_ = 	snop  }
0x6: {  	_ = 	snop  }
0x7: {  	_ = 	snop  }
__scs_overlays_trampoline_lowered:
0x8: {  	[smem:$0x3FA4] =	sst s0  }
0x9: {  	[smem:$0x3FA5] =	sst s1  }
0xa: {  	[smem:$0x3FA6] =	sst s2  }
0xb: {  	[smem:$0x3FA7] =	sst s3  }
0xc: {  	[smem:$0x3FA8] =	sst s4  }
0xd: {  	[smem:$0x3FA9] =	sst s5  }
0xe: {  	[smem:$0x3FAA] =	sst s6  }
0xf: {  	[smem:$0x3FAB] =	sst s7  }
0x10: {  	[smem:$0x3FAC] =	sst s8  }
0x11: {  	[smem:$0x3FAD] =	sst s9;
	s0 =	simm.s32 @!p0 $0x0  }
0x12: {  	s1 =	sld [smem:$0x3F93];
	s0 =	simm.s32 @p0 $0x1  }
0x13: {  	[smem:$0x3FAE] =	sst s0;
	s0 =	simm.s32 @!p1 $0x0  }
0x14: {  	s2 =	sld [smem:$0x3F92];
	s0 =	simm.s32 @p1 $0x1  }
0x15: {  	[smem:$0x3FAF] =	sst s0;
	s0 =	simm.s32 @!p2 $0x0  }
0x16: {  	s3 =	sld [smem:$0x3FDB];
	s0 =	simm.s32 @p2 $0x1  }
0x17: {  	s4 =	simm.s32 $0x1BF5;
	[smem:$0x3FB1] =	sst s0  }
0x18: {  	s0 =	sld [smem:$0x3F94];
	_ =	swait.ge [sflag:s4], $0x0  }
0x19: {  	s7 =	sld [smem:$0x3F95]  }
0x1a: {  	s8 =	sadd.s32 $0xFFFFE003, lr  }
0x1b: {  	s9 =	sadd.s32 $0xFFFFFEF7, lr;
	s5 =	simm.s32 $0xFFFFFFFF;
	p2 =	slt.u32 s8, $0xFFFFF086  }
0x1c: {  	p1 =	slt.u32 s9, $0xF7A;
	s5 =	simm.s32 @!p2 $0x0  }
0x1d: {  	s5 =	simm.s32 @p1 $0x1;
	p0 =	seq.s32 s7, s2  }
0x1e: {  	s7 =	smul.u32 @!p0 $0xF7A, s2;
	p2 =	seq.s32 @!p0 s5, $0x0  }
0x1f: {  	s9 =	smul.u32 $0xF7A, s1;
	s8 =	simm.s32 @!p0 $0x1BF5;
	p2 =	por !p2, p0  }
0x20: {  	[sflag:s8] =	ssyncset.s32 @!p0 $0xFFFFF086;
	s6 =	sadd.s32 @!p0 s3, s7;
	s7 =	simm.s32 @!p0 $0x108  }
0x21: {  	s3 =	sadd.s32 s3, s9;
	s6 =	sadd.s32 @!p0 $0x88, s6;
	s7 =	simm.s32 @p2 $0x1082  }
0x22: {  	[simem:s7], [sflag:s8] =	dma.local @!p0 [hbm:s6], $0xF7A  }
0x23: {  	s9 =	sor.u32 $0xD0000000, s2;
	s6 =	simm.s32 $0x108;
	_ =	swait.ge @!p0 [sflag:s8], $0x0  }
0x24: {  	s3 =	sadd.s32 $0x88, s3;
	s6 =	simm.s32 @!p1 $0x1082;
	[sflag:s4] =	ssyncset.s32 $0xFFFFF086  }
0x25: {  	[simem:s6], [sflag:s4] =	dma.local [hbm:s3], $0xF7A  }
0x26: {  	[smem:$0x3F95] =	sst s1;
	(tag) =	ssettag s2;
	_ =	strace s9  }
0x27: {  	s1 =	sld [smem:$0x3FA5]  }
0x28: {  	s2 =	sld [smem:$0x3FA6]  }
0x29: {  	s4 =	sld [smem:$0x3FA8]  }
0x2a: {  	p0 =	seq.s32 s5, $0x0;
	s5 =	sld [smem:$0x3FA9]  }
0x2b: {  	s6 =	sld [smem:$0x3FAA]  }
0x2c: {  	s7 =	sld [smem:$0x3FAB]  }
0x2d: {  	s3 =	simm.s32 $0x108;
	s8 =	sld [smem:$0x3FAC]  }
0x2e: {  	s3 =	simm.s32 @!p0 $0x1082;
	s9 =	sld [smem:$0x3FAD]  }
0x2f: {  	lr =	sadd.s32 s0, s3;
	s0 =	sld [smem:$0x3FA4]  }
0x30: {  	s3 =	sld [smem:$0x3FA7]  }
0x31: {  	[smem:$0x3FB0] =	sst s10  }
0x32: {  	s10 =	sld [smem:$0x3FAE];
	_ =	sdelay $0x3  }
0x33: {  	p0 =	seq.s32 s10, $0x1;
	s10 =	sld [smem:$0x3FB0];
	_ =	sdelay $0x3  }
0x34: {  	[smem:$0x3FB0] =	sst s10  }
0x35: {  	s10 =	sld [smem:$0x3FAF];
	_ =	sdelay $0x3  }
0x36: {  	p1 =	seq.s32 s10, $0x1;
	s10 =	sld [smem:$0x3FB0];
	_ =	sdelay $0x3  }
0x37: {  	[smem:$0x3FB0] =	sst s10  }
0x38: {  	s10 =	sld [smem:$0x3FB1]  }
0x39: {  	_ = 	snop;
	(pc) =	sbr.ind lr, $3  }
0x3a: {  	_ = 	snop  }
0x3b: {  	_ = 	snop  }
0x3c: {  	p2 =	seq.s32 s10, $0x1;
	s10 =	sld [smem:$0x3FB0]  }
0x3d: {  	_ =	shalt  }
0x3e: {  	_ =	shalt  }
0x3f: {  	_ =	shalt  }
0x40: {  	_ =	shalt  }
0x41: {  	_ =	shalt  }
0x42: {  	_ =	shalt  }
0x43: {  	_ =	shalt  }
0x44: {  	_ =	shalt  }
0x45: {  	_ =	shalt  }
0x46: {  	_ =	shalt  }
0x47: {  	_ =	shalt  }
0x48: {  	_ =	shalt  }
0x49: {  	_ =	shalt  }
0x4a: {  	_ =	shalt  }
0x4b: {  	_ =	shalt  }
0x4c: {  	_ =	shalt  }
0x4d: {  	_ =	shalt  }
0x4e: {  	_ =	shalt  }
0x4f: {  	_ =	shalt  }
0x50: {  	_ =	shalt  }
0x51: {  	_ =	shalt  }
0x52: {  	_ =	shalt  }
0x53: {  	_ =	shalt  }
0x54: {  	_ =	shalt  }
0x55: {  	_ =	shalt  }
0x56: {  	_ =	shalt  }
0x57: {  	_ =	shalt  }
0x58: {  	_ =	shalt  }
0x59: {  	_ =	shalt  }
0x5a: {  	_ =	shalt  }
0x5b: {  	_ =	shalt  }
0x5c: {  	_ =	shalt  }
0x5d: {  	_ =	shalt  }
0x5e: {  	_ =	shalt  }
0x5f: {  	_ =	shalt  }
0x60: {  	_ =	shalt  }
0x61: {  	_ =	shalt  }
0x62: {  	_ =	shalt  }
0x63: {  	_ =	shalt  }
0x64: {  	_ =	shalt  }
0x65: {  	_ =	shalt  }
0x66: {  	_ =	shalt  }
0x67: {  	_ =	shalt  }
0x68: {  	_ =	shalt  }
0x69: {  	_ =	shalt  }
0x6a: {  	_ =	shalt  }
0x6b: {  	_ =	shalt  }
0x6c: {  	_ =	shalt  }
0x6d: {  	_ =	shalt  }
0x6e: {  	_ =	shalt  }
0x6f: {  	_ =	shalt  }
0x70: {  	_ =	shalt  }
0x71: {  	_ =	shalt  }
0x72: {  	_ =	shalt  }
0x73: {  	_ =	shalt  }
0x74: {  	_ =	shalt  }
0x75: {  	_ =	shalt  }
0x76: {  	_ =	shalt  }
0x77: {  	_ =	shalt  }
0x78: {  	_ =	shalt  }
0x79: {  	_ =	shalt  }
0x7a: {  	_ =	shalt  }
0x7b: {  	_ =	shalt  }
0x7c: {  	_ =	shalt  }
0x7d: {  	_ =	shalt  }
0x7e: {  	_ =	shalt  }
0x7f: {  	_ =	shalt  }
0x80: {  	_ =	shalt  }
0x81: {  	_ =	shalt  }
0x82: {  	_ =	shalt  }
0x83: {  	_ =	shalt  }
0x84: {  	_ =	shalt  }
0x85: {  	_ =	shalt  }
0x86: {  	_ =	shalt  }
0x87: {  	_ =	shalt  }
.Lfunc_end0:
.L_simem_size_0:
called_computation.4_lowered:
.L_overlay_start_0:
0x88: {  	s2 =	sld [smem:$0x3FD9]  }
0x89: {  	s3 =	sld [smem:$0x3FFE];
	_ =	sdelay $0x1  }
0x8a: {  	s1 =	srdreg.scid  }
0x8b: {  	s0 =	sand.u32 $0x1, s1  }
0x8c: {  	s17 =	sshll.u32 s0, $0xA;
	s2 =	sadd.s32 s3, s2  }
0x8d: {  	s2 =	sadd.s32 s2, s17  }
0x8e: {  	[smem:$0x3FBC] =	sst s2  }
0x8f: {  	_ = 	snop  }
0x90: {  	s2 =	sld [smem:$0x3FD0];
	(tm) =	ssettm $0x1  }
0x91: {  	s18 =	sld [smem:$0x3FFB];
	_ =	sdelay $0x3  }
0x92: {  	_ =	strace s18  }
0x93: {  	s3 =	sld [smem:$0x3FFC];
	_ =	sdelay $0x3  }
0x94: {  	_ =	strace s3  }
0x95: {  	s3 =	sld [smem:$0x3FFD];
	_ =	sdelay $0x3  }
0x96: {  	_ =	strace s3  }
0x97: {  	_ =	strace $0x8FFFFFFF  }
0x98: {  	s19 =	sld [smem:$0x3FDB];
	_ =	sdelay $0x1  }
0x99: {  	s4 =	simm.s32 $_scs_section_size  }
0x9a: {  	s5 =	simm.s32 $_size__tile_overlayer_lowered;
	s6 =	simm.s32 $_tile_overlayer_lowered  }
0x9b: {  	s22 =	simm.s32 $0x1BFF;
	s21 =	sshll.u32 s6, $0x1;
	s3 =	sadd.s32 s4, s19  }
0x9c: {  	s7 =	simm.s32 $0x0;
	s20 =	sshll.u32 s5, $0x1;
	s5 =	sadd.s32 s21, s3  }
0x9d: {  	[timem:s7], [sflag:s22] =	dma.local [hbm:s5], s20  }
0x9e: {  	_ =	swait.ge [sflag:s22], s20  }
0x9f: {  	s4 =	ssub.s32 $0x0, s20;
	[sflag:s22] =	ssyncset.done $0x0  }
0xa0: {  	[sflag:s22] =	ssyncadd.s32 s4;
	_ =	sdelay $0x1  }
0xa1: {  	s23 =	simm.s32 $0x1B8B  }
0xa2: {  	_ =	swait.ge [sflag:s23], $0x1  }
0xa3: {  	[sflag:s23] =	ssyncset.done $0x0  }
0xa4: {  	s25 =	simm.s32 $0x1B8E;
	s24 =	sld [smem:$0x3FFE];
	[sflag:s23] =	ssyncadd.s32 $0xFFFFFFFF  }
0xa5: {  	s26 =	simm.s32 $execute0_lowered;
	[smem:$0x3FD2] =	sst s25  }
0xa6: {  	s5 =	sshll.u32 s26, $0x1;
	_ =	strace $0x80000052;
	[dreg:$0x1] =	wrdreg $0xFFFFFFFF  }
0xa7: {  	s28 =	simm.s32 $_size_execute0_lowered;
	s3 =	sadd.s32 s3, s5;
	[dreg:$0x0] =	wrdreg $0x0  }
0xa8: {  	s5 =	sshll.u32 s28, $0x1;
	[dreg:$0x2] =	wrdreg s3  }
0xa9: {  	[dreg:$0x3] =	wrdreg s5  }
0xaa: {  	[dreg:$0x4] =	wrdreg $0xC0  }
0xab: {  	_ =	task [dreg:s7], $0x5FFFF  }
0xac: {  	[dreg:$0x1] =	wrdreg $0xFFFFFFFF  }
0xad: {  	[dreg:$0x0] =	wrdreg $0x60  }
0xae: {  	[dreg:$0x2] =	wrdreg s24  }
0xaf: {  	[dreg:$0x3] =	wrdreg s2  }
0xb0: {  	[dreg:$0x4] =	wrdreg $0xB7800  }
0xb1: {  	[dreg:$0x5] =	wrdreg $0x9  }
0xb2: {  	_ =	task.clear_ibuf [dreg:s7], $0x6FFFF;
	_ =	strace $0x90000052  }
0xb3: {  	s29 =	simm.s32 $0x9;
	_ =	strace $0x80000054  }
0xb4: {  	_ =	swait.ge [sflag:s29], $0x1  }
0xb5: {  	[sflag:s29] =	ssyncadd.s32 $0xFFFFFFFF  }
0xb6: {  	_ =	strace $0x90000054  }
0xb7: {  	_ =	sfence  }
0xb8: {  	s30 =	sld [smem:$0x0];
	_ =	sdelay $0x2  }
0xb9: {  	s31 =	sshll.u32 s1, $0xD;
	s1 =	sshrl.u32 s1, $0x2  }
0xba: {  	s3 =	sand.u32 $0x4000, s31;
	s1 =	sadd.s32 s1, s30  }
0xbb: {  	s0 =	sor.u32 s3, s0;
	s1 =	sshll.u32 s1, $0x11  }
0xbc: {  	s0 =	sor.u32 s1, s0  }
0xbd: {  	s0 =	sadd.s32 $0x8F2B, s0  }
0xbe: {  	[sflag:s0] =	ssyncadd.remote.s32 $0x1  }
0xbf: {  	_ =	sfence.sel $0xFFFF  }
0xc0: {  	[dreg:$0x0] =	wrdreg $0xFFFFFFFF;
	(pc) =	sbr.abs _section_cstart, $3  }
0xc1: {  	[dreg:$0x1] =	wrdreg $0xFFFFFFFF  }
0xc2: {  	_ =	task.clear_ibuf [dreg:s7], $0x2FFFF;
	_ =	strace $0x9FFFFFFF  }
0xc3: {  	(tm) =	ssettm $0x7FFFFFFF  }
tec
execute0_lowered:
.L_overlay_start_1:
0x0: {  	(tag) =	ssettag $0x1  }
0x1: {  	s0 =	rddreg [dreg:$0x0]  }
0x2: {  	s1 =	rddreg [dreg:$0x1];
	s3 =	srdreg.scid  }
0x3: {  	s22 =	stileid.u32;
	s2 =	rddreg [dreg:$0x2];
	s29 =	simm.s32 $0x2  }
0x4: {  	s30 =	simm.s32 $0x50;
	s31 =	simm.s32 $0x6780;
	s5 =	sand.u32 $0x1, s3  }
0x5: {  	s18 =	sshll.u32 s22, $0x1;
	s4 =	sshrl.u32 s22, $0x2;
	s12 =	smul.u32 $0x280, s22  }
0x6: {  	s3 =	simm.s32 $0x0;
	s10 =	smul.u32 $0x50000, s22;
	s6 =	sor.u32 s5, s18  }
0x7: {  	s4 =	smul.u32 $0x13C00, s4;
	[smem:$0x7FF] =	sst s3;
	s19 =	ssub.s32 $0x2, s5  }
0x8: {  	p0 =	seq.s32 s5, $0x0;
	s5 =	smul.u32 $0x2800, s22;
	s7 =	sshll.u32 s6, $0x7  }
0x9: {  	_ =	strace $0x80000053;
	s9 =	sshrl.u32 s19, $0x1;
	s6 =	sshll.u32 s6, $0xB  }
0xa: {  	s21 =	sshrl.u32 s10, $0x2;
	s16 =	sor.u32 $0x50, s12;
	s24 =	sadd.s32 $0xA0, s12  }
0xb: {  	s17 =	sadd.s32 $0xF0, s12;
	s18 =	sadd.s32 $0x140, s12;
	s7 =	sand.u32 $0x380, s7  }
0xc: {  	s15 =	ssub.s32 s19, s9;
	s1 =	sadd.s32 s1, s6;
	s23 =	sshll.u32 s16, $0x7  }
0xd: {  	s25 =	sshll.u32 s24, $0x7;
	s26 =	sshll.u32 s17, $0x7;
	s11 =	sshll.u32 s18, $0x7  }
0xe: {  	s19 =	sadd.s32 $0x190, s12;
	s22 =	sshll.u32 s16, $0x4;
	s16 =	simm.s32 $0xE4400  }
0xf: {  	s4 =	sor.u32 s4, s7;
	[dreg:$0x5] =	wrdreg s1;
	s7 =	sadd.s32 s21, s2  }
0x10: {  	s9 =	sadd.s32 s25, s2;
	s10 =	sadd.s32 s26, s2;
	s11 =	sadd.s32 s11, s2  }
0x11: {  	s13 =	sshll.u32 s19, $0x7;
	s21 =	sadd.s32 $0x230, s12;
	s1 =	sshll.u32 s24, $0x4  }
0x12: {  	s24 =	sshll.u32 s18, $0x4;
	s16 =	simm.s32 @!p0 $0x10C400;
	s25 =	sshll.u32 s19, $0x4  }
0x13: {  	s4 =	sshrl.u32 s4, $0x3;
	s6 =	sshll.u32 s21, $0x7;
	s28 =	sshll.u32 s21, $0x4  }
0x14: {  	s21 =	smax.u32 s15, $0x1;
	s8 =	sadd.s32 s4, s0;
	s4 =	sadd.s32 $0x6C400, s0  }
0x15: {  	s0 =	sadd.s32 s16, s0;
	[dreg:$0x6] =	wrdreg s21;
	s20 =	sadd.s32 $0x12600, s8  }
0x16: {  	s8 =	sadd.s32 s23, s2;
	s23 =	sshll.u32 s17, $0x4;
	s16 =	sadd.s32 s0, s5  }
0x17: {  	s17 =	sadd.s32 s0, s22;
	s18 =	sadd.s32 s0, s1;
	s21 =	sadd.s32 s0, s25  }
0x18: {  	s1 =	simm.s32 $0x8F80;
	s25 =	simm.s32 $0x0;
	[dreg:$0x4] =	wrdreg s20  }
0x19: {  	s20 =	sadd.s32 $0x1E0, s12;
	s12 =	sadd.s32 s13, s2;
	s19 =	sadd.s32 s0, s23  }
0x1a: {  	s23 =	sadd.s32 s0, s28;
	s28 =	simm.s32 $0x1;
	s14 =	sshll.u32 s20, $0x7  }
0x1b: {  	s26 =	sshll.u32 s20, $0x4;
	s20 =	sadd.s32 s0, s24;
	s13 =	sadd.s32 s14, s2  }
0x1c: {  	v0 =	vimm.f32 $0.0e+00;
	s14 =	sadd.s32 s6, s2;
	s22 =	sadd.s32 s0, s26;
	s0 =	simm.s32 $0x3  }
.LBB2_1:
0x1d: {  	s5 =	rddreg [dreg:$0x4];
	s6 =	simm.s32 $0x80;
	s15 =	simm.s32 $0x400  }
0x1e: {  	[tilespmem:s3], [sflag:$0x1] =	stream.strided.gather [hbm4b:s5+s6], $0x2780, s15, s6, $0x38;
	[tilespmem:$0x1F780] =	vst v63  }
0x1f: {  	s24 =	simm.s32 $0x2780;
	s15 =	rddreg [dreg:$0x5]  }
0x20: {  	[tilespmem:s24], [sflag:$0x2] =	stream.linear.gather [hbm4b:s15+s3], $0x3E80, $0x38;
	[tilespmem:$0x1F780] =	vst v63  }
0x21: {  	_ =	swait.ge [sflag:s28], $0x2780  }
0x22: {  	[sflag:s28] =	ssyncset.done $0x0  }
0x23: {  	s26 =	sand.u32 $0xFE00, s3;
	[sflag:s28] =	ssyncadd.s32 $0xFFFFD880  }
0x24: {  	s26 =	sshrl.u32 s26, $0x2;
	_ =	swait.ge [sflag:s29], $0x3E80  }
0x25: {  	s5 =	simm.s32 $0x40;
	s24 =	sand.u32 $0x70, s3;
	[sflag:s29] =	ssyncset.done $0x0  }
0x26: {  	s26 =	sor.u32 s24, s26;
	s24 =	simm.s32 $0x0;
	[sflag:s29] =	ssyncadd.s32 $0xFFFFC180  }
0x27: {  	[tilespmem:s31], [sflag:$0x1] =	stream.indirect.gather [hbm4b:s4+s30], $0x80, s3, s30, $0xb8;
	[tilespmem:$0x1F780] =	vst v63  }
.LBB2_2:
0x28: {  	p0 =	sne.s32 s5, $0x9FC0  }
0x29: {  	[tilespmem:s26+$0x8F80] =	vst v0;
	s24 =	sadd.s32 $0x10, s24;
	s26 =	smov.u32 s5;
	s5 =	sadd.s32 $0x40, s5  }
.Ltmp0:
0x2a: {  	(pc) =	sbr.rel @p0 .LBB2_2-.Ltmp0, $4  }
0x2b: {  	_ = 	snop  }
0x2c: {  	s26 =	sand.u32 $0xFE00, s26  }
0x2d: {  	s6 =	sand.u32 $0x70, s24;
	s26 =	sshrl.u32 s26, $0x2  }
0x2e: {  	s26 =	sor.u32 s6, s26  }
0x2f: {  	[tilespmem:s26+$0x8F80] =	vst v0  }
0x30: {  	[spmem:s7] =	stream.linear.scatter [tilespmem:s1], [sflag:$0x2], $0x2800, $0x38;
	[tilespmem:$0x1F780] =	vst v63  }
0x31: {  	_ = 	snop  }
0x32: {  	[spmem:s8] =	stream.linear.scatter [tilespmem:s1], [sflag:$0x2], $0x2800, $0x38;
	[tilespmem:$0x1F780] =	vst v63  }
0x33: {  	_ = 	snop  }
0x34: {  	[spmem:s9] =	stream.linear.scatter [tilespmem:s1], [sflag:$0x2], $0x2800, $0x38;
	[tilespmem:$0x1F780] =	vst v63  }
0x35: {  	_ = 	snop  }
0x36: {  	[spmem:s10] =	stream.linear.scatter [tilespmem:s1], [sflag:$0x2], $0x2800, $0x38;
	[tilespmem:$0x1F780] =	vst v63  }
0x37: {  	_ = 	snop  }
0x38: {  	[spmem:s11] =	stream.linear.scatter [tilespmem:s1], [sflag:$0x2], $0x2800, $0x38;
	[tilespmem:$0x1F780] =	vst v63  }
0x39: {  	_ = 	snop  }
0x3a: {  	[spmem:s12] =	stream.linear.scatter [tilespmem:s1], [sflag:$0x2], $0x2800, $0x38;
	[tilespmem:$0x1F780] =	vst v63  }
0x3b: {  	_ = 	snop  }
0x3c: {  	[spmem:s13] =	stream.linear.scatter [tilespmem:s1], [sflag:$0x2], $0x2800, $0x38;
	[tilespmem:$0x1F780] =	vst v63  }
0x3d: {  	_ = 	snop  }
0x3e: {  	[spmem:s14] =	stream.linear.scatter [tilespmem:s1], [sflag:$0x2], $0x2800, $0x38;
	[tilespmem:$0x1F780] =	vst v63  }
0x3f: {  	_ =	swait.ge [sflag:s29], $0x2800  }
0x40: {  	[sflag:s29] =	ssyncset.done $0x0  }
0x41: {  	[sflag:s29] =	ssyncadd.s32 $0xFFFFD800  }
0x42: {  	_ =	swait.ge [sflag:s29], $0x2800  }
0x43: {  	[sflag:s29] =	ssyncset.done $0x0  }
0x44: {  	[sflag:s29] =	ssyncadd.s32 $0xFFFFD800  }
0x45: {  	_ =	swait.ge [sflag:s29], $0x2800  }
0x46: {  	[sflag:s29] =	ssyncset.done $0x0  }
0x47: {  	[sflag:s29] =	ssyncadd.s32 $0xFFFFD800  }
0x48: {  	_ =	swait.ge [sflag:s29], $0x2800  }
0x49: {  	[sflag:s29] =	ssyncset.done $0x0  }
0x4a: {  	[sflag:s29] =	ssyncadd.s32 $0xFFFFD800  }
0x4b: {  	_ =	swait.ge [sflag:s29], $0x2800  }
0x4c: {  	[sflag:s29] =	ssyncset.done $0x0  }
0x4d: {  	[sflag:s29] =	ssyncadd.s32 $0xFFFFD800  }
0x4e: {  	_ =	swait.ge [sflag:s29], $0x2800  }
0x4f: {  	[sflag:s29] =	ssyncset.done $0x0  }
0x50: {  	[sflag:s29] =	ssyncadd.s32 $0xFFFFD800  }
0x51: {  	_ =	swait.ge [sflag:s29], $0x2800  }
0x52: {  	[sflag:s29] =	ssyncset.done $0x0  }
0x53: {  	[sflag:s29] =	ssyncadd.s32 $0xFFFFD800  }
0x54: {  	_ =	swait.ge [sflag:s29], $0x2800  }
0x55: {  	[sflag:s29] =	ssyncset.done $0x0  }
0x56: {  	[sflag:s29] =	ssyncadd.s32 $0xFFFFD800  }
0x57: {  	s5 =	simm.s32 $0x50;
	[bflag:$0x0] =	sbarrier.arrive $0xFFFF  }
0x58: {  	[tilespmem:s1], [sflag:$0x2] =	stream.indirect.gather [hbm4b:s4+s30], $0x80, s5, s30, $0xb8;
	[tilespmem:$0x1F780] =	vst v63  }
0x59: {  	_ =	swait.ge [sflag:s28], $0x2800  }
0x5a: {  	[sflag:s28] =	ssyncset.done $0x0  }
0x5b: {  	s15 =	simm.s32 $0x2780;
	[sflag:s28] =	ssyncadd.s32 $0xFFFFD800  }
0x5c: {  	[spmem:s2] =	stream.indirect.scatter.add.f32 [tilespmem:s31], [sflag:$0x3], $0x80, s15, s30, $0xb8;
	[tilespmem:$0x1F780] =	vst v63  }
0x5d: {  	_ =	swait.ge [sflag:s0], $0x2800  }
0x5e: {  	[sflag:s0] =	ssyncset.done $0x0  }
0x5f: {  	s24 =	simm.s32 $0xA0;
	[sflag:s0] =	ssyncadd.s32 $0xFFFFD800  }
0x60: {  	[tilespmem:s31], [sflag:$0x1] =	stream.indirect.gather [hbm4b:s4+s30], $0x80, s24, s30, $0xb8;
	[tilespmem:$0x1F780] =	vst v63  }
0x61: {  	_ =	swait.ge [sflag:s29], $0x2800  }
0x62: {  	[sflag:s29] =	ssyncset.done $0x0  }
0x63: {  	s26 =	simm.s32 $0x2800;
	[sflag:s29] =	ssyncadd.s32 $0xFFFFD800  }
0x64: {  	[spmem:s2] =	stream.indirect.scatter.add.f32 [tilespmem:s1], [sflag:$0x3], $0x80, s26, s30, $0xb8;
	[tilespmem:$0x1F780] =	vst v63  }
0x65: {  	s5 =	simm.s32 $0x800;
	_ =	swait.ge [sflag:s0], $0x2800  }
0x66: {  	s24 =	simm.s32 $0x400;
	s26 =	simm.s32 $0x140;
	[sflag:s0] =	ssyncset.done $0x0  }
.LBB2_4:
0x67: {  	p0 =	sne.s32 s5, $0xF400;
	s6 =	sadd.s32 $0xFFFFFFB0, s26;
	[sflag:s0] =	ssyncadd.s32 $0xFFFFD800  }
0x68: {  	[tilespmem:s1], [sflag:$0x2] =	stream.indirect.gather [hbm4b:s4+s30], $0x80, s6, s30, $0xb8;
	[tilespmem:$0x1F780] =	vst v63  }
0x69: {  	s6 =	smov.u32 s5;
	s5 =	sadd.s32 $0x400, s5;
	_ =	swait.ge [sflag:s28], $0x2800  }
0x6a: {  	s15 =	sshra.s32 s24, $0x2;
	s24 =	smov.u32 s6;
	[sflag:s28] =	ssyncset.done $0x0  }
0x6b: {  	s6 =	sadd.s32 $0x2780, s15;
	[sflag:s28] =	ssyncadd.s32 $0xFFFFD800  }
0x6c: {  	[spmem:s2] =	stream.indirect.scatter.add.f32 [tilespmem:s31], [sflag:$0x3], $0x80, s6, s30, $0xb8;
	[tilespmem:$0x1F780] =	vst v63  }
0x6d: {  	_ =	swait.ge [sflag:s0], $0x2800  }
0x6e: {  	[sflag:s0] =	ssyncset.done $0x0  }
0x6f: {  	[sflag:s0] =	ssyncadd.s32 $0xFFFFD800  }
0x70: {  	[tilespmem:s31], [sflag:$0x1] =	stream.indirect.gather [hbm4b:s4+s30], $0x80, s26, s30, $0xb8;
	[tilespmem:$0x1F780] =	vst v63  }
0x71: {  	_ =	swait.ge [sflag:s29], $0x2800  }
.Ltmp1:
0x72: {  	[sflag:s29] =	ssyncset.done $0x0;
	(pc) =	sbr.rel @p0 .LBB2_4-.Ltmp1, $4  }
0x73: {  	s6 =	sadd.s32 $0x2800, s15;
	[sflag:s29] =	ssyncadd.s32 $0xFFFFD800  }
0x74: {  	[spmem:s2] =	stream.indirect.scatter.add.f32 [tilespmem:s1], [sflag:$0x3], $0x80, s6, s30, $0xb8;
	[tilespmem:$0x1F780] =	vst v63  }
0x75: {  	_ =	swait.ge [sflag:s0], $0x2800  }
0x76: {  	s26 =	sadd.s32 $0xA0, s26;
	[sflag:s0] =	ssyncset.done $0x0  }
0x77: {  	s5 =	sadd.s32 $0xFFFFFFB0, s26;
	[sflag:s0] =	ssyncadd.s32 $0xFFFFD800  }
0x78: {  	[tilespmem:s1], [sflag:$0x2] =	stream.indirect.gather [hbm4b:s4+s30], $0x80, s5, s30, $0xb8;
	[tilespmem:$0x1F780] =	vst v63  }
0x79: {  	_ =	swait.ge [sflag:s28], $0x2800  }
0x7a: {  	s15 =	sshra.s32 s24, $0x2;
	[sflag:s28] =	ssyncset.done $0x0  }
0x7b: {  	s6 =	sadd.s32 $0x2780, s15;
	[sflag:s28] =	ssyncadd.s32 $0xFFFFD800  }
0x7c: {  	[spmem:s2] =	stream.indirect.scatter.add.f32 [tilespmem:s31], [sflag:$0x3], $0x80, s6, s30, $0xb8;
	[tilespmem:$0x1F780] =	vst v63  }
0x7d: {  	_ =	swait.ge [sflag:s0], $0x2800  }
0x7e: {  	[sflag:s0] =	ssyncset.done $0x0  }
0x7f: {  	[sflag:s0] =	ssyncadd.s32 $0xFFFFD800  }
0x80: {  	[tilespmem:s31], [sflag:$0x1] =	stream.indirect.gather [hbm4b:s4+s30], $0x80, s26, s30, $0xb8;
	[tilespmem:$0x1F780] =	vst v63  }
0x81: {  	_ =	swait.ge [sflag:s29], $0x2800  }
0x82: {  	[sflag:s29] =	ssyncset.done $0x0  }
0x83: {  	s5 =	sadd.s32 $0x2800, s15;
	[sflag:s29] =	ssyncadd.s32 $0xFFFFD800  }
0x84: {  	[spmem:s2] =	stream.indirect.scatter.add.f32 [tilespmem:s1], [sflag:$0x3], $0x80, s5, s30, $0xb8;
	[tilespmem:$0x1F780] =	vst v63  }
0x85: {  	_ =	swait.ge [sflag:s0], $0x2800  }
0x86: {  	[sflag:s0] =	ssyncset.done $0x0  }
0x87: {  	[sflag:s0] =	ssyncadd.s32 $0xFFFFD800  }
0x88: {  	_ =	swait.ge [sflag:s28], $0x2800  }
0x89: {  	[sflag:s28] =	ssyncset.done $0x0  }
0x8a: {  	s24 =	simm.s32 $0x6580;
	[sflag:s28] =	ssyncadd.s32 $0xFFFFD800  }
0x8b: {  	[spmem:s2] =	stream.indirect.scatter.add.f32 [tilespmem:s31], [sflag:$0x3], $0x80, s24, s30, $0xb8;
	[tilespmem:$0x1F780] =	vst v63  }
0x8c: {  	_ =	swait.ge [sflag:s0], $0x2800  }
0x8d: {  	[sflag:s0] =	ssyncset.done $0x0  }
0x8e: {  	[sflag:s0] =	ssyncadd.s32 $0xFFFFD800  }
0x8f: {  	[bflag:$0x0] =	sbarrier.arrive $0xFFFF  }
0x90: {  	[tilespmem:s31], [sflag:$0x3] =	stream.linear.gather [spmem:s7], $0x2800, $0x38;
	[tilespmem:$0x1F780] =	vst v63  }
0x91: {  	_ =	swait.ge [sflag:s0], $0x2800  }
0x92: {  	[sflag:s0] =	ssyncset.done $0x0  }
0x93: {  	[sflag:s0] =	ssyncadd.s32 $0xFFFFD800  }
0x94: {  	[hbm4b:s16+s3] =	stream.linear.scatter [tilespmem:s31], [sflag:$0x1], $0x2800, $0x38;
	[tilespmem:$0x1F780] =	vst v63  }
0x95: {  	_ = 	snop  }
0x96: {  	[tilespmem:s1], [sflag:$0x3] =	stream.linear.gather [spmem:s8], $0x2800, $0x38;
	[tilespmem:$0x1F780] =	vst v63  }
0x97: {  	_ =	swait.ge [sflag:s0], $0x2800  }
0x98: {  	[sflag:s0] =	ssyncset.done $0x0  }
0x99: {  	[sflag:s0] =	ssyncadd.s32 $0xFFFFD800  }
0x9a: {  	[hbm4b:s17+s3] =	stream.linear.scatter [tilespmem:s1], [sflag:$0x2], $0x2800, $0x38;
	[tilespmem:$0x1F780] =	vst v63  }
0x9b: {  	_ =	swait.ge [sflag:s28], $0x2800  }
0x9c: {  	[sflag:s28] =	ssyncset.done $0x0  }
0x9d: {  	[sflag:s28] =	ssyncadd.s32 $0xFFFFD800  }
0x9e: {  	[tilespmem:s31], [sflag:$0x3] =	stream.linear.gather [spmem:s9], $0x2800, $0x38;
	[tilespmem:$0x1F780] =	vst v63  }
0x9f: {  	_ =	swait.ge [sflag:s0], $0x2800  }
0xa0: {  	[sflag:s0] =	ssyncset.done $0x0  }
0xa1: {  	[sflag:s0] =	ssyncadd.s32 $0xFFFFD800  }
0xa2: {  	[hbm4b:s18+s3] =	stream.linear.scatter [tilespmem:s31], [sflag:$0x1], $0x2800, $0x38;
	[tilespmem:$0x1F780] =	vst v63  }
0xa3: {  	_ =	swait.ge [sflag:s29], $0x2800  }
0xa4: {  	[sflag:s29] =	ssyncset.done $0x0  }
0xa5: {  	[sflag:s29] =	ssyncadd.s32 $0xFFFFD800  }
0xa6: {  	[tilespmem:s1], [sflag:$0x3] =	stream.linear.gather [spmem:s10], $0x2800, $0x38;
	[tilespmem:$0x1F780] =	vst v63  }
0xa7: {  	_ =	swait.ge [sflag:s0], $0x2800  }
0xa8: {  	[sflag:s0] =	ssyncset.done $0x0  }
0xa9: {  	[sflag:s0] =	ssyncadd.s32 $0xFFFFD800  }
0xaa: {  	[hbm4b:s19+s3] =	stream.linear.scatter [tilespmem:s1], [sflag:$0x2], $0x2800, $0x38;
	[tilespmem:$0x1F780] =	vst v63  }
0xab: {  	_ =	swait.ge [sflag:s28], $0x2800  }
0xac: {  	[sflag:s28] =	ssyncset.done $0x0  }
0xad: {  	[sflag:s28] =	ssyncadd.s32 $0xFFFFD800  }
0xae: {  	[tilespmem:s31], [sflag:$0x3] =	stream.linear.gather [spmem:s11], $0x2800, $0x38;
	[tilespmem:$0x1F780] =	vst v63  }
0xaf: {  	_ =	swait.ge [sflag:s0], $0x2800  }
0xb0: {  	[sflag:s0] =	ssyncset.done $0x0  }
0xb1: {  	[sflag:s0] =	ssyncadd.s32 $0xFFFFD800  }
0xb2: {  	[hbm4b:s20+s3] =	stream.linear.scatter [tilespmem:s31], [sflag:$0x1], $0x2800, $0x38;
	[tilespmem:$0x1F780] =	vst v63  }
0xb3: {  	_ =	swait.ge [sflag:s29], $0x2800  }
0xb4: {  	[sflag:s29] =	ssyncset.done $0x0  }
0xb5: {  	[sflag:s29] =	ssyncadd.s32 $0xFFFFD800  }
0xb6: {  	[tilespmem:s1], [sflag:$0x3] =	stream.linear.gather [spmem:s12], $0x2800, $0x38;
	[tilespmem:$0x1F780] =	vst v63  }
0xb7: {  	_ =	swait.ge [sflag:s0], $0x2800  }
0xb8: {  	[sflag:s0] =	ssyncset.done $0x0  }
0xb9: {  	[sflag:s0] =	ssyncadd.s32 $0xFFFFD800  }
0xba: {  	[hbm4b:s21+s3] =	stream.linear.scatter [tilespmem:s1], [sflag:$0x2], $0x2800, $0x38;
	[tilespmem:$0x1F780] =	vst v63  }
0xbb: {  	_ =	swait.ge [sflag:s28], $0x2800  }
0xbc: {  	[sflag:s28] =	ssyncset.done $0x0  }
0xbd: {  	[sflag:s28] =	ssyncadd.s32 $0xFFFFD800  }
0xbe: {  	[tilespmem:s31], [sflag:$0x3] =	stream.linear.gather [spmem:s13], $0x2800, $0x38;
	[tilespmem:$0x1F780] =	vst v63  }
0xbf: {  	_ =	swait.ge [sflag:s0], $0x2800  }
0xc0: {  	[sflag:s0] =	ssyncset.done $0x0  }
0xc1: {  	[sflag:s0] =	ssyncadd.s32 $0xFFFFD800  }
0xc2: {  	[hbm4b:s22+s3] =	stream.linear.scatter [tilespmem:s31], [sflag:$0x1], $0x2800, $0x38;
	[tilespmem:$0x1F780] =	vst v63  }
0xc3: {  	_ =	swait.ge [sflag:s29], $0x2800  }
0xc4: {  	[sflag:s29] =	ssyncset.done $0x0  }
0xc5: {  	[sflag:s29] =	ssyncadd.s32 $0xFFFFD800  }
0xc6: {  	[tilespmem:s1], [sflag:$0x3] =	stream.linear.gather [spmem:s14], $0x2800, $0x38;
	[tilespmem:$0x1F780] =	vst v63  }
0xc7: {  	_ =	swait.ge [sflag:s0], $0x2800  }
0xc8: {  	[sflag:s0] =	ssyncset.done $0x0  }
0xc9: {  	[sflag:s0] =	ssyncadd.s32 $0xFFFFD800  }
0xca: {  	[hbm4b:s23+s3] =	stream.linear.scatter [tilespmem:s1], [sflag:$0x2], $0x2800, $0x38;
	[tilespmem:$0x1F780] =	vst v63  }
0xcb: {  	_ =	swait.ge [sflag:s28], $0x2800  }
0xcc: {  	[sflag:s28] =	ssyncset.done $0x0  }
0xcd: {  	[sflag:s28] =	ssyncadd.s32 $0xFFFFD800  }
0xce: {  	_ =	swait.ge [sflag:s29], $0x2800  }
0xcf: {  	s25 =	sadd.s32 $0x1, s25;
	s26 =	rddreg [dreg:$0x6]  }
0xd0: {  	p0 =	sne.s32 s25, s26  }
.Ltmp2:
0xd1: {  	_ = 	snop;
	(pc) =	sbr.rel @p0 .LBB2_1-.Ltmp2, $3  }
0xd2: {  	_ =	sdelay $0x1  }
0xd3: {  	[sflag:s29] =	ssyncset.done $0x0  }
0xd4: {  	[sflag:s29] =	ssyncadd.s32 $0xFFFFD800  }
0xd5: {  	_ =	sfence.sel $0x180000  }
0xd6: {  	[bflag:$0x0] =	sbarrier.arrive $0xFFFF  }
0xd7: {  	_ =	strace $0x90000053  }
0xd8: {  	s0 =	stileid.u32;
	[bflag:$0x2] =	sbarrier.arrive $0xFFFF  }
0xd9: {  	p0 =	sne.s32 s0, $0x0;
	s0 =	rddreg [dreg:$0x3]  }
0xda: {  	s0 =	sadd.s32 @!p0 $0x100000, s0  }
0xdb: {  	[sflag:s0] =	ssyncadd.tile.s32 @!p0 $0x1;
	_ =	shalt  }
.Lfunc_end2:
_tile_overlayer_lowered:
.L_overlay_start_2:
0xdc: {  	(tag) =	ssettag $0x2  }
0xdd: {  	s0 =	rddreg [dreg:$0x0];
	s2 =	stileid.u32  }
0xde: {  	s1 =	rddreg [dreg:$0x1];
	p0 =	sne.s32 s2, $0x0  }
0xdf: {  	s3 =	rddreg [dreg:$0x2];
	[bflag:$0x3] =	sbarrier.arrive $0xFFFF;
	s2 =	simm.s32 @!p0 $0x1C03  }
0xe0: {  	[timem:s3], [sflag:s2] =	dma.local @!p0 [hbm:s0], s1  }
0xe1: {  	s0 =	simm.s32 @!p0 $0x3  }
0xe2: {  	_ =	swait.ge @!p0 [sflag:s0], s1  }
0xe3: {  	s1 =	ssub.s32 @!p0 $0x0, s1;
	[sflag:s0] =	ssyncset.done @!p0 $0x0  }
0xe4: {  	[sflag:s0] =	ssyncadd.s32 @!p0 s1  }
0xe5: {  	[bflag:$0x3] =	sbarrier.arrive $0xFFFF  }
0xe6: {  	_ =	shalt  }

</sc_bundles>
